<compile_context>
chip_gen: v7x
topology: tpu7x:2x2x1
jax: 0.10.2.dev20260603
libtpu: 0.0.44.dev20260713+nightly
codegen_flags: <defaults>
</compile_context>

<pallas_src>
import functools

import jax
import jax.numpy as jnp
from jax import lax
from jax.experimental import pallas as pl
from jax.experimental.pallas import tpu as pltpu
from jax.experimental.pallas import tpu_sc as plsc

_T, _B, _D, _H = 512, 16, 512, 512
_TB = _T * _B
_NW = 32
_RPW = _TB // _NW
_CH = 64


def _sc_mesh():
    return plsc.VectorSubcoreMesh(core_axis_name="c", subcore_axis_name="s")


def _cumsum16(v, tmp_v, iota):
    for s in (1, 2, 4, 8):
        tmp_v[...] = v
        sh = plsc.load_gather(tmp_v, [jnp.maximum(iota - s, 0)])
        v = v + jnp.where(iota >= s, sh, 0)
    return v


def _build_index_gather_kernel():
    mesh = _sc_mesh()

    @functools.partial(
        pl.kernel,
        mesh=mesh,
        compiler_params=pltpu.CompilerParams(needs_layout_passes=False),
        out_type=[
            jax.ShapeDtypeStruct((_TB, _H), jnp.float32),
            jax.ShapeDtypeStruct((_TB,), jnp.int32),
            jax.ShapeDtypeStruct((_B,), jnp.int32),
        ],
        scratch_types=[
            pltpu.VMEM((_TB,), jnp.int32),
            pltpu.VMEM((_TB + _B,), jnp.int32),
            pltpu.VMEM((_TB,), jnp.int32),
            pltpu.VMEM((_TB,), jnp.int32),
            pltpu.VMEM((_B,), jnp.int32),
            pltpu.VMEM((_B,), jnp.int32),
            pltpu.VMEM_SHARED((_TB,), jnp.int32),
            pltpu.VMEM((_RPW,), jnp.int32),
        ] + [pltpu.VMEM((_CH, _H), jnp.float32) for _ in range(2)]
          + [pltpu.SemaphoreType.DMA for _ in range(4)],
    )
    def idx_kernel(bm_hbm, x_hbm, compact_hbm, gidx2_hbm, len_hbm,
                   bm_v, perm_v, gidx_v, gidx2_v, len_v, tmp_v,
                   gidx_sh, lidx_v, *bufs_sems):
        sid = lax.axis_index("s")
        cid = lax.axis_index("c")

        @pl.when(sid == 0)
        def _():
            pltpu.sync_copy(bm_hbm, bm_v)
            iota = lax.iota(jnp.int32, _B)
            zeros = jnp.zeros((_B,), jnp.int32)

            def p1(t, carry):
                k0, lacc = carry
                bm = bm_v[pl.ds(t * _B, _B)]
                on = bm > 0
                cs = _cumsum16(bm, tmp_v, iota)
                rank = cs - bm + k0
                plsc.store_scatter(perm_v, [jnp.where(on, rank, _TB + iota)],
                                   iota + t * _B)
                pad = _TB + ((iota + t * _B) & (_K * _B - 1))
                gidx2_v[pl.ds(t * _B, _B)] = jnp.where(on, rank, pad)
                return (k0 + plsc.all_reduce_population_count(on), lacc + bm)

            total, lvec = lax.fori_loop(0, _T, p1, (zeros, zeros))
            len_v[...] = lvec

            def p2(t, k0):
                on = lvec > t
                pmi = jnp.where(on, 1, 0)
                cs = _cumsum16(pmi, tmp_v, iota)
                rank = jnp.minimum(cs - pmi + k0, _TB - 1)
                g = plsc.load_gather(perm_v, [rank])
                gidx_v[pl.ds(t * _B, _B)] = jnp.where(on, g, iota + t * _B)
                return k0 + plsc.all_reduce_population_count(on)

            lax.fori_loop(0, _T, p2, zeros)

            pltpu.sync_copy(gidx_v, gidx_sh)

            @pl.when(cid == 0)
            def _():
                pltpu.sync_copy(gidx2_v, gidx2_hbm)
                pltpu.sync_copy(len_v, len_hbm)

        plsc.subcore_barrier()

        bufs = bufs_sems[:2]
        gsems = bufs_sems[2:4]
        wsems = bufs_sems[4:6]
        wid = sid * 2 + cid
        base_w = wid * _RPW
        pltpu.sync_copy(gidx_sh.at[pl.ds(base_w, _RPW)], lidx_v)

        def gather(c):
            return pltpu.async_copy(
                x_hbm.at[lidx_v.at[pl.ds(c * _CH, _CH)]],
                bufs[c % 2], gsems[c % 2])

        def writeback(c):
            return pltpu.async_copy(
                bufs[c % 2], compact_hbm.at[pl.ds(base_w + c * _CH, _CH)],
                wsems[c % 2])

        nch = _RPW // _CH
        g = {c: gather(c) for c in range(min(2, nch))}
        w = {}
        for c in range(nch):
            g[c].wait()
            w[c] = writeback(c)
            if c + 2 < nch:
                w[c].wait()
                g[c + 2] = gather(c + 2)
        for c in range(max(0, nch - 2), nch):
            w[c].wait()

    return idx_kernel


def _build_gather_kernel():
    mesh = _sc_mesh()
    nch = _RPW // _CH

    @functools.partial(
        pl.kernel,
        mesh=mesh,
        compiler_params=pltpu.CompilerParams(needs_layout_passes=False),
        out_type=jax.ShapeDtypeStruct((_TB, _H), jnp.float32),
        scratch_types=(
            [pltpu.VMEM((_RPW,), jnp.int32)]
            + [pltpu.VMEM((_CH, _H), jnp.float32) for _ in range(3)]
            + [pltpu.SemaphoreType.DMA for _ in range(6)]
        ),
    )
    def gather_kernel(table_hbm, idx_hbm, out_hbm, idx_v, *bufs_sems):
        bufs = bufs_sems[:3]
        gsems = bufs_sems[3:6]
        wsems = bufs_sems[6:9]
        wid = lax.axis_index("s") * 2 + lax.axis_index("c")
        base_w = wid * _RPW
        pltpu.sync_copy(idx_hbm.at[pl.ds(base_w, _RPW)], idx_v)

        def gather(c):
            return pltpu.async_copy(
                table_hbm.at[idx_v.at[pl.ds(c * _CH, _CH)]],
                bufs[c % 3], gsems[c % 3])

        def writeback(c):
            return pltpu.async_copy(
                bufs[c % 3], out_hbm.at[pl.ds(base_w + c * _CH, _CH)],
                wsems[c % 3])

        g = {c: gather(c) for c in range(min(3, nch))}
        w = {}
        for c in range(nch):
            g[c].wait()
            w[c] = writeback(c)
            if c + 3 < nch:
                w[c].wait()
                g[c + 3] = gather(c + 3)
        for c in range(max(0, nch - 3), nch):
            w[c].wait()

    return gather_kernel


_K = 32
_NSC = _T // _K
_TM = _K * _B


def _fused_body(len_ref, cmp_ref, h0_ref, wih_ref, bih_ref, whh_ref, bhh_ref,
                y_ref, hout_ref, gi_s, h_v):
    i = pl.program_id(0)
    lvec = len_ref[...]
    maxl = jnp.max(lvec)

    @pl.when(i == 0)
    def _():
        h_v[...] = h0_ref[...]

    @pl.when(jnp.logical_and((i - 1) * _K < maxl, i <= _NSC))
    def _():
        acc = lax.dot_general(cmp_ref[...].astype(jnp.bfloat16), wih_ref[...],
                              (((1,), (1,)), ((), ())),
                              preferred_element_type=jnp.float32)
        gi_s[pl.ds(i % 2, 1)] = (acc + bih_ref[...])[None]

        h = h_v[...]
        p = (i - 1) % 2
        for k in range(_K):
            t = (i - 1) * _K + k
            gi = gi_s[pl.ds(p, 1), pl.ds(k * _B, _B), :][0]
            gh = lax.dot_general(h.astype(jnp.bfloat16), whh_ref[...],
                                 (((1,), (1,)), ((), ())),
                                 preferred_element_type=jnp.float32) + bhh_ref[...]
            r = jax.nn.sigmoid(gi[:, :_H] + gh[:, :_H])
            z = jax.nn.sigmoid(gi[:, _H:2 * _H] + gh[:, _H:2 * _H])
            n = jnp.tanh(gi[:, 2 * _H:] + r * gh[:, 2 * _H:])
            hn = (1.0 - z) * n + z * h
            valid = jnp.logical_and(lvec > t, t >= 0)
            h = jnp.where(valid, hn, h)
            y_ref[k] = jnp.where(valid, hn, 0.0)
        h_v[...] = h

    @pl.when(i == _NSC + 1)
    def _():
        y_ref[...] = jnp.zeros((_K, _B, _H), jnp.float32)
        hout_ref[...] = h_v[...]


def _gru_fused(lcol, compact, h0, w_ih, b_ih_row, w_hh, b_hh_row):
    return pl.pallas_call(
        _fused_body,
        grid=(_NSC + 2,),
        in_specs=[
            pl.BlockSpec((_B, 1), lambda i: (0, 0)),
            pl.BlockSpec((_TM, _D), lambda i: (jnp.minimum(i, _NSC - 1), 0)),
            pl.BlockSpec((_B, _H), lambda i: (0, 0)),
            pl.BlockSpec((3 * _H, _D), lambda i: (0, 0)),
            pl.BlockSpec((1, 3 * _H), lambda i: (0, 0)),
            pl.BlockSpec((3 * _H, _H), lambda i: (0, 0)),
            pl.BlockSpec((1, 3 * _H), lambda i: (0, 0)),
        ],
        out_specs=[
            pl.BlockSpec((_K, _B, _H),
                         lambda i: (jnp.clip(i - 1, 0, _NSC), 0, 0)),
            pl.BlockSpec((_B, _H), lambda i: (0, 0)),
        ],
        out_shape=[
            jax.ShapeDtypeStruct((_T + _K, _B, _H), jnp.float32),
            jax.ShapeDtypeStruct((_B, _H), jnp.float32),
        ],
        scratch_shapes=[
            pltpu.VMEM((2, _TM, 3 * _H), jnp.float32),
            pltpu.VMEM((_B, _H), jnp.float32),
        ],
    )(lcol, compact, h0, w_ih, b_ih_row, w_hh, b_hh_row)


_idx_gather_call = _build_index_gather_kernel()
_gather_rows = _build_gather_kernel()


def kernel(x, rnn_hxs, batch_mask, W_ih, W_hh, b_ih, b_hh):
    x2d = x.reshape(_TB, _D)
    bm = batch_mask.reshape(_TB).astype(jnp.int32)

    compact, gidx2, lvec = _idx_gather_call(bm, x2d)
    lcol = lvec.reshape(_B, 1)
    ypad, h_fin = _gru_fused(lcol, compact, rnn_hxs[0],
                             W_ih.astype(jnp.bfloat16),
                             b_ih.reshape(1, 3 * _H),
                             W_hh.astype(jnp.bfloat16),
                             b_hh.reshape(1, 3 * _H))
    ypad2d = ypad.reshape((_T + _K) * _B, _H)
    scores2d = _gather_rows(ypad2d, gidx2)
    return scores2d.reshape(_T, _B, _H), h_fin[None]

# --- scband reference (transcript-rebuilt; emitter-appended) ---
"""Pipeline reference for scband-recurrent-head-12472585027726 (READ-ONLY COPY).

The authoritative reference and input builder live on the scoring server;
editing this copy changes nothing except your own understanding.
"""

import jax, jax.numpy as jnp
import numpy as np

T, B, D, H = 512, 16, 512, 512


def setup_inputs(seed: int = 0) -> dict:
    key = jax.random.key(seed)
    ks = jax.random.split(key, 6)
    x = jax.random.normal(ks[0], (T, B, D), dtype=jnp.float32)
    rnn_hxs = jax.random.normal(ks[1], (1, B, H), dtype=jnp.float32)
    batch_mask = jax.random.randint(ks[2], (T, B), 0, 2) > 0
    # pack_padded_sequence requires every sequence length > 0
    batch_mask = batch_mask.at[0, :].set(True)
    W_ih = (jax.random.normal(ks[3], (3 * H, D), dtype=jnp.float32) / np.sqrt(D)).astype(jnp.float32)
    W_hh = (jax.random.normal(ks[4], (3 * H, H), dtype=jnp.float32) / np.sqrt(H)).astype(jnp.float32)
    b_ih = jnp.zeros((3 * H,), jnp.float32)
    b_hh = jnp.zeros((3 * H,), jnp.float32)
    return {"x": x, "rnn_hxs": rnn_hxs, "batch_mask": batch_mask,
            "W_ih": W_ih, "W_hh": W_hh, "b_ih": b_ih, "b_hh": b_hh}


def _gru_cell(x_t, h, W_ih, W_hh, b_ih, b_hh):
    gi = x_t @ W_ih.T + b_ih
    gh = h @ W_hh.T + b_hh
    i_r, i_z, i_n = jnp.split(gi, 3, axis=-1)
    h_r, h_z, h_n = jnp.split(gh, 3, axis=-1)
    r = jax.nn.sigmoid(i_r + h_r)
    z = jax.nn.sigmoid(i_z + h_z)
    n = jnp.tanh(i_n + r * h_n)
    return (1.0 - z) * n + z * h


def reference(x, rnn_hxs, batch_mask, W_ih, W_hh, b_ih, b_hh):
    seq_lengths = jnp.sum(batch_mask.astype(jnp.int32), axis=0)  # [B]
    packed_mask = jnp.arange(T)[:, None] < seq_lengths[None, :]  # [T, B]

    # Emulate: compact_seq[packed_mask, :] = x[batch_mask, :]
    # (boolean assignment pairs trues in row-major order on both sides)
    x_flat = x.reshape(T * B, D)
    bm = batch_mask.reshape(-1)
    pm = packed_mask.reshape(-1)
    ord_src = jnp.cumsum(bm) - 1
    buf = jnp.zeros((T * B + 1, D), x.dtype)
    buf = buf.at[jnp.where(bm, ord_src, T * B)].set(x_flat)
    ord_dst = jnp.cumsum(pm) - 1
    compact_flat = jnp.where(pm[:, None], buf[jnp.where(pm, ord_dst, T * B)], 0.0)
    compact = compact_flat.reshape(T, B, D)

    # GRU over packed (left-compacted) sequences: hidden freezes after seq end,
    # outputs at padded steps are 0 (== pad_packed_sequence padding)
    h0 = rnn_hxs[0]

    def step(h, inp):
        x_t, valid = inp
        h_new = _gru_cell(x_t, h, W_ih, W_hh, b_ih, b_hh)
        h_out = jnp.where(valid[:, None], h_new, h)
        y = jnp.where(valid[:, None], h_new, 0.0)
        return h_out, y

    h_final, scores_full = jax.lax.scan(step, h0, (compact, packed_mask))

    # Emulate masked_scatter: k-th True position (row-major) of the [T,B,H] mask
    # receives the k-th element of the flattened padded scores. masked_scatter
    # only consumes the first sum(L)*H source elements, which all lie within the
    # first max(L) time rows, so using the full [T,B,H] scan output is exact.
    mask3 = jnp.broadcast_to(batch_mask[:, :, None], (T, B, H)).reshape(-1)
    src = scores_full.reshape(-1)
    k = jnp.cumsum(mask3) - 1
    scores = jnp.where(mask3, src[k], 0.0).reshape(T, B, H)
    return scores, h_final[None]

if __name__ == "__main__":
    import jax
    _d = setup_inputs()
    print(jax.jit(kernel)(*tuple(_d.values())))

</pallas_src>

<mosaic_0001>
#map = affine_map<(d0, d1) -> (0)>
#map1 = affine_map<(d0, d1) -> (0, 0)>
module attributes {stable_mosaic.version = 14 : i64} {
  func.func @idx_kernel(%arg0: i32, %arg1: i32, %arg2: memref<8192xi32, #tpu.memory_space<hbm>>, %arg3: memref<8192x512xf32, #tpu.memory_space<hbm>>, %arg4: memref<8192x512xf32, #tpu.memory_space<hbm>>, %arg5: memref<8192xi32, #tpu.memory_space<hbm>>, %arg6: memref<16xi32, #tpu.memory_space<hbm>>, %arg7: memref<8192xi32, #tpu.memory_space<vmem>>, %arg8: memref<8208xi32, #tpu.memory_space<vmem>>, %arg9: memref<8192xi32, #tpu.memory_space<vmem>>, %arg10: memref<8192xi32, #tpu.memory_space<vmem>>, %arg11: memref<16xi32, #tpu.memory_space<vmem>>, %arg12: memref<16xi32, #tpu.memory_space<vmem>>, %arg13: memref<8192xi32, #tpu.memory_space<vmem_shared>>, %arg14: memref<256xi32, #tpu.memory_space<vmem>>, %arg15: memref<64x512xf32, #tpu.memory_space<vmem>>, %arg16: memref<64x512xf32, #tpu.memory_space<vmem>>, %arg17: memref<!tpu.dma_semaphore, #tpu.memory_space<semaphore_mem>>, %arg18: memref<!tpu.dma_semaphore, #tpu.memory_space<semaphore_mem>>, %arg19: memref<!tpu.dma_semaphore, #tpu.memory_space<semaphore_mem>>, %arg20: memref<!tpu.dma_semaphore, #tpu.memory_space<semaphore_mem>>) attributes {dimension_semantics = [#tpu.dimension_semantics<core_parallel>, #tpu.dimension_semantics<subcore_parallel>], iteration_bounds = array<i64: 2, 16>, scalar_prefetch = 0 : i64, scratch_operands = 14 : i64, tpu.core_type = #tpu.core_type<sc_vector_subcore>, window_params = [{transform_indices = #map}, {transform_indices = #map1}, {transform_indices = #map1}, {transform_indices = #map}, {transform_indices = #map}]} {
    %eq3A = arith.constant 0 : i32
    %eq3A_0 = arith.cmpi eq, %arg1, %eq3A : i32
    %convert_element_type3A = arith.extui %eq3A_0 : i1 to i32
    %cond3A = arith.constant 0 : i32
    %cond3A_1 = arith.cmpi ne, %convert_element_type3A, %cond3A : i32
    scf.if %cond3A_1 {
      "tpu.region"() ({
        %run_scoped3A = tpu.sem_alloc : memref<!tpu.dma_semaphore, #tpu.memory_space<semaphore_mem>>
        tpu.enqueue_dma source(%arg2 : memref<8192xi32, #tpu.memory_space<hbm>>) target(%arg7 : memref<8192xi32, #tpu.memory_space<vmem>>) target_semaphore(%run_scoped3A : memref<!tpu.dma_semaphore, #tpu.memory_space<semaphore_mem>>)
        tpu.wait_dma2 semaphore(%run_scoped3A : memref<!tpu.dma_semaphore, #tpu.memory_space<semaphore_mem>>) src(%arg2 : memref<8192xi32, #tpu.memory_space<hbm>>) dst(%arg7 : memref<8192xi32, #tpu.memory_space<vmem>>)
        tpu.yield
      }) : () -> ()
      %iota3A = tpu.iota {dimensions = array<i32: 0>} : vector<16xi32>
      %broadcast_in_dim3A = arith.constant 0 : i32
      %broadcast_in_dim3A_83 = vector.broadcast %broadcast_in_dim3A : i32 to vector<16xi32>
      %scan3A = arith.constant 0 : i32
      %scan3A_84 = arith.constant 512 : i32
      %scan3A_85 = arith.addi %scan3A, %scan3A_84 : i32
      %scan3A_86 = arith.constant 1 : i32
      %scan3A_87:2 = scf.for %scan3A_101 = %scan3A to %scan3A_85 step %scan3A_86 iter_args(%scan3A_102 = %broadcast_in_dim3A_83, %scan3A_103 = %broadcast_in_dim3A_83) -> (vector<16xi32>, vector<16xi32>)  : i32 {
        %mul3A_104 = arith.constant 16 : i32
        %mul3A_105 = arith.muli %scan3A_101, %mul3A_104 : i32
        %get3A = arith.index_cast %mul3A_105 : i32 to index
        %get3A_106 = tpu.vector_load %arg7[%get3A] {strides = array<i32>} : memref<8192xi32, #tpu.memory_space<vmem>>, vector<16xi32>,
        %gt3A = arith.constant 0 : i32
        %gt3A_107 = vector.broadcast %gt3A : i32 to vector<16xi32>
        %gt3A_108 = arith.cmpi sgt, %get3A_106, %gt3A_107 : vector<16xi32>
        %swap3A_109 = arith.constant 0 : index
        %swap3A_110 = tpu.vector_load %arg12[%swap3A_109] {strides = array<i32>} : memref<16xi32, #tpu.memory_space<vmem>>, vector<16xi32>,
        tpu.vector_store %arg12[%swap3A_109], %get3A_106 {strides = array<i32>} : memref<16xi32, #tpu.memory_space<vmem>>, vector<16xi32>,
        %sub3A = arith.constant 1 : i32
        %sub3A_111 = vector.broadcast %sub3A : i32 to vector<16xi32>
        %sub3A_112 = arith.subi %iota3A, %sub3A_111 : vector<16xi32>
        %max3A = arith.constant 0 : i32
        %max3A_113 = vector.broadcast %max3A : i32 to vector<16xi32>
        %max3A_114 = arith.maxsi %sub3A_112, %max3A_113 : vector<16xi32>
        %gather3A = tpu.vector_load_idx %arg12[%max3A_114] : memref<16xi32, #tpu.memory_space<vmem>>[vector<16xi32>], vector<16xi32>,
        %ge3A = arith.constant 1 : i32
        %ge3A_115 = vector.broadcast %ge3A : i32 to vector<16xi32>
        %ge3A_116 = arith.cmpi sge, %iota3A, %ge3A_115 : vector<16xi32>
        %jit3A = arith.constant 0 : i32
        %broadcast_in_dim3A_117 = vector.broadcast %jit3A : i32 to vector<16xi32>
        %select_n3A = arith.select %ge3A_116, %gather3A, %broadcast_in_dim3A_117 : vector<16xi1>, vector<16xi32>
        %add3A_118 = arith.addi %get3A_106, %select_n3A : vector<16xi32>
        %swap3A_119 = arith.constant 0 : index
        %swap3A_120 = tpu.vector_load %arg12[%swap3A_119] {strides = array<i32>} : memref<16xi32, #tpu.memory_space<vmem>>, vector<16xi32>,
        tpu.vector_store %arg12[%swap3A_119], %add3A_118 {strides = array<i32>} : memref<16xi32, #tpu.memory_space<vmem>>, vector<16xi32>,
        %sub3A_121 = arith.constant 2 : i32
        %sub3A_122 = vector.broadcast %sub3A_121 : i32 to vector<16xi32>
        %sub3A_123 = arith.subi %iota3A, %sub3A_122 : vector<16xi32>
        %max3A_124 = arith.constant 0 : i32
        %max3A_125 = vector.broadcast %max3A_124 : i32 to vector<16xi32>
        %max3A_126 = arith.maxsi %sub3A_123, %max3A_125 : vector<16xi32>
        %gather3A_127 = tpu.vector_load_idx %arg12[%max3A_126] : memref<16xi32, #tpu.memory_space<vmem>>[vector<16xi32>], vector<16xi32>,
        %ge3A_128 = arith.constant 2 : i32
        %ge3A_129 = vector.broadcast %ge3A_128 : i32 to vector<16xi32>
        %ge3A_130 = arith.cmpi sge, %iota3A, %ge3A_129 : vector<16xi32>
        %jit3A_131 = arith.constant 0 : i32
        %broadcast_in_dim3A_132 = vector.broadcast %jit3A_131 : i32 to vector<16xi32>
        %select_n3A_133 = arith.select %ge3A_130, %gather3A_127, %broadcast_in_dim3A_132 : vector<16xi1>, vector<16xi32>
        %add3A_134 = arith.addi %add3A_118, %select_n3A_133 : vector<16xi32>
        %swap3A_135 = arith.constant 0 : index
        %swap3A_136 = tpu.vector_load %arg12[%swap3A_135] {strides = array<i32>} : memref<16xi32, #tpu.memory_space<vmem>>, vector<16xi32>,
        tpu.vector_store %arg12[%swap3A_135], %add3A_134 {strides = array<i32>} : memref<16xi32, #tpu.memory_space<vmem>>, vector<16xi32>,
        %sub3A_137 = arith.constant 4 : i32
        %sub3A_138 = vector.broadcast %sub3A_137 : i32 to vector<16xi32>
        %sub3A_139 = arith.subi %iota3A, %sub3A_138 : vector<16xi32>
        %max3A_140 = arith.constant 0 : i32
        %max3A_141 = vector.broadcast %max3A_140 : i32 to vector<16xi32>
        %max3A_142 = arith.maxsi %sub3A_139, %max3A_141 : vector<16xi32>
        %gather3A_143 = tpu.vector_load_idx %arg12[%max3A_142] : memref<16xi32, #tpu.memory_space<vmem>>[vector<16xi32>], vector<16xi32>,
        %ge3A_144 = arith.constant 4 : i32
        %ge3A_145 = vector.broadcast %ge3A_144 : i32 to vector<16xi32>
        %ge3A_146 = arith.cmpi sge, %iota3A, %ge3A_145 : vector<16xi32>
        %jit3A_147 = arith.constant 0 : i32
        %broadcast_in_dim3A_148 = vector.broadcast %jit3A_147 : i32 to vector<16xi32>
        %select_n3A_149 = arith.select %ge3A_146, %gather3A_143, %broadcast_in_dim3A_148 : vector<16xi1>, vector<16xi32>
        %add3A_150 = arith.addi %add3A_134, %select_n3A_149 : vector<16xi32>
        %swap3A_151 = arith.constant 0 : index
        %swap3A_152 = tpu.vector_load %arg12[%swap3A_151] {strides = array<i32>} : memref<16xi32, #tpu.memory_space<vmem>>, vector<16xi32>,
        tpu.vector_store %arg12[%swap3A_151], %add3A_150 {strides = array<i32>} : memref<16xi32, #tpu.memory_space<vmem>>, vector<16xi32>,
        %sub3A_153 = arith.constant 8 : i32
        %sub3A_154 = vector.broadcast %sub3A_153 : i32 to vector<16xi32>
        %sub3A_155 = arith.subi %iota3A, %sub3A_154 : vector<16xi32>
        %max3A_156 = arith.constant 0 : i32
        %max3A_157 = vector.broadcast %max3A_156 : i32 to vector<16xi32>
        %max3A_158 = arith.maxsi %sub3A_155, %max3A_157 : vector<16xi32>
        %gather3A_159 = tpu.vector_load_idx %arg12[%max3A_158] : memref<16xi32, #tpu.memory_space<vmem>>[vector<16xi32>], vector<16xi32>,
        %ge3A_160 = arith.constant 8 : i32
        %ge3A_161 = vector.broadcast %ge3A_160 : i32 to vector<16xi32>
        %ge3A_162 = arith.cmpi sge, %iota3A, %ge3A_161 : vector<16xi32>
        %jit3A_163 = arith.constant 0 : i32
        %broadcast_in_dim3A_164 = vector.broadcast %jit3A_163 : i32 to vector<16xi32>
        %select_n3A_165 = arith.select %ge3A_162, %gather3A_159, %broadcast_in_dim3A_164 : vector<16xi1>, vector<16xi32>
        %add3A_166 = arith.addi %add3A_150, %select_n3A_165 : vector<16xi32>
        %sub3A_167 = arith.subi %add3A_166, %get3A_106 : vector<16xi32>
        %add3A_168 = arith.addi %sub3A_167, %scan3A_102 : vector<16xi32>
        %add3A_169 = arith.constant 8192 : i32
        %add3A_170 = vector.broadcast %add3A_169 : i32 to vector<16xi32>
        %add3A_171 = arith.addi %add3A_170, %iota3A : vector<16xi32>
        %select_n3A_172 = arith.select %gt3A_108, %add3A_168, %add3A_171 : vector<16xi1>, vector<16xi32>
        %mul3A_173 = arith.constant 16 : i32
        %mul3A_174 = arith.muli %scan3A_101, %mul3A_173 : i32
        %add3A_175 = vector.broadcast %mul3A_174 : i32 to vector<16xi32>
        %add3A_176 = arith.addi %iota3A, %add3A_175 : vector<16xi32>
        tpu.vector_store_idx %arg8[%select_n3A_172], %add3A_176 : memref<8208xi32, #tpu.memory_space<vmem>>[vector<16xi32>], vector<16xi32>,
        %mul3A_177 = arith.constant 16 : i32
        %mul3A_178 = arith.muli %scan3A_101, %mul3A_177 : i32
        %add3A_179 = vector.broadcast %mul3A_178 : i32 to vector<16xi32>
        %add3A_180 = arith.addi %iota3A, %add3A_179 : vector<16xi32>
        %and3A = arith.constant 511 : i32
        %and3A_181 = vector.broadcast %and3A : i32 to vector<16xi32>
        %and3A_182 = arith.andi %add3A_180, %and3A_181 : vector<16xi32>
        %add3A_183 = arith.constant 8192 : i32
        %add3A_184 = vector.broadcast %add3A_183 : i32 to vector<16xi32>
        %add3A_185 = arith.addi %add3A_184, %and3A_182 : vector<16xi32>
        %select_n3A_186 = arith.select %gt3A_108, %add3A_168, %add3A_185 : vector<16xi1>, vector<16xi32>
        %mul3A_187 = arith.constant 16 : i32
        %mul3A_188 = arith.muli %scan3A_101, %mul3A_187 : i32
        %swap3A_189 = arith.index_cast %mul3A_188 : i32 to index
        %swap3A_190 = tpu.vector_load %arg10[%swap3A_189] {strides = array<i32>} : memref<8192xi32, #tpu.memory_space<vmem>>, vector<16xi32>,
        tpu.vector_store %arg10[%swap3A_189], %select_n3A_186 {strides = array<i32>} : memref<8192xi32, #tpu.memory_space<vmem>>, vector<16xi32>,
        %all_reduce_population_count3A = tpu.all_reduce %gt3A_108 {dim = 0 : i64, kind = #tpu.reduction_kind<sum>} : vector<16xi1> -> vector<16xi32>
        %add3A_191 = arith.addi %scan3A_102, %all_reduce_population_count3A : vector<16xi32>
        %add3A_192 = arith.addi %scan3A_103, %get3A_106 : vector<16xi32>
        scf.yield %add3A_191, %add3A_192 : vector<16xi32>, vector<16xi32>
      }
      %scan3A_88 = arith.constant 512 : i32
      %swap3A = arith.constant 0 : index
      %swap3A_89 = tpu.vector_load %arg11[%swap3A] {strides = array<i32>} : memref<16xi32, #tpu.memory_space<vmem>>, vector<16xi32>,
      tpu.vector_store %arg11[%swap3A], %scan3A_87#1 {strides = array<i32>} : memref<16xi32, #tpu.memory_space<vmem>>, vector<16xi32>,
      %scan3A_90 = arith.constant 0 : i32
      %scan3A_91 = arith.constant 512 : i32
      %scan3A_92 = arith.addi %scan3A_90, %scan3A_91 : i32
      %scan3A_93 = arith.constant 1 : i32
      %scan3A_94 = scf.for %scan3A_101 = %scan3A_90 to %scan3A_92 step %scan3A_93 iter_args(%scan3A_102 = %broadcast_in_dim3A_83) -> (vector<16xi32>)  : i32 {
        %gt3A = vector.broadcast %scan3A_101 : i32 to vector<16xi32>
        %gt3A_103 = arith.cmpi sgt, %scan3A_87#1, %gt3A : vector<16xi32>
        %jit3A = arith.constant 1 : i32
        %jit3A_104 = arith.constant 0 : i32
        %broadcast_in_dim3A_105 = vector.broadcast %jit3A : i32 to vector<16xi32>
        %broadcast_in_dim3A_106 = vector.broadcast %jit3A_104 : i32 to vector<16xi32>
        %select_n3A = arith.select %gt3A_103, %broadcast_in_dim3A_105, %broadcast_in_dim3A_106 : vector<16xi1>, vector<16xi32>
        %swap3A_107 = arith.constant 0 : index
        %swap3A_108 = tpu.vector_load %arg12[%swap3A_107] {strides = array<i32>} : memref<16xi32, #tpu.memory_space<vmem>>, vector<16xi32>,
        tpu.vector_store %arg12[%swap3A_107], %select_n3A {strides = array<i32>} : memref<16xi32, #tpu.memory_space<vmem>>, vector<16xi32>,
        %sub3A = arith.constant 1 : i32
        %sub3A_109 = vector.broadcast %sub3A : i32 to vector<16xi32>
        %sub3A_110 = arith.subi %iota3A, %sub3A_109 : vector<16xi32>
        %max3A = arith.constant 0 : i32
        %max3A_111 = vector.broadcast %max3A : i32 to vector<16xi32>
        %max3A_112 = arith.maxsi %sub3A_110, %max3A_111 : vector<16xi32>
        %gather3A = tpu.vector_load_idx %arg12[%max3A_112] : memref<16xi32, #tpu.memory_space<vmem>>[vector<16xi32>], vector<16xi32>,
        %ge3A = arith.constant 1 : i32
        %ge3A_113 = vector.broadcast %ge3A : i32 to vector<16xi32>
        %ge3A_114 = arith.cmpi sge, %iota3A, %ge3A_113 : vector<16xi32>
        %jit3A_115 = arith.constant 0 : i32
        %broadcast_in_dim3A_116 = vector.broadcast %jit3A_115 : i32 to vector<16xi32>
        %select_n3A_117 = arith.select %ge3A_114, %gather3A, %broadcast_in_dim3A_116 : vector<16xi1>, vector<16xi32>
        %add3A_118 = arith.addi %select_n3A, %select_n3A_117 : vector<16xi32>
        %swap3A_119 = arith.constant 0 : index
        %swap3A_120 = tpu.vector_load %arg12[%swap3A_119] {strides = array<i32>} : memref<16xi32, #tpu.memory_space<vmem>>, vector<16xi32>,
        tpu.vector_store %arg12[%swap3A_119], %add3A_118 {strides = array<i32>} : memref<16xi32, #tpu.memory_space<vmem>>, vector<16xi32>,
        %sub3A_121 = arith.constant 2 : i32
        %sub3A_122 = vector.broadcast %sub3A_121 : i32 to vector<16xi32>
        %sub3A_123 = arith.subi %iota3A, %sub3A_122 : vector<16xi32>
        %max3A_124 = arith.constant 0 : i32
        %max3A_125 = vector.broadcast %max3A_124 : i32 to vector<16xi32>
        %max3A_126 = arith.maxsi %sub3A_123, %max3A_125 : vector<16xi32>
        %gather3A_127 = tpu.vector_load_idx %arg12[%max3A_126] : memref<16xi32, #tpu.memory_space<vmem>>[vector<16xi32>], vector<16xi32>,
        %ge3A_128 = arith.constant 2 : i32
        %ge3A_129 = vector.broadcast %ge3A_128 : i32 to vector<16xi32>
        %ge3A_130 = arith.cmpi sge, %iota3A, %ge3A_129 : vector<16xi32>
        %jit3A_131 = arith.constant 0 : i32
        %broadcast_in_dim3A_132 = vector.broadcast %jit3A_131 : i32 to vector<16xi32>
        %select_n3A_133 = arith.select %ge3A_130, %gather3A_127, %broadcast_in_dim3A_132 : vector<16xi1>, vector<16xi32>
        %add3A_134 = arith.addi %add3A_118, %select_n3A_133 : vector<16xi32>
        %swap3A_135 = arith.constant 0 : index
        %swap3A_136 = tpu.vector_load %arg12[%swap3A_135] {strides = array<i32>} : memref<16xi32, #tpu.memory_space<vmem>>, vector<16xi32>,
        tpu.vector_store %arg12[%swap3A_135], %add3A_134 {strides = array<i32>} : memref<16xi32, #tpu.memory_space<vmem>>, vector<16xi32>,
        %sub3A_137 = arith.constant 4 : i32
        %sub3A_138 = vector.broadcast %sub3A_137 : i32 to vector<16xi32>
        %sub3A_139 = arith.subi %iota3A, %sub3A_138 : vector<16xi32>
        %max3A_140 = arith.constant 0 : i32
        %max3A_141 = vector.broadcast %max3A_140 : i32 to vector<16xi32>
        %max3A_142 = arith.maxsi %sub3A_139, %max3A_141 : vector<16xi32>
        %gather3A_143 = tpu.vector_load_idx %arg12[%max3A_142] : memref<16xi32, #tpu.memory_space<vmem>>[vector<16xi32>], vector<16xi32>,
        %ge3A_144 = arith.constant 4 : i32
        %ge3A_145 = vector.broadcast %ge3A_144 : i32 to vector<16xi32>
        %ge3A_146 = arith.cmpi sge, %iota3A, %ge3A_145 : vector<16xi32>
        %jit3A_147 = arith.constant 0 : i32
        %broadcast_in_dim3A_148 = vector.broadcast %jit3A_147 : i32 to vector<16xi32>
        %select_n3A_149 = arith.select %ge3A_146, %gather3A_143, %broadcast_in_dim3A_148 : vector<16xi1>, vector<16xi32>
        %add3A_150 = arith.addi %add3A_134, %select_n3A_149 : vector<16xi32>
        %swap3A_151 = arith.constant 0 : index
        %swap3A_152 = tpu.vector_load %arg12[%swap3A_151] {strides = array<i32>} : memref<16xi32, #tpu.memory_space<vmem>>, vector<16xi32>,
        tpu.vector_store %arg12[%swap3A_151], %add3A_150 {strides = array<i32>} : memref<16xi32, #tpu.memory_space<vmem>>, vector<16xi32>,
        %sub3A_153 = arith.constant 8 : i32
        %sub3A_154 = vector.broadcast %sub3A_153 : i32 to vector<16xi32>
        %sub3A_155 = arith.subi %iota3A, %sub3A_154 : vector<16xi32>
        %max3A_156 = arith.constant 0 : i32
        %max3A_157 = vector.broadcast %max3A_156 : i32 to vector<16xi32>
        %max3A_158 = arith.maxsi %sub3A_155, %max3A_157 : vector<16xi32>
        %gather3A_159 = tpu.vector_load_idx %arg12[%max3A_158] : memref<16xi32, #tpu.memory_space<vmem>>[vector<16xi32>], vector<16xi32>,
        %ge3A_160 = arith.constant 8 : i32
        %ge3A_161 = vector.broadcast %ge3A_160 : i32 to vector<16xi32>
        %ge3A_162 = arith.cmpi sge, %iota3A, %ge3A_161 : vector<16xi32>
        %jit3A_163 = arith.constant 0 : i32
        %broadcast_in_dim3A_164 = vector.broadcast %jit3A_163 : i32 to vector<16xi32>
        %select_n3A_165 = arith.select %ge3A_162, %gather3A_159, %broadcast_in_dim3A_164 : vector<16xi1>, vector<16xi32>
        %add3A_166 = arith.addi %add3A_150, %select_n3A_165 : vector<16xi32>
        %sub3A_167 = arith.subi %add3A_166, %select_n3A : vector<16xi32>
        %add3A_168 = arith.addi %sub3A_167, %scan3A_102 : vector<16xi32>
        %min3A = arith.constant 8191 : i32
        %min3A_169 = vector.broadcast %min3A : i32 to vector<16xi32>
        %min3A_170 = arith.minsi %add3A_168, %min3A_169 : vector<16xi32>
        %gather3A_171 = tpu.vector_load_idx %arg8[%min3A_170] : memref<8208xi32, #tpu.memory_space<vmem>>[vector<16xi32>], vector<16xi32>,
        %mul3A_172 = arith.constant 16 : i32
        %mul3A_173 = arith.muli %scan3A_101, %mul3A_172 : i32
        %add3A_174 = vector.broadcast %mul3A_173 : i32 to vector<16xi32>
        %add3A_175 = arith.addi %iota3A, %add3A_174 : vector<16xi32>
        %select_n3A_176 = arith.select %gt3A_103, %gather3A_171, %add3A_175 : vector<16xi1>, vector<16xi32>
        %mul3A_177 = arith.constant 16 : i32
        %mul3A_178 = arith.muli %scan3A_101, %mul3A_177 : i32
        %swap3A_179 = arith.index_cast %mul3A_178 : i32 to index
        %swap3A_180 = tpu.vector_load %arg9[%swap3A_179] {strides = array<i32>} : memref<8192xi32, #tpu.memory_space<vmem>>, vector<16xi32>,
        tpu.vector_store %arg9[%swap3A_179], %select_n3A_176 {strides = array<i32>} : memref<8192xi32, #tpu.memory_space<vmem>>, vector<16xi32>,
        %all_reduce_population_count3A = tpu.all_reduce %gt3A_103 {dim = 0 : i64, kind = #tpu.reduction_kind<sum>} : vector<16xi1> -> vector<16xi32>
        %add3A_181 = arith.addi %scan3A_102, %all_reduce_population_count3A : vector<16xi32>
        scf.yield %add3A_181 : vector<16xi32>
      }
      %scan3A_95 = arith.constant 512 : i32
      "tpu.region"() ({
        %run_scoped3A = tpu.sem_alloc : memref<!tpu.dma_semaphore, #tpu.memory_space<semaphore_mem>>
        tpu.enqueue_dma source(%arg9 : memref<8192xi32, #tpu.memory_space<vmem>>) target(%arg13 : memref<8192xi32, #tpu.memory_space<vmem_shared>>) target_semaphore(%run_scoped3A : memref<!tpu.dma_semaphore, #tpu.memory_space<semaphore_mem>>)
        tpu.wait_dma2 semaphore(%run_scoped3A : memref<!tpu.dma_semaphore, #tpu.memory_space<semaphore_mem>>) src(%arg9 : memref<8192xi32, #tpu.memory_space<vmem>>) dst(%arg13 : memref<8192xi32, #tpu.memory_space<vmem_shared>>)
        tpu.yield
      }) : () -> ()
      %eq3A_96 = arith.constant 0 : i32
      %eq3A_97 = arith.cmpi eq, %arg0, %eq3A_96 : i32
      %convert_element_type3A_98 = arith.extui %eq3A_97 : i1 to i32
      %cond3A_99 = arith.constant 0 : i32
      %cond3A_100 = arith.cmpi ne, %convert_element_type3A_98, %cond3A_99 : i32
      scf.if %cond3A_100 {
        "tpu.region"() ({
          %run_scoped3A = tpu.sem_alloc : memref<!tpu.dma_semaphore, #tpu.memory_space<semaphore_mem>>
          tpu.enqueue_dma source(%arg10 : memref<8192xi32, #tpu.memory_space<vmem>>) target(%arg5 : memref<8192xi32, #tpu.memory_space<hbm>>) target_semaphore(%run_scoped3A : memref<!tpu.dma_semaphore, #tpu.memory_space<semaphore_mem>>)
          tpu.wait_dma2 semaphore(%run_scoped3A : memref<!tpu.dma_semaphore, #tpu.memory_space<semaphore_mem>>) src(%arg10 : memref<8192xi32, #tpu.memory_space<vmem>>) dst(%arg5 : memref<8192xi32, #tpu.memory_space<hbm>>)
          tpu.yield
        }) : () -> ()
        "tpu.region"() ({
          %run_scoped3A = tpu.sem_alloc : memref<!tpu.dma_semaphore, #tpu.memory_space<semaphore_mem>>
          tpu.enqueue_dma source(%arg11 : memref<16xi32, #tpu.memory_space<vmem>>) target(%arg6 : memref<16xi32, #tpu.memory_space<hbm>>) target_semaphore(%run_scoped3A : memref<!tpu.dma_semaphore, #tpu.memory_space<semaphore_mem>>)
          tpu.wait_dma2 semaphore(%run_scoped3A : memref<!tpu.dma_semaphore, #tpu.memory_space<semaphore_mem>>) src(%arg11 : memref<16xi32, #tpu.memory_space<vmem>>) dst(%arg6 : memref<16xi32, #tpu.memory_space<hbm>>)
          tpu.yield
        }) : () -> ()
      } else {
      }
    } else {
    }
    %barrier3A = arith.constant 0 : index
    tpu.barrier barrier_id(%barrier3A)
    %mul3A = arith.constant 2 : i32
    %mul3A_2 = arith.muli %arg1, %mul3A : i32
    %add3A = arith.addi %mul3A_2, %arg0 : i32
    %mul3A_3 = arith.constant 256 : i32
    %mul3A_4 = arith.muli %add3A, %mul3A_3 : i32
    "tpu.region"() ({
      %run_scoped3A = tpu.sem_alloc : memref<!tpu.dma_semaphore, #tpu.memory_space<semaphore_mem>>
      %dma_start3A_83 = tpu.memref_slice %arg13[%mul3A_4] : memref<8192xi32, #tpu.memory_space<vmem_shared>> -> memref<256xi32, #tpu.memory_space<vmem_shared>>
      %dma_start3A_84 = tpu.memref_slice %arg13[%mul3A_4] : memref<8192xi32, #tpu.memory_space<vmem_shared>> -> memref<256xi32, #tpu.memory_space<vmem_shared>>
      tpu.enqueue_dma source(%dma_start3A_84 : memref<256xi32, #tpu.memory_space<vmem_shared>>) target(%arg14 : memref<256xi32, #tpu.memory_space<vmem>>) target_semaphore(%run_scoped3A : memref<!tpu.dma_semaphore, #tpu.memory_space<semaphore_mem>>)
      %dma_wait3A_85 = tpu.memref_slice %arg13[%mul3A_4] : memref<8192xi32, #tpu.memory_space<vmem_shared>> -> memref<256xi32, #tpu.memory_space<vmem_shared>>
      %dma_wait3A_86 = tpu.memref_slice %arg13[%mul3A_4] : memref<8192xi32, #tpu.memory_space<vmem_shared>> -> memref<256xi32, #tpu.memory_space<vmem_shared>>
      tpu.wait_dma2 semaphore(%run_scoped3A : memref<!tpu.dma_semaphore, #tpu.memory_space<semaphore_mem>>) src(%dma_wait3A_86 : memref<256xi32, #tpu.memory_space<vmem_shared>>) dst(%arg14 : memref<256xi32, #tpu.memory_space<vmem>>)
      tpu.yield
    }) : () -> ()
    %dma_start3A = arith.constant 0 : i32
    %dma_start3A_5 = tpu.memref_slice %arg14[%dma_start3A] : memref<256xi32, #tpu.memory_space<vmem>> -> memref<64xi32, #tpu.memory_space<vmem>>
    %dma_start3A_6 = arith.constant 0 : i32
    %dma_start3A_7 = arith.constant 0 : i32
    %dma_start3A_8 = tpu.memref_slice %arg3[%dma_start3A_6, %dma_start3A_7] : memref<8192x512xf32, #tpu.memory_space<hbm>> -> memref<8192x512xf32, #tpu.memory_space<hbm>>
    tpu.enqueue_indirect_dma source(%dma_start3A_8 : memref<8192x512xf32, #tpu.memory_space<hbm>>) target(%arg15 : memref<64x512xf32, #tpu.memory_space<vmem>>) offsets(%dma_start3A_5 : memref<64xi32, #tpu.memory_space<vmem>>) semaphore(%arg17 : memref<!tpu.dma_semaphore, #tpu.memory_space<semaphore_mem>>)
    %dma_start3A_9 = arith.constant 64 : i32
    %dma_start3A_10 = tpu.memref_slice %arg14[%dma_start3A_9] : memref<256xi32, #tpu.memory_space<vmem>> -> memref<64xi32, #tpu.memory_space<vmem>>
    %dma_start3A_11 = arith.constant 0 : i32
    %dma_start3A_12 = arith.constant 0 : i32
    %dma_start3A_13 = tpu.memref_slice %arg3[%dma_start3A_11, %dma_start3A_12] : memref<8192x512xf32, #tpu.memory_space<hbm>> -> memref<8192x512xf32, #tpu.memory_space<hbm>>
    tpu.enqueue_indirect_dma source(%dma_start3A_13 : memref<8192x512xf32, #tpu.memory_space<hbm>>) target(%arg16 : memref<64x512xf32, #tpu.memory_space<vmem>>) offsets(%dma_start3A_10 : memref<64xi32, #tpu.memory_space<vmem>>) semaphore(%arg18 : memref<!tpu.dma_semaphore, #tpu.memory_space<semaphore_mem>>)
    %dma_wait3A = arith.constant 0 : i32
    %dma_wait3A_14 = tpu.memref_slice %arg14[%dma_wait3A] : memref<256xi32, #tpu.memory_space<vmem>> -> memref<64xi32, #tpu.memory_space<vmem>>
    %dma_wait3A_15 = arith.constant 0 : i32
    %dma_wait3A_16 = arith.constant 0 : i32
    %dma_wait3A_17 = tpu.memref_slice %arg3[%dma_wait3A_15, %dma_wait3A_16] : memref<8192x512xf32, #tpu.memory_space<hbm>> -> memref<8192x512xf32, #tpu.memory_space<hbm>>
    tpu.wait_indirect_dma semaphore(%arg17 : memref<!tpu.dma_semaphore, #tpu.memory_space<semaphore_mem>>) src(%dma_wait3A_17 : memref<8192x512xf32, #tpu.memory_space<hbm>>) dst(%arg15 : memref<64x512xf32, #tpu.memory_space<vmem>>)
    %add3A_18 = arith.constant 0 : i32
    %add3A_19 = arith.addi %mul3A_4, %add3A_18 : i32
    %dma_start3A_20 = arith.constant 0 : i32
    %dma_start3A_21 = tpu.memref_slice %arg4[%add3A_19, %dma_start3A_20] : memref<8192x512xf32, #tpu.memory_space<hbm>> -> memref<64x512xf32, #tpu.memory_space<hbm>>
    %dma_start3A_22 = arith.constant 0 : i32
    %dma_start3A_23 = tpu.memref_slice %arg4[%add3A_19, %dma_start3A_22] : memref<8192x512xf32, #tpu.memory_space<hbm>> -> memref<64x512xf32, #tpu.memory_space<hbm>>
    tpu.enqueue_dma source(%arg15 : memref<64x512xf32, #tpu.memory_space<vmem>>) target(%dma_start3A_23 : memref<64x512xf32, #tpu.memory_space<hbm>>) target_semaphore(%arg19 : memref<!tpu.dma_semaphore, #tpu.memory_space<semaphore_mem>>)
    %dma_wait3A_24 = arith.constant 0 : i32
    %dma_wait3A_25 = tpu.memref_slice %arg4[%add3A_19, %dma_wait3A_24] : memref<8192x512xf32, #tpu.memory_space<hbm>> -> memref<64x512xf32, #tpu.memory_space<hbm>>
    %dma_wait3A_26 = arith.constant 0 : i32
    %dma_wait3A_27 = tpu.memref_slice %arg4[%add3A_19, %dma_wait3A_26] : memref<8192x512xf32, #tpu.memory_space<hbm>> -> memref<64x512xf32, #tpu.memory_space<hbm>>
    tpu.wait_dma2 semaphore(%arg19 : memref<!tpu.dma_semaphore, #tpu.memory_space<semaphore_mem>>) src(%arg15 : memref<64x512xf32, #tpu.memory_space<vmem>>) dst(%dma_wait3A_27 : memref<64x512xf32, #tpu.memory_space<hbm>>)
    %dma_start3A_28 = arith.constant 128 : i32
    %dma_start3A_29 = tpu.memref_slice %arg14[%dma_start3A_28] : memref<256xi32, #tpu.memory_space<vmem>> -> memref<64xi32, #tpu.memory_space<vmem>>
    %dma_start3A_30 = arith.constant 0 : i32
    %dma_start3A_31 = arith.constant 0 : i32
    %dma_start3A_32 = tpu.memref_slice %arg3[%dma_start3A_30, %dma_start3A_31] : memref<8192x512xf32, #tpu.memory_space<hbm>> -> memref<8192x512xf32, #tpu.memory_space<hbm>>
    tpu.enqueue_indirect_dma source(%dma_start3A_32 : memref<8192x512xf32, #tpu.memory_space<hbm>>) target(%arg15 : memref<64x512xf32, #tpu.memory_space<vmem>>) offsets(%dma_start3A_29 : memref<64xi32, #tpu.memory_space<vmem>>) semaphore(%arg17 : memref<!tpu.dma_semaphore, #tpu.memory_space<semaphore_mem>>)
    %dma_wait3A_33 = arith.constant 64 : i32
    %dma_wait3A_34 = tpu.memref_slice %arg14[%dma_wait3A_33] : memref<256xi32, #tpu.memory_space<vmem>> -> memref<64xi32, #tpu.memory_space<vmem>>
    %dma_wait3A_35 = arith.constant 0 : i32
    %dma_wait3A_36 = arith.constant 0 : i32
    %dma_wait3A_37 = tpu.memref_slice %arg3[%dma_wait3A_35, %dma_wait3A_36] : memref<8192x512xf32, #tpu.memory_space<hbm>> -> memref<8192x512xf32, #tpu.memory_space<hbm>>
    tpu.wait_indirect_dma semaphore(%arg18 : memref<!tpu.dma_semaphore, #tpu.memory_space<semaphore_mem>>) src(%dma_wait3A_37 : memref<8192x512xf32, #tpu.memory_space<hbm>>) dst(%arg16 : memref<64x512xf32, #tpu.memory_space<vmem>>)
    %add3A_38 = arith.constant 64 : i32
    %add3A_39 = arith.addi %mul3A_4, %add3A_38 : i32
    %dma_start3A_40 = arith.constant 0 : i32
    %dma_start3A_41 = tpu.memref_slice %arg4[%add3A_39, %dma_start3A_40] : memref<8192x512xf32, #tpu.memory_space<hbm>> -> memref<64x512xf32, #tpu.memory_space<hbm>>
    %dma_start3A_42 = arith.constant 0 : i32
    %dma_start3A_43 = tpu.memref_slice %arg4[%add3A_39, %dma_start3A_42] : memref<8192x512xf32, #tpu.memory_space<hbm>> -> memref<64x512xf32, #tpu.memory_space<hbm>>
    tpu.enqueue_dma source(%arg16 : memref<64x512xf32, #tpu.memory_space<vmem>>) target(%dma_start3A_43 : memref<64x512xf32, #tpu.memory_space<hbm>>) target_semaphore(%arg20 : memref<!tpu.dma_semaphore, #tpu.memory_space<semaphore_mem>>)
    %dma_wait3A_44 = arith.constant 0 : i32
    %dma_wait3A_45 = tpu.memref_slice %arg4[%add3A_39, %dma_wait3A_44] : memref<8192x512xf32, #tpu.memory_space<hbm>> -> memref<64x512xf32, #tpu.memory_space<hbm>>
    %dma_wait3A_46 = arith.constant 0 : i32
    %dma_wait3A_47 = tpu.memref_slice %arg4[%add3A_39, %dma_wait3A_46] : memref<8192x512xf32, #tpu.memory_space<hbm>> -> memref<64x512xf32, #tpu.memory_space<hbm>>
    tpu.wait_dma2 semaphore(%arg20 : memref<!tpu.dma_semaphore, #tpu.memory_space<semaphore_mem>>) src(%arg16 : memref<64x512xf32, #tpu.memory_space<vmem>>) dst(%dma_wait3A_47 : memref<64x512xf32, #tpu.memory_space<hbm>>)
    %dma_start3A_48 = arith.constant 192 : i32
    %dma_start3A_49 = tpu.memref_slice %arg14[%dma_start3A_48] : memref<256xi32, #tpu.memory_space<vmem>> -> memref<64xi32, #tpu.memory_space<vmem>>
    %dma_start3A_50 = arith.constant 0 : i32
    %dma_start3A_51 = arith.constant 0 : i32
    %dma_start3A_52 = tpu.memref_slice %arg3[%dma_start3A_50, %dma_start3A_51] : memref<8192x512xf32, #tpu.memory_space<hbm>> -> memref<8192x512xf32, #tpu.memory_space<hbm>>
    tpu.enqueue_indirect_dma source(%dma_start3A_52 : memref<8192x512xf32, #tpu.memory_space<hbm>>) target(%arg16 : memref<64x512xf32, #tpu.memory_space<vmem>>) offsets(%dma_start3A_49 : memref<64xi32, #tpu.memory_space<vmem>>) semaphore(%arg18 : memref<!tpu.dma_semaphore, #tpu.memory_space<semaphore_mem>>)
    %dma_wait3A_53 = arith.constant 128 : i32
    %dma_wait3A_54 = tpu.memref_slice %arg14[%dma_wait3A_53] : memref<256xi32, #tpu.memory_space<vmem>> -> memref<64xi32, #tpu.memory_space<vmem>>
    %dma_wait3A_55 = arith.constant 0 : i32
    %dma_wait3A_56 = arith.constant 0 : i32
    %dma_wait3A_57 = tpu.memref_slice %arg3[%dma_wait3A_55, %dma_wait3A_56] : memref<8192x512xf32, #tpu.memory_space<hbm>> -> memref<8192x512xf32, #tpu.memory_space<hbm>>
    tpu.wait_indirect_dma semaphore(%arg17 : memref<!tpu.dma_semaphore, #tpu.memory_space<semaphore_mem>>) src(%dma_wait3A_57 : memref<8192x512xf32, #tpu.memory_space<hbm>>) dst(%arg15 : memref<64x512xf32, #tpu.memory_space<vmem>>)
    %add3A_58 = arith.constant 128 : i32
    %add3A_59 = arith.addi %mul3A_4, %add3A_58 : i32
    %dma_start3A_60 = arith.constant 0 : i32
    %dma_start3A_61 = tpu.memref_slice %arg4[%add3A_59, %dma_start3A_60] : memref<8192x512xf32, #tpu.memory_space<hbm>> -> memref<64x512xf32, #tpu.memory_space<hbm>>
    %dma_start3A_62 = arith.constant 0 : i32
    %dma_start3A_63 = tpu.memref_slice %arg4[%add3A_59, %dma_start3A_62] : memref<8192x512xf32, #tpu.memory_space<hbm>> -> memref<64x512xf32, #tpu.memory_space<hbm>>
    tpu.enqueue_dma source(%arg15 : memref<64x512xf32, #tpu.memory_space<vmem>>) target(%dma_start3A_63 : memref<64x512xf32, #tpu.memory_space<hbm>>) target_semaphore(%arg19 : memref<!tpu.dma_semaphore, #tpu.memory_space<semaphore_mem>>)
    %dma_wait3A_64 = arith.constant 192 : i32
    %dma_wait3A_65 = tpu.memref_slice %arg14[%dma_wait3A_64] : memref<256xi32, #tpu.memory_space<vmem>> -> memref<64xi32, #tpu.memory_space<vmem>>
    %dma_wait3A_66 = arith.constant 0 : i32
    %dma_wait3A_67 = arith.constant 0 : i32
    %dma_wait3A_68 = tpu.memref_slice %arg3[%dma_wait3A_66, %dma_wait3A_67] : memref<8192x512xf32, #tpu.memory_space<hbm>> -> memref<8192x512xf32, #tpu.memory_space<hbm>>
    tpu.wait_indirect_dma semaphore(%arg18 : memref<!tpu.dma_semaphore, #tpu.memory_space<semaphore_mem>>) src(%dma_wait3A_68 : memref<8192x512xf32, #tpu.memory_space<hbm>>) dst(%arg16 : memref<64x512xf32, #tpu.memory_space<vmem>>)
    %add3A_69 = arith.constant 192 : i32
    %add3A_70 = arith.addi %mul3A_4, %add3A_69 : i32
    %dma_start3A_71 = arith.constant 0 : i32
    %dma_start3A_72 = tpu.memref_slice %arg4[%add3A_70, %dma_start3A_71] : memref<8192x512xf32, #tpu.memory_space<hbm>> -> memref<64x512xf32, #tpu.memory_space<hbm>>
    %dma_start3A_73 = arith.constant 0 : i32
    %dma_start3A_74 = tpu.memref_slice %arg4[%add3A_70, %dma_start3A_73] : memref<8192x512xf32, #tpu.memory_space<hbm>> -> memref<64x512xf32, #tpu.memory_space<hbm>>
    tpu.enqueue_dma source(%arg16 : memref<64x512xf32, #tpu.memory_space<vmem>>) target(%dma_start3A_74 : memref<64x512xf32, #tpu.memory_space<hbm>>) target_semaphore(%arg20 : memref<!tpu.dma_semaphore, #tpu.memory_space<semaphore_mem>>)
    %dma_wait3A_75 = arith.constant 0 : i32
    %dma_wait3A_76 = tpu.memref_slice %arg4[%add3A_59, %dma_wait3A_75] : memref<8192x512xf32, #tpu.memory_space<hbm>> -> memref<64x512xf32, #tpu.memory_space<hbm>>
    %dma_wait3A_77 = arith.constant 0 : i32
    %dma_wait3A_78 = tpu.memref_slice %arg4[%add3A_59, %dma_wait3A_77] : memref<8192x512xf32, #tpu.memory_space<hbm>> -> memref<64x512xf32, #tpu.memory_space<hbm>>
    tpu.wait_dma2 semaphore(%arg19 : memref<!tpu.dma_semaphore, #tpu.memory_space<semaphore_mem>>) src(%arg15 : memref<64x512xf32, #tpu.memory_space<vmem>>) dst(%dma_wait3A_78 : memref<64x512xf32, #tpu.memory_space<hbm>>)
    %dma_wait3A_79 = arith.constant 0 : i32
    %dma_wait3A_80 = tpu.memref_slice %arg4[%add3A_70, %dma_wait3A_79] : memref<8192x512xf32, #tpu.memory_space<hbm>> -> memref<64x512xf32, #tpu.memory_space<hbm>>
    %dma_wait3A_81 = arith.constant 0 : i32
    %dma_wait3A_82 = tpu.memref_slice %arg4[%add3A_70, %dma_wait3A_81] : memref<8192x512xf32, #tpu.memory_space<hbm>> -> memref<64x512xf32, #tpu.memory_space<hbm>>
    tpu.wait_dma2 semaphore(%arg20 : memref<!tpu.dma_semaphore, #tpu.memory_space<semaphore_mem>>) src(%arg16 : memref<64x512xf32, #tpu.memory_space<vmem>>) dst(%dma_wait3A_82 : memref<64x512xf32, #tpu.memory_space<hbm>>)
    return
  }
}

#map = affine_map<(d0, d1) -> (0, 0)>
#map1 = affine_map<(d0, d1) -> (0)>
module attributes {stable_mosaic.version = 14 : i64} {
  func.func @gather_kernel(%arg0: i32, %arg1: i32, %arg2: memref<8704x512xf32, #tpu.memory_space<hbm>>, %arg3: memref<8192xi32, #tpu.memory_space<hbm>>, %arg4: memref<8192x512xf32, #tpu.memory_space<hbm>>, %arg5: memref<256xi32, #tpu.memory_space<vmem>>, %arg6: memref<64x512xf32, #tpu.memory_space<vmem>>, %arg7: memref<64x512xf32, #tpu.memory_space<vmem>>, %arg8: memref<64x512xf32, #tpu.memory_space<vmem>>, %arg9: memref<!tpu.dma_semaphore, #tpu.memory_space<semaphore_mem>>, %arg10: memref<!tpu.dma_semaphore, #tpu.memory_space<semaphore_mem>>, %arg11: memref<!tpu.dma_semaphore, #tpu.memory_space<semaphore_mem>>, %arg12: memref<!tpu.dma_semaphore, #tpu.memory_space<semaphore_mem>>, %arg13: memref<!tpu.dma_semaphore, #tpu.memory_space<semaphore_mem>>, %arg14: memref<!tpu.dma_semaphore, #tpu.memory_space<semaphore_mem>>) attributes {dimension_semantics = [#tpu.dimension_semantics<core_parallel>, #tpu.dimension_semantics<subcore_parallel>], iteration_bounds = array<i64: 2, 16>, scalar_prefetch = 0 : i64, scratch_operands = 10 : i64, tpu.core_type = #tpu.core_type<sc_vector_subcore>, window_params = [{transform_indices = #map}, {transform_indices = #map1}, {transform_indices = #map}]} {
    %mul3A = arith.constant 2 : i32
    %mul3A_0 = arith.muli %arg1, %mul3A : i32
    %add3A = arith.addi %mul3A_0, %arg0 : i32
    %mul3A_1 = arith.constant 256 : i32
    %mul3A_2 = arith.muli %add3A, %mul3A_1 : i32
    "tpu.region"() ({
      %run_scoped3A = tpu.sem_alloc : memref<!tpu.dma_semaphore, #tpu.memory_space<semaphore_mem>>
      %dma_start3A_81 = tpu.memref_slice %arg3[%mul3A_2] : memref<8192xi32, #tpu.memory_space<hbm>> -> memref<256xi32, #tpu.memory_space<hbm>>
      %dma_start3A_82 = tpu.memref_slice %arg3[%mul3A_2] : memref<8192xi32, #tpu.memory_space<hbm>> -> memref<256xi32, #tpu.memory_space<hbm>>
      tpu.enqueue_dma source(%dma_start3A_82 : memref<256xi32, #tpu.memory_space<hbm>>) target(%arg5 : memref<256xi32, #tpu.memory_space<vmem>>) target_semaphore(%run_scoped3A : memref<!tpu.dma_semaphore, #tpu.memory_space<semaphore_mem>>)
      %dma_wait3A_83 = tpu.memref_slice %arg3[%mul3A_2] : memref<8192xi32, #tpu.memory_space<hbm>> -> memref<256xi32, #tpu.memory_space<hbm>>
      %dma_wait3A_84 = tpu.memref_slice %arg3[%mul3A_2] : memref<8192xi32, #tpu.memory_space<hbm>> -> memref<256xi32, #tpu.memory_space<hbm>>
      tpu.wait_dma2 semaphore(%run_scoped3A : memref<!tpu.dma_semaphore, #tpu.memory_space<semaphore_mem>>) src(%dma_wait3A_84 : memref<256xi32, #tpu.memory_space<hbm>>) dst(%arg5 : memref<256xi32, #tpu.memory_space<vmem>>)
      tpu.yield
    }) : () -> ()
    %dma_start3A = arith.constant 0 : i32
    %dma_start3A_3 = tpu.memref_slice %arg5[%dma_start3A] : memref<256xi32, #tpu.memory_space<vmem>> -> memref<64xi32, #tpu.memory_space<vmem>>
    %dma_start3A_4 = arith.constant 0 : i32
    %dma_start3A_5 = arith.constant 0 : i32
    %dma_start3A_6 = tpu.memref_slice %arg2[%dma_start3A_4, %dma_start3A_5] : memref<8704x512xf32, #tpu.memory_space<hbm>> -> memref<8704x512xf32, #tpu.memory_space<hbm>>
    tpu.enqueue_indirect_dma source(%dma_start3A_6 : memref<8704x512xf32, #tpu.memory_space<hbm>>) target(%arg6 : memref<64x512xf32, #tpu.memory_space<vmem>>) offsets(%dma_start3A_3 : memref<64xi32, #tpu.memory_space<vmem>>) semaphore(%arg9 : memref<!tpu.dma_semaphore, #tpu.memory_space<semaphore_mem>>)
    %dma_start3A_7 = arith.constant 64 : i32
    %dma_start3A_8 = tpu.memref_slice %arg5[%dma_start3A_7] : memref<256xi32, #tpu.memory_space<vmem>> -> memref<64xi32, #tpu.memory_space<vmem>>
    %dma_start3A_9 = arith.constant 0 : i32
    %dma_start3A_10 = arith.constant 0 : i32
    %dma_start3A_11 = tpu.memref_slice %arg2[%dma_start3A_9, %dma_start3A_10] : memref<8704x512xf32, #tpu.memory_space<hbm>> -> memref<8704x512xf32, #tpu.memory_space<hbm>>
    tpu.enqueue_indirect_dma source(%dma_start3A_11 : memref<8704x512xf32, #tpu.memory_space<hbm>>) target(%arg7 : memref<64x512xf32, #tpu.memory_space<vmem>>) offsets(%dma_start3A_8 : memref<64xi32, #tpu.memory_space<vmem>>) semaphore(%arg10 : memref<!tpu.dma_semaphore, #tpu.memory_space<semaphore_mem>>)
    %dma_start3A_12 = arith.constant 128 : i32
    %dma_start3A_13 = tpu.memref_slice %arg5[%dma_start3A_12] : memref<256xi32, #tpu.memory_space<vmem>> -> memref<64xi32, #tpu.memory_space<vmem>>
    %dma_start3A_14 = arith.constant 0 : i32
    %dma_start3A_15 = arith.constant 0 : i32
    %dma_start3A_16 = tpu.memref_slice %arg2[%dma_start3A_14, %dma_start3A_15] : memref<8704x512xf32, #tpu.memory_space<hbm>> -> memref<8704x512xf32, #tpu.memory_space<hbm>>
    tpu.enqueue_indirect_dma source(%dma_start3A_16 : memref<8704x512xf32, #tpu.memory_space<hbm>>) target(%arg8 : memref<64x512xf32, #tpu.memory_space<vmem>>) offsets(%dma_start3A_13 : memref<64xi32, #tpu.memory_space<vmem>>) semaphore(%arg11 : memref<!tpu.dma_semaphore, #tpu.memory_space<semaphore_mem>>)
    %dma_wait3A = arith.constant 0 : i32
    %dma_wait3A_17 = tpu.memref_slice %arg5[%dma_wait3A] : memref<256xi32, #tpu.memory_space<vmem>> -> memref<64xi32, #tpu.memory_space<vmem>>
    %dma_wait3A_18 = arith.constant 0 : i32
    %dma_wait3A_19 = arith.constant 0 : i32
    %dma_wait3A_20 = tpu.memref_slice %arg2[%dma_wait3A_18, %dma_wait3A_19] : memref<8704x512xf32, #tpu.memory_space<hbm>> -> memref<8704x512xf32, #tpu.memory_space<hbm>>
    tpu.wait_indirect_dma semaphore(%arg9 : memref<!tpu.dma_semaphore, #tpu.memory_space<semaphore_mem>>) src(%dma_wait3A_20 : memref<8704x512xf32, #tpu.memory_space<hbm>>) dst(%arg6 : memref<64x512xf32, #tpu.memory_space<vmem>>)
    %add3A_21 = arith.constant 0 : i32
    %add3A_22 = arith.addi %mul3A_2, %add3A_21 : i32
    %dma_start3A_23 = arith.constant 0 : i32
    %dma_start3A_24 = tpu.memref_slice %arg4[%add3A_22, %dma_start3A_23] : memref<8192x512xf32, #tpu.memory_space<hbm>> -> memref<64x512xf32, #tpu.memory_space<hbm>>
    %dma_start3A_25 = arith.constant 0 : i32
    %dma_start3A_26 = tpu.memref_slice %arg4[%add3A_22, %dma_start3A_25] : memref<8192x512xf32, #tpu.memory_space<hbm>> -> memref<64x512xf32, #tpu.memory_space<hbm>>
    tpu.enqueue_dma source(%arg6 : memref<64x512xf32, #tpu.memory_space<vmem>>) target(%dma_start3A_26 : memref<64x512xf32, #tpu.memory_space<hbm>>) target_semaphore(%arg12 : memref<!tpu.dma_semaphore, #tpu.memory_space<semaphore_mem>>)
    %dma_wait3A_27 = arith.constant 0 : i32
    %dma_wait3A_28 = tpu.memref_slice %arg4[%add3A_22, %dma_wait3A_27] : memref<8192x512xf32, #tpu.memory_space<hbm>> -> memref<64x512xf32, #tpu.memory_space<hbm>>
    %dma_wait3A_29 = arith.constant 0 : i32
    %dma_wait3A_30 = tpu.memref_slice %arg4[%add3A_22, %dma_wait3A_29] : memref<8192x512xf32, #tpu.memory_space<hbm>> -> memref<64x512xf32, #tpu.memory_space<hbm>>
    tpu.wait_dma2 semaphore(%arg12 : memref<!tpu.dma_semaphore, #tpu.memory_space<semaphore_mem>>) src(%arg6 : memref<64x512xf32, #tpu.memory_space<vmem>>) dst(%dma_wait3A_30 : memref<64x512xf32, #tpu.memory_space<hbm>>)
    %dma_start3A_31 = arith.constant 192 : i32
    %dma_start3A_32 = tpu.memref_slice %arg5[%dma_start3A_31] : memref<256xi32, #tpu.memory_space<vmem>> -> memref<64xi32, #tpu.memory_space<vmem>>
    %dma_start3A_33 = arith.constant 0 : i32
    %dma_start3A_34 = arith.constant 0 : i32
    %dma_start3A_35 = tpu.memref_slice %arg2[%dma_start3A_33, %dma_start3A_34] : memref<8704x512xf32, #tpu.memory_space<hbm>> -> memref<8704x512xf32, #tpu.memory_space<hbm>>
    tpu.enqueue_indirect_dma source(%dma_start3A_35 : memref<8704x512xf32, #tpu.memory_space<hbm>>) target(%arg6 : memref<64x512xf32, #tpu.memory_space<vmem>>) offsets(%dma_start3A_32 : memref<64xi32, #tpu.memory_space<vmem>>) semaphore(%arg9 : memref<!tpu.dma_semaphore, #tpu.memory_space<semaphore_mem>>)
    %dma_wait3A_36 = arith.constant 64 : i32
    %dma_wait3A_37 = tpu.memref_slice %arg5[%dma_wait3A_36] : memref<256xi32, #tpu.memory_space<vmem>> -> memref<64xi32, #tpu.memory_space<vmem>>
    %dma_wait3A_38 = arith.constant 0 : i32
    %dma_wait3A_39 = arith.constant 0 : i32
    %dma_wait3A_40 = tpu.memref_slice %arg2[%dma_wait3A_38, %dma_wait3A_39] : memref<8704x512xf32, #tpu.memory_space<hbm>> -> memref<8704x512xf32, #tpu.memory_space<hbm>>
    tpu.wait_indirect_dma semaphore(%arg10 : memref<!tpu.dma_semaphore, #tpu.memory_space<semaphore_mem>>) src(%dma_wait3A_40 : memref<8704x512xf32, #tpu.memory_space<hbm>>) dst(%arg7 : memref<64x512xf32, #tpu.memory_space<vmem>>)
    %add3A_41 = arith.constant 64 : i32
    %add3A_42 = arith.addi %mul3A_2, %add3A_41 : i32
    %dma_start3A_43 = arith.constant 0 : i32
    %dma_start3A_44 = tpu.memref_slice %arg4[%add3A_42, %dma_start3A_43] : memref<8192x512xf32, #tpu.memory_space<hbm>> -> memref<64x512xf32, #tpu.memory_space<hbm>>
    %dma_start3A_45 = arith.constant 0 : i32
    %dma_start3A_46 = tpu.memref_slice %arg4[%add3A_42, %dma_start3A_45] : memref<8192x512xf32, #tpu.memory_space<hbm>> -> memref<64x512xf32, #tpu.memory_space<hbm>>
    tpu.enqueue_dma source(%arg7 : memref<64x512xf32, #tpu.memory_space<vmem>>) target(%dma_start3A_46 : memref<64x512xf32, #tpu.memory_space<hbm>>) target_semaphore(%arg13 : memref<!tpu.dma_semaphore, #tpu.memory_space<semaphore_mem>>)
    %dma_wait3A_47 = arith.constant 128 : i32
    %dma_wait3A_48 = tpu.memref_slice %arg5[%dma_wait3A_47] : memref<256xi32, #tpu.memory_space<vmem>> -> memref<64xi32, #tpu.memory_space<vmem>>
    %dma_wait3A_49 = arith.constant 0 : i32
    %dma_wait3A_50 = arith.constant 0 : i32
    %dma_wait3A_51 = tpu.memref_slice %arg2[%dma_wait3A_49, %dma_wait3A_50] : memref<8704x512xf32, #tpu.memory_space<hbm>> -> memref<8704x512xf32, #tpu.memory_space<hbm>>
    tpu.wait_indirect_dma semaphore(%arg11 : memref<!tpu.dma_semaphore, #tpu.memory_space<semaphore_mem>>) src(%dma_wait3A_51 : memref<8704x512xf32, #tpu.memory_space<hbm>>) dst(%arg8 : memref<64x512xf32, #tpu.memory_space<vmem>>)
    %add3A_52 = arith.constant 128 : i32
    %add3A_53 = arith.addi %mul3A_2, %add3A_52 : i32
    %dma_start3A_54 = arith.constant 0 : i32
    %dma_start3A_55 = tpu.memref_slice %arg4[%add3A_53, %dma_start3A_54] : memref<8192x512xf32, #tpu.memory_space<hbm>> -> memref<64x512xf32, #tpu.memory_space<hbm>>
    %dma_start3A_56 = arith.constant 0 : i32
    %dma_start3A_57 = tpu.memref_slice %arg4[%add3A_53, %dma_start3A_56] : memref<8192x512xf32, #tpu.memory_space<hbm>> -> memref<64x512xf32, #tpu.memory_space<hbm>>
    tpu.enqueue_dma source(%arg8 : memref<64x512xf32, #tpu.memory_space<vmem>>) target(%dma_start3A_57 : memref<64x512xf32, #tpu.memory_space<hbm>>) target_semaphore(%arg14 : memref<!tpu.dma_semaphore, #tpu.memory_space<semaphore_mem>>)
    %dma_wait3A_58 = arith.constant 192 : i32
    %dma_wait3A_59 = tpu.memref_slice %arg5[%dma_wait3A_58] : memref<256xi32, #tpu.memory_space<vmem>> -> memref<64xi32, #tpu.memory_space<vmem>>
    %dma_wait3A_60 = arith.constant 0 : i32
    %dma_wait3A_61 = arith.constant 0 : i32
    %dma_wait3A_62 = tpu.memref_slice %arg2[%dma_wait3A_60, %dma_wait3A_61] : memref<8704x512xf32, #tpu.memory_space<hbm>> -> memref<8704x512xf32, #tpu.memory_space<hbm>>
    tpu.wait_indirect_dma semaphore(%arg9 : memref<!tpu.dma_semaphore, #tpu.memory_space<semaphore_mem>>) src(%dma_wait3A_62 : memref<8704x512xf32, #tpu.memory_space<hbm>>) dst(%arg6 : memref<64x512xf32, #tpu.memory_space<vmem>>)
    %add3A_63 = arith.constant 192 : i32
    %add3A_64 = arith.addi %mul3A_2, %add3A_63 : i32
    %dma_start3A_65 = arith.constant 0 : i32
    %dma_start3A_66 = tpu.memref_slice %arg4[%add3A_64, %dma_start3A_65] : memref<8192x512xf32, #tpu.memory_space<hbm>> -> memref<64x512xf32, #tpu.memory_space<hbm>>
    %dma_start3A_67 = arith.constant 0 : i32
    %dma_start3A_68 = tpu.memref_slice %arg4[%add3A_64, %dma_start3A_67] : memref<8192x512xf32, #tpu.memory_space<hbm>> -> memref<64x512xf32, #tpu.memory_space<hbm>>
    tpu.enqueue_dma source(%arg6 : memref<64x512xf32, #tpu.memory_space<vmem>>) target(%dma_start3A_68 : memref<64x512xf32, #tpu.memory_space<hbm>>) target_semaphore(%arg12 : memref<!tpu.dma_semaphore, #tpu.memory_space<semaphore_mem>>)
    %dma_wait3A_69 = arith.constant 0 : i32
    %dma_wait3A_70 = tpu.memref_slice %arg4[%add3A_42, %dma_wait3A_69] : memref<8192x512xf32, #tpu.memory_space<hbm>> -> memref<64x512xf32, #tpu.memory_space<hbm>>
    %dma_wait3A_71 = arith.constant 0 : i32
    %dma_wait3A_72 = tpu.memref_slice %arg4[%add3A_42, %dma_wait3A_71] : memref<8192x512xf32, #tpu.memory_space<hbm>> -> memref<64x512xf32, #tpu.memory_space<hbm>>
    tpu.wait_dma2 semaphore(%arg13 : memref<!tpu.dma_semaphore, #tpu.memory_space<semaphore_mem>>) src(%arg7 : memref<64x512xf32, #tpu.memory_space<vmem>>) dst(%dma_wait3A_72 : memref<64x512xf32, #tpu.memory_space<hbm>>)
    %dma_wait3A_73 = arith.constant 0 : i32
    %dma_wait3A_74 = tpu.memref_slice %arg4[%add3A_53, %dma_wait3A_73] : memref<8192x512xf32, #tpu.memory_space<hbm>> -> memref<64x512xf32, #tpu.memory_space<hbm>>
    %dma_wait3A_75 = arith.constant 0 : i32
    %dma_wait3A_76 = tpu.memref_slice %arg4[%add3A_53, %dma_wait3A_75] : memref<8192x512xf32, #tpu.memory_space<hbm>> -> memref<64x512xf32, #tpu.memory_space<hbm>>
    tpu.wait_dma2 semaphore(%arg14 : memref<!tpu.dma_semaphore, #tpu.memory_space<semaphore_mem>>) src(%arg8 : memref<64x512xf32, #tpu.memory_space<vmem>>) dst(%dma_wait3A_76 : memref<64x512xf32, #tpu.memory_space<hbm>>)
    %dma_wait3A_77 = arith.constant 0 : i32
    %dma_wait3A_78 = tpu.memref_slice %arg4[%add3A_64, %dma_wait3A_77] : memref<8192x512xf32, #tpu.memory_space<hbm>> -> memref<64x512xf32, #tpu.memory_space<hbm>>
    %dma_wait3A_79 = arith.constant 0 : i32
    %dma_wait3A_80 = tpu.memref_slice %arg4[%add3A_64, %dma_wait3A_79] : memref<8192x512xf32, #tpu.memory_space<hbm>> -> memref<64x512xf32, #tpu.memory_space<hbm>>
    tpu.wait_dma2 semaphore(%arg12 : memref<!tpu.dma_semaphore, #tpu.memory_space<semaphore_mem>>) src(%arg6 : memref<64x512xf32, #tpu.memory_space<vmem>>) dst(%dma_wait3A_80 : memref<64x512xf32, #tpu.memory_space<hbm>>)
    return
  }
}

module attributes {stable_mosaic.version = 14 : i64} {
  func.func @_fused_body(%arg0: i32, %arg1: memref<16x1xi32, #tpu.memory_space<vmem>>, %arg2: memref<512x512xf32, #tpu.memory_space<vmem>>, %arg3: memref<16x512xf32, #tpu.memory_space<vmem>>, %arg4: memref<1536x512xbf16, #tpu.memory_space<vmem>>, %arg5: memref<1x1536xf32, #tpu.memory_space<vmem>>, %arg6: memref<1536x512xbf16, #tpu.memory_space<vmem>>, %arg7: memref<1x1536xf32, #tpu.memory_space<vmem>>, %arg8: memref<32x16x512xf32, #tpu.memory_space<vmem>>, %arg9: memref<16x512xf32, #tpu.memory_space<vmem>>, %arg10: memref<2x512x1536xf32, #tpu.memory_space<vmem>>, %arg11: memref<16x512xf32, #tpu.memory_space<vmem>>) attributes {dimension_semantics = [#tpu.dimension_semantics<arbitrary>], iteration_bounds = array<i64: 18>, scalar_prefetch = 0 : i64, scratch_operands = 2 : i64, tpu.core_type = #tpu.core_type<tc>, window_params = [{pipeline_mode = #tpu.pipeline_mode<synchronous>, transform_indices = @transform_0, window_bounds = array<i64: 16, 1>}, {transform_indices = @transform_1, window_bounds = array<i64: 512, 512>}, {pipeline_mode = #tpu.pipeline_mode<synchronous>, transform_indices = @transform_2, window_bounds = array<i64: 16, 512>}, {pipeline_mode = #tpu.pipeline_mode<synchronous>, transform_indices = @transform_3, window_bounds = array<i64: 1536, 512>}, {pipeline_mode = #tpu.pipeline_mode<synchronous>, transform_indices = @transform_4, window_bounds = array<i64: 1, 1536>}, {pipeline_mode = #tpu.pipeline_mode<synchronous>, transform_indices = @transform_5, window_bounds = array<i64: 1536, 512>}, {pipeline_mode = #tpu.pipeline_mode<synchronous>, transform_indices = @transform_6, window_bounds = array<i64: 1, 1536>}, {transform_indices = @transform_7, window_bounds = array<i64: 32, 16, 512>}, {pipeline_mode = #tpu.pipeline_mode<synchronous>, transform_indices = @transform_8, window_bounds = array<i64: 16, 512>}]} {
    %get3A = arith.constant 0 : index
    %get3A_0 = arith.constant 0 : index
    %get3A_1 = vector.load %arg1[%get3A, %get3A_0] : memref<16x1xi32, #tpu.memory_space<vmem>>, vector<16x1xi32>
    %reduce_max3A = vector.shape_cast %get3A_1 : vector<16x1xi32> to vector<1x16x1xi32>
    %reduce_max3A_2 = arith.constant dense<-2147483648> : vector<1xi32>
    %reduce_max3A_3 = vector.multi_reduction <maxsi>, %reduce_max3A, %reduce_max3A_2 [1, 2] : vector<1x16x1xi32> to vector<1xi32>
    %reduce_max3A_4 = vector.shape_cast %reduce_max3A_3 : vector<1xi32> to vector<1x1x1xi32>
    %reduce_max3A_5 = vector.extract %reduce_max3A_4[0, 0, 0] : i32 from vector<1x1x1xi32>
    %eq3A = arith.constant 0 : i32
    %eq3A_6 = arith.cmpi eq, %arg0, %eq3A : i32
    %convert_element_type3A = arith.extui %eq3A_6 : i1 to i32
    %cond3A = arith.constant 0 : i32
    %cond3A_7 = arith.cmpi ne, %convert_element_type3A, %cond3A : i32
    scf.if %cond3A_7 {
      %get3A_19 = arith.constant 0 : index
      %get3A_20 = arith.constant 0 : index
      %get3A_21 = vector.load %arg3[%get3A_19, %get3A_20] : memref<16x512xf32, #tpu.memory_space<vmem>>, vector<16x512xf32>
      %swap3A = arith.constant 0 : index
      %swap3A_22 = arith.constant 0 : index
      %swap3A_23 = vector.load %arg11[%swap3A, %swap3A_22] : memref<16x512xf32, #tpu.memory_space<vmem>>, vector<16x512xf32>
      tpu.vector_store %arg11[%swap3A, %swap3A_22], %get3A_21 {strides = array<i32>} : memref<16x512xf32, #tpu.memory_space<vmem>>, vector<16x512xf32>,
    } else {
    }
    %sub3A = arith.constant 1 : i32
    %sub3A_8 = arith.subi %arg0, %sub3A : i32
    %mul3A = arith.constant 32 : i32
    %mul3A_9 = arith.muli %sub3A_8, %mul3A : i32
    %lt3A = arith.cmpi slt, %mul3A_9, %reduce_max3A_5 : i32
    %le3A = arith.constant 16 : i32
    %le3A_10 = arith.cmpi sle, %arg0, %le3A : i32
    %and3A = arith.andi %lt3A, %le3A_10 : i1
    %convert_element_type3A_11 = arith.extui %and3A : i1 to i32
    %cond3A_12 = arith.constant 0 : i32
    %cond3A_13 = arith.cmpi ne, %convert_element_type3A_11, %cond3A_12 : i32
    scf.if %cond3A_13 {
      %get3A_19 = arith.constant 0 : index
      %get3A_20 = arith.constant 0 : index
      %get3A_21 = vector.load %arg2[%get3A_19, %get3A_20] : memref<512x512xf32, #tpu.memory_space<vmem>>, vector<512x512xf32>
      %convert_element_type3A_22 = arith.truncf %get3A_21 : vector<512x512xf32> to vector<512x512xbf16>
      %get3A_23 = arith.constant 0 : index
      %get3A_24 = arith.constant 0 : index
      %get3A_25 = vector.load %arg4[%get3A_23, %get3A_24] : memref<1536x512xbf16, #tpu.memory_space<vmem>>, vector<1536x512xbf16>
      %dot_general3A = arith.constant dense<0.000000e+00> : vector<512x1536xf32>
      %dot_general3A_26 = tpu.matmul %convert_element_type3A_22, %get3A_25, %dot_general3A {dimension_numbers = #tpu.dot_dimension_numbers<[1], [1], [0], [0], [0, 0, 1, 0], [], []>, transpose_lhs_hint = false} : vector<512x512xbf16>, vector<1536x512xbf16>, vector<512x1536xf32> -> vector<512x1536xf32>
      %get3A_27 = arith.constant 0 : index
      %get3A_28 = arith.constant 0 : index
      %get3A_29 = vector.load %arg5[%get3A_27, %get3A_28] : memref<1x1536xf32, #tpu.memory_space<vmem>>, vector<1x1536xf32>
      %add3A = vector.broadcast %get3A_29 : vector<1x1536xf32> to vector<512x1536xf32>
      %add3A_30 = arith.addf %dot_general3A_26, %add3A : vector<512x1536xf32>
      %broadcast_in_dim3A = vector.shape_cast %add3A_30 : vector<512x1536xf32> to vector<1x512x1536xf32>
      %jit3A = arith.constant 2 : i32
      %eq3A_31 = arith.constant 0 : i32
      %eq3A_32 = arith.cmpi eq, %jit3A, %eq3A_31 : i32
      %jit3A_33 = arith.constant 1 : i32
      %select_n3A = arith.select %eq3A_32, %jit3A_33, %jit3A : i32
      %rem3A = arith.remsi %arg0, %select_n3A : i32
      %ne3A = arith.constant 0 : i32
      %ne3A_34 = arith.cmpi ne, %rem3A, %ne3A : i32
      %lt3A_35 = arith.constant 0 : i32
      %lt3A_36 = arith.cmpi slt, %rem3A, %lt3A_35 : i32
      %lt3A_37 = arith.constant 0 : i32
      %lt3A_38 = arith.cmpi slt, %select_n3A, %lt3A_37 : i32
      %ne3A_39 = arith.xori %lt3A_36, %lt3A_38 : i1
      %and3A_40 = arith.andi %ne3A_39, %ne3A_34 : i1
      %add3A_41 = arith.addi %rem3A, %select_n3A : i32
      %select_n3A_42 = arith.select %and3A_40, %add3A_41, %rem3A : i32
      %swap3A = arith.index_cast %select_n3A_42 : i32 to index
      %swap3A_43 = arith.constant 0 : index
      %swap3A_44 = arith.constant 0 : index
      %swap3A_45 = vector.load %arg10[%swap3A, %swap3A_43, %swap3A_44] : memref<2x512x1536xf32, #tpu.memory_space<vmem>>, vector<1x512x1536xf32>
      tpu.vector_store %arg10[%swap3A, %swap3A_43, %swap3A_44], %broadcast_in_dim3A {strides = array<i32>} : memref<2x512x1536xf32, #tpu.memory_space<vmem>>, vector<1x512x1536xf32>,
      %get3A_46 = arith.constant 0 : index
      %get3A_47 = arith.constant 0 : index
      %get3A_48 = vector.load %arg11[%get3A_46, %get3A_47] : memref<16x512xf32, #tpu.memory_space<vmem>>, vector<16x512xf32>
      %sub3A_49 = arith.constant 1 : i32
      %sub3A_50 = arith.subi %arg0, %sub3A_49 : i32
      %jit3A_51 = arith.constant 2 : i32
      %eq3A_52 = arith.constant 0 : i32
      %eq3A_53 = arith.cmpi eq, %jit3A_51, %eq3A_52 : i32
      %jit3A_54 = arith.constant 1 : i32
      %select_n3A_55 = arith.select %eq3A_53, %jit3A_54, %jit3A_51 : i32
      %rem3A_56 = arith.remsi %sub3A_50, %select_n3A_55 : i32
      %ne3A_57 = arith.constant 0 : i32
      %ne3A_58 = arith.cmpi ne, %rem3A_56, %ne3A_57 : i32
      %lt3A_59 = arith.constant 0 : i32
      %lt3A_60 = arith.cmpi slt, %rem3A_56, %lt3A_59 : i32
      %lt3A_61 = arith.constant 0 : i32
      %lt3A_62 = arith.cmpi slt, %select_n3A_55, %lt3A_61 : i32
      %ne3A_63 = arith.xori %lt3A_60, %lt3A_62 : i1
      %and3A_64 = arith.andi %ne3A_63, %ne3A_58 : i1
      %add3A_65 = arith.addi %rem3A_56, %select_n3A_55 : i32
      %select_n3A_66 = arith.select %and3A_64, %add3A_65, %rem3A_56 : i32
      %sub3A_67 = arith.constant 1 : i32
      %sub3A_68 = arith.subi %arg0, %sub3A_67 : i32
      %mul3A_69 = arith.constant 32 : i32
      %mul3A_70 = arith.muli %sub3A_68, %mul3A_69 : i32
      %add3A_71 = arith.constant 0 : i32
      %add3A_72 = arith.addi %mul3A_70, %add3A_71 : i32
      %get3A_73 = arith.index_cast %select_n3A_66 : i32 to index
      %get3A_74 = arith.constant 0 : index
      %get3A_75 = arith.constant 0 : index
      %get3A_76 = vector.load %arg10[%get3A_73, %get3A_74, %get3A_75] : memref<2x512x1536xf32, #tpu.memory_space<vmem>>, vector<1x16x1536xf32>
      %squeeze3A = vector.shape_cast %get3A_76 : vector<1x16x1536xf32> to vector<16x1536xf32>
      %convert_element_type3A_77 = arith.truncf %get3A_48 : vector<16x512xf32> to vector<16x512xbf16>
      %get3A_78 = arith.constant 0 : index
      %get3A_79 = arith.constant 0 : index
      %get3A_80 = vector.load %arg6[%get3A_78, %get3A_79] : memref<1536x512xbf16, #tpu.memory_space<vmem>>, vector<1536x512xbf16>
      %dot_general3A_81 = arith.constant dense<0.000000e+00> : vector<16x1536xf32>
      %dot_general3A_82 = tpu.matmul %convert_element_type3A_77, %get3A_80, %dot_general3A_81 {dimension_numbers = #tpu.dot_dimension_numbers<[1], [1], [0], [0], [0, 0, 1, 0], [], []>, transpose_lhs_hint = false} : vector<16x512xbf16>, vector<1536x512xbf16>, vector<16x1536xf32> -> vector<16x1536xf32>
      %get3A_83 = arith.constant 0 : index
      %get3A_84 = arith.constant 0 : index
      %get3A_85 = vector.load %arg7[%get3A_83, %get3A_84] : memref<1x1536xf32, #tpu.memory_space<vmem>>, vector<1x1536xf32>
      %add3A_86 = vector.broadcast %get3A_85 : vector<1x1536xf32> to vector<16x1536xf32>
      %add3A_87 = arith.addf %dot_general3A_82, %add3A_86 : vector<16x1536xf32>
      %slice3A = vector.extract_strided_slice %squeeze3A {offsets = [0, 0], sizes = [16, 512], strides = [1, 1]} : vector<16x1536xf32> to vector<16x512xf32>
      %slice3A_88 = vector.extract_strided_slice %add3A_87 {offsets = [0, 0], sizes = [16, 512], strides = [1, 1]} : vector<16x1536xf32> to vector<16x512xf32>
      %add3A_89 = arith.addf %slice3A, %slice3A_88 : vector<16x512xf32>
      %logistic3A = arith.negf %add3A_89 : vector<16x512xf32>
      %logistic3A_90 = math.exp %logistic3A : vector<16x512xf32>
      %logistic3A_91 = arith.constant 1.000000e+00 : f32
      %logistic3A_92 = vector.broadcast %logistic3A_91 : f32 to vector<16x512xf32>
      %logistic3A_93 = arith.addf %logistic3A_92, %logistic3A_90 : vector<16x512xf32>
      %logistic3A_94 = arith.divf %logistic3A_92, %logistic3A_93 : vector<16x512xf32>
      %slice3A_95 = vector.extract_strided_slice %squeeze3A {offsets = [0, 512], sizes = [16, 512], strides = [1, 1]} : vector<16x1536xf32> to vector<16x512xf32>
      %slice3A_96 = vector.extract_strided_slice %add3A_87 {offsets = [0, 512], sizes = [16, 512], strides = [1, 1]} : vector<16x1536xf32> to vector<16x512xf32>
      %add3A_97 = arith.addf %slice3A_95, %slice3A_96 : vector<16x512xf32>
      %logistic3A_98 = arith.negf %add3A_97 : vector<16x512xf32>
      %logistic3A_99 = math.exp %logistic3A_98 : vector<16x512xf32>
      %logistic3A_100 = arith.constant 1.000000e+00 : f32
      %logistic3A_101 = vector.broadcast %logistic3A_100 : f32 to vector<16x512xf32>
      %logistic3A_102 = arith.addf %logistic3A_101, %logistic3A_99 : vector<16x512xf32>
      %logistic3A_103 = arith.divf %logistic3A_101, %logistic3A_102 : vector<16x512xf32>
      %slice3A_104 = vector.extract_strided_slice %squeeze3A {offsets = [0, 1024], sizes = [16, 512], strides = [1, 1]} : vector<16x1536xf32> to vector<16x512xf32>
      %slice3A_105 = vector.extract_strided_slice %add3A_87 {offsets = [0, 1024], sizes = [16, 512], strides = [1, 1]} : vector<16x1536xf32> to vector<16x512xf32>
      %mul3A_106 = arith.mulf %logistic3A_94, %slice3A_105 : vector<16x512xf32>
      %add3A_107 = arith.addf %slice3A_104, %mul3A_106 : vector<16x512xf32>
      %tanh3A = math.tanh %add3A_107 : vector<16x512xf32>
      %sub3A_108 = arith.constant 1.000000e+00 : f32
      %sub3A_109 = vector.broadcast %sub3A_108 : f32 to vector<16x512xf32>
      %sub3A_110 = arith.subf %sub3A_109, %logistic3A_103 : vector<16x512xf32>
      %mul3A_111 = arith.mulf %sub3A_110, %tanh3A : vector<16x512xf32>
      %mul3A_112 = arith.mulf %logistic3A_103, %get3A_48 : vector<16x512xf32>
      %add3A_113 = arith.addf %mul3A_111, %mul3A_112 : vector<16x512xf32>
      %gt3A = vector.broadcast %add3A_72 : i32 to vector<16x1xi32>
      %gt3A_114 = arith.cmpi sgt, %get3A_1, %gt3A : vector<16x1xi32>
      %ge3A = arith.constant 0 : i32
      %ge3A_115 = arith.cmpi sge, %add3A_72, %ge3A : i32
      %and3A_116 = vector.broadcast %ge3A_115 : i1 to vector<16x1xi1>
      %and3A_117 = arith.andi %gt3A_114, %and3A_116 : vector<16x1xi1>
      %broadcast_in_dim3A_118 = vector.shape_cast %and3A_117 : vector<16x1xi1> to vector<16x1xi1>
      %broadcast_in_dim3A_119 = vector.broadcast %broadcast_in_dim3A_118 : vector<16x1xi1> to vector<16x512xi1>
      %select_n3A_120 = arith.select %broadcast_in_dim3A_119, %add3A_113, %get3A_48 : vector<16x512xi1>, vector<16x512xf32>
      %jit3A_121 = arith.constant 0.000000e+00 : f32
      %broadcast_in_dim3A_122 = vector.shape_cast %and3A_117 : vector<16x1xi1> to vector<16x1xi1>
      %broadcast_in_dim3A_123 = vector.broadcast %broadcast_in_dim3A_122 : vector<16x1xi1> to vector<16x512xi1>
      %broadcast_in_dim3A_124 = vector.broadcast %jit3A_121 : f32 to vector<16x512xf32>
      %select_n3A_125 = arith.select %broadcast_in_dim3A_123, %add3A_113, %broadcast_in_dim3A_124 : vector<16x512xi1>, vector<16x512xf32>
      %swap3A_126 = arith.constant 0 : index
      %swap3A_127 = arith.constant 0 : index
      %swap3A_128 = arith.constant 0 : index
      %swap3A_129 = vector.load %arg8[%swap3A_126, %swap3A_127, %swap3A_128] : memref<32x16x512xf32, #tpu.memory_space<vmem>>, vector<1x16x512xf32>
      %swap3A_130 = vector.shape_cast %swap3A_129 : vector<1x16x512xf32> to vector<16x512xf32>
      %swap3A_131 = vector.shape_cast %select_n3A_125 : vector<16x512xf32> to vector<1x16x512xf32>
      tpu.vector_store %arg8[%swap3A_126, %swap3A_127, %swap3A_128], %swap3A_131 {strides = array<i32>} : memref<32x16x512xf32, #tpu.memory_space<vmem>>, vector<1x16x512xf32>,
      %sub3A_132 = arith.constant 1 : i32
      %sub3A_133 = arith.subi %arg0, %sub3A_132 : i32
      %mul3A_134 = arith.constant 32 : i32
      %mul3A_135 = arith.muli %sub3A_133, %mul3A_134 : i32
      %add3A_136 = arith.constant 1 : i32
      %add3A_137 = arith.addi %mul3A_135, %add3A_136 : i32
      %get3A_138 = arith.index_cast %select_n3A_66 : i32 to index
      %get3A_139 = arith.constant 16 : index
      %get3A_140 = arith.constant 0 : index
      %get3A_141 = vector.load %arg10[%get3A_138, %get3A_139, %get3A_140] : memref<2x512x1536xf32, #tpu.memory_space<vmem>>, vector<1x16x1536xf32>
      %squeeze3A_142 = vector.shape_cast %get3A_141 : vector<1x16x1536xf32> to vector<16x1536xf32>
      %convert_element_type3A_143 = arith.truncf %select_n3A_120 : vector<16x512xf32> to vector<16x512xbf16>
      %get3A_144 = arith.constant 0 : index
      %get3A_145 = arith.constant 0 : index
      %get3A_146 = vector.load %arg6[%get3A_144, %get3A_145] : memref<1536x512xbf16, #tpu.memory_space<vmem>>, vector<1536x512xbf16>
      %dot_general3A_147 = arith.constant dense<0.000000e+00> : vector<16x1536xf32>
      %dot_general3A_148 = tpu.matmul %convert_element_type3A_143, %get3A_146, %dot_general3A_147 {dimension_numbers = #tpu.dot_dimension_numbers<[1], [1], [0], [0], [0, 0, 1, 0], [], []>, transpose_lhs_hint = false} : vector<16x512xbf16>, vector<1536x512xbf16>, vector<16x1536xf32> -> vector<16x1536xf32>
      %get3A_149 = arith.constant 0 : index
      %get3A_150 = arith.constant 0 : index
      %get3A_151 = vector.load %arg7[%get3A_149, %get3A_150] : memref<1x1536xf32, #tpu.memory_space<vmem>>, vector<1x1536xf32>
      %add3A_152 = vector.broadcast %get3A_151 : vector<1x1536xf32> to vector<16x1536xf32>
      %add3A_153 = arith.addf %dot_general3A_148, %add3A_152 : vector<16x1536xf32>
      %slice3A_154 = vector.extract_strided_slice %squeeze3A_142 {offsets = [0, 0], sizes = [16, 512], strides = [1, 1]} : vector<16x1536xf32> to vector<16x512xf32>
      %slice3A_155 = vector.extract_strided_slice %add3A_153 {offsets = [0, 0], sizes = [16, 512], strides = [1, 1]} : vector<16x1536xf32> to vector<16x512xf32>
      %add3A_156 = arith.addf %slice3A_154, %slice3A_155 : vector<16x512xf32>
      %logistic3A_157 = arith.negf %add3A_156 : vector<16x512xf32>
      %logistic3A_158 = math.exp %logistic3A_157 : vector<16x512xf32>
      %logistic3A_159 = arith.constant 1.000000e+00 : f32
      %logistic3A_160 = vector.broadcast %logistic3A_159 : f32 to vector<16x512xf32>
      %logistic3A_161 = arith.addf %logistic3A_160, %logistic3A_158 : vector<16x512xf32>
      %logistic3A_162 = arith.divf %logistic3A_160, %logistic3A_161 : vector<16x512xf32>
      %slice3A_163 = vector.extract_strided_slice %squeeze3A_142 {offsets = [0, 512], sizes = [16, 512], strides = [1, 1]} : vector<16x1536xf32> to vector<16x512xf32>
      %slice3A_164 = vector.extract_strided_slice %add3A_153 {offsets = [0, 512], sizes = [16, 512], strides = [1, 1]} : vector<16x1536xf32> to vector<16x512xf32>
      %add3A_165 = arith.addf %slice3A_163, %slice3A_164 : vector<16x512xf32>
      %logistic3A_166 = arith.negf %add3A_165 : vector<16x512xf32>
      %logistic3A_167 = math.exp %logistic3A_166 : vector<16x512xf32>
      %logistic3A_168 = arith.constant 1.000000e+00 : f32
      %logistic3A_169 = vector.broadcast %logistic3A_168 : f32 to vector<16x512xf32>
      %logistic3A_170 = arith.addf %logistic3A_169, %logistic3A_167 : vector<16x512xf32>
      %logistic3A_171 = arith.divf %logistic3A_169, %logistic3A_170 : vector<16x512xf32>
      %slice3A_172 = vector.extract_strided_slice %squeeze3A_142 {offsets = [0, 1024], sizes = [16, 512], strides = [1, 1]} : vector<16x1536xf32> to vector<16x512xf32>
      %slice3A_173 = vector.extract_strided_slice %add3A_153 {offsets = [0, 1024], sizes = [16, 512], strides = [1, 1]} : vector<16x1536xf32> to vector<16x512xf32>
      %mul3A_174 = arith.mulf %logistic3A_162, %slice3A_173 : vector<16x512xf32>
      %add3A_175 = arith.addf %slice3A_172, %mul3A_174 : vector<16x512xf32>
      %tanh3A_176 = math.tanh %add3A_175 : vector<16x512xf32>
      %sub3A_177 = arith.constant 1.000000e+00 : f32
      %sub3A_178 = vector.broadcast %sub3A_177 : f32 to vector<16x512xf32>
      %sub3A_179 = arith.subf %sub3A_178, %logistic3A_171 : vector<16x512xf32>
      %mul3A_180 = arith.mulf %sub3A_179, %tanh3A_176 : vector<16x512xf32>
      %mul3A_181 = arith.mulf %logistic3A_171, %select_n3A_120 : vector<16x512xf32>
      %add3A_182 = arith.addf %mul3A_180, %mul3A_181 : vector<16x512xf32>
      %gt3A_183 = vector.broadcast %add3A_137 : i32 to vector<16x1xi32>
      %gt3A_184 = arith.cmpi sgt, %get3A_1, %gt3A_183 : vector<16x1xi32>
      %ge3A_185 = arith.constant 0 : i32
      %ge3A_186 = arith.cmpi sge, %add3A_137, %ge3A_185 : i32
      %and3A_187 = vector.broadcast %ge3A_186 : i1 to vector<16x1xi1>
      %and3A_188 = arith.andi %gt3A_184, %and3A_187 : vector<16x1xi1>
      %broadcast_in_dim3A_189 = vector.shape_cast %and3A_188 : vector<16x1xi1> to vector<16x1xi1>
      %broadcast_in_dim3A_190 = vector.broadcast %broadcast_in_dim3A_189 : vector<16x1xi1> to vector<16x512xi1>
      %select_n3A_191 = arith.select %broadcast_in_dim3A_190, %add3A_182, %select_n3A_120 : vector<16x512xi1>, vector<16x512xf32>
      %jit3A_192 = arith.constant 0.000000e+00 : f32
      %broadcast_in_dim3A_193 = vector.shape_cast %and3A_188 : vector<16x1xi1> to vector<16x1xi1>
      %broadcast_in_dim3A_194 = vector.broadcast %broadcast_in_dim3A_193 : vector<16x1xi1> to vector<16x512xi1>
      %broadcast_in_dim3A_195 = vector.broadcast %jit3A_192 : f32 to vector<16x512xf32>
      %select_n3A_196 = arith.select %broadcast_in_dim3A_194, %add3A_182, %broadcast_in_dim3A_195 : vector<16x512xi1>, vector<16x512xf32>
      %swap3A_197 = arith.constant 1 : index
      %swap3A_198 = arith.constant 0 : index
      %swap3A_199 = arith.constant 0 : index
      %swap3A_200 = vector.load %arg8[%swap3A_197, %swap3A_198, %swap3A_199] : memref<32x16x512xf32, #tpu.memory_space<vmem>>, vector<1x16x512xf32>
      %swap3A_201 = vector.shape_cast %swap3A_200 : vector<1x16x512xf32> to vector<16x512xf32>
      %swap3A_202 = vector.shape_cast %select_n3A_196 : vector<16x512xf32> to vector<1x16x512xf32>
      tpu.vector_store %arg8[%swap3A_197, %swap3A_198, %swap3A_199], %swap3A_202 {strides = array<i32>} : memref<32x16x512xf32, #tpu.memory_space<vmem>>, vector<1x16x512xf32>,
      %sub3A_203 = arith.constant 1 : i32
      %sub3A_204 = arith.subi %arg0, %sub3A_203 : i32
      %mul3A_205 = arith.constant 32 : i32
      %mul3A_206 = arith.muli %sub3A_204, %mul3A_205 : i32
      %add3A_207 = arith.constant 2 : i32
      %add3A_208 = arith.addi %mul3A_206, %add3A_207 : i32
      %get3A_209 = arith.index_cast %select_n3A_66 : i32 to index
      %get3A_210 = arith.constant 32 : index
      %get3A_211 = arith.constant 0 : index
      %get3A_212 = vector.load %arg10[%get3A_209, %get3A_210, %get3A_211] : memref<2x512x1536xf32, #tpu.memory_space<vmem>>, vector<1x16x1536xf32>
      %squeeze3A_213 = vector.shape_cast %get3A_212 : vector<1x16x1536xf32> to vector<16x1536xf32>
      %convert_element_type3A_214 = arith.truncf %select_n3A_191 : vector<16x512xf32> to vector<16x512xbf16>
      %get3A_215 = arith.constant 0 : index
      %get3A_216 = arith.constant 0 : index
      %get3A_217 = vector.load %arg6[%get3A_215, %get3A_216] : memref<1536x512xbf16, #tpu.memory_space<vmem>>, vector<1536x512xbf16>
      %dot_general3A_218 = arith.constant dense<0.000000e+00> : vector<16x1536xf32>
      %dot_general3A_219 = tpu.matmul %convert_element_type3A_214, %get3A_217, %dot_general3A_218 {dimension_numbers = #tpu.dot_dimension_numbers<[1], [1], [0], [0], [0, 0, 1, 0], [], []>, transpose_lhs_hint = false} : vector<16x512xbf16>, vector<1536x512xbf16>, vector<16x1536xf32> -> vector<16x1536xf32>
      %get3A_220 = arith.constant 0 : index
      %get3A_221 = arith.constant 0 : index
      %get3A_222 = vector.load %arg7[%get3A_220, %get3A_221] : memref<1x1536xf32, #tpu.memory_space<vmem>>, vector<1x1536xf32>
      %add3A_223 = vector.broadcast %get3A_222 : vector<1x1536xf32> to vector<16x1536xf32>
      %add3A_224 = arith.addf %dot_general3A_219, %add3A_223 : vector<16x1536xf32>
      %slice3A_225 = vector.extract_strided_slice %squeeze3A_213 {offsets = [0, 0], sizes = [16, 512], strides = [1, 1]} : vector<16x1536xf32> to vector<16x512xf32>
      %slice3A_226 = vector.extract_strided_slice %add3A_224 {offsets = [0, 0], sizes = [16, 512], strides = [1, 1]} : vector<16x1536xf32> to vector<16x512xf32>
      %add3A_227 = arith.addf %slice3A_225, %slice3A_226 : vector<16x512xf32>
      %logistic3A_228 = arith.negf %add3A_227 : vector<16x512xf32>
      %logistic3A_229 = math.exp %logistic3A_228 : vector<16x512xf32>
      %logistic3A_230 = arith.constant 1.000000e+00 : f32
      %logistic3A_231 = vector.broadcast %logistic3A_230 : f32 to vector<16x512xf32>
      %logistic3A_232 = arith.addf %logistic3A_231, %logistic3A_229 : vector<16x512xf32>
      %logistic3A_233 = arith.divf %logistic3A_231, %logistic3A_232 : vector<16x512xf32>
      %slice3A_234 = vector.extract_strided_slice %squeeze3A_213 {offsets = [0, 512], sizes = [16, 512], strides = [1, 1]} : vector<16x1536xf32> to vector<16x512xf32>
      %slice3A_235 = vector.extract_strided_slice %add3A_224 {offsets = [0, 512], sizes = [16, 512], strides = [1, 1]} : vector<16x1536xf32> to vector<16x512xf32>
      %add3A_236 = arith.addf %slice3A_234, %slice3A_235 : vector<16x512xf32>
      %logistic3A_237 = arith.negf %add3A_236 : vector<16x512xf32>
      %logistic3A_238 = math.exp %logistic3A_237 : vector<16x512xf32>
      %logistic3A_239 = arith.constant 1.000000e+00 : f32
      %logistic3A_240 = vector.broadcast %logistic3A_239 : f32 to vector<16x512xf32>
      %logistic3A_241 = arith.addf %logistic3A_240, %logistic3A_238 : vector<16x512xf32>
      %logistic3A_242 = arith.divf %logistic3A_240, %logistic3A_241 : vector<16x512xf32>
      %slice3A_243 = vector.extract_strided_slice %squeeze3A_213 {offsets = [0, 1024], sizes = [16, 512], strides = [1, 1]} : vector<16x1536xf32> to vector<16x512xf32>
      %slice3A_244 = vector.extract_strided_slice %add3A_224 {offsets = [0, 1024], sizes = [16, 512], strides = [1, 1]} : vector<16x1536xf32> to vector<16x512xf32>
      %mul3A_245 = arith.mulf %logistic3A_233, %slice3A_244 : vector<16x512xf32>
      %add3A_246 = arith.addf %slice3A_243, %mul3A_245 : vector<16x512xf32>
      %tanh3A_247 = math.tanh %add3A_246 : vector<16x512xf32>
      %sub3A_248 = arith.constant 1.000000e+00 : f32
      %sub3A_249 = vector.broadcast %sub3A_248 : f32 to vector<16x512xf32>
      %sub3A_250 = arith.subf %sub3A_249, %logistic3A_242 : vector<16x512xf32>
      %mul3A_251 = arith.mulf %sub3A_250, %tanh3A_247 : vector<16x512xf32>
      %mul3A_252 = arith.mulf %logistic3A_242, %select_n3A_191 : vector<16x512xf32>
      %add3A_253 = arith.addf %mul3A_251, %mul3A_252 : vector<16x512xf32>
      %gt3A_254 = vector.broadcast %add3A_208 : i32 to vector<16x1xi32>
      %gt3A_255 = arith.cmpi sgt, %get3A_1, %gt3A_254 : vector<16x1xi32>
      %ge3A_256 = arith.constant 0 : i32
      %ge3A_257 = arith.cmpi sge, %add3A_208, %ge3A_256 : i32
      %and3A_258 = vector.broadcast %ge3A_257 : i1 to vector<16x1xi1>
      %and3A_259 = arith.andi %gt3A_255, %and3A_258 : vector<16x1xi1>
      %broadcast_in_dim3A_260 = vector.shape_cast %and3A_259 : vector<16x1xi1> to vector<16x1xi1>
      %broadcast_in_dim3A_261 = vector.broadcast %broadcast_in_dim3A_260 : vector<16x1xi1> to vector<16x512xi1>
      %select_n3A_262 = arith.select %broadcast_in_dim3A_261, %add3A_253, %select_n3A_191 : vector<16x512xi1>, vector<16x512xf32>
      %jit3A_263 = arith.constant 0.000000e+00 : f32
      %broadcast_in_dim3A_264 = vector.shape_cast %and3A_259 : vector<16x1xi1> to vector<16x1xi1>
      %broadcast_in_dim3A_265 = vector.broadcast %broadcast_in_dim3A_264 : vector<16x1xi1> to vector<16x512xi1>
      %broadcast_in_dim3A_266 = vector.broadcast %jit3A_263 : f32 to vector<16x512xf32>
      %select_n3A_267 = arith.select %broadcast_in_dim3A_265, %add3A_253, %broadcast_in_dim3A_266 : vector<16x512xi1>, vector<16x512xf32>
      %swap3A_268 = arith.constant 2 : index
      %swap3A_269 = arith.constant 0 : index
      %swap3A_270 = arith.constant 0 : index
      %swap3A_271 = vector.load %arg8[%swap3A_268, %swap3A_269, %swap3A_270] : memref<32x16x512xf32, #tpu.memory_space<vmem>>, vector<1x16x512xf32>
      %swap3A_272 = vector.shape_cast %swap3A_271 : vector<1x16x512xf32> to vector<16x512xf32>
      %swap3A_273 = vector.shape_cast %select_n3A_267 : vector<16x512xf32> to vector<1x16x512xf32>
      tpu.vector_store %arg8[%swap3A_268, %swap3A_269, %swap3A_270], %swap3A_273 {strides = array<i32>} : memref<32x16x512xf32, #tpu.memory_space<vmem>>, vector<1x16x512xf32>,
      %sub3A_274 = arith.constant 1 : i32
      %sub3A_275 = arith.subi %arg0, %sub3A_274 : i32
      %mul3A_276 = arith.constant 32 : i32
      %mul3A_277 = arith.muli %sub3A_275, %mul3A_276 : i32
      %add3A_278 = arith.constant 3 : i32
      %add3A_279 = arith.addi %mul3A_277, %add3A_278 : i32
      %get3A_280 = arith.index_cast %select_n3A_66 : i32 to index
      %get3A_281 = arith.constant 48 : index
      %get3A_282 = arith.constant 0 : index
      %get3A_283 = vector.load %arg10[%get3A_280, %get3A_281, %get3A_282] : memref<2x512x1536xf32, #tpu.memory_space<vmem>>, vector<1x16x1536xf32>
      %squeeze3A_284 = vector.shape_cast %get3A_283 : vector<1x16x1536xf32> to vector<16x1536xf32>
      %convert_element_type3A_285 = arith.truncf %select_n3A_262 : vector<16x512xf32> to vector<16x512xbf16>
      %get3A_286 = arith.constant 0 : index
      %get3A_287 = arith.constant 0 : index
      %get3A_288 = vector.load %arg6[%get3A_286, %get3A_287] : memref<1536x512xbf16, #tpu.memory_space<vmem>>, vector<1536x512xbf16>
      %dot_general3A_289 = arith.constant dense<0.000000e+00> : vector<16x1536xf32>
      %dot_general3A_290 = tpu.matmul %convert_element_type3A_285, %get3A_288, %dot_general3A_289 {dimension_numbers = #tpu.dot_dimension_numbers<[1], [1], [0], [0], [0, 0, 1, 0], [], []>, transpose_lhs_hint = false} : vector<16x512xbf16>, vector<1536x512xbf16>, vector<16x1536xf32> -> vector<16x1536xf32>
      %get3A_291 = arith.constant 0 : index
      %get3A_292 = arith.constant 0 : index
      %get3A_293 = vector.load %arg7[%get3A_291, %get3A_292] : memref<1x1536xf32, #tpu.memory_space<vmem>>, vector<1x1536xf32>
      %add3A_294 = vector.broadcast %get3A_293 : vector<1x1536xf32> to vector<16x1536xf32>
      %add3A_295 = arith.addf %dot_general3A_290, %add3A_294 : vector<16x1536xf32>
      %slice3A_296 = vector.extract_strided_slice %squeeze3A_284 {offsets = [0, 0], sizes = [16, 512], strides = [1, 1]} : vector<16x1536xf32> to vector<16x512xf32>
      %slice3A_297 = vector.extract_strided_slice %add3A_295 {offsets = [0, 0], sizes = [16, 512], strides = [1, 1]} : vector<16x1536xf32> to vector<16x512xf32>
      %add3A_298 = arith.addf %slice3A_296, %slice3A_297 : vector<16x512xf32>
      %logistic3A_299 = arith.negf %add3A_298 : vector<16x512xf32>
      %logistic3A_300 = math.exp %logistic3A_299 : vector<16x512xf32>
      %logistic3A_301 = arith.constant 1.000000e+00 : f32
      %logistic3A_302 = vector.broadcast %logistic3A_301 : f32 to vector<16x512xf32>
      %logistic3A_303 = arith.addf %logistic3A_302, %logistic3A_300 : vector<16x512xf32>
      %logistic3A_304 = arith.divf %logistic3A_302, %logistic3A_303 : vector<16x512xf32>
      %slice3A_305 = vector.extract_strided_slice %squeeze3A_284 {offsets = [0, 512], sizes = [16, 512], strides = [1, 1]} : vector<16x1536xf32> to vector<16x512xf32>
      %slice3A_306 = vector.extract_strided_slice %add3A_295 {offsets = [0, 512], sizes = [16, 512], strides = [1, 1]} : vector<16x1536xf32> to vector<16x512xf32>
      %add3A_307 = arith.addf %slice3A_305, %slice3A_306 : vector<16x512xf32>
      %logistic3A_308 = arith.negf %add3A_307 : vector<16x512xf32>
      %logistic3A_309 = math.exp %logistic3A_308 : vector<16x512xf32>
      %logistic3A_310 = arith.constant 1.000000e+00 : f32
      %logistic3A_311 = vector.broadcast %logistic3A_310 : f32 to vector<16x512xf32>
      %logistic3A_312 = arith.addf %logistic3A_311, %logistic3A_309 : vector<16x512xf32>
      %logistic3A_313 = arith.divf %logistic3A_311, %logistic3A_312 : vector<16x512xf32>
      %slice3A_314 = vector.extract_strided_slice %squeeze3A_284 {offsets = [0, 1024], sizes = [16, 512], strides = [1, 1]} : vector<16x1536xf32> to vector<16x512xf32>
      %slice3A_315 = vector.extract_strided_slice %add3A_295 {offsets = [0, 1024], sizes = [16, 512], strides = [1, 1]} : vector<16x1536xf32> to vector<16x512xf32>
      %mul3A_316 = arith.mulf %logistic3A_304, %slice3A_315 : vector<16x512xf32>
      %add3A_317 = arith.addf %slice3A_314, %mul3A_316 : vector<16x512xf32>
      %tanh3A_318 = math.tanh %add3A_317 : vector<16x512xf32>
      %sub3A_319 = arith.constant 1.000000e+00 : f32
      %sub3A_320 = vector.broadcast %sub3A_319 : f32 to vector<16x512xf32>
      %sub3A_321 = arith.subf %sub3A_320, %logistic3A_313 : vector<16x512xf32>
      %mul3A_322 = arith.mulf %sub3A_321, %tanh3A_318 : vector<16x512xf32>
      %mul3A_323 = arith.mulf %logistic3A_313, %select_n3A_262 : vector<16x512xf32>
      %add3A_324 = arith.addf %mul3A_322, %mul3A_323 : vector<16x512xf32>
      %gt3A_325 = vector.broadcast %add3A_279 : i32 to vector<16x1xi32>
      %gt3A_326 = arith.cmpi sgt, %get3A_1, %gt3A_325 : vector<16x1xi32>
      %ge3A_327 = arith.constant 0 : i32
      %ge3A_328 = arith.cmpi sge, %add3A_279, %ge3A_327 : i32
      %and3A_329 = vector.broadcast %ge3A_328 : i1 to vector<16x1xi1>
      %and3A_330 = arith.andi %gt3A_326, %and3A_329 : vector<16x1xi1>
      %broadcast_in_dim3A_331 = vector.shape_cast %and3A_330 : vector<16x1xi1> to vector<16x1xi1>
      %broadcast_in_dim3A_332 = vector.broadcast %broadcast_in_dim3A_331 : vector<16x1xi1> to vector<16x512xi1>
      %select_n3A_333 = arith.select %broadcast_in_dim3A_332, %add3A_324, %select_n3A_262 : vector<16x512xi1>, vector<16x512xf32>
      %jit3A_334 = arith.constant 0.000000e+00 : f32
      %broadcast_in_dim3A_335 = vector.shape_cast %and3A_330 : vector<16x1xi1> to vector<16x1xi1>
      %broadcast_in_dim3A_336 = vector.broadcast %broadcast_in_dim3A_335 : vector<16x1xi1> to vector<16x512xi1>
      %broadcast_in_dim3A_337 = vector.broadcast %jit3A_334 : f32 to vector<16x512xf32>
      %select_n3A_338 = arith.select %broadcast_in_dim3A_336, %add3A_324, %broadcast_in_dim3A_337 : vector<16x512xi1>, vector<16x512xf32>
      %swap3A_339 = arith.constant 3 : index
      %swap3A_340 = arith.constant 0 : index
      %swap3A_341 = arith.constant 0 : index
      %swap3A_342 = vector.load %arg8[%swap3A_339, %swap3A_340, %swap3A_341] : memref<32x16x512xf32, #tpu.memory_space<vmem>>, vector<1x16x512xf32>
      %swap3A_343 = vector.shape_cast %swap3A_342 : vector<1x16x512xf32> to vector<16x512xf32>
      %swap3A_344 = vector.shape_cast %select_n3A_338 : vector<16x512xf32> to vector<1x16x512xf32>
      tpu.vector_store %arg8[%swap3A_339, %swap3A_340, %swap3A_341], %swap3A_344 {strides = array<i32>} : memref<32x16x512xf32, #tpu.memory_space<vmem>>, vector<1x16x512xf32>,
      %sub3A_345 = arith.constant 1 : i32
      %sub3A_346 = arith.subi %arg0, %sub3A_345 : i32
      %mul3A_347 = arith.constant 32 : i32
      %mul3A_348 = arith.muli %sub3A_346, %mul3A_347 : i32
      %add3A_349 = arith.constant 4 : i32
      %add3A_350 = arith.addi %mul3A_348, %add3A_349 : i32
      %get3A_351 = arith.index_cast %select_n3A_66 : i32 to index
      %get3A_352 = arith.constant 64 : index
      %get3A_353 = arith.constant 0 : index
      %get3A_354 = vector.load %arg10[%get3A_351, %get3A_352, %get3A_353] : memref<2x512x1536xf32, #tpu.memory_space<vmem>>, vector<1x16x1536xf32>
      %squeeze3A_355 = vector.shape_cast %get3A_354 : vector<1x16x1536xf32> to vector<16x1536xf32>
      %convert_element_type3A_356 = arith.truncf %select_n3A_333 : vector<16x512xf32> to vector<16x512xbf16>
      %get3A_357 = arith.constant 0 : index
      %get3A_358 = arith.constant 0 : index
      %get3A_359 = vector.load %arg6[%get3A_357, %get3A_358] : memref<1536x512xbf16, #tpu.memory_space<vmem>>, vector<1536x512xbf16>
      %dot_general3A_360 = arith.constant dense<0.000000e+00> : vector<16x1536xf32>
      %dot_general3A_361 = tpu.matmul %convert_element_type3A_356, %get3A_359, %dot_general3A_360 {dimension_numbers = #tpu.dot_dimension_numbers<[1], [1], [0], [0], [0, 0, 1, 0], [], []>, transpose_lhs_hint = false} : vector<16x512xbf16>, vector<1536x512xbf16>, vector<16x1536xf32> -> vector<16x1536xf32>
      %get3A_362 = arith.constant 0 : index
      %get3A_363 = arith.constant 0 : index
      %get3A_364 = vector.load %arg7[%get3A_362, %get3A_363] : memref<1x1536xf32, #tpu.memory_space<vmem>>, vector<1x1536xf32>
      %add3A_365 = vector.broadcast %get3A_364 : vector<1x1536xf32> to vector<16x1536xf32>
      %add3A_366 = arith.addf %dot_general3A_361, %add3A_365 : vector<16x1536xf32>
      %slice3A_367 = vector.extract_strided_slice %squeeze3A_355 {offsets = [0, 0], sizes = [16, 512], strides = [1, 1]} : vector<16x1536xf32> to vector<16x512xf32>
      %slice3A_368 = vector.extract_strided_slice %add3A_366 {offsets = [0, 0], sizes = [16, 512], strides = [1, 1]} : vector<16x1536xf32> to vector<16x512xf32>
      %add3A_369 = arith.addf %slice3A_367, %slice3A_368 : vector<16x512xf32>
      %logistic3A_370 = arith.negf %add3A_369 : vector<16x512xf32>
      %logistic3A_371 = math.exp %logistic3A_370 : vector<16x512xf32>
      %logistic3A_372 = arith.constant 1.000000e+00 : f32
      %logistic3A_373 = vector.broadcast %logistic3A_372 : f32 to vector<16x512xf32>
      %logistic3A_374 = arith.addf %logistic3A_373, %logistic3A_371 : vector<16x512xf32>
      %logistic3A_375 = arith.divf %logistic3A_373, %logistic3A_374 : vector<16x512xf32>
      %slice3A_376 = vector.extract_strided_slice %squeeze3A_355 {offsets = [0, 512], sizes = [16, 512], strides = [1, 1]} : vector<16x1536xf32> to vector<16x512xf32>
      %slice3A_377 = vector.extract_strided_slice %add3A_366 {offsets = [0, 512], sizes = [16, 512], strides = [1, 1]} : vector<16x1536xf32> to vector<16x512xf32>
      %add3A_378 = arith.addf %slice3A_376, %slice3A_377 : vector<16x512xf32>
      %logistic3A_379 = arith.negf %add3A_378 : vector<16x512xf32>
      %logistic3A_380 = math.exp %logistic3A_379 : vector<16x512xf32>
      %logistic3A_381 = arith.constant 1.000000e+00 : f32
      %logistic3A_382 = vector.broadcast %logistic3A_381 : f32 to vector<16x512xf32>
      %logistic3A_383 = arith.addf %logistic3A_382, %logistic3A_380 : vector<16x512xf32>
      %logistic3A_384 = arith.divf %logistic3A_382, %logistic3A_383 : vector<16x512xf32>
      %slice3A_385 = vector.extract_strided_slice %squeeze3A_355 {offsets = [0, 1024], sizes = [16, 512], strides = [1, 1]} : vector<16x1536xf32> to vector<16x512xf32>
      %slice3A_386 = vector.extract_strided_slice %add3A_366 {offsets = [0, 1024], sizes = [16, 512], strides = [1, 1]} : vector<16x1536xf32> to vector<16x512xf32>
      %mul3A_387 = arith.mulf %logistic3A_375, %slice3A_386 : vector<16x512xf32>
      %add3A_388 = arith.addf %slice3A_385, %mul3A_387 : vector<16x512xf32>
      %tanh3A_389 = math.tanh %add3A_388 : vector<16x512xf32>
      %sub3A_390 = arith.constant 1.000000e+00 : f32
      %sub3A_391 = vector.broadcast %sub3A_390 : f32 to vector<16x512xf32>
      %sub3A_392 = arith.subf %sub3A_391, %logistic3A_384 : vector<16x512xf32>
      %mul3A_393 = arith.mulf %sub3A_392, %tanh3A_389 : vector<16x512xf32>
      %mul3A_394 = arith.mulf %logistic3A_384, %select_n3A_333 : vector<16x512xf32>
      %add3A_395 = arith.addf %mul3A_393, %mul3A_394 : vector<16x512xf32>
      %gt3A_396 = vector.broadcast %add3A_350 : i32 to vector<16x1xi32>
      %gt3A_397 = arith.cmpi sgt, %get3A_1, %gt3A_396 : vector<16x1xi32>
      %ge3A_398 = arith.constant 0 : i32
      %ge3A_399 = arith.cmpi sge, %add3A_350, %ge3A_398 : i32
      %and3A_400 = vector.broadcast %ge3A_399 : i1 to vector<16x1xi1>
      %and3A_401 = arith.andi %gt3A_397, %and3A_400 : vector<16x1xi1>
      %broadcast_in_dim3A_402 = vector.shape_cast %and3A_401 : vector<16x1xi1> to vector<16x1xi1>
      %broadcast_in_dim3A_403 = vector.broadcast %broadcast_in_dim3A_402 : vector<16x1xi1> to vector<16x512xi1>
      %select_n3A_404 = arith.select %broadcast_in_dim3A_403, %add3A_395, %select_n3A_333 : vector<16x512xi1>, vector<16x512xf32>
      %jit3A_405 = arith.constant 0.000000e+00 : f32
      %broadcast_in_dim3A_406 = vector.shape_cast %and3A_401 : vector<16x1xi1> to vector<16x1xi1>
      %broadcast_in_dim3A_407 = vector.broadcast %broadcast_in_dim3A_406 : vector<16x1xi1> to vector<16x512xi1>
      %broadcast_in_dim3A_408 = vector.broadcast %jit3A_405 : f32 to vector<16x512xf32>
      %select_n3A_409 = arith.select %broadcast_in_dim3A_407, %add3A_395, %broadcast_in_dim3A_408 : vector<16x512xi1>, vector<16x512xf32>
      %swap3A_410 = arith.constant 4 : index
      %swap3A_411 = arith.constant 0 : index
      %swap3A_412 = arith.constant 0 : index
      %swap3A_413 = vector.load %arg8[%swap3A_410, %swap3A_411, %swap3A_412] : memref<32x16x512xf32, #tpu.memory_space<vmem>>, vector<1x16x512xf32>
      %swap3A_414 = vector.shape_cast %swap3A_413 : vector<1x16x512xf32> to vector<16x512xf32>
      %swap3A_415 = vector.shape_cast %select_n3A_409 : vector<16x512xf32> to vector<1x16x512xf32>
      tpu.vector_store %arg8[%swap3A_410, %swap3A_411, %swap3A_412], %swap3A_415 {strides = array<i32>} : memref<32x16x512xf32, #tpu.memory_space<vmem>>, vector<1x16x512xf32>,
      %sub3A_416 = arith.constant 1 : i32
      %sub3A_417 = arith.subi %arg0, %sub3A_416 : i32
      %mul3A_418 = arith.constant 32 : i32
      %mul3A_419 = arith.muli %sub3A_417, %mul3A_418 : i32
      %add3A_420 = arith.constant 5 : i32
      %add3A_421 = arith.addi %mul3A_419, %add3A_420 : i32
      %get3A_422 = arith.index_cast %select_n3A_66 : i32 to index
      %get3A_423 = arith.constant 80 : index
      %get3A_424 = arith.constant 0 : index
      %get3A_425 = vector.load %arg10[%get3A_422, %get3A_423, %get3A_424] : memref<2x512x1536xf32, #tpu.memory_space<vmem>>, vector<1x16x1536xf32>
      %squeeze3A_426 = vector.shape_cast %get3A_425 : vector<1x16x1536xf32> to vector<16x1536xf32>
      %convert_element_type3A_427 = arith.truncf %select_n3A_404 : vector<16x512xf32> to vector<16x512xbf16>
      %get3A_428 = arith.constant 0 : index
      %get3A_429 = arith.constant 0 : index
      %get3A_430 = vector.load %arg6[%get3A_428, %get3A_429] : memref<1536x512xbf16, #tpu.memory_space<vmem>>, vector<1536x512xbf16>
      %dot_general3A_431 = arith.constant dense<0.000000e+00> : vector<16x1536xf32>
      %dot_general3A_432 = tpu.matmul %convert_element_type3A_427, %get3A_430, %dot_general3A_431 {dimension_numbers = #tpu.dot_dimension_numbers<[1], [1], [0], [0], [0, 0, 1, 0], [], []>, transpose_lhs_hint = false} : vector<16x512xbf16>, vector<1536x512xbf16>, vector<16x1536xf32> -> vector<16x1536xf32>
      %get3A_433 = arith.constant 0 : index
      %get3A_434 = arith.constant 0 : index
      %get3A_435 = vector.load %arg7[%get3A_433, %get3A_434] : memref<1x1536xf32, #tpu.memory_space<vmem>>, vector<1x1536xf32>
      %add3A_436 = vector.broadcast %get3A_435 : vector<1x1536xf32> to vector<16x1536xf32>
      %add3A_437 = arith.addf %dot_general3A_432, %add3A_436 : vector<16x1536xf32>
      %slice3A_438 = vector.extract_strided_slice %squeeze3A_426 {offsets = [0, 0], sizes = [16, 512], strides = [1, 1]} : vector<16x1536xf32> to vector<16x512xf32>
      %slice3A_439 = vector.extract_strided_slice %add3A_437 {offsets = [0, 0], sizes = [16, 512], strides = [1, 1]} : vector<16x1536xf32> to vector<16x512xf32>
      %add3A_440 = arith.addf %slice3A_438, %slice3A_439 : vector<16x512xf32>
      %logistic3A_441 = arith.negf %add3A_440 : vector<16x512xf32>
      %logistic3A_442 = math.exp %logistic3A_441 : vector<16x512xf32>
      %logistic3A_443 = arith.constant 1.000000e+00 : f32
      %logistic3A_444 = vector.broadcast %logistic3A_443 : f32 to vector<16x512xf32>
      %logistic3A_445 = arith.addf %logistic3A_444, %logistic3A_442 : vector<16x512xf32>
      %logistic3A_446 = arith.divf %logistic3A_444, %logistic3A_445 : vector<16x512xf32>
      %slice3A_447 = vector.extract_strided_slice %squeeze3A_426 {offsets = [0, 512], sizes = [16, 512], strides = [1, 1]} : vector<16x1536xf32> to vector<16x512xf32>
      %slice3A_448 = vector.extract_strided_slice %add3A_437 {offsets = [0, 512], sizes = [16, 512], strides = [1, 1]} : vector<16x1536xf32> to vector<16x512xf32>
      %add3A_449 = arith.addf %slice3A_447, %slice3A_448 : vector<16x512xf32>
      %logistic3A_450 = arith.negf %add3A_449 : vector<16x512xf32>
      %logistic3A_451 = math.exp %logistic3A_450 : vector<16x512xf32>
      %logistic3A_452 = arith.constant 1.000000e+00 : f32
      %logistic3A_453 = vector.broadcast %logistic3A_452 : f32 to vector<16x512xf32>
      %logistic3A_454 = arith.addf %logistic3A_453, %logistic3A_451 : vector<16x512xf32>
      %logistic3A_455 = arith.divf %logistic3A_453, %logistic3A_454 : vector<16x512xf32>
      %slice3A_456 = vector.extract_strided_slice %squeeze3A_426 {offsets = [0, 1024], sizes = [16, 512], strides = [1, 1]} : vector<16x1536xf32> to vector<16x512xf32>
      %slice3A_457 = vector.extract_strided_slice %add3A_437 {offsets = [0, 1024], sizes = [16, 512], strides = [1, 1]} : vector<16x1536xf32> to vector<16x512xf32>
      %mul3A_458 = arith.mulf %logistic3A_446, %slice3A_457 : vector<16x512xf32>
      %add3A_459 = arith.addf %slice3A_456, %mul3A_458 : vector<16x512xf32>
      %tanh3A_460 = math.tanh %add3A_459 : vector<16x512xf32>
      %sub3A_461 = arith.constant 1.000000e+00 : f32
      %sub3A_462 = vector.broadcast %sub3A_461 : f32 to vector<16x512xf32>
      %sub3A_463 = arith.subf %sub3A_462, %logistic3A_455 : vector<16x512xf32>
      %mul3A_464 = arith.mulf %sub3A_463, %tanh3A_460 : vector<16x512xf32>
      %mul3A_465 = arith.mulf %logistic3A_455, %select_n3A_404 : vector<16x512xf32>
      %add3A_466 = arith.addf %mul3A_464, %mul3A_465 : vector<16x512xf32>
      %gt3A_467 = vector.broadcast %add3A_421 : i32 to vector<16x1xi32>
      %gt3A_468 = arith.cmpi sgt, %get3A_1, %gt3A_467 : vector<16x1xi32>
      %ge3A_469 = arith.constant 0 : i32
      %ge3A_470 = arith.cmpi sge, %add3A_421, %ge3A_469 : i32
      %and3A_471 = vector.broadcast %ge3A_470 : i1 to vector<16x1xi1>
      %and3A_472 = arith.andi %gt3A_468, %and3A_471 : vector<16x1xi1>
      %broadcast_in_dim3A_473 = vector.shape_cast %and3A_472 : vector<16x1xi1> to vector<16x1xi1>
      %broadcast_in_dim3A_474 = vector.broadcast %broadcast_in_dim3A_473 : vector<16x1xi1> to vector<16x512xi1>
      %select_n3A_475 = arith.select %broadcast_in_dim3A_474, %add3A_466, %select_n3A_404 : vector<16x512xi1>, vector<16x512xf32>
      %jit3A_476 = arith.constant 0.000000e+00 : f32
      %broadcast_in_dim3A_477 = vector.shape_cast %and3A_472 : vector<16x1xi1> to vector<16x1xi1>
      %broadcast_in_dim3A_478 = vector.broadcast %broadcast_in_dim3A_477 : vector<16x1xi1> to vector<16x512xi1>
      %broadcast_in_dim3A_479 = vector.broadcast %jit3A_476 : f32 to vector<16x512xf32>
      %select_n3A_480 = arith.select %broadcast_in_dim3A_478, %add3A_466, %broadcast_in_dim3A_479 : vector<16x512xi1>, vector<16x512xf32>
      %swap3A_481 = arith.constant 5 : index
      %swap3A_482 = arith.constant 0 : index
      %swap3A_483 = arith.constant 0 : index
      %swap3A_484 = vector.load %arg8[%swap3A_481, %swap3A_482, %swap3A_483] : memref<32x16x512xf32, #tpu.memory_space<vmem>>, vector<1x16x512xf32>
      %swap3A_485 = vector.shape_cast %swap3A_484 : vector<1x16x512xf32> to vector<16x512xf32>
      %swap3A_486 = vector.shape_cast %select_n3A_480 : vector<16x512xf32> to vector<1x16x512xf32>
      tpu.vector_store %arg8[%swap3A_481, %swap3A_482, %swap3A_483], %swap3A_486 {strides = array<i32>} : memref<32x16x512xf32, #tpu.memory_space<vmem>>, vector<1x16x512xf32>,
      %sub3A_487 = arith.constant 1 : i32
      %sub3A_488 = arith.subi %arg0, %sub3A_487 : i32
      %mul3A_489 = arith.constant 32 : i32
      %mul3A_490 = arith.muli %sub3A_488, %mul3A_489 : i32
      %add3A_491 = arith.constant 6 : i32
      %add3A_492 = arith.addi %mul3A_490, %add3A_491 : i32
      %get3A_493 = arith.index_cast %select_n3A_66 : i32 to index
      %get3A_494 = arith.constant 96 : index
      %get3A_495 = arith.constant 0 : index
      %get3A_496 = vector.load %arg10[%get3A_493, %get3A_494, %get3A_495] : memref<2x512x1536xf32, #tpu.memory_space<vmem>>, vector<1x16x1536xf32>
      %squeeze3A_497 = vector.shape_cast %get3A_496 : vector<1x16x1536xf32> to vector<16x1536xf32>
      %convert_element_type3A_498 = arith.truncf %select_n3A_475 : vector<16x512xf32> to vector<16x512xbf16>
      %get3A_499 = arith.constant 0 : index
      %get3A_500 = arith.constant 0 : index
      %get3A_501 = vector.load %arg6[%get3A_499, %get3A_500] : memref<1536x512xbf16, #tpu.memory_space<vmem>>, vector<1536x512xbf16>
      %dot_general3A_502 = arith.constant dense<0.000000e+00> : vector<16x1536xf32>
      %dot_general3A_503 = tpu.matmul %convert_element_type3A_498, %get3A_501, %dot_general3A_502 {dimension_numbers = #tpu.dot_dimension_numbers<[1], [1], [0], [0], [0, 0, 1, 0], [], []>, transpose_lhs_hint = false} : vector<16x512xbf16>, vector<1536x512xbf16>, vector<16x1536xf32> -> vector<16x1536xf32>
      %get3A_504 = arith.constant 0 : index
      %get3A_505 = arith.constant 0 : index
      %get3A_506 = vector.load %arg7[%get3A_504, %get3A_505] : memref<1x1536xf32, #tpu.memory_space<vmem>>, vector<1x1536xf32>
      %add3A_507 = vector.broadcast %get3A_506 : vector<1x1536xf32> to vector<16x1536xf32>
      %add3A_508 = arith.addf %dot_general3A_503, %add3A_507 : vector<16x1536xf32>
      %slice3A_509 = vector.extract_strided_slice %squeeze3A_497 {offsets = [0, 0], sizes = [16, 512], strides = [1, 1]} : vector<16x1536xf32> to vector<16x512xf32>
      %slice3A_510 = vector.extract_strided_slice %add3A_508 {offsets = [0, 0], sizes = [16, 512], strides = [1, 1]} : vector<16x1536xf32> to vector<16x512xf32>
      %add3A_511 = arith.addf %slice3A_509, %slice3A_510 : vector<16x512xf32>
      %logistic3A_512 = arith.negf %add3A_511 : vector<16x512xf32>
      %logistic3A_513 = math.exp %logistic3A_512 : vector<16x512xf32>
      %logistic3A_514 = arith.constant 1.000000e+00 : f32
      %logistic3A_515 = vector.broadcast %logistic3A_514 : f32 to vector<16x512xf32>
      %logistic3A_516 = arith.addf %logistic3A_515, %logistic3A_513 : vector<16x512xf32>
      %logistic3A_517 = arith.divf %logistic3A_515, %logistic3A_516 : vector<16x512xf32>
      %slice3A_518 = vector.extract_strided_slice %squeeze3A_497 {offsets = [0, 512], sizes = [16, 512], strides = [1, 1]} : vector<16x1536xf32> to vector<16x512xf32>
      %slice3A_519 = vector.extract_strided_slice %add3A_508 {offsets = [0, 512], sizes = [16, 512], strides = [1, 1]} : vector<16x1536xf32> to vector<16x512xf32>
      %add3A_520 = arith.addf %slice3A_518, %slice3A_519 : vector<16x512xf32>
      %logistic3A_521 = arith.negf %add3A_520 : vector<16x512xf32>
      %logistic3A_522 = math.exp %logistic3A_521 : vector<16x512xf32>
      %logistic3A_523 = arith.constant 1.000000e+00 : f32
      %logistic3A_524 = vector.broadcast %logistic3A_523 : f32 to vector<16x512xf32>
      %logistic3A_525 = arith.addf %logistic3A_524, %logistic3A_522 : vector<16x512xf32>
      %logistic3A_526 = arith.divf %logistic3A_524, %logistic3A_525 : vector<16x512xf32>
      %slice3A_527 = vector.extract_strided_slice %squeeze3A_497 {offsets = [0, 1024], sizes = [16, 512], strides = [1, 1]} : vector<16x1536xf32> to vector<16x512xf32>
      %slice3A_528 = vector.extract_strided_slice %add3A_508 {offsets = [0, 1024], sizes = [16, 512], strides = [1, 1]} : vector<16x1536xf32> to vector<16x512xf32>
      %mul3A_529 = arith.mulf %logistic3A_517, %slice3A_528 : vector<16x512xf32>
      %add3A_530 = arith.addf %slice3A_527, %mul3A_529 : vector<16x512xf32>
      %tanh3A_531 = math.tanh %add3A_530 : vector<16x512xf32>
      %sub3A_532 = arith.constant 1.000000e+00 : f32
      %sub3A_533 = vector.broadcast %sub3A_532 : f32 to vector<16x512xf32>
      %sub3A_534 = arith.subf %sub3A_533, %logistic3A_526 : vector<16x512xf32>
      %mul3A_535 = arith.mulf %sub3A_534, %tanh3A_531 : vector<16x512xf32>
      %mul3A_536 = arith.mulf %logistic3A_526, %select_n3A_475 : vector<16x512xf32>
      %add3A_537 = arith.addf %mul3A_535, %mul3A_536 : vector<16x512xf32>
      %gt3A_538 = vector.broadcast %add3A_492 : i32 to vector<16x1xi32>
      %gt3A_539 = arith.cmpi sgt, %get3A_1, %gt3A_538 : vector<16x1xi32>
      %ge3A_540 = arith.constant 0 : i32
      %ge3A_541 = arith.cmpi sge, %add3A_492, %ge3A_540 : i32
      %and3A_542 = vector.broadcast %ge3A_541 : i1 to vector<16x1xi1>
      %and3A_543 = arith.andi %gt3A_539, %and3A_542 : vector<16x1xi1>
      %broadcast_in_dim3A_544 = vector.shape_cast %and3A_543 : vector<16x1xi1> to vector<16x1xi1>
      %broadcast_in_dim3A_545 = vector.broadcast %broadcast_in_dim3A_544 : vector<16x1xi1> to vector<16x512xi1>
      %select_n3A_546 = arith.select %broadcast_in_dim3A_545, %add3A_537, %select_n3A_475 : vector<16x512xi1>, vector<16x512xf32>
      %jit3A_547 = arith.constant 0.000000e+00 : f32
      %broadcast_in_dim3A_548 = vector.shape_cast %and3A_543 : vector<16x1xi1> to vector<16x1xi1>
      %broadcast_in_dim3A_549 = vector.broadcast %broadcast_in_dim3A_548 : vector<16x1xi1> to vector<16x512xi1>
      %broadcast_in_dim3A_550 = vector.broadcast %jit3A_547 : f32 to vector<16x512xf32>
      %select_n3A_551 = arith.select %broadcast_in_dim3A_549, %add3A_537, %broadcast_in_dim3A_550 : vector<16x512xi1>, vector<16x512xf32>
      %swap3A_552 = arith.constant 6 : index
      %swap3A_553 = arith.constant 0 : index
      %swap3A_554 = arith.constant 0 : index
      %swap3A_555 = vector.load %arg8[%swap3A_552, %swap3A_553, %swap3A_554] : memref<32x16x512xf32, #tpu.memory_space<vmem>>, vector<1x16x512xf32>
      %swap3A_556 = vector.shape_cast %swap3A_555 : vector<1x16x512xf32> to vector<16x512xf32>
      %swap3A_557 = vector.shape_cast %select_n3A_551 : vector<16x512xf32> to vector<1x16x512xf32>
      tpu.vector_store %arg8[%swap3A_552, %swap3A_553, %swap3A_554], %swap3A_557 {strides = array<i32>} : memref<32x16x512xf32, #tpu.memory_space<vmem>>, vector<1x16x512xf32>,
      %sub3A_558 = arith.constant 1 : i32
      %sub3A_559 = arith.subi %arg0, %sub3A_558 : i32
      %mul3A_560 = arith.constant 32 : i32
      %mul3A_561 = arith.muli %sub3A_559, %mul3A_560 : i32
      %add3A_562 = arith.constant 7 : i32
      %add3A_563 = arith.addi %mul3A_561, %add3A_562 : i32
      %get3A_564 = arith.index_cast %select_n3A_66 : i32 to index
      %get3A_565 = arith.constant 112 : index
      %get3A_566 = arith.constant 0 : index
      %get3A_567 = vector.load %arg10[%get3A_564, %get3A_565, %get3A_566] : memref<2x512x1536xf32, #tpu.memory_space<vmem>>, vector<1x16x1536xf32>
      %squeeze3A_568 = vector.shape_cast %get3A_567 : vector<1x16x1536xf32> to vector<16x1536xf32>
      %convert_element_type3A_569 = arith.truncf %select_n3A_546 : vector<16x512xf32> to vector<16x512xbf16>
      %get3A_570 = arith.constant 0 : index
      %get3A_571 = arith.constant 0 : index
      %get3A_572 = vector.load %arg6[%get3A_570, %get3A_571] : memref<1536x512xbf16, #tpu.memory_space<vmem>>, vector<1536x512xbf16>
      %dot_general3A_573 = arith.constant dense<0.000000e+00> : vector<16x1536xf32>
      %dot_general3A_574 = tpu.matmul %convert_element_type3A_569, %get3A_572, %dot_general3A_573 {dimension_numbers = #tpu.dot_dimension_numbers<[1], [1], [0], [0], [0, 0, 1, 0], [], []>, transpose_lhs_hint = false} : vector<16x512xbf16>, vector<1536x512xbf16>, vector<16x1536xf32> -> vector<16x1536xf32>
      %get3A_575 = arith.constant 0 : index
      %get3A_576 = arith.constant 0 : index
      %get3A_577 = vector.load %arg7[%get3A_575, %get3A_576] : memref<1x1536xf32, #tpu.memory_space<vmem>>, vector<1x1536xf32>
      %add3A_578 = vector.broadcast %get3A_577 : vector<1x1536xf32> to vector<16x1536xf32>
      %add3A_579 = arith.addf %dot_general3A_574, %add3A_578 : vector<16x1536xf32>
      %slice3A_580 = vector.extract_strided_slice %squeeze3A_568 {offsets = [0, 0], sizes = [16, 512], strides = [1, 1]} : vector<16x1536xf32> to vector<16x512xf32>
      %slice3A_581 = vector.extract_strided_slice %add3A_579 {offsets = [0, 0], sizes = [16, 512], strides = [1, 1]} : vector<16x1536xf32> to vector<16x512xf32>
      %add3A_582 = arith.addf %slice3A_580, %slice3A_581 : vector<16x512xf32>
      %logistic3A_583 = arith.negf %add3A_582 : vector<16x512xf32>
      %logistic3A_584 = math.exp %logistic3A_583 : vector<16x512xf32>
      %logistic3A_585 = arith.constant 1.000000e+00 : f32
      %logistic3A_586 = vector.broadcast %logistic3A_585 : f32 to vector<16x512xf32>
      %logistic3A_587 = arith.addf %logistic3A_586, %logistic3A_584 : vector<16x512xf32>
      %logistic3A_588 = arith.divf %logistic3A_586, %logistic3A_587 : vector<16x512xf32>
      %slice3A_589 = vector.extract_strided_slice %squeeze3A_568 {offsets = [0, 512], sizes = [16, 512], strides = [1, 1]} : vector<16x1536xf32> to vector<16x512xf32>
      %slice3A_590 = vector.extract_strided_slice %add3A_579 {offsets = [0, 512], sizes = [16, 512], strides = [1, 1]} : vector<16x1536xf32> to vector<16x512xf32>
      %add3A_591 = arith.addf %slice3A_589, %slice3A_590 : vector<16x512xf32>
      %logistic3A_592 = arith.negf %add3A_591 : vector<16x512xf32>
      %logistic3A_593 = math.exp %logistic3A_592 : vector<16x512xf32>
      %logistic3A_594 = arith.constant 1.000000e+00 : f32
      %logistic3A_595 = vector.broadcast %logistic3A_594 : f32 to vector<16x512xf32>
      %logistic3A_596 = arith.addf %logistic3A_595, %logistic3A_593 : vector<16x512xf32>
      %logistic3A_597 = arith.divf %logistic3A_595, %logistic3A_596 : vector<16x512xf32>
      %slice3A_598 = vector.extract_strided_slice %squeeze3A_568 {offsets = [0, 1024], sizes = [16, 512], strides = [1, 1]} : vector<16x1536xf32> to vector<16x512xf32>
      %slice3A_599 = vector.extract_strided_slice %add3A_579 {offsets = [0, 1024], sizes = [16, 512], strides = [1, 1]} : vector<16x1536xf32> to vector<16x512xf32>
      %mul3A_600 = arith.mulf %logistic3A_588, %slice3A_599 : vector<16x512xf32>
      %add3A_601 = arith.addf %slice3A_598, %mul3A_600 : vector<16x512xf32>
      %tanh3A_602 = math.tanh %add3A_601 : vector<16x512xf32>
      %sub3A_603 = arith.constant 1.000000e+00 : f32
      %sub3A_604 = vector.broadcast %sub3A_603 : f32 to vector<16x512xf32>
      %sub3A_605 = arith.subf %sub3A_604, %logistic3A_597 : vector<16x512xf32>
      %mul3A_606 = arith.mulf %sub3A_605, %tanh3A_602 : vector<16x512xf32>
      %mul3A_607 = arith.mulf %logistic3A_597, %select_n3A_546 : vector<16x512xf32>
      %add3A_608 = arith.addf %mul3A_606, %mul3A_607 : vector<16x512xf32>
      %gt3A_609 = vector.broadcast %add3A_563 : i32 to vector<16x1xi32>
      %gt3A_610 = arith.cmpi sgt, %get3A_1, %gt3A_609 : vector<16x1xi32>
      %ge3A_611 = arith.constant 0 : i32
      %ge3A_612 = arith.cmpi sge, %add3A_563, %ge3A_611 : i32
      %and3A_613 = vector.broadcast %ge3A_612 : i1 to vector<16x1xi1>
      %and3A_614 = arith.andi %gt3A_610, %and3A_613 : vector<16x1xi1>
      %broadcast_in_dim3A_615 = vector.shape_cast %and3A_614 : vector<16x1xi1> to vector<16x1xi1>
      %broadcast_in_dim3A_616 = vector.broadcast %broadcast_in_dim3A_615 : vector<16x1xi1> to vector<16x512xi1>
      %select_n3A_617 = arith.select %broadcast_in_dim3A_616, %add3A_608, %select_n3A_546 : vector<16x512xi1>, vector<16x512xf32>
      %jit3A_618 = arith.constant 0.000000e+00 : f32
      %broadcast_in_dim3A_619 = vector.shape_cast %and3A_614 : vector<16x1xi1> to vector<16x1xi1>
      %broadcast_in_dim3A_620 = vector.broadcast %broadcast_in_dim3A_619 : vector<16x1xi1> to vector<16x512xi1>
      %broadcast_in_dim3A_621 = vector.broadcast %jit3A_618 : f32 to vector<16x512xf32>
      %select_n3A_622 = arith.select %broadcast_in_dim3A_620, %add3A_608, %broadcast_in_dim3A_621 : vector<16x512xi1>, vector<16x512xf32>
      %swap3A_623 = arith.constant 7 : index
      %swap3A_624 = arith.constant 0 : index
      %swap3A_625 = arith.constant 0 : index
      %swap3A_626 = vector.load %arg8[%swap3A_623, %swap3A_624, %swap3A_625] : memref<32x16x512xf32, #tpu.memory_space<vmem>>, vector<1x16x512xf32>
      %swap3A_627 = vector.shape_cast %swap3A_626 : vector<1x16x512xf32> to vector<16x512xf32>
      %swap3A_628 = vector.shape_cast %select_n3A_622 : vector<16x512xf32> to vector<1x16x512xf32>
      tpu.vector_store %arg8[%swap3A_623, %swap3A_624, %swap3A_625], %swap3A_628 {strides = array<i32>} : memref<32x16x512xf32, #tpu.memory_space<vmem>>, vector<1x16x512xf32>,
      %sub3A_629 = arith.constant 1 : i32
      %sub3A_630 = arith.subi %arg0, %sub3A_629 : i32
      %mul3A_631 = arith.constant 32 : i32
      %mul3A_632 = arith.muli %sub3A_630, %mul3A_631 : i32
      %add3A_633 = arith.constant 8 : i32
      %add3A_634 = arith.addi %mul3A_632, %add3A_633 : i32
      %get3A_635 = arith.index_cast %select_n3A_66 : i32 to index
      %get3A_636 = arith.constant 128 : index
      %get3A_637 = arith.constant 0 : index
      %get3A_638 = vector.load %arg10[%get3A_635, %get3A_636, %get3A_637] : memref<2x512x1536xf32, #tpu.memory_space<vmem>>, vector<1x16x1536xf32>
      %squeeze3A_639 = vector.shape_cast %get3A_638 : vector<1x16x1536xf32> to vector<16x1536xf32>
      %convert_element_type3A_640 = arith.truncf %select_n3A_617 : vector<16x512xf32> to vector<16x512xbf16>
      %get3A_641 = arith.constant 0 : index
      %get3A_642 = arith.constant 0 : index
      %get3A_643 = vector.load %arg6[%get3A_641, %get3A_642] : memref<1536x512xbf16, #tpu.memory_space<vmem>>, vector<1536x512xbf16>
      %dot_general3A_644 = arith.constant dense<0.000000e+00> : vector<16x1536xf32>
      %dot_general3A_645 = tpu.matmul %convert_element_type3A_640, %get3A_643, %dot_general3A_644 {dimension_numbers = #tpu.dot_dimension_numbers<[1], [1], [0], [0], [0, 0, 1, 0], [], []>, transpose_lhs_hint = false} : vector<16x512xbf16>, vector<1536x512xbf16>, vector<16x1536xf32> -> vector<16x1536xf32>
      %get3A_646 = arith.constant 0 : index
      %get3A_647 = arith.constant 0 : index
      %get3A_648 = vector.load %arg7[%get3A_646, %get3A_647] : memref<1x1536xf32, #tpu.memory_space<vmem>>, vector<1x1536xf32>
      %add3A_649 = vector.broadcast %get3A_648 : vector<1x1536xf32> to vector<16x1536xf32>
      %add3A_650 = arith.addf %dot_general3A_645, %add3A_649 : vector<16x1536xf32>
      %slice3A_651 = vector.extract_strided_slice %squeeze3A_639 {offsets = [0, 0], sizes = [16, 512], strides = [1, 1]} : vector<16x1536xf32> to vector<16x512xf32>
      %slice3A_652 = vector.extract_strided_slice %add3A_650 {offsets = [0, 0], sizes = [16, 512], strides = [1, 1]} : vector<16x1536xf32> to vector<16x512xf32>
      %add3A_653 = arith.addf %slice3A_651, %slice3A_652 : vector<16x512xf32>
      %logistic3A_654 = arith.negf %add3A_653 : vector<16x512xf32>
      %logistic3A_655 = math.exp %logistic3A_654 : vector<16x512xf32>
      %logistic3A_656 = arith.constant 1.000000e+00 : f32
      %logistic3A_657 = vector.broadcast %logistic3A_656 : f32 to vector<16x512xf32>
      %logistic3A_658 = arith.addf %logistic3A_657, %logistic3A_655 : vector<16x512xf32>
      %logistic3A_659 = arith.divf %logistic3A_657, %logistic3A_658 : vector<16x512xf32>
      %slice3A_660 = vector.extract_strided_slice %squeeze3A_639 {offsets = [0, 512], sizes = [16, 512], strides = [1, 1]} : vector<16x1536xf32> to vector<16x512xf32>
      %slice3A_661 = vector.extract_strided_slice %add3A_650 {offsets = [0, 512], sizes = [16, 512], strides = [1, 1]} : vector<16x1536xf32> to vector<16x512xf32>
      %add3A_662 = arith.addf %slice3A_660, %slice3A_661 : vector<16x512xf32>
      %logistic3A_663 = arith.negf %add3A_662 : vector<16x512xf32>
      %logistic3A_664 = math.exp %logistic3A_663 : vector<16x512xf32>
      %logistic3A_665 = arith.constant 1.000000e+00 : f32
      %logistic3A_666 = vector.broadcast %logistic3A_665 : f32 to vector<16x512xf32>
      %logistic3A_667 = arith.addf %logistic3A_666, %logistic3A_664 : vector<16x512xf32>
      %logistic3A_668 = arith.divf %logistic3A_666, %logistic3A_667 : vector<16x512xf32>
      %slice3A_669 = vector.extract_strided_slice %squeeze3A_639 {offsets = [0, 1024], sizes = [16, 512], strides = [1, 1]} : vector<16x1536xf32> to vector<16x512xf32>
      %slice3A_670 = vector.extract_strided_slice %add3A_650 {offsets = [0, 1024], sizes = [16, 512], strides = [1, 1]} : vector<16x1536xf32> to vector<16x512xf32>
      %mul3A_671 = arith.mulf %logistic3A_659, %slice3A_670 : vector<16x512xf32>
      %add3A_672 = arith.addf %slice3A_669, %mul3A_671 : vector<16x512xf32>
      %tanh3A_673 = math.tanh %add3A_672 : vector<16x512xf32>
      %sub3A_674 = arith.constant 1.000000e+00 : f32
      %sub3A_675 = vector.broadcast %sub3A_674 : f32 to vector<16x512xf32>
      %sub3A_676 = arith.subf %sub3A_675, %logistic3A_668 : vector<16x512xf32>
      %mul3A_677 = arith.mulf %sub3A_676, %tanh3A_673 : vector<16x512xf32>
      %mul3A_678 = arith.mulf %logistic3A_668, %select_n3A_617 : vector<16x512xf32>
      %add3A_679 = arith.addf %mul3A_677, %mul3A_678 : vector<16x512xf32>
      %gt3A_680 = vector.broadcast %add3A_634 : i32 to vector<16x1xi32>
      %gt3A_681 = arith.cmpi sgt, %get3A_1, %gt3A_680 : vector<16x1xi32>
      %ge3A_682 = arith.constant 0 : i32
      %ge3A_683 = arith.cmpi sge, %add3A_634, %ge3A_682 : i32
      %and3A_684 = vector.broadcast %ge3A_683 : i1 to vector<16x1xi1>
      %and3A_685 = arith.andi %gt3A_681, %and3A_684 : vector<16x1xi1>
      %broadcast_in_dim3A_686 = vector.shape_cast %and3A_685 : vector<16x1xi1> to vector<16x1xi1>
      %broadcast_in_dim3A_687 = vector.broadcast %broadcast_in_dim3A_686 : vector<16x1xi1> to vector<16x512xi1>
      %select_n3A_688 = arith.select %broadcast_in_dim3A_687, %add3A_679, %select_n3A_617 : vector<16x512xi1>, vector<16x512xf32>
      %jit3A_689 = arith.constant 0.000000e+00 : f32
      %broadcast_in_dim3A_690 = vector.shape_cast %and3A_685 : vector<16x1xi1> to vector<16x1xi1>
      %broadcast_in_dim3A_691 = vector.broadcast %broadcast_in_dim3A_690 : vector<16x1xi1> to vector<16x512xi1>
      %broadcast_in_dim3A_692 = vector.broadcast %jit3A_689 : f32 to vector<16x512xf32>
      %select_n3A_693 = arith.select %broadcast_in_dim3A_691, %add3A_679, %broadcast_in_dim3A_692 : vector<16x512xi1>, vector<16x512xf32>
      %swap3A_694 = arith.constant 8 : index
      %swap3A_695 = arith.constant 0 : index
      %swap3A_696 = arith.constant 0 : index
      %swap3A_697 = vector.load %arg8[%swap3A_694, %swap3A_695, %swap3A_696] : memref<32x16x512xf32, #tpu.memory_space<vmem>>, vector<1x16x512xf32>
      %swap3A_698 = vector.shape_cast %swap3A_697 : vector<1x16x512xf32> to vector<16x512xf32>
      %swap3A_699 = vector.shape_cast %select_n3A_693 : vector<16x512xf32> to vector<1x16x512xf32>
      tpu.vector_store %arg8[%swap3A_694, %swap3A_695, %swap3A_696], %swap3A_699 {strides = array<i32>} : memref<32x16x512xf32, #tpu.memory_space<vmem>>, vector<1x16x512xf32>,
      %sub3A_700 = arith.constant 1 : i32
      %sub3A_701 = arith.subi %arg0, %sub3A_700 : i32
      %mul3A_702 = arith.constant 32 : i32
      %mul3A_703 = arith.muli %sub3A_701, %mul3A_702 : i32
      %add3A_704 = arith.constant 9 : i32
      %add3A_705 = arith.addi %mul3A_703, %add3A_704 : i32
      %get3A_706 = arith.index_cast %select_n3A_66 : i32 to index
      %get3A_707 = arith.constant 144 : index
      %get3A_708 = arith.constant 0 : index
      %get3A_709 = vector.load %arg10[%get3A_706, %get3A_707, %get3A_708] : memref<2x512x1536xf32, #tpu.memory_space<vmem>>, vector<1x16x1536xf32>
      %squeeze3A_710 = vector.shape_cast %get3A_709 : vector<1x16x1536xf32> to vector<16x1536xf32>
      %convert_element_type3A_711 = arith.truncf %select_n3A_688 : vector<16x512xf32> to vector<16x512xbf16>
      %get3A_712 = arith.constant 0 : index
      %get3A_713 = arith.constant 0 : index
      %get3A_714 = vector.load %arg6[%get3A_712, %get3A_713] : memref<1536x512xbf16, #tpu.memory_space<vmem>>, vector<1536x512xbf16>
      %dot_general3A_715 = arith.constant dense<0.000000e+00> : vector<16x1536xf32>
      %dot_general3A_716 = tpu.matmul %convert_element_type3A_711, %get3A_714, %dot_general3A_715 {dimension_numbers = #tpu.dot_dimension_numbers<[1], [1], [0], [0], [0, 0, 1, 0], [], []>, transpose_lhs_hint = false} : vector<16x512xbf16>, vector<1536x512xbf16>, vector<16x1536xf32> -> vector<16x1536xf32>
      %get3A_717 = arith.constant 0 : index
      %get3A_718 = arith.constant 0 : index
      %get3A_719 = vector.load %arg7[%get3A_717, %get3A_718] : memref<1x1536xf32, #tpu.memory_space<vmem>>, vector<1x1536xf32>
      %add3A_720 = vector.broadcast %get3A_719 : vector<1x1536xf32> to vector<16x1536xf32>
      %add3A_721 = arith.addf %dot_general3A_716, %add3A_720 : vector<16x1536xf32>
      %slice3A_722 = vector.extract_strided_slice %squeeze3A_710 {offsets = [0, 0], sizes = [16, 512], strides = [1, 1]} : vector<16x1536xf32> to vector<16x512xf32>
      %slice3A_723 = vector.extract_strided_slice %add3A_721 {offsets = [0, 0], sizes = [16, 512], strides = [1, 1]} : vector<16x1536xf32> to vector<16x512xf32>
      %add3A_724 = arith.addf %slice3A_722, %slice3A_723 : vector<16x512xf32>
      %logistic3A_725 = arith.negf %add3A_724 : vector<16x512xf32>
      %logistic3A_726 = math.exp %logistic3A_725 : vector<16x512xf32>
      %logistic3A_727 = arith.constant 1.000000e+00 : f32
      %logistic3A_728 = vector.broadcast %logistic3A_727 : f32 to vector<16x512xf32>
      %logistic3A_729 = arith.addf %logistic3A_728, %logistic3A_726 : vector<16x512xf32>
      %logistic3A_730 = arith.divf %logistic3A_728, %logistic3A_729 : vector<16x512xf32>
      %slice3A_731 = vector.extract_strided_slice %squeeze3A_710 {offsets = [0, 512], sizes = [16, 512], strides = [1, 1]} : vector<16x1536xf32> to vector<16x512xf32>
      %slice3A_732 = vector.extract_strided_slice %add3A_721 {offsets = [0, 512], sizes = [16, 512], strides = [1, 1]} : vector<16x1536xf32> to vector<16x512xf32>
      %add3A_733 = arith.addf %slice3A_731, %slice3A_732 : vector<16x512xf32>
      %logistic3A_734 = arith.negf %add3A_733 : vector<16x512xf32>
      %logistic3A_735 = math.exp %logistic3A_734 : vector<16x512xf32>
      %logistic3A_736 = arith.constant 1.000000e+00 : f32
      %logistic3A_737 = vector.broadcast %logistic3A_736 : f32 to vector<16x512xf32>
      %logistic3A_738 = arith.addf %logistic3A_737, %logistic3A_735 : vector<16x512xf32>
      %logistic3A_739 = arith.divf %logistic3A_737, %logistic3A_738 : vector<16x512xf32>
      %slice3A_740 = vector.extract_strided_slice %squeeze3A_710 {offsets = [0, 1024], sizes = [16, 512], strides = [1, 1]} : vector<16x1536xf32> to vector<16x512xf32>
      %slice3A_741 = vector.extract_strided_slice %add3A_721 {offsets = [0, 1024], sizes = [16, 512], strides = [1, 1]} : vector<16x1536xf32> to vector<16x512xf32>
      %mul3A_742 = arith.mulf %logistic3A_730, %slice3A_741 : vector<16x512xf32>
      %add3A_743 = arith.addf %slice3A_740, %mul3A_742 : vector<16x512xf32>
      %tanh3A_744 = math.tanh %add3A_743 : vector<16x512xf32>
      %sub3A_745 = arith.constant 1.000000e+00 : f32
      %sub3A_746 = vector.broadcast %sub3A_745 : f32 to vector<16x512xf32>
      %sub3A_747 = arith.subf %sub3A_746, %logistic3A_739 : vector<16x512xf32>
      %mul3A_748 = arith.mulf %sub3A_747, %tanh3A_744 : vector<16x512xf32>
      %mul3A_749 = arith.mulf %logistic3A_739, %select_n3A_688 : vector<16x512xf32>
      %add3A_750 = arith.addf %mul3A_748, %mul3A_749 : vector<16x512xf32>
      %gt3A_751 = vector.broadcast %add3A_705 : i32 to vector<16x1xi32>
      %gt3A_752 = arith.cmpi sgt, %get3A_1, %gt3A_751 : vector<16x1xi32>
      %ge3A_753 = arith.constant 0 : i32
      %ge3A_754 = arith.cmpi sge, %add3A_705, %ge3A_753 : i32
      %and3A_755 = vector.broadcast %ge3A_754 : i1 to vector<16x1xi1>
      %and3A_756 = arith.andi %gt3A_752, %and3A_755 : vector<16x1xi1>
      %broadcast_in_dim3A_757 = vector.shape_cast %and3A_756 : vector<16x1xi1> to vector<16x1xi1>
      %broadcast_in_dim3A_758 = vector.broadcast %broadcast_in_dim3A_757 : vector<16x1xi1> to vector<16x512xi1>
      %select_n3A_759 = arith.select %broadcast_in_dim3A_758, %add3A_750, %select_n3A_688 : vector<16x512xi1>, vector<16x512xf32>
      %jit3A_760 = arith.constant 0.000000e+00 : f32
      %broadcast_in_dim3A_761 = vector.shape_cast %and3A_756 : vector<16x1xi1> to vector<16x1xi1>
      %broadcast_in_dim3A_762 = vector.broadcast %broadcast_in_dim3A_761 : vector<16x1xi1> to vector<16x512xi1>
      %broadcast_in_dim3A_763 = vector.broadcast %jit3A_760 : f32 to vector<16x512xf32>
      %select_n3A_764 = arith.select %broadcast_in_dim3A_762, %add3A_750, %broadcast_in_dim3A_763 : vector<16x512xi1>, vector<16x512xf32>
      %swap3A_765 = arith.constant 9 : index
      %swap3A_766 = arith.constant 0 : index
      %swap3A_767 = arith.constant 0 : index
      %swap3A_768 = vector.load %arg8[%swap3A_765, %swap3A_766, %swap3A_767] : memref<32x16x512xf32, #tpu.memory_space<vmem>>, vector<1x16x512xf32>
      %swap3A_769 = vector.shape_cast %swap3A_768 : vector<1x16x512xf32> to vector<16x512xf32>
      %swap3A_770 = vector.shape_cast %select_n3A_764 : vector<16x512xf32> to vector<1x16x512xf32>
      tpu.vector_store %arg8[%swap3A_765, %swap3A_766, %swap3A_767], %swap3A_770 {strides = array<i32>} : memref<32x16x512xf32, #tpu.memory_space<vmem>>, vector<1x16x512xf32>,
      %sub3A_771 = arith.constant 1 : i32
      %sub3A_772 = arith.subi %arg0, %sub3A_771 : i32
      %mul3A_773 = arith.constant 32 : i32
      %mul3A_774 = arith.muli %sub3A_772, %mul3A_773 : i32
      %add3A_775 = arith.constant 10 : i32
      %add3A_776 = arith.addi %mul3A_774, %add3A_775 : i32
      %get3A_777 = arith.index_cast %select_n3A_66 : i32 to index
      %get3A_778 = arith.constant 160 : index
      %get3A_779 = arith.constant 0 : index
      %get3A_780 = vector.load %arg10[%get3A_777, %get3A_778, %get3A_779] : memref<2x512x1536xf32, #tpu.memory_space<vmem>>, vector<1x16x1536xf32>
      %squeeze3A_781 = vector.shape_cast %get3A_780 : vector<1x16x1536xf32> to vector<16x1536xf32>
      %convert_element_type3A_782 = arith.truncf %select_n3A_759 : vector<16x512xf32> to vector<16x512xbf16>
      %get3A_783 = arith.constant 0 : index
      %get3A_784 = arith.constant 0 : index
      %get3A_785 = vector.load %arg6[%get3A_783, %get3A_784] : memref<1536x512xbf16, #tpu.memory_space<vmem>>, vector<1536x512xbf16>
      %dot_general3A_786 = arith.constant dense<0.000000e+00> : vector<16x1536xf32>
      %dot_general3A_787 = tpu.matmul %convert_element_type3A_782, %get3A_785, %dot_general3A_786 {dimension_numbers = #tpu.dot_dimension_numbers<[1], [1], [0], [0], [0, 0, 1, 0], [], []>, transpose_lhs_hint = false} : vector<16x512xbf16>, vector<1536x512xbf16>, vector<16x1536xf32> -> vector<16x1536xf32>
      %get3A_788 = arith.constant 0 : index
      %get3A_789 = arith.constant 0 : index
      %get3A_790 = vector.load %arg7[%get3A_788, %get3A_789] : memref<1x1536xf32, #tpu.memory_space<vmem>>, vector<1x1536xf32>
      %add3A_791 = vector.broadcast %get3A_790 : vector<1x1536xf32> to vector<16x1536xf32>
      %add3A_792 = arith.addf %dot_general3A_787, %add3A_791 : vector<16x1536xf32>
      %slice3A_793 = vector.extract_strided_slice %squeeze3A_781 {offsets = [0, 0], sizes = [16, 512], strides = [1, 1]} : vector<16x1536xf32> to vector<16x512xf32>
      %slice3A_794 = vector.extract_strided_slice %add3A_792 {offsets = [0, 0], sizes = [16, 512], strides = [1, 1]} : vector<16x1536xf32> to vector<16x512xf32>
      %add3A_795 = arith.addf %slice3A_793, %slice3A_794 : vector<16x512xf32>
      %logistic3A_796 = arith.negf %add3A_795 : vector<16x512xf32>
      %logistic3A_797 = math.exp %logistic3A_796 : vector<16x512xf32>
      %logistic3A_798 = arith.constant 1.000000e+00 : f32
      %logistic3A_799 = vector.broadcast %logistic3A_798 : f32 to vector<16x512xf32>
      %logistic3A_800 = arith.addf %logistic3A_799, %logistic3A_797 : vector<16x512xf32>
      %logistic3A_801 = arith.divf %logistic3A_799, %logistic3A_800 : vector<16x512xf32>
      %slice3A_802 = vector.extract_strided_slice %squeeze3A_781 {offsets = [0, 512], sizes = [16, 512], strides = [1, 1]} : vector<16x1536xf32> to vector<16x512xf32>
      %slice3A_803 = vector.extract_strided_slice %add3A_792 {offsets = [0, 512], sizes = [16, 512], strides = [1, 1]} : vector<16x1536xf32> to vector<16x512xf32>
      %add3A_804 = arith.addf %slice3A_802, %slice3A_803 : vector<16x512xf32>
      %logistic3A_805 = arith.negf %add3A_804 : vector<16x512xf32>
      %logistic3A_806 = math.exp %logistic3A_805 : vector<16x512xf32>
      %logistic3A_807 = arith.constant 1.000000e+00 : f32
      %logistic3A_808 = vector.broadcast %logistic3A_807 : f32 to vector<16x512xf32>
      %logistic3A_809 = arith.addf %logistic3A_808, %logistic3A_806 : vector<16x512xf32>
      %logistic3A_810 = arith.divf %logistic3A_808, %logistic3A_809 : vector<16x512xf32>
      %slice3A_811 = vector.extract_strided_slice %squeeze3A_781 {offsets = [0, 1024], sizes = [16, 512], strides = [1, 1]} : vector<16x1536xf32> to vector<16x512xf32>
      %slice3A_812 = vector.extract_strided_slice %add3A_792 {offsets = [0, 1024], sizes = [16, 512], strides = [1, 1]} : vector<16x1536xf32> to vector<16x512xf32>
      %mul3A_813 = arith.mulf %logistic3A_801, %slice3A_812 : vector<16x512xf32>
      %add3A_814 = arith.addf %slice3A_811, %mul3A_813 : vector<16x512xf32>
      %tanh3A_815 = math.tanh %add3A_814 : vector<16x512xf32>
      %sub3A_816 = arith.constant 1.000000e+00 : f32
      %sub3A_817 = vector.broadcast %sub3A_816 : f32 to vector<16x512xf32>
      %sub3A_818 = arith.subf %sub3A_817, %logistic3A_810 : vector<16x512xf32>
      %mul3A_819 = arith.mulf %sub3A_818, %tanh3A_815 : vector<16x512xf32>
      %mul3A_820 = arith.mulf %logistic3A_810, %select_n3A_759 : vector<16x512xf32>
      %add3A_821 = arith.addf %mul3A_819, %mul3A_820 : vector<16x512xf32>
      %gt3A_822 = vector.broadcast %add3A_776 : i32 to vector<16x1xi32>
      %gt3A_823 = arith.cmpi sgt, %get3A_1, %gt3A_822 : vector<16x1xi32>
      %ge3A_824 = arith.constant 0 : i32
      %ge3A_825 = arith.cmpi sge, %add3A_776, %ge3A_824 : i32
      %and3A_826 = vector.broadcast %ge3A_825 : i1 to vector<16x1xi1>
      %and3A_827 = arith.andi %gt3A_823, %and3A_826 : vector<16x1xi1>
      %broadcast_in_dim3A_828 = vector.shape_cast %and3A_827 : vector<16x1xi1> to vector<16x1xi1>
      %broadcast_in_dim3A_829 = vector.broadcast %broadcast_in_dim3A_828 : vector<16x1xi1> to vector<16x512xi1>
      %select_n3A_830 = arith.select %broadcast_in_dim3A_829, %add3A_821, %select_n3A_759 : vector<16x512xi1>, vector<16x512xf32>
      %jit3A_831 = arith.constant 0.000000e+00 : f32
      %broadcast_in_dim3A_832 = vector.shape_cast %and3A_827 : vector<16x1xi1> to vector<16x1xi1>
      %broadcast_in_dim3A_833 = vector.broadcast %broadcast_in_dim3A_832 : vector<16x1xi1> to vector<16x512xi1>
      %broadcast_in_dim3A_834 = vector.broadcast %jit3A_831 : f32 to vector<16x512xf32>
      %select_n3A_835 = arith.select %broadcast_in_dim3A_833, %add3A_821, %broadcast_in_dim3A_834 : vector<16x512xi1>, vector<16x512xf32>
      %swap3A_836 = arith.constant 10 : index
      %swap3A_837 = arith.constant 0 : index
      %swap3A_838 = arith.constant 0 : index
      %swap3A_839 = vector.load %arg8[%swap3A_836, %swap3A_837, %swap3A_838] : memref<32x16x512xf32, #tpu.memory_space<vmem>>, vector<1x16x512xf32>
      %swap3A_840 = vector.shape_cast %swap3A_839 : vector<1x16x512xf32> to vector<16x512xf32>
      %swap3A_841 = vector.shape_cast %select_n3A_835 : vector<16x512xf32> to vector<1x16x512xf32>
      tpu.vector_store %arg8[%swap3A_836, %swap3A_837, %swap3A_838], %swap3A_841 {strides = array<i32>} : memref<32x16x512xf32, #tpu.memory_space<vmem>>, vector<1x16x512xf32>,
      %sub3A_842 = arith.constant 1 : i32
      %sub3A_843 = arith.subi %arg0, %sub3A_842 : i32
      %mul3A_844 = arith.constant 32 : i32
      %mul3A_845 = arith.muli %sub3A_843, %mul3A_844 : i32
      %add3A_846 = arith.constant 11 : i32
      %add3A_847 = arith.addi %mul3A_845, %add3A_846 : i32
      %get3A_848 = arith.index_cast %select_n3A_66 : i32 to index
      %get3A_849 = arith.constant 176 : index
      %get3A_850 = arith.constant 0 : index
      %get3A_851 = vector.load %arg10[%get3A_848, %get3A_849, %get3A_850] : memref<2x512x1536xf32, #tpu.memory_space<vmem>>, vector<1x16x1536xf32>
      %squeeze3A_852 = vector.shape_cast %get3A_851 : vector<1x16x1536xf32> to vector<16x1536xf32>
      %convert_element_type3A_853 = arith.truncf %select_n3A_830 : vector<16x512xf32> to vector<16x512xbf16>
      %get3A_854 = arith.constant 0 : index
      %get3A_855 = arith.constant 0 : index
      %get3A_856 = vector.load %arg6[%get3A_854, %get3A_855] : memref<1536x512xbf16, #tpu.memory_space<vmem>>, vector<1536x512xbf16>
      %dot_general3A_857 = arith.constant dense<0.000000e+00> : vector<16x1536xf32>
      %dot_general3A_858 = tpu.matmul %convert_element_type3A_853, %get3A_856, %dot_general3A_857 {dimension_numbers = #tpu.dot_dimension_numbers<[1], [1], [0], [0], [0, 0, 1, 0], [], []>, transpose_lhs_hint = false} : vector<16x512xbf16>, vector<1536x512xbf16>, vector<16x1536xf32> -> vector<16x1536xf32>
      %get3A_859 = arith.constant 0 : index
      %get3A_860 = arith.constant 0 : index
      %get3A_861 = vector.load %arg7[%get3A_859, %get3A_860] : memref<1x1536xf32, #tpu.memory_space<vmem>>, vector<1x1536xf32>
      %add3A_862 = vector.broadcast %get3A_861 : vector<1x1536xf32> to vector<16x1536xf32>
      %add3A_863 = arith.addf %dot_general3A_858, %add3A_862 : vector<16x1536xf32>
      %slice3A_864 = vector.extract_strided_slice %squeeze3A_852 {offsets = [0, 0], sizes = [16, 512], strides = [1, 1]} : vector<16x1536xf32> to vector<16x512xf32>
      %slice3A_865 = vector.extract_strided_slice %add3A_863 {offsets = [0, 0], sizes = [16, 512], strides = [1, 1]} : vector<16x1536xf32> to vector<16x512xf32>
      %add3A_866 = arith.addf %slice3A_864, %slice3A_865 : vector<16x512xf32>
      %logistic3A_867 = arith.negf %add3A_866 : vector<16x512xf32>
      %logistic3A_868 = math.exp %logistic3A_867 : vector<16x512xf32>
      %logistic3A_869 = arith.constant 1.000000e+00 : f32
      %logistic3A_870 = vector.broadcast %logistic3A_869 : f32 to vector<16x512xf32>
      %logistic3A_871 = arith.addf %logistic3A_870, %logistic3A_868 : vector<16x512xf32>
      %logistic3A_872 = arith.divf %logistic3A_870, %logistic3A_871 : vector<16x512xf32>
      %slice3A_873 = vector.extract_strided_slice %squeeze3A_852 {offsets = [0, 512], sizes = [16, 512], strides = [1, 1]} : vector<16x1536xf32> to vector<16x512xf32>
      %slice3A_874 = vector.extract_strided_slice %add3A_863 {offsets = [0, 512], sizes = [16, 512], strides = [1, 1]} : vector<16x1536xf32> to vector<16x512xf32>
      %add3A_875 = arith.addf %slice3A_873, %slice3A_874 : vector<16x512xf32>
      %logistic3A_876 = arith.negf %add3A_875 : vector<16x512xf32>
      %logistic3A_877 = math.exp %logistic3A_876 : vector<16x512xf32>
      %logistic3A_878 = arith.constant 1.000000e+00 : f32
      %logistic3A_879 = vector.broadcast %logistic3A_878 : f32 to vector<16x512xf32>
      %logistic3A_880 = arith.addf %logistic3A_879, %logistic3A_877 : vector<16x512xf32>
      %logistic3A_881 = arith.divf %logistic3A_879, %logistic3A_880 : vector<16x512xf32>
      %slice3A_882 = vector.extract_strided_slice %squeeze3A_852 {offsets = [0, 1024], sizes = [16, 512], strides = [1, 1]} : vector<16x1536xf32> to vector<16x512xf32>
      %slice3A_883 = vector.extract_strided_slice %add3A_863 {offsets = [0, 1024], sizes = [16, 512], strides = [1, 1]} : vector<16x1536xf32> to vector<16x512xf32>
      %mul3A_884 = arith.mulf %logistic3A_872, %slice3A_883 : vector<16x512xf32>
      %add3A_885 = arith.addf %slice3A_882, %mul3A_884 : vector<16x512xf32>
      %tanh3A_886 = math.tanh %add3A_885 : vector<16x512xf32>
      %sub3A_887 = arith.constant 1.000000e+00 : f32
      %sub3A_888 = vector.broadcast %sub3A_887 : f32 to vector<16x512xf32>
      %sub3A_889 = arith.subf %sub3A_888, %logistic3A_881 : vector<16x512xf32>
      %mul3A_890 = arith.mulf %sub3A_889, %tanh3A_886 : vector<16x512xf32>
      %mul3A_891 = arith.mulf %logistic3A_881, %select_n3A_830 : vector<16x512xf32>
      %add3A_892 = arith.addf %mul3A_890, %mul3A_891 : vector<16x512xf32>
      %gt3A_893 = vector.broadcast %add3A_847 : i32 to vector<16x1xi32>
      %gt3A_894 = arith.cmpi sgt, %get3A_1, %gt3A_893 : vector<16x1xi32>
      %ge3A_895 = arith.constant 0 : i32
      %ge3A_896 = arith.cmpi sge, %add3A_847, %ge3A_895 : i32
      %and3A_897 = vector.broadcast %ge3A_896 : i1 to vector<16x1xi1>
      %and3A_898 = arith.andi %gt3A_894, %and3A_897 : vector<16x1xi1>
      %broadcast_in_dim3A_899 = vector.shape_cast %and3A_898 : vector<16x1xi1> to vector<16x1xi1>
      %broadcast_in_dim3A_900 = vector.broadcast %broadcast_in_dim3A_899 : vector<16x1xi1> to vector<16x512xi1>
      %select_n3A_901 = arith.select %broadcast_in_dim3A_900, %add3A_892, %select_n3A_830 : vector<16x512xi1>, vector<16x512xf32>
      %jit3A_902 = arith.constant 0.000000e+00 : f32
      %broadcast_in_dim3A_903 = vector.shape_cast %and3A_898 : vector<16x1xi1> to vector<16x1xi1>
      %broadcast_in_dim3A_904 = vector.broadcast %broadcast_in_dim3A_903 : vector<16x1xi1> to vector<16x512xi1>
      %broadcast_in_dim3A_905 = vector.broadcast %jit3A_902 : f32 to vector<16x512xf32>
      %select_n3A_906 = arith.select %broadcast_in_dim3A_904, %add3A_892, %broadcast_in_dim3A_905 : vector<16x512xi1>, vector<16x512xf32>
      %swap3A_907 = arith.constant 11 : index
      %swap3A_908 = arith.constant 0 : index
      %swap3A_909 = arith.constant 0 : index
      %swap3A_910 = vector.load %arg8[%swap3A_907, %swap3A_908, %swap3A_909] : memref<32x16x512xf32, #tpu.memory_space<vmem>>, vector<1x16x512xf32>
      %swap3A_911 = vector.shape_cast %swap3A_910 : vector<1x16x512xf32> to vector<16x512xf32>
      %swap3A_912 = vector.shape_cast %select_n3A_906 : vector<16x512xf32> to vector<1x16x512xf32>
      tpu.vector_store %arg8[%swap3A_907, %swap3A_908, %swap3A_909], %swap3A_912 {strides = array<i32>} : memref<32x16x512xf32, #tpu.memory_space<vmem>>, vector<1x16x512xf32>,
      %sub3A_913 = arith.constant 1 : i32
      %sub3A_914 = arith.subi %arg0, %sub3A_913 : i32
      %mul3A_915 = arith.constant 32 : i32
      %mul3A_916 = arith.muli %sub3A_914, %mul3A_915 : i32
      %add3A_917 = arith.constant 12 : i32
      %add3A_918 = arith.addi %mul3A_916, %add3A_917 : i32
      %get3A_919 = arith.index_cast %select_n3A_66 : i32 to index
      %get3A_920 = arith.constant 192 : index
      %get3A_921 = arith.constant 0 : index
      %get3A_922 = vector.load %arg10[%get3A_919, %get3A_920, %get3A_921] : memref<2x512x1536xf32, #tpu.memory_space<vmem>>, vector<1x16x1536xf32>
      %squeeze3A_923 = vector.shape_cast %get3A_922 : vector<1x16x1536xf32> to vector<16x1536xf32>
      %convert_element_type3A_924 = arith.truncf %select_n3A_901 : vector<16x512xf32> to vector<16x512xbf16>
      %get3A_925 = arith.constant 0 : index
      %get3A_926 = arith.constant 0 : index
      %get3A_927 = vector.load %arg6[%get3A_925, %get3A_926] : memref<1536x512xbf16, #tpu.memory_space<vmem>>, vector<1536x512xbf16>
      %dot_general3A_928 = arith.constant dense<0.000000e+00> : vector<16x1536xf32>
      %dot_general3A_929 = tpu.matmul %convert_element_type3A_924, %get3A_927, %dot_general3A_928 {dimension_numbers = #tpu.dot_dimension_numbers<[1], [1], [0], [0], [0, 0, 1, 0], [], []>, transpose_lhs_hint = false} : vector<16x512xbf16>, vector<1536x512xbf16>, vector<16x1536xf32> -> vector<16x1536xf32>
      %get3A_930 = arith.constant 0 : index
      %get3A_931 = arith.constant 0 : index
      %get3A_932 = vector.load %arg7[%get3A_930, %get3A_931] : memref<1x1536xf32, #tpu.memory_space<vmem>>, vector<1x1536xf32>
      %add3A_933 = vector.broadcast %get3A_932 : vector<1x1536xf32> to vector<16x1536xf32>
      %add3A_934 = arith.addf %dot_general3A_929, %add3A_933 : vector<16x1536xf32>
      %slice3A_935 = vector.extract_strided_slice %squeeze3A_923 {offsets = [0, 0], sizes = [16, 512], strides = [1, 1]} : vector<16x1536xf32> to vector<16x512xf32>
      %slice3A_936 = vector.extract_strided_slice %add3A_934 {offsets = [0, 0], sizes = [16, 512], strides = [1, 1]} : vector<16x1536xf32> to vector<16x512xf32>
      %add3A_937 = arith.addf %slice3A_935, %slice3A_936 : vector<16x512xf32>
      %logistic3A_938 = arith.negf %add3A_937 : vector<16x512xf32>
      %logistic3A_939 = math.exp %logistic3A_938 : vector<16x512xf32>
      %logistic3A_940 = arith.constant 1.000000e+00 : f32
      %logistic3A_941 = vector.broadcast %logistic3A_940 : f32 to vector<16x512xf32>
      %logistic3A_942 = arith.addf %logistic3A_941, %logistic3A_939 : vector<16x512xf32>
      %logistic3A_943 = arith.divf %logistic3A_941, %logistic3A_942 : vector<16x512xf32>
      %slice3A_944 = vector.extract_strided_slice %squeeze3A_923 {offsets = [0, 512], sizes = [16, 512], strides = [1, 1]} : vector<16x1536xf32> to vector<16x512xf32>
      %slice3A_945 = vector.extract_strided_slice %add3A_934 {offsets = [0, 512], sizes = [16, 512], strides = [1, 1]} : vector<16x1536xf32> to vector<16x512xf32>
      %add3A_946 = arith.addf %slice3A_944, %slice3A_945 : vector<16x512xf32>
      %logistic3A_947 = arith.negf %add3A_946 : vector<16x512xf32>
      %logistic3A_948 = math.exp %logistic3A_947 : vector<16x512xf32>
      %logistic3A_949 = arith.constant 1.000000e+00 : f32
      %logistic3A_950 = vector.broadcast %logistic3A_949 : f32 to vector<16x512xf32>
      %logistic3A_951 = arith.addf %logistic3A_950, %logistic3A_948 : vector<16x512xf32>
      %logistic3A_952 = arith.divf %logistic3A_950, %logistic3A_951 : vector<16x512xf32>
      %slice3A_953 = vector.extract_strided_slice %squeeze3A_923 {offsets = [0, 1024], sizes = [16, 512], strides = [1, 1]} : vector<16x1536xf32> to vector<16x512xf32>
      %slice3A_954 = vector.extract_strided_slice %add3A_934 {offsets = [0, 1024], sizes = [16, 512], strides = [1, 1]} : vector<16x1536xf32> to vector<16x512xf32>
      %mul3A_955 = arith.mulf %logistic3A_943, %slice3A_954 : vector<16x512xf32>
      %add3A_956 = arith.addf %slice3A_953, %mul3A_955 : vector<16x512xf32>
      %tanh3A_957 = math.tanh %add3A_956 : vector<16x512xf32>
      %sub3A_958 = arith.constant 1.000000e+00 : f32
      %sub3A_959 = vector.broadcast %sub3A_958 : f32 to vector<16x512xf32>
      %sub3A_960 = arith.subf %sub3A_959, %logistic3A_952 : vector<16x512xf32>
      %mul3A_961 = arith.mulf %sub3A_960, %tanh3A_957 : vector<16x512xf32>
      %mul3A_962 = arith.mulf %logistic3A_952, %select_n3A_901 : vector<16x512xf32>
      %add3A_963 = arith.addf %mul3A_961, %mul3A_962 : vector<16x512xf32>
      %gt3A_964 = vector.broadcast %add3A_918 : i32 to vector<16x1xi32>
      %gt3A_965 = arith.cmpi sgt, %get3A_1, %gt3A_964 : vector<16x1xi32>
      %ge3A_966 = arith.constant 0 : i32
      %ge3A_967 = arith.cmpi sge, %add3A_918, %ge3A_966 : i32
      %and3A_968 = vector.broadcast %ge3A_967 : i1 to vector<16x1xi1>
      %and3A_969 = arith.andi %gt3A_965, %and3A_968 : vector<16x1xi1>
      %broadcast_in_dim3A_970 = vector.shape_cast %and3A_969 : vector<16x1xi1> to vector<16x1xi1>
      %broadcast_in_dim3A_971 = vector.broadcast %broadcast_in_dim3A_970 : vector<16x1xi1> to vector<16x512xi1>
      %select_n3A_972 = arith.select %broadcast_in_dim3A_971, %add3A_963, %select_n3A_901 : vector<16x512xi1>, vector<16x512xf32>
      %jit3A_973 = arith.constant 0.000000e+00 : f32
      %broadcast_in_dim3A_974 = vector.shape_cast %and3A_969 : vector<16x1xi1> to vector<16x1xi1>
      %broadcast_in_dim3A_975 = vector.broadcast %broadcast_in_dim3A_974 : vector<16x1xi1> to vector<16x512xi1>
      %broadcast_in_dim3A_976 = vector.broadcast %jit3A_973 : f32 to vector<16x512xf32>
      %select_n3A_977 = arith.select %broadcast_in_dim3A_975, %add3A_963, %broadcast_in_dim3A_976 : vector<16x512xi1>, vector<16x512xf32>
      %swap3A_978 = arith.constant 12 : index
      %swap3A_979 = arith.constant 0 : index
      %swap3A_980 = arith.constant 0 : index
      %swap3A_981 = vector.load %arg8[%swap3A_978, %swap3A_979, %swap3A_980] : memref<32x16x512xf32, #tpu.memory_space<vmem>>, vector<1x16x512xf32>
      %swap3A_982 = vector.shape_cast %swap3A_981 : vector<1x16x512xf32> to vector<16x512xf32>
      %swap3A_983 = vector.shape_cast %select_n3A_977 : vector<16x512xf32> to vector<1x16x512xf32>
      tpu.vector_store %arg8[%swap3A_978, %swap3A_979, %swap3A_980], %swap3A_983 {strides = array<i32>} : memref<32x16x512xf32, #tpu.memory_space<vmem>>, vector<1x16x512xf32>,
      %sub3A_984 = arith.constant 1 : i32
      %sub3A_985 = arith.subi %arg0, %sub3A_984 : i32
      %mul3A_986 = arith.constant 32 : i32
      %mul3A_987 = arith.muli %sub3A_985, %mul3A_986 : i32
      %add3A_988 = arith.constant 13 : i32
      %add3A_989 = arith.addi %mul3A_987, %add3A_988 : i32
      %get3A_990 = arith.index_cast %select_n3A_66 : i32 to index
      %get3A_991 = arith.constant 208 : index
      %get3A_992 = arith.constant 0 : index
      %get3A_993 = vector.load %arg10[%get3A_990, %get3A_991, %get3A_992] : memref<2x512x1536xf32, #tpu.memory_space<vmem>>, vector<1x16x1536xf32>
      %squeeze3A_994 = vector.shape_cast %get3A_993 : vector<1x16x1536xf32> to vector<16x1536xf32>
      %convert_element_type3A_995 = arith.truncf %select_n3A_972 : vector<16x512xf32> to vector<16x512xbf16>
      %get3A_996 = arith.constant 0 : index
      %get3A_997 = arith.constant 0 : index
      %get3A_998 = vector.load %arg6[%get3A_996, %get3A_997] : memref<1536x512xbf16, #tpu.memory_space<vmem>>, vector<1536x512xbf16>
      %dot_general3A_999 = arith.constant dense<0.000000e+00> : vector<16x1536xf32>
      %dot_general3A_1000 = tpu.matmul %convert_element_type3A_995, %get3A_998, %dot_general3A_999 {dimension_numbers = #tpu.dot_dimension_numbers<[1], [1], [0], [0], [0, 0, 1, 0], [], []>, transpose_lhs_hint = false} : vector<16x512xbf16>, vector<1536x512xbf16>, vector<16x1536xf32> -> vector<16x1536xf32>
      %get3A_1001 = arith.constant 0 : index
      %get3A_1002 = arith.constant 0 : index
      %get3A_1003 = vector.load %arg7[%get3A_1001, %get3A_1002] : memref<1x1536xf32, #tpu.memory_space<vmem>>, vector<1x1536xf32>
      %add3A_1004 = vector.broadcast %get3A_1003 : vector<1x1536xf32> to vector<16x1536xf32>
      %add3A_1005 = arith.addf %dot_general3A_1000, %add3A_1004 : vector<16x1536xf32>
      %slice3A_1006 = vector.extract_strided_slice %squeeze3A_994 {offsets = [0, 0], sizes = [16, 512], strides = [1, 1]} : vector<16x1536xf32> to vector<16x512xf32>
      %slice3A_1007 = vector.extract_strided_slice %add3A_1005 {offsets = [0, 0], sizes = [16, 512], strides = [1, 1]} : vector<16x1536xf32> to vector<16x512xf32>
      %add3A_1008 = arith.addf %slice3A_1006, %slice3A_1007 : vector<16x512xf32>
      %logistic3A_1009 = arith.negf %add3A_1008 : vector<16x512xf32>
      %logistic3A_1010 = math.exp %logistic3A_1009 : vector<16x512xf32>
      %logistic3A_1011 = arith.constant 1.000000e+00 : f32
      %logistic3A_1012 = vector.broadcast %logistic3A_1011 : f32 to vector<16x512xf32>
      %logistic3A_1013 = arith.addf %logistic3A_1012, %logistic3A_1010 : vector<16x512xf32>
      %logistic3A_1014 = arith.divf %logistic3A_1012, %logistic3A_1013 : vector<16x512xf32>
      %slice3A_1015 = vector.extract_strided_slice %squeeze3A_994 {offsets = [0, 512], sizes = [16, 512], strides = [1, 1]} : vector<16x1536xf32> to vector<16x512xf32>
      %slice3A_1016 = vector.extract_strided_slice %add3A_1005 {offsets = [0, 512], sizes = [16, 512], strides = [1, 1]} : vector<16x1536xf32> to vector<16x512xf32>
      %add3A_1017 = arith.addf %slice3A_1015, %slice3A_1016 : vector<16x512xf32>
      %logistic3A_1018 = arith.negf %add3A_1017 : vector<16x512xf32>
      %logistic3A_1019 = math.exp %logistic3A_1018 : vector<16x512xf32>
      %logistic3A_1020 = arith.constant 1.000000e+00 : f32
      %logistic3A_1021 = vector.broadcast %logistic3A_1020 : f32 to vector<16x512xf32>
      %logistic3A_1022 = arith.addf %logistic3A_1021, %logistic3A_1019 : vector<16x512xf32>
      %logistic3A_1023 = arith.divf %logistic3A_1021, %logistic3A_1022 : vector<16x512xf32>
      %slice3A_1024 = vector.extract_strided_slice %squeeze3A_994 {offsets = [0, 1024], sizes = [16, 512], strides = [1, 1]} : vector<16x1536xf32> to vector<16x512xf32>
      %slice3A_1025 = vector.extract_strided_slice %add3A_1005 {offsets = [0, 1024], sizes = [16, 512], strides = [1, 1]} : vector<16x1536xf32> to vector<16x512xf32>
      %mul3A_1026 = arith.mulf %logistic3A_1014, %slice3A_1025 : vector<16x512xf32>
      %add3A_1027 = arith.addf %slice3A_1024, %mul3A_1026 : vector<16x512xf32>
      %tanh3A_1028 = math.tanh %add3A_1027 : vector<16x512xf32>
      %sub3A_1029 = arith.constant 1.000000e+00 : f32
      %sub3A_1030 = vector.broadcast %sub3A_1029 : f32 to vector<16x512xf32>
      %sub3A_1031 = arith.subf %sub3A_1030, %logistic3A_1023 : vector<16x512xf32>
      %mul3A_1032 = arith.mulf %sub3A_1031, %tanh3A_1028 : vector<16x512xf32>
      %mul3A_1033 = arith.mulf %logistic3A_1023, %select_n3A_972 : vector<16x512xf32>
      %add3A_1034 = arith.addf %mul3A_1032, %mul3A_1033 : vector<16x512xf32>
      %gt3A_1035 = vector.broadcast %add3A_989 : i32 to vector<16x1xi32>
      %gt3A_1036 = arith.cmpi sgt, %get3A_1, %gt3A_1035 : vector<16x1xi32>
      %ge3A_1037 = arith.constant 0 : i32
      %ge3A_1038 = arith.cmpi sge, %add3A_989, %ge3A_1037 : i32
      %and3A_1039 = vector.broadcast %ge3A_1038 : i1 to vector<16x1xi1>
      %and3A_1040 = arith.andi %gt3A_1036, %and3A_1039 : vector<16x1xi1>
      %broadcast_in_dim3A_1041 = vector.shape_cast %and3A_1040 : vector<16x1xi1> to vector<16x1xi1>
      %broadcast_in_dim3A_1042 = vector.broadcast %broadcast_in_dim3A_1041 : vector<16x1xi1> to vector<16x512xi1>
      %select_n3A_1043 = arith.select %broadcast_in_dim3A_1042, %add3A_1034, %select_n3A_972 : vector<16x512xi1>, vector<16x512xf32>
      %jit3A_1044 = arith.constant 0.000000e+00 : f32
      %broadcast_in_dim3A_1045 = vector.shape_cast %and3A_1040 : vector<16x1xi1> to vector<16x1xi1>
      %broadcast_in_dim3A_1046 = vector.broadcast %broadcast_in_dim3A_1045 : vector<16x1xi1> to vector<16x512xi1>
      %broadcast_in_dim3A_1047 = vector.broadcast %jit3A_1044 : f32 to vector<16x512xf32>
      %select_n3A_1048 = arith.select %broadcast_in_dim3A_1046, %add3A_1034, %broadcast_in_dim3A_1047 : vector<16x512xi1>, vector<16x512xf32>
      %swap3A_1049 = arith.constant 13 : index
      %swap3A_1050 = arith.constant 0 : index
      %swap3A_1051 = arith.constant 0 : index
      %swap3A_1052 = vector.load %arg8[%swap3A_1049, %swap3A_1050, %swap3A_1051] : memref<32x16x512xf32, #tpu.memory_space<vmem>>, vector<1x16x512xf32>
      %swap3A_1053 = vector.shape_cast %swap3A_1052 : vector<1x16x512xf32> to vector<16x512xf32>
      %swap3A_1054 = vector.shape_cast %select_n3A_1048 : vector<16x512xf32> to vector<1x16x512xf32>
      tpu.vector_store %arg8[%swap3A_1049, %swap3A_1050, %swap3A_1051], %swap3A_1054 {strides = array<i32>} : memref<32x16x512xf32, #tpu.memory_space<vmem>>, vector<1x16x512xf32>,
      %sub3A_1055 = arith.constant 1 : i32
      %sub3A_1056 = arith.subi %arg0, %sub3A_1055 : i32
      %mul3A_1057 = arith.constant 32 : i32
      %mul3A_1058 = arith.muli %sub3A_1056, %mul3A_1057 : i32
      %add3A_1059 = arith.constant 14 : i32
      %add3A_1060 = arith.addi %mul3A_1058, %add3A_1059 : i32
      %get3A_1061 = arith.index_cast %select_n3A_66 : i32 to index
      %get3A_1062 = arith.constant 224 : index
      %get3A_1063 = arith.constant 0 : index
      %get3A_1064 = vector.load %arg10[%get3A_1061, %get3A_1062, %get3A_1063] : memref<2x512x1536xf32, #tpu.memory_space<vmem>>, vector<1x16x1536xf32>
      %squeeze3A_1065 = vector.shape_cast %get3A_1064 : vector<1x16x1536xf32> to vector<16x1536xf32>
      %convert_element_type3A_1066 = arith.truncf %select_n3A_1043 : vector<16x512xf32> to vector<16x512xbf16>
      %get3A_1067 = arith.constant 0 : index
      %get3A_1068 = arith.constant 0 : index
      %get3A_1069 = vector.load %arg6[%get3A_1067, %get3A_1068] : memref<1536x512xbf16, #tpu.memory_space<vmem>>, vector<1536x512xbf16>
      %dot_general3A_1070 = arith.constant dense<0.000000e+00> : vector<16x1536xf32>
      %dot_general3A_1071 = tpu.matmul %convert_element_type3A_1066, %get3A_1069, %dot_general3A_1070 {dimension_numbers = #tpu.dot_dimension_numbers<[1], [1], [0], [0], [0, 0, 1, 0], [], []>, transpose_lhs_hint = false} : vector<16x512xbf16>, vector<1536x512xbf16>, vector<16x1536xf32> -> vector<16x1536xf32>
      %get3A_1072 = arith.constant 0 : index
      %get3A_1073 = arith.constant 0 : index
      %get3A_1074 = vector.load %arg7[%get3A_1072, %get3A_1073] : memref<1x1536xf32, #tpu.memory_space<vmem>>, vector<1x1536xf32>
      %add3A_1075 = vector.broadcast %get3A_1074 : vector<1x1536xf32> to vector<16x1536xf32>
      %add3A_1076 = arith.addf %dot_general3A_1071, %add3A_1075 : vector<16x1536xf32>
      %slice3A_1077 = vector.extract_strided_slice %squeeze3A_1065 {offsets = [0, 0], sizes = [16, 512], strides = [1, 1]} : vector<16x1536xf32> to vector<16x512xf32>
      %slice3A_1078 = vector.extract_strided_slice %add3A_1076 {offsets = [0, 0], sizes = [16, 512], strides = [1, 1]} : vector<16x1536xf32> to vector<16x512xf32>
      %add3A_1079 = arith.addf %slice3A_1077, %slice3A_1078 : vector<16x512xf32>
      %logistic3A_1080 = arith.negf %add3A_1079 : vector<16x512xf32>
      %logistic3A_1081 = math.exp %logistic3A_1080 : vector<16x512xf32>
      %logistic3A_1082 = arith.constant 1.000000e+00 : f32
      %logistic3A_1083 = vector.broadcast %logistic3A_1082 : f32 to vector<16x512xf32>
      %logistic3A_1084 = arith.addf %logistic3A_1083, %logistic3A_1081 : vector<16x512xf32>
      %logistic3A_1085 = arith.divf %logistic3A_1083, %logistic3A_1084 : vector<16x512xf32>
      %slice3A_1086 = vector.extract_strided_slice %squeeze3A_1065 {offsets = [0, 512], sizes = [16, 512], strides = [1, 1]} : vector<16x1536xf32> to vector<16x512xf32>
      %slice3A_1087 = vector.extract_strided_slice %add3A_1076 {offsets = [0, 512], sizes = [16, 512], strides = [1, 1]} : vector<16x1536xf32> to vector<16x512xf32>
      %add3A_1088 = arith.addf %slice3A_1086, %slice3A_1087 : vector<16x512xf32>
      %logistic3A_1089 = arith.negf %add3A_1088 : vector<16x512xf32>
      %logistic3A_1090 = math.exp %logistic3A_1089 : vector<16x512xf32>
      %logistic3A_1091 = arith.constant 1.000000e+00 : f32
      %logistic3A_1092 = vector.broadcast %logistic3A_1091 : f32 to vector<16x512xf32>
      %logistic3A_1093 = arith.addf %logistic3A_1092, %logistic3A_1090 : vector<16x512xf32>
      %logistic3A_1094 = arith.divf %logistic3A_1092, %logistic3A_1093 : vector<16x512xf32>
      %slice3A_1095 = vector.extract_strided_slice %squeeze3A_1065 {offsets = [0, 1024], sizes = [16, 512], strides = [1, 1]} : vector<16x1536xf32> to vector<16x512xf32>
      %slice3A_1096 = vector.extract_strided_slice %add3A_1076 {offsets = [0, 1024], sizes = [16, 512], strides = [1, 1]} : vector<16x1536xf32> to vector<16x512xf32>
      %mul3A_1097 = arith.mulf %logistic3A_1085, %slice3A_1096 : vector<16x512xf32>
      %add3A_1098 = arith.addf %slice3A_1095, %mul3A_1097 : vector<16x512xf32>
      %tanh3A_1099 = math.tanh %add3A_1098 : vector<16x512xf32>
      %sub3A_1100 = arith.constant 1.000000e+00 : f32
      %sub3A_1101 = vector.broadcast %sub3A_1100 : f32 to vector<16x512xf32>
      %sub3A_1102 = arith.subf %sub3A_1101, %logistic3A_1094 : vector<16x512xf32>
      %mul3A_1103 = arith.mulf %sub3A_1102, %tanh3A_1099 : vector<16x512xf32>
      %mul3A_1104 = arith.mulf %logistic3A_1094, %select_n3A_1043 : vector<16x512xf32>
      %add3A_1105 = arith.addf %mul3A_1103, %mul3A_1104 : vector<16x512xf32>
      %gt3A_1106 = vector.broadcast %add3A_1060 : i32 to vector<16x1xi32>
      %gt3A_1107 = arith.cmpi sgt, %get3A_1, %gt3A_1106 : vector<16x1xi32>
      %ge3A_1108 = arith.constant 0 : i32
      %ge3A_1109 = arith.cmpi sge, %add3A_1060, %ge3A_1108 : i32
      %and3A_1110 = vector.broadcast %ge3A_1109 : i1 to vector<16x1xi1>
      %and3A_1111 = arith.andi %gt3A_1107, %and3A_1110 : vector<16x1xi1>
      %broadcast_in_dim3A_1112 = vector.shape_cast %and3A_1111 : vector<16x1xi1> to vector<16x1xi1>
      %broadcast_in_dim3A_1113 = vector.broadcast %broadcast_in_dim3A_1112 : vector<16x1xi1> to vector<16x512xi1>
      %select_n3A_1114 = arith.select %broadcast_in_dim3A_1113, %add3A_1105, %select_n3A_1043 : vector<16x512xi1>, vector<16x512xf32>
      %jit3A_1115 = arith.constant 0.000000e+00 : f32
      %broadcast_in_dim3A_1116 = vector.shape_cast %and3A_1111 : vector<16x1xi1> to vector<16x1xi1>
      %broadcast_in_dim3A_1117 = vector.broadcast %broadcast_in_dim3A_1116 : vector<16x1xi1> to vector<16x512xi1>
      %broadcast_in_dim3A_1118 = vector.broadcast %jit3A_1115 : f32 to vector<16x512xf32>
      %select_n3A_1119 = arith.select %broadcast_in_dim3A_1117, %add3A_1105, %broadcast_in_dim3A_1118 : vector<16x512xi1>, vector<16x512xf32>
      %swap3A_1120 = arith.constant 14 : index
      %swap3A_1121 = arith.constant 0 : index
      %swap3A_1122 = arith.constant 0 : index
      %swap3A_1123 = vector.load %arg8[%swap3A_1120, %swap3A_1121, %swap3A_1122] : memref<32x16x512xf32, #tpu.memory_space<vmem>>, vector<1x16x512xf32>
      %swap3A_1124 = vector.shape_cast %swap3A_1123 : vector<1x16x512xf32> to vector<16x512xf32>
      %swap3A_1125 = vector.shape_cast %select_n3A_1119 : vector<16x512xf32> to vector<1x16x512xf32>
      tpu.vector_store %arg8[%swap3A_1120, %swap3A_1121, %swap3A_1122], %swap3A_1125 {strides = array<i32>} : memref<32x16x512xf32, #tpu.memory_space<vmem>>, vector<1x16x512xf32>,
      %sub3A_1126 = arith.constant 1 : i32
      %sub3A_1127 = arith.subi %arg0, %sub3A_1126 : i32
      %mul3A_1128 = arith.constant 32 : i32
      %mul3A_1129 = arith.muli %sub3A_1127, %mul3A_1128 : i32
      %add3A_1130 = arith.constant 15 : i32
      %add3A_1131 = arith.addi %mul3A_1129, %add3A_1130 : i32
      %get3A_1132 = arith.index_cast %select_n3A_66 : i32 to index
      %get3A_1133 = arith.constant 240 : index
      %get3A_1134 = arith.constant 0 : index
      %get3A_1135 = vector.load %arg10[%get3A_1132, %get3A_1133, %get3A_1134] : memref<2x512x1536xf32, #tpu.memory_space<vmem>>, vector<1x16x1536xf32>
      %squeeze3A_1136 = vector.shape_cast %get3A_1135 : vector<1x16x1536xf32> to vector<16x1536xf32>
      %convert_element_type3A_1137 = arith.truncf %select_n3A_1114 : vector<16x512xf32> to vector<16x512xbf16>
      %get3A_1138 = arith.constant 0 : index
      %get3A_1139 = arith.constant 0 : index
      %get3A_1140 = vector.load %arg6[%get3A_1138, %get3A_1139] : memref<1536x512xbf16, #tpu.memory_space<vmem>>, vector<1536x512xbf16>
      %dot_general3A_1141 = arith.constant dense<0.000000e+00> : vector<16x1536xf32>
      %dot_general3A_1142 = tpu.matmul %convert_element_type3A_1137, %get3A_1140, %dot_general3A_1141 {dimension_numbers = #tpu.dot_dimension_numbers<[1], [1], [0], [0], [0, 0, 1, 0], [], []>, transpose_lhs_hint = false} : vector<16x512xbf16>, vector<1536x512xbf16>, vector<16x1536xf32> -> vector<16x1536xf32>
      %get3A_1143 = arith.constant 0 : index
      %get3A_1144 = arith.constant 0 : index
      %get3A_1145 = vector.load %arg7[%get3A_1143, %get3A_1144] : memref<1x1536xf32, #tpu.memory_space<vmem>>, vector<1x1536xf32>
      %add3A_1146 = vector.broadcast %get3A_1145 : vector<1x1536xf32> to vector<16x1536xf32>
      %add3A_1147 = arith.addf %dot_general3A_1142, %add3A_1146 : vector<16x1536xf32>
      %slice3A_1148 = vector.extract_strided_slice %squeeze3A_1136 {offsets = [0, 0], sizes = [16, 512], strides = [1, 1]} : vector<16x1536xf32> to vector<16x512xf32>
      %slice3A_1149 = vector.extract_strided_slice %add3A_1147 {offsets = [0, 0], sizes = [16, 512], strides = [1, 1]} : vector<16x1536xf32> to vector<16x512xf32>
      %add3A_1150 = arith.addf %slice3A_1148, %slice3A_1149 : vector<16x512xf32>
      %logistic3A_1151 = arith.negf %add3A_1150 : vector<16x512xf32>
      %logistic3A_1152 = math.exp %logistic3A_1151 : vector<16x512xf32>
      %logistic3A_1153 = arith.constant 1.000000e+00 : f32
      %logistic3A_1154 = vector.broadcast %logistic3A_1153 : f32 to vector<16x512xf32>
      %logistic3A_1155 = arith.addf %logistic3A_1154, %logistic3A_1152 : vector<16x512xf32>
      %logistic3A_1156 = arith.divf %logistic3A_1154, %logistic3A_1155 : vector<16x512xf32>
      %slice3A_1157 = vector.extract_strided_slice %squeeze3A_1136 {offsets = [0, 512], sizes = [16, 512], strides = [1, 1]} : vector<16x1536xf32> to vector<16x512xf32>
      %slice3A_1158 = vector.extract_strided_slice %add3A_1147 {offsets = [0, 512], sizes = [16, 512], strides = [1, 1]} : vector<16x1536xf32> to vector<16x512xf32>
      %add3A_1159 = arith.addf %slice3A_1157, %slice3A_1158 : vector<16x512xf32>
      %logistic3A_1160 = arith.negf %add3A_1159 : vector<16x512xf32>
      %logistic3A_1161 = math.exp %logistic3A_1160 : vector<16x512xf32>
      %logistic3A_1162 = arith.constant 1.000000e+00 : f32
      %logistic3A_1163 = vector.broadcast %logistic3A_1162 : f32 to vector<16x512xf32>
      %logistic3A_1164 = arith.addf %logistic3A_1163, %logistic3A_1161 : vector<16x512xf32>
      %logistic3A_1165 = arith.divf %logistic3A_1163, %logistic3A_1164 : vector<16x512xf32>
      %slice3A_1166 = vector.extract_strided_slice %squeeze3A_1136 {offsets = [0, 1024], sizes = [16, 512], strides = [1, 1]} : vector<16x1536xf32> to vector<16x512xf32>
      %slice3A_1167 = vector.extract_strided_slice %add3A_1147 {offsets = [0, 1024], sizes = [16, 512], strides = [1, 1]} : vector<16x1536xf32> to vector<16x512xf32>
      %mul3A_1168 = arith.mulf %logistic3A_1156, %slice3A_1167 : vector<16x512xf32>
      %add3A_1169 = arith.addf %slice3A_1166, %mul3A_1168 : vector<16x512xf32>
      %tanh3A_1170 = math.tanh %add3A_1169 : vector<16x512xf32>
      %sub3A_1171 = arith.constant 1.000000e+00 : f32
      %sub3A_1172 = vector.broadcast %sub3A_1171 : f32 to vector<16x512xf32>
      %sub3A_1173 = arith.subf %sub3A_1172, %logistic3A_1165 : vector<16x512xf32>
      %mul3A_1174 = arith.mulf %sub3A_1173, %tanh3A_1170 : vector<16x512xf32>
      %mul3A_1175 = arith.mulf %logistic3A_1165, %select_n3A_1114 : vector<16x512xf32>
      %add3A_1176 = arith.addf %mul3A_1174, %mul3A_1175 : vector<16x512xf32>
      %gt3A_1177 = vector.broadcast %add3A_1131 : i32 to vector<16x1xi32>
      %gt3A_1178 = arith.cmpi sgt, %get3A_1, %gt3A_1177 : vector<16x1xi32>
      %ge3A_1179 = arith.constant 0 : i32
      %ge3A_1180 = arith.cmpi sge, %add3A_1131, %ge3A_1179 : i32
      %and3A_1181 = vector.broadcast %ge3A_1180 : i1 to vector<16x1xi1>
      %and3A_1182 = arith.andi %gt3A_1178, %and3A_1181 : vector<16x1xi1>
      %broadcast_in_dim3A_1183 = vector.shape_cast %and3A_1182 : vector<16x1xi1> to vector<16x1xi1>
      %broadcast_in_dim3A_1184 = vector.broadcast %broadcast_in_dim3A_1183 : vector<16x1xi1> to vector<16x512xi1>
      %select_n3A_1185 = arith.select %broadcast_in_dim3A_1184, %add3A_1176, %select_n3A_1114 : vector<16x512xi1>, vector<16x512xf32>
      %jit3A_1186 = arith.constant 0.000000e+00 : f32
      %broadcast_in_dim3A_1187 = vector.shape_cast %and3A_1182 : vector<16x1xi1> to vector<16x1xi1>
      %broadcast_in_dim3A_1188 = vector.broadcast %broadcast_in_dim3A_1187 : vector<16x1xi1> to vector<16x512xi1>
      %broadcast_in_dim3A_1189 = vector.broadcast %jit3A_1186 : f32 to vector<16x512xf32>
      %select_n3A_1190 = arith.select %broadcast_in_dim3A_1188, %add3A_1176, %broadcast_in_dim3A_1189 : vector<16x512xi1>, vector<16x512xf32>
      %swap3A_1191 = arith.constant 15 : index
      %swap3A_1192 = arith.constant 0 : index
      %swap3A_1193 = arith.constant 0 : index
      %swap3A_1194 = vector.load %arg8[%swap3A_1191, %swap3A_1192, %swap3A_1193] : memref<32x16x512xf32, #tpu.memory_space<vmem>>, vector<1x16x512xf32>
      %swap3A_1195 = vector.shape_cast %swap3A_1194 : vector<1x16x512xf32> to vector<16x512xf32>
      %swap3A_1196 = vector.shape_cast %select_n3A_1190 : vector<16x512xf32> to vector<1x16x512xf32>
      tpu.vector_store %arg8[%swap3A_1191, %swap3A_1192, %swap3A_1193], %swap3A_1196 {strides = array<i32>} : memref<32x16x512xf32, #tpu.memory_space<vmem>>, vector<1x16x512xf32>,
      %sub3A_1197 = arith.constant 1 : i32
      %sub3A_1198 = arith.subi %arg0, %sub3A_1197 : i32
      %mul3A_1199 = arith.constant 32 : i32
      %mul3A_1200 = arith.muli %sub3A_1198, %mul3A_1199 : i32
      %add3A_1201 = arith.constant 16 : i32
      %add3A_1202 = arith.addi %mul3A_1200, %add3A_1201 : i32
      %get3A_1203 = arith.index_cast %select_n3A_66 : i32 to index
      %get3A_1204 = arith.constant 256 : index
      %get3A_1205 = arith.constant 0 : index
      %get3A_1206 = vector.load %arg10[%get3A_1203, %get3A_1204, %get3A_1205] : memref<2x512x1536xf32, #tpu.memory_space<vmem>>, vector<1x16x1536xf32>
      %squeeze3A_1207 = vector.shape_cast %get3A_1206 : vector<1x16x1536xf32> to vector<16x1536xf32>
      %convert_element_type3A_1208 = arith.truncf %select_n3A_1185 : vector<16x512xf32> to vector<16x512xbf16>
      %get3A_1209 = arith.constant 0 : index
      %get3A_1210 = arith.constant 0 : index
      %get3A_1211 = vector.load %arg6[%get3A_1209, %get3A_1210] : memref<1536x512xbf16, #tpu.memory_space<vmem>>, vector<1536x512xbf16>
      %dot_general3A_1212 = arith.constant dense<0.000000e+00> : vector<16x1536xf32>
      %dot_general3A_1213 = tpu.matmul %convert_element_type3A_1208, %get3A_1211, %dot_general3A_1212 {dimension_numbers = #tpu.dot_dimension_numbers<[1], [1], [0], [0], [0, 0, 1, 0], [], []>, transpose_lhs_hint = false} : vector<16x512xbf16>, vector<1536x512xbf16>, vector<16x1536xf32> -> vector<16x1536xf32>
      %get3A_1214 = arith.constant 0 : index
      %get3A_1215 = arith.constant 0 : index
      %get3A_1216 = vector.load %arg7[%get3A_1214, %get3A_1215] : memref<1x1536xf32, #tpu.memory_space<vmem>>, vector<1x1536xf32>
      %add3A_1217 = vector.broadcast %get3A_1216 : vector<1x1536xf32> to vector<16x1536xf32>
      %add3A_1218 = arith.addf %dot_general3A_1213, %add3A_1217 : vector<16x1536xf32>
      %slice3A_1219 = vector.extract_strided_slice %squeeze3A_1207 {offsets = [0, 0], sizes = [16, 512], strides = [1, 1]} : vector<16x1536xf32> to vector<16x512xf32>
      %slice3A_1220 = vector.extract_strided_slice %add3A_1218 {offsets = [0, 0], sizes = [16, 512], strides = [1, 1]} : vector<16x1536xf32> to vector<16x512xf32>
      %add3A_1221 = arith.addf %slice3A_1219, %slice3A_1220 : vector<16x512xf32>
      %logistic3A_1222 = arith.negf %add3A_1221 : vector<16x512xf32>
      %logistic3A_1223 = math.exp %logistic3A_1222 : vector<16x512xf32>
      %logistic3A_1224 = arith.constant 1.000000e+00 : f32
      %logistic3A_1225 = vector.broadcast %logistic3A_1224 : f32 to vector<16x512xf32>
      %logistic3A_1226 = arith.addf %logistic3A_1225, %logistic3A_1223 : vector<16x512xf32>
      %logistic3A_1227 = arith.divf %logistic3A_1225, %logistic3A_1226 : vector<16x512xf32>
      %slice3A_1228 = vector.extract_strided_slice %squeeze3A_1207 {offsets = [0, 512], sizes = [16, 512], strides = [1, 1]} : vector<16x1536xf32> to vector<16x512xf32>
      %slice3A_1229 = vector.extract_strided_slice %add3A_1218 {offsets = [0, 512], sizes = [16, 512], strides = [1, 1]} : vector<16x1536xf32> to vector<16x512xf32>
      %add3A_1230 = arith.addf %slice3A_1228, %slice3A_1229 : vector<16x512xf32>
      %logistic3A_1231 = arith.negf %add3A_1230 : vector<16x512xf32>
      %logistic3A_1232 = math.exp %logistic3A_1231 : vector<16x512xf32>
      %logistic3A_1233 = arith.constant 1.000000e+00 : f32
      %logistic3A_1234 = vector.broadcast %logistic3A_1233 : f32 to vector<16x512xf32>
      %logistic3A_1235 = arith.addf %logistic3A_1234, %logistic3A_1232 : vector<16x512xf32>
      %logistic3A_1236 = arith.divf %logistic3A_1234, %logistic3A_1235 : vector<16x512xf32>
      %slice3A_1237 = vector.extract_strided_slice %squeeze3A_1207 {offsets = [0, 1024], sizes = [16, 512], strides = [1, 1]} : vector<16x1536xf32> to vector<16x512xf32>
      %slice3A_1238 = vector.extract_strided_slice %add3A_1218 {offsets = [0, 1024], sizes = [16, 512], strides = [1, 1]} : vector<16x1536xf32> to vector<16x512xf32>
      %mul3A_1239 = arith.mulf %logistic3A_1227, %slice3A_1238 : vector<16x512xf32>
      %add3A_1240 = arith.addf %slice3A_1237, %mul3A_1239 : vector<16x512xf32>
      %tanh3A_1241 = math.tanh %add3A_1240 : vector<16x512xf32>
      %sub3A_1242 = arith.constant 1.000000e+00 : f32
      %sub3A_1243 = vector.broadcast %sub3A_1242 : f32 to vector<16x512xf32>
      %sub3A_1244 = arith.subf %sub3A_1243, %logistic3A_1236 : vector<16x512xf32>
      %mul3A_1245 = arith.mulf %sub3A_1244, %tanh3A_1241 : vector<16x512xf32>
      %mul3A_1246 = arith.mulf %logistic3A_1236, %select_n3A_1185 : vector<16x512xf32>
      %add3A_1247 = arith.addf %mul3A_1245, %mul3A_1246 : vector<16x512xf32>
      %gt3A_1248 = vector.broadcast %add3A_1202 : i32 to vector<16x1xi32>
      %gt3A_1249 = arith.cmpi sgt, %get3A_1, %gt3A_1248 : vector<16x1xi32>
      %ge3A_1250 = arith.constant 0 : i32
      %ge3A_1251 = arith.cmpi sge, %add3A_1202, %ge3A_1250 : i32
      %and3A_1252 = vector.broadcast %ge3A_1251 : i1 to vector<16x1xi1>
      %and3A_1253 = arith.andi %gt3A_1249, %and3A_1252 : vector<16x1xi1>
      %broadcast_in_dim3A_1254 = vector.shape_cast %and3A_1253 : vector<16x1xi1> to vector<16x1xi1>
      %broadcast_in_dim3A_1255 = vector.broadcast %broadcast_in_dim3A_1254 : vector<16x1xi1> to vector<16x512xi1>
      %select_n3A_1256 = arith.select %broadcast_in_dim3A_1255, %add3A_1247, %select_n3A_1185 : vector<16x512xi1>, vector<16x512xf32>
      %jit3A_1257 = arith.constant 0.000000e+00 : f32
      %broadcast_in_dim3A_1258 = vector.shape_cast %and3A_1253 : vector<16x1xi1> to vector<16x1xi1>
      %broadcast_in_dim3A_1259 = vector.broadcast %broadcast_in_dim3A_1258 : vector<16x1xi1> to vector<16x512xi1>
      %broadcast_in_dim3A_1260 = vector.broadcast %jit3A_1257 : f32 to vector<16x512xf32>
      %select_n3A_1261 = arith.select %broadcast_in_dim3A_1259, %add3A_1247, %broadcast_in_dim3A_1260 : vector<16x512xi1>, vector<16x512xf32>
      %swap3A_1262 = arith.constant 16 : index
      %swap3A_1263 = arith.constant 0 : index
      %swap3A_1264 = arith.constant 0 : index
      %swap3A_1265 = vector.load %arg8[%swap3A_1262, %swap3A_1263, %swap3A_1264] : memref<32x16x512xf32, #tpu.memory_space<vmem>>, vector<1x16x512xf32>
      %swap3A_1266 = vector.shape_cast %swap3A_1265 : vector<1x16x512xf32> to vector<16x512xf32>
      %swap3A_1267 = vector.shape_cast %select_n3A_1261 : vector<16x512xf32> to vector<1x16x512xf32>
      tpu.vector_store %arg8[%swap3A_1262, %swap3A_1263, %swap3A_1264], %swap3A_1267 {strides = array<i32>} : memref<32x16x512xf32, #tpu.memory_space<vmem>>, vector<1x16x512xf32>,
      %sub3A_1268 = arith.constant 1 : i32
      %sub3A_1269 = arith.subi %arg0, %sub3A_1268 : i32
      %mul3A_1270 = arith.constant 32 : i32
      %mul3A_1271 = arith.muli %sub3A_1269, %mul3A_1270 : i32
      %add3A_1272 = arith.constant 17 : i32
      %add3A_1273 = arith.addi %mul3A_1271, %add3A_1272 : i32
      %get3A_1274 = arith.index_cast %select_n3A_66 : i32 to index
      %get3A_1275 = arith.constant 272 : index
      %get3A_1276 = arith.constant 0 : index
      %get3A_1277 = vector.load %arg10[%get3A_1274, %get3A_1275, %get3A_1276] : memref<2x512x1536xf32, #tpu.memory_space<vmem>>, vector<1x16x1536xf32>
      %squeeze3A_1278 = vector.shape_cast %get3A_1277 : vector<1x16x1536xf32> to vector<16x1536xf32>
      %convert_element_type3A_1279 = arith.truncf %select_n3A_1256 : vector<16x512xf32> to vector<16x512xbf16>
      %get3A_1280 = arith.constant 0 : index
      %get3A_1281 = arith.constant 0 : index
      %get3A_1282 = vector.load %arg6[%get3A_1280, %get3A_1281] : memref<1536x512xbf16, #tpu.memory_space<vmem>>, vector<1536x512xbf16>
      %dot_general3A_1283 = arith.constant dense<0.000000e+00> : vector<16x1536xf32>
      %dot_general3A_1284 = tpu.matmul %convert_element_type3A_1279, %get3A_1282, %dot_general3A_1283 {dimension_numbers = #tpu.dot_dimension_numbers<[1], [1], [0], [0], [0, 0, 1, 0], [], []>, transpose_lhs_hint = false} : vector<16x512xbf16>, vector<1536x512xbf16>, vector<16x1536xf32> -> vector<16x1536xf32>
      %get3A_1285 = arith.constant 0 : index
      %get3A_1286 = arith.constant 0 : index
      %get3A_1287 = vector.load %arg7[%get3A_1285, %get3A_1286] : memref<1x1536xf32, #tpu.memory_space<vmem>>, vector<1x1536xf32>
      %add3A_1288 = vector.broadcast %get3A_1287 : vector<1x1536xf32> to vector<16x1536xf32>
      %add3A_1289 = arith.addf %dot_general3A_1284, %add3A_1288 : vector<16x1536xf32>
      %slice3A_1290 = vector.extract_strided_slice %squeeze3A_1278 {offsets = [0, 0], sizes = [16, 512], strides = [1, 1]} : vector<16x1536xf32> to vector<16x512xf32>
      %slice3A_1291 = vector.extract_strided_slice %add3A_1289 {offsets = [0, 0], sizes = [16, 512], strides = [1, 1]} : vector<16x1536xf32> to vector<16x512xf32>
      %add3A_1292 = arith.addf %slice3A_1290, %slice3A_1291 : vector<16x512xf32>
      %logistic3A_1293 = arith.negf %add3A_1292 : vector<16x512xf32>
      %logistic3A_1294 = math.exp %logistic3A_1293 : vector<16x512xf32>
      %logistic3A_1295 = arith.constant 1.000000e+00 : f32
      %logistic3A_1296 = vector.broadcast %logistic3A_1295 : f32 to vector<16x512xf32>
      %logistic3A_1297 = arith.addf %logistic3A_1296, %logistic3A_1294 : vector<16x512xf32>
      %logistic3A_1298 = arith.divf %logistic3A_1296, %logistic3A_1297 : vector<16x512xf32>
      %slice3A_1299 = vector.extract_strided_slice %squeeze3A_1278 {offsets = [0, 512], sizes = [16, 512], strides = [1, 1]} : vector<16x1536xf32> to vector<16x512xf32>
      %slice3A_1300 = vector.extract_strided_slice %add3A_1289 {offsets = [0, 512], sizes = [16, 512], strides = [1, 1]} : vector<16x1536xf32> to vector<16x512xf32>
      %add3A_1301 = arith.addf %slice3A_1299, %slice3A_1300 : vector<16x512xf32>
      %logistic3A_1302 = arith.negf %add3A_1301 : vector<16x512xf32>
      %logistic3A_1303 = math.exp %logistic3A_1302 : vector<16x512xf32>
      %logistic3A_1304 = arith.constant 1.000000e+00 : f32
      %logistic3A_1305 = vector.broadcast %logistic3A_1304 : f32 to vector<16x512xf32>
      %logistic3A_1306 = arith.addf %logistic3A_1305, %logistic3A_1303 : vector<16x512xf32>
      %logistic3A_1307 = arith.divf %logistic3A_1305, %logistic3A_1306 : vector<16x512xf32>
      %slice3A_1308 = vector.extract_strided_slice %squeeze3A_1278 {offsets = [0, 1024], sizes = [16, 512], strides = [1, 1]} : vector<16x1536xf32> to vector<16x512xf32>
      %slice3A_1309 = vector.extract_strided_slice %add3A_1289 {offsets = [0, 1024], sizes = [16, 512], strides = [1, 1]} : vector<16x1536xf32> to vector<16x512xf32>
      %mul3A_1310 = arith.mulf %logistic3A_1298, %slice3A_1309 : vector<16x512xf32>
      %add3A_1311 = arith.addf %slice3A_1308, %mul3A_1310 : vector<16x512xf32>
      %tanh3A_1312 = math.tanh %add3A_1311 : vector<16x512xf32>
      %sub3A_1313 = arith.constant 1.000000e+00 : f32
      %sub3A_1314 = vector.broadcast %sub3A_1313 : f32 to vector<16x512xf32>
      %sub3A_1315 = arith.subf %sub3A_1314, %logistic3A_1307 : vector<16x512xf32>
      %mul3A_1316 = arith.mulf %sub3A_1315, %tanh3A_1312 : vector<16x512xf32>
      %mul3A_1317 = arith.mulf %logistic3A_1307, %select_n3A_1256 : vector<16x512xf32>
      %add3A_1318 = arith.addf %mul3A_1316, %mul3A_1317 : vector<16x512xf32>
      %gt3A_1319 = vector.broadcast %add3A_1273 : i32 to vector<16x1xi32>
      %gt3A_1320 = arith.cmpi sgt, %get3A_1, %gt3A_1319 : vector<16x1xi32>
      %ge3A_1321 = arith.constant 0 : i32
      %ge3A_1322 = arith.cmpi sge, %add3A_1273, %ge3A_1321 : i32
      %and3A_1323 = vector.broadcast %ge3A_1322 : i1 to vector<16x1xi1>
      %and3A_1324 = arith.andi %gt3A_1320, %and3A_1323 : vector<16x1xi1>
      %broadcast_in_dim3A_1325 = vector.shape_cast %and3A_1324 : vector<16x1xi1> to vector<16x1xi1>
      %broadcast_in_dim3A_1326 = vector.broadcast %broadcast_in_dim3A_1325 : vector<16x1xi1> to vector<16x512xi1>
      %select_n3A_1327 = arith.select %broadcast_in_dim3A_1326, %add3A_1318, %select_n3A_1256 : vector<16x512xi1>, vector<16x512xf32>
      %jit3A_1328 = arith.constant 0.000000e+00 : f32
      %broadcast_in_dim3A_1329 = vector.shape_cast %and3A_1324 : vector<16x1xi1> to vector<16x1xi1>
      %broadcast_in_dim3A_1330 = vector.broadcast %broadcast_in_dim3A_1329 : vector<16x1xi1> to vector<16x512xi1>
      %broadcast_in_dim3A_1331 = vector.broadcast %jit3A_1328 : f32 to vector<16x512xf32>
      %select_n3A_1332 = arith.select %broadcast_in_dim3A_1330, %add3A_1318, %broadcast_in_dim3A_1331 : vector<16x512xi1>, vector<16x512xf32>
      %swap3A_1333 = arith.constant 17 : index
      %swap3A_1334 = arith.constant 0 : index
      %swap3A_1335 = arith.constant 0 : index
      %swap3A_1336 = vector.load %arg8[%swap3A_1333, %swap3A_1334, %swap3A_1335] : memref<32x16x512xf32, #tpu.memory_space<vmem>>, vector<1x16x512xf32>
      %swap3A_1337 = vector.shape_cast %swap3A_1336 : vector<1x16x512xf32> to vector<16x512xf32>
      %swap3A_1338 = vector.shape_cast %select_n3A_1332 : vector<16x512xf32> to vector<1x16x512xf32>
      tpu.vector_store %arg8[%swap3A_1333, %swap3A_1334, %swap3A_1335], %swap3A_1338 {strides = array<i32>} : memref<32x16x512xf32, #tpu.memory_space<vmem>>, vector<1x16x512xf32>,
      %sub3A_1339 = arith.constant 1 : i32
      %sub3A_1340 = arith.subi %arg0, %sub3A_1339 : i32
      %mul3A_1341 = arith.constant 32 : i32
      %mul3A_1342 = arith.muli %sub3A_1340, %mul3A_1341 : i32
      %add3A_1343 = arith.constant 18 : i32
      %add3A_1344 = arith.addi %mul3A_1342, %add3A_1343 : i32
      %get3A_1345 = arith.index_cast %select_n3A_66 : i32 to index
      %get3A_1346 = arith.constant 288 : index
      %get3A_1347 = arith.constant 0 : index
      %get3A_1348 = vector.load %arg10[%get3A_1345, %get3A_1346, %get3A_1347] : memref<2x512x1536xf32, #tpu.memory_space<vmem>>, vector<1x16x1536xf32>
      %squeeze3A_1349 = vector.shape_cast %get3A_1348 : vector<1x16x1536xf32> to vector<16x1536xf32>
      %convert_element_type3A_1350 = arith.truncf %select_n3A_1327 : vector<16x512xf32> to vector<16x512xbf16>
      %get3A_1351 = arith.constant 0 : index
      %get3A_1352 = arith.constant 0 : index
      %get3A_1353 = vector.load %arg6[%get3A_1351, %get3A_1352] : memref<1536x512xbf16, #tpu.memory_space<vmem>>, vector<1536x512xbf16>
      %dot_general3A_1354 = arith.constant dense<0.000000e+00> : vector<16x1536xf32>
      %dot_general3A_1355 = tpu.matmul %convert_element_type3A_1350, %get3A_1353, %dot_general3A_1354 {dimension_numbers = #tpu.dot_dimension_numbers<[1], [1], [0], [0], [0, 0, 1, 0], [], []>, transpose_lhs_hint = false} : vector<16x512xbf16>, vector<1536x512xbf16>, vector<16x1536xf32> -> vector<16x1536xf32>
      %get3A_1356 = arith.constant 0 : index
      %get3A_1357 = arith.constant 0 : index
      %get3A_1358 = vector.load %arg7[%get3A_1356, %get3A_1357] : memref<1x1536xf32, #tpu.memory_space<vmem>>, vector<1x1536xf32>
      %add3A_1359 = vector.broadcast %get3A_1358 : vector<1x1536xf32> to vector<16x1536xf32>
      %add3A_1360 = arith.addf %dot_general3A_1355, %add3A_1359 : vector<16x1536xf32>
      %slice3A_1361 = vector.extract_strided_slice %squeeze3A_1349 {offsets = [0, 0], sizes = [16, 512], strides = [1, 1]} : vector<16x1536xf32> to vector<16x512xf32>
      %slice3A_1362 = vector.extract_strided_slice %add3A_1360 {offsets = [0, 0], sizes = [16, 512], strides = [1, 1]} : vector<16x1536xf32> to vector<16x512xf32>
      %add3A_1363 = arith.addf %slice3A_1361, %slice3A_1362 : vector<16x512xf32>
      %logistic3A_1364 = arith.negf %add3A_1363 : vector<16x512xf32>
      %logistic3A_1365 = math.exp %logistic3A_1364 : vector<16x512xf32>
      %logistic3A_1366 = arith.constant 1.000000e+00 : f32
      %logistic3A_1367 = vector.broadcast %logistic3A_1366 : f32 to vector<16x512xf32>
      %logistic3A_1368 = arith.addf %logistic3A_1367, %logistic3A_1365 : vector<16x512xf32>
      %logistic3A_1369 = arith.divf %logistic3A_1367, %logistic3A_1368 : vector<16x512xf32>
      %slice3A_1370 = vector.extract_strided_slice %squeeze3A_1349 {offsets = [0, 512], sizes = [16, 512], strides = [1, 1]} : vector<16x1536xf32> to vector<16x512xf32>
      %slice3A_1371 = vector.extract_strided_slice %add3A_1360 {offsets = [0, 512], sizes = [16, 512], strides = [1, 1]} : vector<16x1536xf32> to vector<16x512xf32>
      %add3A_1372 = arith.addf %slice3A_1370, %slice3A_1371 : vector<16x512xf32>
      %logistic3A_1373 = arith.negf %add3A_1372 : vector<16x512xf32>
      %logistic3A_1374 = math.exp %logistic3A_1373 : vector<16x512xf32>
      %logistic3A_1375 = arith.constant 1.000000e+00 : f32
      %logistic3A_1376 = vector.broadcast %logistic3A_1375 : f32 to vector<16x512xf32>
      %logistic3A_1377 = arith.addf %logistic3A_1376, %logistic3A_1374 : vector<16x512xf32>
      %logistic3A_1378 = arith.divf %logistic3A_1376, %logistic3A_1377 : vector<16x512xf32>
      %slice3A_1379 = vector.extract_strided_slice %squeeze3A_1349 {offsets = [0, 1024], sizes = [16, 512], strides = [1, 1]} : vector<16x1536xf32> to vector<16x512xf32>
      %slice3A_1380 = vector.extract_strided_slice %add3A_1360 {offsets = [0, 1024], sizes = [16, 512], strides = [1, 1]} : vector<16x1536xf32> to vector<16x512xf32>
      %mul3A_1381 = arith.mulf %logistic3A_1369, %slice3A_1380 : vector<16x512xf32>
      %add3A_1382 = arith.addf %slice3A_1379, %mul3A_1381 : vector<16x512xf32>
      %tanh3A_1383 = math.tanh %add3A_1382 : vector<16x512xf32>
      %sub3A_1384 = arith.constant 1.000000e+00 : f32
      %sub3A_1385 = vector.broadcast %sub3A_1384 : f32 to vector<16x512xf32>
      %sub3A_1386 = arith.subf %sub3A_1385, %logistic3A_1378 : vector<16x512xf32>
      %mul3A_1387 = arith.mulf %sub3A_1386, %tanh3A_1383 : vector<16x512xf32>
      %mul3A_1388 = arith.mulf %logistic3A_1378, %select_n3A_1327 : vector<16x512xf32>
      %add3A_1389 = arith.addf %mul3A_1387, %mul3A_1388 : vector<16x512xf32>
      %gt3A_1390 = vector.broadcast %add3A_1344 : i32 to vector<16x1xi32>
      %gt3A_1391 = arith.cmpi sgt, %get3A_1, %gt3A_1390 : vector<16x1xi32>
      %ge3A_1392 = arith.constant 0 : i32
      %ge3A_1393 = arith.cmpi sge, %add3A_1344, %ge3A_1392 : i32
      %and3A_1394 = vector.broadcast %ge3A_1393 : i1 to vector<16x1xi1>
      %and3A_1395 = arith.andi %gt3A_1391, %and3A_1394 : vector<16x1xi1>
      %broadcast_in_dim3A_1396 = vector.shape_cast %and3A_1395 : vector<16x1xi1> to vector<16x1xi1>
      %broadcast_in_dim3A_1397 = vector.broadcast %broadcast_in_dim3A_1396 : vector<16x1xi1> to vector<16x512xi1>
      %select_n3A_1398 = arith.select %broadcast_in_dim3A_1397, %add3A_1389, %select_n3A_1327 : vector<16x512xi1>, vector<16x512xf32>
      %jit3A_1399 = arith.constant 0.000000e+00 : f32
      %broadcast_in_dim3A_1400 = vector.shape_cast %and3A_1395 : vector<16x1xi1> to vector<16x1xi1>
      %broadcast_in_dim3A_1401 = vector.broadcast %broadcast_in_dim3A_1400 : vector<16x1xi1> to vector<16x512xi1>
      %broadcast_in_dim3A_1402 = vector.broadcast %jit3A_1399 : f32 to vector<16x512xf32>
      %select_n3A_1403 = arith.select %broadcast_in_dim3A_1401, %add3A_1389, %broadcast_in_dim3A_1402 : vector<16x512xi1>, vector<16x512xf32>
      %swap3A_1404 = arith.constant 18 : index
      %swap3A_1405 = arith.constant 0 : index
      %swap3A_1406 = arith.constant 0 : index
      %swap3A_1407 = vector.load %arg8[%swap3A_1404, %swap3A_1405, %swap3A_1406] : memref<32x16x512xf32, #tpu.memory_space<vmem>>, vector<1x16x512xf32>
      %swap3A_1408 = vector.shape_cast %swap3A_1407 : vector<1x16x512xf32> to vector<16x512xf32>
      %swap3A_1409 = vector.shape_cast %select_n3A_1403 : vector<16x512xf32> to vector<1x16x512xf32>
      tpu.vector_store %arg8[%swap3A_1404, %swap3A_1405, %swap3A_1406], %swap3A_1409 {strides = array<i32>} : memref<32x16x512xf32, #tpu.memory_space<vmem>>, vector<1x16x512xf32>,
      %sub3A_1410 = arith.constant 1 : i32
      %sub3A_1411 = arith.subi %arg0, %sub3A_1410 : i32
      %mul3A_1412 = arith.constant 32 : i32
      %mul3A_1413 = arith.muli %sub3A_1411, %mul3A_1412 : i32
      %add3A_1414 = arith.constant 19 : i32
      %add3A_1415 = arith.addi %mul3A_1413, %add3A_1414 : i32
      %get3A_1416 = arith.index_cast %select_n3A_66 : i32 to index
      %get3A_1417 = arith.constant 304 : index
      %get3A_1418 = arith.constant 0 : index
      %get3A_1419 = vector.load %arg10[%get3A_1416, %get3A_1417, %get3A_1418] : memref<2x512x1536xf32, #tpu.memory_space<vmem>>, vector<1x16x1536xf32>
      %squeeze3A_1420 = vector.shape_cast %get3A_1419 : vector<1x16x1536xf32> to vector<16x1536xf32>
      %convert_element_type3A_1421 = arith.truncf %select_n3A_1398 : vector<16x512xf32> to vector<16x512xbf16>
      %get3A_1422 = arith.constant 0 : index
      %get3A_1423 = arith.constant 0 : index
      %get3A_1424 = vector.load %arg6[%get3A_1422, %get3A_1423] : memref<1536x512xbf16, #tpu.memory_space<vmem>>, vector<1536x512xbf16>
      %dot_general3A_1425 = arith.constant dense<0.000000e+00> : vector<16x1536xf32>
      %dot_general3A_1426 = tpu.matmul %convert_element_type3A_1421, %get3A_1424, %dot_general3A_1425 {dimension_numbers = #tpu.dot_dimension_numbers<[1], [1], [0], [0], [0, 0, 1, 0], [], []>, transpose_lhs_hint = false} : vector<16x512xbf16>, vector<1536x512xbf16>, vector<16x1536xf32> -> vector<16x1536xf32>
      %get3A_1427 = arith.constant 0 : index
      %get3A_1428 = arith.constant 0 : index
      %get3A_1429 = vector.load %arg7[%get3A_1427, %get3A_1428] : memref<1x1536xf32, #tpu.memory_space<vmem>>, vector<1x1536xf32>
      %add3A_1430 = vector.broadcast %get3A_1429 : vector<1x1536xf32> to vector<16x1536xf32>
      %add3A_1431 = arith.addf %dot_general3A_1426, %add3A_1430 : vector<16x1536xf32>
      %slice3A_1432 = vector.extract_strided_slice %squeeze3A_1420 {offsets = [0, 0], sizes = [16, 512], strides = [1, 1]} : vector<16x1536xf32> to vector<16x512xf32>
      %slice3A_1433 = vector.extract_strided_slice %add3A_1431 {offsets = [0, 0], sizes = [16, 512], strides = [1, 1]} : vector<16x1536xf32> to vector<16x512xf32>
      %add3A_1434 = arith.addf %slice3A_1432, %slice3A_1433 : vector<16x512xf32>
      %logistic3A_1435 = arith.negf %add3A_1434 : vector<16x512xf32>
      %logistic3A_1436 = math.exp %logistic3A_1435 : vector<16x512xf32>
      %logistic3A_1437 = arith.constant 1.000000e+00 : f32
      %logistic3A_1438 = vector.broadcast %logistic3A_1437 : f32 to vector<16x512xf32>
      %logistic3A_1439 = arith.addf %logistic3A_1438, %logistic3A_1436 : vector<16x512xf32>
      %logistic3A_1440 = arith.divf %logistic3A_1438, %logistic3A_1439 : vector<16x512xf32>
      %slice3A_1441 = vector.extract_strided_slice %squeeze3A_1420 {offsets = [0, 512], sizes = [16, 512], strides = [1, 1]} : vector<16x1536xf32> to vector<16x512xf32>
      %slice3A_1442 = vector.extract_strided_slice %add3A_1431 {offsets = [0, 512], sizes = [16, 512], strides = [1, 1]} : vector<16x1536xf32> to vector<16x512xf32>
      %add3A_1443 = arith.addf %slice3A_1441, %slice3A_1442 : vector<16x512xf32>
      %logistic3A_1444 = arith.negf %add3A_1443 : vector<16x512xf32>
      %logistic3A_1445 = math.exp %logistic3A_1444 : vector<16x512xf32>
      %logistic3A_1446 = arith.constant 1.000000e+00 : f32
      %logistic3A_1447 = vector.broadcast %logistic3A_1446 : f32 to vector<16x512xf32>
      %logistic3A_1448 = arith.addf %logistic3A_1447, %logistic3A_1445 : vector<16x512xf32>
      %logistic3A_1449 = arith.divf %logistic3A_1447, %logistic3A_1448 : vector<16x512xf32>
      %slice3A_1450 = vector.extract_strided_slice %squeeze3A_1420 {offsets = [0, 1024], sizes = [16, 512], strides = [1, 1]} : vector<16x1536xf32> to vector<16x512xf32>
      %slice3A_1451 = vector.extract_strided_slice %add3A_1431 {offsets = [0, 1024], sizes = [16, 512], strides = [1, 1]} : vector<16x1536xf32> to vector<16x512xf32>
      %mul3A_1452 = arith.mulf %logistic3A_1440, %slice3A_1451 : vector<16x512xf32>
      %add3A_1453 = arith.addf %slice3A_1450, %mul3A_1452 : vector<16x512xf32>
      %tanh3A_1454 = math.tanh %add3A_1453 : vector<16x512xf32>
      %sub3A_1455 = arith.constant 1.000000e+00 : f32
      %sub3A_1456 = vector.broadcast %sub3A_1455 : f32 to vector<16x512xf32>
      %sub3A_1457 = arith.subf %sub3A_1456, %logistic3A_1449 : vector<16x512xf32>
      %mul3A_1458 = arith.mulf %sub3A_1457, %tanh3A_1454 : vector<16x512xf32>
      %mul3A_1459 = arith.mulf %logistic3A_1449, %select_n3A_1398 : vector<16x512xf32>
      %add3A_1460 = arith.addf %mul3A_1458, %mul3A_1459 : vector<16x512xf32>
      %gt3A_1461 = vector.broadcast %add3A_1415 : i32 to vector<16x1xi32>
      %gt3A_1462 = arith.cmpi sgt, %get3A_1, %gt3A_1461 : vector<16x1xi32>
      %ge3A_1463 = arith.constant 0 : i32
      %ge3A_1464 = arith.cmpi sge, %add3A_1415, %ge3A_1463 : i32
      %and3A_1465 = vector.broadcast %ge3A_1464 : i1 to vector<16x1xi1>
      %and3A_1466 = arith.andi %gt3A_1462, %and3A_1465 : vector<16x1xi1>
      %broadcast_in_dim3A_1467 = vector.shape_cast %and3A_1466 : vector<16x1xi1> to vector<16x1xi1>
      %broadcast_in_dim3A_1468 = vector.broadcast %broadcast_in_dim3A_1467 : vector<16x1xi1> to vector<16x512xi1>
      %select_n3A_1469 = arith.select %broadcast_in_dim3A_1468, %add3A_1460, %select_n3A_1398 : vector<16x512xi1>, vector<16x512xf32>
      %jit3A_1470 = arith.constant 0.000000e+00 : f32
      %broadcast_in_dim3A_1471 = vector.shape_cast %and3A_1466 : vector<16x1xi1> to vector<16x1xi1>
      %broadcast_in_dim3A_1472 = vector.broadcast %broadcast_in_dim3A_1471 : vector<16x1xi1> to vector<16x512xi1>
      %broadcast_in_dim3A_1473 = vector.broadcast %jit3A_1470 : f32 to vector<16x512xf32>
      %select_n3A_1474 = arith.select %broadcast_in_dim3A_1472, %add3A_1460, %broadcast_in_dim3A_1473 : vector<16x512xi1>, vector<16x512xf32>
      %swap3A_1475 = arith.constant 19 : index
      %swap3A_1476 = arith.constant 0 : index
      %swap3A_1477 = arith.constant 0 : index
      %swap3A_1478 = vector.load %arg8[%swap3A_1475, %swap3A_1476, %swap3A_1477] : memref<32x16x512xf32, #tpu.memory_space<vmem>>, vector<1x16x512xf32>
      %swap3A_1479 = vector.shape_cast %swap3A_1478 : vector<1x16x512xf32> to vector<16x512xf32>
      %swap3A_1480 = vector.shape_cast %select_n3A_1474 : vector<16x512xf32> to vector<1x16x512xf32>
      tpu.vector_store %arg8[%swap3A_1475, %swap3A_1476, %swap3A_1477], %swap3A_1480 {strides = array<i32>} : memref<32x16x512xf32, #tpu.memory_space<vmem>>, vector<1x16x512xf32>,
      %sub3A_1481 = arith.constant 1 : i32
      %sub3A_1482 = arith.subi %arg0, %sub3A_1481 : i32
      %mul3A_1483 = arith.constant 32 : i32
      %mul3A_1484 = arith.muli %sub3A_1482, %mul3A_1483 : i32
      %add3A_1485 = arith.constant 20 : i32
      %add3A_1486 = arith.addi %mul3A_1484, %add3A_1485 : i32
      %get3A_1487 = arith.index_cast %select_n3A_66 : i32 to index
      %get3A_1488 = arith.constant 320 : index
      %get3A_1489 = arith.constant 0 : index
      %get3A_1490 = vector.load %arg10[%get3A_1487, %get3A_1488, %get3A_1489] : memref<2x512x1536xf32, #tpu.memory_space<vmem>>, vector<1x16x1536xf32>
      %squeeze3A_1491 = vector.shape_cast %get3A_1490 : vector<1x16x1536xf32> to vector<16x1536xf32>
      %convert_element_type3A_1492 = arith.truncf %select_n3A_1469 : vector<16x512xf32> to vector<16x512xbf16>
      %get3A_1493 = arith.constant 0 : index
      %get3A_1494 = arith.constant 0 : index
      %get3A_1495 = vector.load %arg6[%get3A_1493, %get3A_1494] : memref<1536x512xbf16, #tpu.memory_space<vmem>>, vector<1536x512xbf16>
      %dot_general3A_1496 = arith.constant dense<0.000000e+00> : vector<16x1536xf32>
      %dot_general3A_1497 = tpu.matmul %convert_element_type3A_1492, %get3A_1495, %dot_general3A_1496 {dimension_numbers = #tpu.dot_dimension_numbers<[1], [1], [0], [0], [0, 0, 1, 0], [], []>, transpose_lhs_hint = false} : vector<16x512xbf16>, vector<1536x512xbf16>, vector<16x1536xf32> -> vector<16x1536xf32>
      %get3A_1498 = arith.constant 0 : index
      %get3A_1499 = arith.constant 0 : index
      %get3A_1500 = vector.load %arg7[%get3A_1498, %get3A_1499] : memref<1x1536xf32, #tpu.memory_space<vmem>>, vector<1x1536xf32>
      %add3A_1501 = vector.broadcast %get3A_1500 : vector<1x1536xf32> to vector<16x1536xf32>
      %add3A_1502 = arith.addf %dot_general3A_1497, %add3A_1501 : vector<16x1536xf32>
      %slice3A_1503 = vector.extract_strided_slice %squeeze3A_1491 {offsets = [0, 0], sizes = [16, 512], strides = [1, 1]} : vector<16x1536xf32> to vector<16x512xf32>
      %slice3A_1504 = vector.extract_strided_slice %add3A_1502 {offsets = [0, 0], sizes = [16, 512], strides = [1, 1]} : vector<16x1536xf32> to vector<16x512xf32>
      %add3A_1505 = arith.addf %slice3A_1503, %slice3A_1504 : vector<16x512xf32>
      %logistic3A_1506 = arith.negf %add3A_1505 : vector<16x512xf32>
      %logistic3A_1507 = math.exp %logistic3A_1506 : vector<16x512xf32>
      %logistic3A_1508 = arith.constant 1.000000e+00 : f32
      %logistic3A_1509 = vector.broadcast %logistic3A_1508 : f32 to vector<16x512xf32>
      %logistic3A_1510 = arith.addf %logistic3A_1509, %logistic3A_1507 : vector<16x512xf32>
      %logistic3A_1511 = arith.divf %logistic3A_1509, %logistic3A_1510 : vector<16x512xf32>
      %slice3A_1512 = vector.extract_strided_slice %squeeze3A_1491 {offsets = [0, 512], sizes = [16, 512], strides = [1, 1]} : vector<16x1536xf32> to vector<16x512xf32>
      %slice3A_1513 = vector.extract_strided_slice %add3A_1502 {offsets = [0, 512], sizes = [16, 512], strides = [1, 1]} : vector<16x1536xf32> to vector<16x512xf32>
      %add3A_1514 = arith.addf %slice3A_1512, %slice3A_1513 : vector<16x512xf32>
      %logistic3A_1515 = arith.negf %add3A_1514 : vector<16x512xf32>
      %logistic3A_1516 = math.exp %logistic3A_1515 : vector<16x512xf32>
      %logistic3A_1517 = arith.constant 1.000000e+00 : f32
      %logistic3A_1518 = vector.broadcast %logistic3A_1517 : f32 to vector<16x512xf32>
      %logistic3A_1519 = arith.addf %logistic3A_1518, %logistic3A_1516 : vector<16x512xf32>
      %logistic3A_1520 = arith.divf %logistic3A_1518, %logistic3A_1519 : vector<16x512xf32>
      %slice3A_1521 = vector.extract_strided_slice %squeeze3A_1491 {offsets = [0, 1024], sizes = [16, 512], strides = [1, 1]} : vector<16x1536xf32> to vector<16x512xf32>
      %slice3A_1522 = vector.extract_strided_slice %add3A_1502 {offsets = [0, 1024], sizes = [16, 512], strides = [1, 1]} : vector<16x1536xf32> to vector<16x512xf32>
      %mul3A_1523 = arith.mulf %logistic3A_1511, %slice3A_1522 : vector<16x512xf32>
      %add3A_1524 = arith.addf %slice3A_1521, %mul3A_1523 : vector<16x512xf32>
      %tanh3A_1525 = math.tanh %add3A_1524 : vector<16x512xf32>
      %sub3A_1526 = arith.constant 1.000000e+00 : f32
      %sub3A_1527 = vector.broadcast %sub3A_1526 : f32 to vector<16x512xf32>
      %sub3A_1528 = arith.subf %sub3A_1527, %logistic3A_1520 : vector<16x512xf32>
      %mul3A_1529 = arith.mulf %sub3A_1528, %tanh3A_1525 : vector<16x512xf32>
      %mul3A_1530 = arith.mulf %logistic3A_1520, %select_n3A_1469 : vector<16x512xf32>
      %add3A_1531 = arith.addf %mul3A_1529, %mul3A_1530 : vector<16x512xf32>
      %gt3A_1532 = vector.broadcast %add3A_1486 : i32 to vector<16x1xi32>
      %gt3A_1533 = arith.cmpi sgt, %get3A_1, %gt3A_1532 : vector<16x1xi32>
      %ge3A_1534 = arith.constant 0 : i32
      %ge3A_1535 = arith.cmpi sge, %add3A_1486, %ge3A_1534 : i32
      %and3A_1536 = vector.broadcast %ge3A_1535 : i1 to vector<16x1xi1>
      %and3A_1537 = arith.andi %gt3A_1533, %and3A_1536 : vector<16x1xi1>
      %broadcast_in_dim3A_1538 = vector.shape_cast %and3A_1537 : vector<16x1xi1> to vector<16x1xi1>
      %broadcast_in_dim3A_1539 = vector.broadcast %broadcast_in_dim3A_1538 : vector<16x1xi1> to vector<16x512xi1>
      %select_n3A_1540 = arith.select %broadcast_in_dim3A_1539, %add3A_1531, %select_n3A_1469 : vector<16x512xi1>, vector<16x512xf32>
      %jit3A_1541 = arith.constant 0.000000e+00 : f32
      %broadcast_in_dim3A_1542 = vector.shape_cast %and3A_1537 : vector<16x1xi1> to vector<16x1xi1>
      %broadcast_in_dim3A_1543 = vector.broadcast %broadcast_in_dim3A_1542 : vector<16x1xi1> to vector<16x512xi1>
      %broadcast_in_dim3A_1544 = vector.broadcast %jit3A_1541 : f32 to vector<16x512xf32>
      %select_n3A_1545 = arith.select %broadcast_in_dim3A_1543, %add3A_1531, %broadcast_in_dim3A_1544 : vector<16x512xi1>, vector<16x512xf32>
      %swap3A_1546 = arith.constant 20 : index
      %swap3A_1547 = arith.constant 0 : index
      %swap3A_1548 = arith.constant 0 : index
      %swap3A_1549 = vector.load %arg8[%swap3A_1546, %swap3A_1547, %swap3A_1548] : memref<32x16x512xf32, #tpu.memory_space<vmem>>, vector<1x16x512xf32>
      %swap3A_1550 = vector.shape_cast %swap3A_1549 : vector<1x16x512xf32> to vector<16x512xf32>
      %swap3A_1551 = vector.shape_cast %select_n3A_1545 : vector<16x512xf32> to vector<1x16x512xf32>
      tpu.vector_store %arg8[%swap3A_1546, %swap3A_1547, %swap3A_1548], %swap3A_1551 {strides = array<i32>} : memref<32x16x512xf32, #tpu.memory_space<vmem>>, vector<1x16x512xf32>,
      %sub3A_1552 = arith.constant 1 : i32
      %sub3A_1553 = arith.subi %arg0, %sub3A_1552 : i32
      %mul3A_1554 = arith.constant 32 : i32
      %mul3A_1555 = arith.muli %sub3A_1553, %mul3A_1554 : i32
      %add3A_1556 = arith.constant 21 : i32
      %add3A_1557 = arith.addi %mul3A_1555, %add3A_1556 : i32
      %get3A_1558 = arith.index_cast %select_n3A_66 : i32 to index
      %get3A_1559 = arith.constant 336 : index
      %get3A_1560 = arith.constant 0 : index
      %get3A_1561 = vector.load %arg10[%get3A_1558, %get3A_1559, %get3A_1560] : memref<2x512x1536xf32, #tpu.memory_space<vmem>>, vector<1x16x1536xf32>
      %squeeze3A_1562 = vector.shape_cast %get3A_1561 : vector<1x16x1536xf32> to vector<16x1536xf32>
      %convert_element_type3A_1563 = arith.truncf %select_n3A_1540 : vector<16x512xf32> to vector<16x512xbf16>
      %get3A_1564 = arith.constant 0 : index
      %get3A_1565 = arith.constant 0 : index
      %get3A_1566 = vector.load %arg6[%get3A_1564, %get3A_1565] : memref<1536x512xbf16, #tpu.memory_space<vmem>>, vector<1536x512xbf16>
      %dot_general3A_1567 = arith.constant dense<0.000000e+00> : vector<16x1536xf32>
      %dot_general3A_1568 = tpu.matmul %convert_element_type3A_1563, %get3A_1566, %dot_general3A_1567 {dimension_numbers = #tpu.dot_dimension_numbers<[1], [1], [0], [0], [0, 0, 1, 0], [], []>, transpose_lhs_hint = false} : vector<16x512xbf16>, vector<1536x512xbf16>, vector<16x1536xf32> -> vector<16x1536xf32>
      %get3A_1569 = arith.constant 0 : index
      %get3A_1570 = arith.constant 0 : index
      %get3A_1571 = vector.load %arg7[%get3A_1569, %get3A_1570] : memref<1x1536xf32, #tpu.memory_space<vmem>>, vector<1x1536xf32>
      %add3A_1572 = vector.broadcast %get3A_1571 : vector<1x1536xf32> to vector<16x1536xf32>
      %add3A_1573 = arith.addf %dot_general3A_1568, %add3A_1572 : vector<16x1536xf32>
      %slice3A_1574 = vector.extract_strided_slice %squeeze3A_1562 {offsets = [0, 0], sizes = [16, 512], strides = [1, 1]} : vector<16x1536xf32> to vector<16x512xf32>
      %slice3A_1575 = vector.extract_strided_slice %add3A_1573 {offsets = [0, 0], sizes = [16, 512], strides = [1, 1]} : vector<16x1536xf32> to vector<16x512xf32>
      %add3A_1576 = arith.addf %slice3A_1574, %slice3A_1575 : vector<16x512xf32>
      %logistic3A_1577 = arith.negf %add3A_1576 : vector<16x512xf32>
      %logistic3A_1578 = math.exp %logistic3A_1577 : vector<16x512xf32>
      %logistic3A_1579 = arith.constant 1.000000e+00 : f32
      %logistic3A_1580 = vector.broadcast %logistic3A_1579 : f32 to vector<16x512xf32>
      %logistic3A_1581 = arith.addf %logistic3A_1580, %logistic3A_1578 : vector<16x512xf32>
      %logistic3A_1582 = arith.divf %logistic3A_1580, %logistic3A_1581 : vector<16x512xf32>
      %slice3A_1583 = vector.extract_strided_slice %squeeze3A_1562 {offsets = [0, 512], sizes = [16, 512], strides = [1, 1]} : vector<16x1536xf32> to vector<16x512xf32>
      %slice3A_1584 = vector.extract_strided_slice %add3A_1573 {offsets = [0, 512], sizes = [16, 512], strides = [1, 1]} : vector<16x1536xf32> to vector<16x512xf32>
      %add3A_1585 = arith.addf %slice3A_1583, %slice3A_1584 : vector<16x512xf32>
      %logistic3A_1586 = arith.negf %add3A_1585 : vector<16x512xf32>
      %logistic3A_1587 = math.exp %logistic3A_1586 : vector<16x512xf32>
      %logistic3A_1588 = arith.constant 1.000000e+00 : f32
      %logistic3A_1589 = vector.broadcast %logistic3A_1588 : f32 to vector<16x512xf32>
      %logistic3A_1590 = arith.addf %logistic3A_1589, %logistic3A_1587 : vector<16x512xf32>
      %logistic3A_1591 = arith.divf %logistic3A_1589, %logistic3A_1590 : vector<16x512xf32>
      %slice3A_1592 = vector.extract_strided_slice %squeeze3A_1562 {offsets = [0, 1024], sizes = [16, 512], strides = [1, 1]} : vector<16x1536xf32> to vector<16x512xf32>
      %slice3A_1593 = vector.extract_strided_slice %add3A_1573 {offsets = [0, 1024], sizes = [16, 512], strides = [1, 1]} : vector<16x1536xf32> to vector<16x512xf32>
      %mul3A_1594 = arith.mulf %logistic3A_1582, %slice3A_1593 : vector<16x512xf32>
      %add3A_1595 = arith.addf %slice3A_1592, %mul3A_1594 : vector<16x512xf32>
      %tanh3A_1596 = math.tanh %add3A_1595 : vector<16x512xf32>
      %sub3A_1597 = arith.constant 1.000000e+00 : f32
      %sub3A_1598 = vector.broadcast %sub3A_1597 : f32 to vector<16x512xf32>
      %sub3A_1599 = arith.subf %sub3A_1598, %logistic3A_1591 : vector<16x512xf32>
      %mul3A_1600 = arith.mulf %sub3A_1599, %tanh3A_1596 : vector<16x512xf32>
      %mul3A_1601 = arith.mulf %logistic3A_1591, %select_n3A_1540 : vector<16x512xf32>
      %add3A_1602 = arith.addf %mul3A_1600, %mul3A_1601 : vector<16x512xf32>
      %gt3A_1603 = vector.broadcast %add3A_1557 : i32 to vector<16x1xi32>
      %gt3A_1604 = arith.cmpi sgt, %get3A_1, %gt3A_1603 : vector<16x1xi32>
      %ge3A_1605 = arith.constant 0 : i32
      %ge3A_1606 = arith.cmpi sge, %add3A_1557, %ge3A_1605 : i32
      %and3A_1607 = vector.broadcast %ge3A_1606 : i1 to vector<16x1xi1>
      %and3A_1608 = arith.andi %gt3A_1604, %and3A_1607 : vector<16x1xi1>
      %broadcast_in_dim3A_1609 = vector.shape_cast %and3A_1608 : vector<16x1xi1> to vector<16x1xi1>
      %broadcast_in_dim3A_1610 = vector.broadcast %broadcast_in_dim3A_1609 : vector<16x1xi1> to vector<16x512xi1>
      %select_n3A_1611 = arith.select %broadcast_in_dim3A_1610, %add3A_1602, %select_n3A_1540 : vector<16x512xi1>, vector<16x512xf32>
      %jit3A_1612 = arith.constant 0.000000e+00 : f32
      %broadcast_in_dim3A_1613 = vector.shape_cast %and3A_1608 : vector<16x1xi1> to vector<16x1xi1>
      %broadcast_in_dim3A_1614 = vector.broadcast %broadcast_in_dim3A_1613 : vector<16x1xi1> to vector<16x512xi1>
      %broadcast_in_dim3A_1615 = vector.broadcast %jit3A_1612 : f32 to vector<16x512xf32>
      %select_n3A_1616 = arith.select %broadcast_in_dim3A_1614, %add3A_1602, %broadcast_in_dim3A_1615 : vector<16x512xi1>, vector<16x512xf32>
      %swap3A_1617 = arith.constant 21 : index
      %swap3A_1618 = arith.constant 0 : index
      %swap3A_1619 = arith.constant 0 : index
      %swap3A_1620 = vector.load %arg8[%swap3A_1617, %swap3A_1618, %swap3A_1619] : memref<32x16x512xf32, #tpu.memory_space<vmem>>, vector<1x16x512xf32>
      %swap3A_1621 = vector.shape_cast %swap3A_1620 : vector<1x16x512xf32> to vector<16x512xf32>
      %swap3A_1622 = vector.shape_cast %select_n3A_1616 : vector<16x512xf32> to vector<1x16x512xf32>
      tpu.vector_store %arg8[%swap3A_1617, %swap3A_1618, %swap3A_1619], %swap3A_1622 {strides = array<i32>} : memref<32x16x512xf32, #tpu.memory_space<vmem>>, vector<1x16x512xf32>,
      %sub3A_1623 = arith.constant 1 : i32
      %sub3A_1624 = arith.subi %arg0, %sub3A_1623 : i32
      %mul3A_1625 = arith.constant 32 : i32
      %mul3A_1626 = arith.muli %sub3A_1624, %mul3A_1625 : i32
      %add3A_1627 = arith.constant 22 : i32
      %add3A_1628 = arith.addi %mul3A_1626, %add3A_1627 : i32
      %get3A_1629 = arith.index_cast %select_n3A_66 : i32 to index
      %get3A_1630 = arith.constant 352 : index
      %get3A_1631 = arith.constant 0 : index
      %get3A_1632 = vector.load %arg10[%get3A_1629, %get3A_1630, %get3A_1631] : memref<2x512x1536xf32, #tpu.memory_space<vmem>>, vector<1x16x1536xf32>
      %squeeze3A_1633 = vector.shape_cast %get3A_1632 : vector<1x16x1536xf32> to vector<16x1536xf32>
      %convert_element_type3A_1634 = arith.truncf %select_n3A_1611 : vector<16x512xf32> to vector<16x512xbf16>
      %get3A_1635 = arith.constant 0 : index
      %get3A_1636 = arith.constant 0 : index
      %get3A_1637 = vector.load %arg6[%get3A_1635, %get3A_1636] : memref<1536x512xbf16, #tpu.memory_space<vmem>>, vector<1536x512xbf16>
      %dot_general3A_1638 = arith.constant dense<0.000000e+00> : vector<16x1536xf32>
      %dot_general3A_1639 = tpu.matmul %convert_element_type3A_1634, %get3A_1637, %dot_general3A_1638 {dimension_numbers = #tpu.dot_dimension_numbers<[1], [1], [0], [0], [0, 0, 1, 0], [], []>, transpose_lhs_hint = false} : vector<16x512xbf16>, vector<1536x512xbf16>, vector<16x1536xf32> -> vector<16x1536xf32>
      %get3A_1640 = arith.constant 0 : index
      %get3A_1641 = arith.constant 0 : index
      %get3A_1642 = vector.load %arg7[%get3A_1640, %get3A_1641] : memref<1x1536xf32, #tpu.memory_space<vmem>>, vector<1x1536xf32>
      %add3A_1643 = vector.broadcast %get3A_1642 : vector<1x1536xf32> to vector<16x1536xf32>
      %add3A_1644 = arith.addf %dot_general3A_1639, %add3A_1643 : vector<16x1536xf32>
      %slice3A_1645 = vector.extract_strided_slice %squeeze3A_1633 {offsets = [0, 0], sizes = [16, 512], strides = [1, 1]} : vector<16x1536xf32> to vector<16x512xf32>
      %slice3A_1646 = vector.extract_strided_slice %add3A_1644 {offsets = [0, 0], sizes = [16, 512], strides = [1, 1]} : vector<16x1536xf32> to vector<16x512xf32>
      %add3A_1647 = arith.addf %slice3A_1645, %slice3A_1646 : vector<16x512xf32>
      %logistic3A_1648 = arith.negf %add3A_1647 : vector<16x512xf32>
      %logistic3A_1649 = math.exp %logistic3A_1648 : vector<16x512xf32>
      %logistic3A_1650 = arith.constant 1.000000e+00 : f32
      %logistic3A_1651 = vector.broadcast %logistic3A_1650 : f32 to vector<16x512xf32>
      %logistic3A_1652 = arith.addf %logistic3A_1651, %logistic3A_1649 : vector<16x512xf32>
      %logistic3A_1653 = arith.divf %logistic3A_1651, %logistic3A_1652 : vector<16x512xf32>
      %slice3A_1654 = vector.extract_strided_slice %squeeze3A_1633 {offsets = [0, 512], sizes = [16, 512], strides = [1, 1]} : vector<16x1536xf32> to vector<16x512xf32>
      %slice3A_1655 = vector.extract_strided_slice %add3A_1644 {offsets = [0, 512], sizes = [16, 512], strides = [1, 1]} : vector<16x1536xf32> to vector<16x512xf32>
      %add3A_1656 = arith.addf %slice3A_1654, %slice3A_1655 : vector<16x512xf32>
      %logistic3A_1657 = arith.negf %add3A_1656 : vector<16x512xf32>
      %logistic3A_1658 = math.exp %logistic3A_1657 : vector<16x512xf32>
      %logistic3A_1659 = arith.constant 1.000000e+00 : f32
      %logistic3A_1660 = vector.broadcast %logistic3A_1659 : f32 to vector<16x512xf32>
      %logistic3A_1661 = arith.addf %logistic3A_1660, %logistic3A_1658 : vector<16x512xf32>
      %logistic3A_1662 = arith.divf %logistic3A_1660, %logistic3A_1661 : vector<16x512xf32>
      %slice3A_1663 = vector.extract_strided_slice %squeeze3A_1633 {offsets = [0, 1024], sizes = [16, 512], strides = [1, 1]} : vector<16x1536xf32> to vector<16x512xf32>
      %slice3A_1664 = vector.extract_strided_slice %add3A_1644 {offsets = [0, 1024], sizes = [16, 512], strides = [1, 1]} : vector<16x1536xf32> to vector<16x512xf32>
      %mul3A_1665 = arith.mulf %logistic3A_1653, %slice3A_1664 : vector<16x512xf32>
      %add3A_1666 = arith.addf %slice3A_1663, %mul3A_1665 : vector<16x512xf32>
      %tanh3A_1667 = math.tanh %add3A_1666 : vector<16x512xf32>
      %sub3A_1668 = arith.constant 1.000000e+00 : f32
      %sub3A_1669 = vector.broadcast %sub3A_1668 : f32 to vector<16x512xf32>
      %sub3A_1670 = arith.subf %sub3A_1669, %logistic3A_1662 : vector<16x512xf32>
      %mul3A_1671 = arith.mulf %sub3A_1670, %tanh3A_1667 : vector<16x512xf32>
      %mul3A_1672 = arith.mulf %logistic3A_1662, %select_n3A_1611 : vector<16x512xf32>
      %add3A_1673 = arith.addf %mul3A_1671, %mul3A_1672 : vector<16x512xf32>
      %gt3A_1674 = vector.broadcast %add3A_1628 : i32 to vector<16x1xi32>
      %gt3A_1675 = arith.cmpi sgt, %get3A_1, %gt3A_1674 : vector<16x1xi32>
      %ge3A_1676 = arith.constant 0 : i32
      %ge3A_1677 = arith.cmpi sge, %add3A_1628, %ge3A_1676 : i32
      %and3A_1678 = vector.broadcast %ge3A_1677 : i1 to vector<16x1xi1>
      %and3A_1679 = arith.andi %gt3A_1675, %and3A_1678 : vector<16x1xi1>
      %broadcast_in_dim3A_1680 = vector.shape_cast %and3A_1679 : vector<16x1xi1> to vector<16x1xi1>
      %broadcast_in_dim3A_1681 = vector.broadcast %broadcast_in_dim3A_1680 : vector<16x1xi1> to vector<16x512xi1>
      %select_n3A_1682 = arith.select %broadcast_in_dim3A_1681, %add3A_1673, %select_n3A_1611 : vector<16x512xi1>, vector<16x512xf32>
      %jit3A_1683 = arith.constant 0.000000e+00 : f32
      %broadcast_in_dim3A_1684 = vector.shape_cast %and3A_1679 : vector<16x1xi1> to vector<16x1xi1>
      %broadcast_in_dim3A_1685 = vector.broadcast %broadcast_in_dim3A_1684 : vector<16x1xi1> to vector<16x512xi1>
      %broadcast_in_dim3A_1686 = vector.broadcast %jit3A_1683 : f32 to vector<16x512xf32>
      %select_n3A_1687 = arith.select %broadcast_in_dim3A_1685, %add3A_1673, %broadcast_in_dim3A_1686 : vector<16x512xi1>, vector<16x512xf32>
      %swap3A_1688 = arith.constant 22 : index
      %swap3A_1689 = arith.constant 0 : index
      %swap3A_1690 = arith.constant 0 : index
      %swap3A_1691 = vector.load %arg8[%swap3A_1688, %swap3A_1689, %swap3A_1690] : memref<32x16x512xf32, #tpu.memory_space<vmem>>, vector<1x16x512xf32>
      %swap3A_1692 = vector.shape_cast %swap3A_1691 : vector<1x16x512xf32> to vector<16x512xf32>
      %swap3A_1693 = vector.shape_cast %select_n3A_1687 : vector<16x512xf32> to vector<1x16x512xf32>
      tpu.vector_store %arg8[%swap3A_1688, %swap3A_1689, %swap3A_1690], %swap3A_1693 {strides = array<i32>} : memref<32x16x512xf32, #tpu.memory_space<vmem>>, vector<1x16x512xf32>,
      %sub3A_1694 = arith.constant 1 : i32
      %sub3A_1695 = arith.subi %arg0, %sub3A_1694 : i32
      %mul3A_1696 = arith.constant 32 : i32
      %mul3A_1697 = arith.muli %sub3A_1695, %mul3A_1696 : i32
      %add3A_1698 = arith.constant 23 : i32
      %add3A_1699 = arith.addi %mul3A_1697, %add3A_1698 : i32
      %get3A_1700 = arith.index_cast %select_n3A_66 : i32 to index
      %get3A_1701 = arith.constant 368 : index
      %get3A_1702 = arith.constant 0 : index
      %get3A_1703 = vector.load %arg10[%get3A_1700, %get3A_1701, %get3A_1702] : memref<2x512x1536xf32, #tpu.memory_space<vmem>>, vector<1x16x1536xf32>
      %squeeze3A_1704 = vector.shape_cast %get3A_1703 : vector<1x16x1536xf32> to vector<16x1536xf32>
      %convert_element_type3A_1705 = arith.truncf %select_n3A_1682 : vector<16x512xf32> to vector<16x512xbf16>
      %get3A_1706 = arith.constant 0 : index
      %get3A_1707 = arith.constant 0 : index
      %get3A_1708 = vector.load %arg6[%get3A_1706, %get3A_1707] : memref<1536x512xbf16, #tpu.memory_space<vmem>>, vector<1536x512xbf16>
      %dot_general3A_1709 = arith.constant dense<0.000000e+00> : vector<16x1536xf32>
      %dot_general3A_1710 = tpu.matmul %convert_element_type3A_1705, %get3A_1708, %dot_general3A_1709 {dimension_numbers = #tpu.dot_dimension_numbers<[1], [1], [0], [0], [0, 0, 1, 0], [], []>, transpose_lhs_hint = false} : vector<16x512xbf16>, vector<1536x512xbf16>, vector<16x1536xf32> -> vector<16x1536xf32>
      %get3A_1711 = arith.constant 0 : index
      %get3A_1712 = arith.constant 0 : index
      %get3A_1713 = vector.load %arg7[%get3A_1711, %get3A_1712] : memref<1x1536xf32, #tpu.memory_space<vmem>>, vector<1x1536xf32>
      %add3A_1714 = vector.broadcast %get3A_1713 : vector<1x1536xf32> to vector<16x1536xf32>
      %add3A_1715 = arith.addf %dot_general3A_1710, %add3A_1714 : vector<16x1536xf32>
      %slice3A_1716 = vector.extract_strided_slice %squeeze3A_1704 {offsets = [0, 0], sizes = [16, 512], strides = [1, 1]} : vector<16x1536xf32> to vector<16x512xf32>
      %slice3A_1717 = vector.extract_strided_slice %add3A_1715 {offsets = [0, 0], sizes = [16, 512], strides = [1, 1]} : vector<16x1536xf32> to vector<16x512xf32>
      %add3A_1718 = arith.addf %slice3A_1716, %slice3A_1717 : vector<16x512xf32>
      %logistic3A_1719 = arith.negf %add3A_1718 : vector<16x512xf32>
      %logistic3A_1720 = math.exp %logistic3A_1719 : vector<16x512xf32>
      %logistic3A_1721 = arith.constant 1.000000e+00 : f32
      %logistic3A_1722 = vector.broadcast %logistic3A_1721 : f32 to vector<16x512xf32>
      %logistic3A_1723 = arith.addf %logistic3A_1722, %logistic3A_1720 : vector<16x512xf32>
      %logistic3A_1724 = arith.divf %logistic3A_1722, %logistic3A_1723 : vector<16x512xf32>
      %slice3A_1725 = vector.extract_strided_slice %squeeze3A_1704 {offsets = [0, 512], sizes = [16, 512], strides = [1, 1]} : vector<16x1536xf32> to vector<16x512xf32>
      %slice3A_1726 = vector.extract_strided_slice %add3A_1715 {offsets = [0, 512], sizes = [16, 512], strides = [1, 1]} : vector<16x1536xf32> to vector<16x512xf32>
      %add3A_1727 = arith.addf %slice3A_1725, %slice3A_1726 : vector<16x512xf32>
      %logistic3A_1728 = arith.negf %add3A_1727 : vector<16x512xf32>
      %logistic3A_1729 = math.exp %logistic3A_1728 : vector<16x512xf32>
      %logistic3A_1730 = arith.constant 1.000000e+00 : f32
      %logistic3A_1731 = vector.broadcast %logistic3A_1730 : f32 to vector<16x512xf32>
      %logistic3A_1732 = arith.addf %logistic3A_1731, %logistic3A_1729 : vector<16x512xf32>
      %logistic3A_1733 = arith.divf %logistic3A_1731, %logistic3A_1732 : vector<16x512xf32>
      %slice3A_1734 = vector.extract_strided_slice %squeeze3A_1704 {offsets = [0, 1024], sizes = [16, 512], strides = [1, 1]} : vector<16x1536xf32> to vector<16x512xf32>
      %slice3A_1735 = vector.extract_strided_slice %add3A_1715 {offsets = [0, 1024], sizes = [16, 512], strides = [1, 1]} : vector<16x1536xf32> to vector<16x512xf32>
      %mul3A_1736 = arith.mulf %logistic3A_1724, %slice3A_1735 : vector<16x512xf32>
      %add3A_1737 = arith.addf %slice3A_1734, %mul3A_1736 : vector<16x512xf32>
      %tanh3A_1738 = math.tanh %add3A_1737 : vector<16x512xf32>
      %sub3A_1739 = arith.constant 1.000000e+00 : f32
      %sub3A_1740 = vector.broadcast %sub3A_1739 : f32 to vector<16x512xf32>
      %sub3A_1741 = arith.subf %sub3A_1740, %logistic3A_1733 : vector<16x512xf32>
      %mul3A_1742 = arith.mulf %sub3A_1741, %tanh3A_1738 : vector<16x512xf32>
      %mul3A_1743 = arith.mulf %logistic3A_1733, %select_n3A_1682 : vector<16x512xf32>
      %add3A_1744 = arith.addf %mul3A_1742, %mul3A_1743 : vector<16x512xf32>
      %gt3A_1745 = vector.broadcast %add3A_1699 : i32 to vector<16x1xi32>
      %gt3A_1746 = arith.cmpi sgt, %get3A_1, %gt3A_1745 : vector<16x1xi32>
      %ge3A_1747 = arith.constant 0 : i32
      %ge3A_1748 = arith.cmpi sge, %add3A_1699, %ge3A_1747 : i32
      %and3A_1749 = vector.broadcast %ge3A_1748 : i1 to vector<16x1xi1>
      %and3A_1750 = arith.andi %gt3A_1746, %and3A_1749 : vector<16x1xi1>
      %broadcast_in_dim3A_1751 = vector.shape_cast %and3A_1750 : vector<16x1xi1> to vector<16x1xi1>
      %broadcast_in_dim3A_1752 = vector.broadcast %broadcast_in_dim3A_1751 : vector<16x1xi1> to vector<16x512xi1>
      %select_n3A_1753 = arith.select %broadcast_in_dim3A_1752, %add3A_1744, %select_n3A_1682 : vector<16x512xi1>, vector<16x512xf32>
      %jit3A_1754 = arith.constant 0.000000e+00 : f32
      %broadcast_in_dim3A_1755 = vector.shape_cast %and3A_1750 : vector<16x1xi1> to vector<16x1xi1>
      %broadcast_in_dim3A_1756 = vector.broadcast %broadcast_in_dim3A_1755 : vector<16x1xi1> to vector<16x512xi1>
      %broadcast_in_dim3A_1757 = vector.broadcast %jit3A_1754 : f32 to vector<16x512xf32>
      %select_n3A_1758 = arith.select %broadcast_in_dim3A_1756, %add3A_1744, %broadcast_in_dim3A_1757 : vector<16x512xi1>, vector<16x512xf32>
      %swap3A_1759 = arith.constant 23 : index
      %swap3A_1760 = arith.constant 0 : index
      %swap3A_1761 = arith.constant 0 : index
      %swap3A_1762 = vector.load %arg8[%swap3A_1759, %swap3A_1760, %swap3A_1761] : memref<32x16x512xf32, #tpu.memory_space<vmem>>, vector<1x16x512xf32>
      %swap3A_1763 = vector.shape_cast %swap3A_1762 : vector<1x16x512xf32> to vector<16x512xf32>
      %swap3A_1764 = vector.shape_cast %select_n3A_1758 : vector<16x512xf32> to vector<1x16x512xf32>
      tpu.vector_store %arg8[%swap3A_1759, %swap3A_1760, %swap3A_1761], %swap3A_1764 {strides = array<i32>} : memref<32x16x512xf32, #tpu.memory_space<vmem>>, vector<1x16x512xf32>,
      %sub3A_1765 = arith.constant 1 : i32
      %sub3A_1766 = arith.subi %arg0, %sub3A_1765 : i32
      %mul3A_1767 = arith.constant 32 : i32
      %mul3A_1768 = arith.muli %sub3A_1766, %mul3A_1767 : i32
      %add3A_1769 = arith.constant 24 : i32
      %add3A_1770 = arith.addi %mul3A_1768, %add3A_1769 : i32
      %get3A_1771 = arith.index_cast %select_n3A_66 : i32 to index
      %get3A_1772 = arith.constant 384 : index
      %get3A_1773 = arith.constant 0 : index
      %get3A_1774 = vector.load %arg10[%get3A_1771, %get3A_1772, %get3A_1773] : memref<2x512x1536xf32, #tpu.memory_space<vmem>>, vector<1x16x1536xf32>
      %squeeze3A_1775 = vector.shape_cast %get3A_1774 : vector<1x16x1536xf32> to vector<16x1536xf32>
      %convert_element_type3A_1776 = arith.truncf %select_n3A_1753 : vector<16x512xf32> to vector<16x512xbf16>
      %get3A_1777 = arith.constant 0 : index
      %get3A_1778 = arith.constant 0 : index
      %get3A_1779 = vector.load %arg6[%get3A_1777, %get3A_1778] : memref<1536x512xbf16, #tpu.memory_space<vmem>>, vector<1536x512xbf16>
      %dot_general3A_1780 = arith.constant dense<0.000000e+00> : vector<16x1536xf32>
      %dot_general3A_1781 = tpu.matmul %convert_element_type3A_1776, %get3A_1779, %dot_general3A_1780 {dimension_numbers = #tpu.dot_dimension_numbers<[1], [1], [0], [0], [0, 0, 1, 0], [], []>, transpose_lhs_hint = false} : vector<16x512xbf16>, vector<1536x512xbf16>, vector<16x1536xf32> -> vector<16x1536xf32>
      %get3A_1782 = arith.constant 0 : index
      %get3A_1783 = arith.constant 0 : index
      %get3A_1784 = vector.load %arg7[%get3A_1782, %get3A_1783] : memref<1x1536xf32, #tpu.memory_space<vmem>>, vector<1x1536xf32>
      %add3A_1785 = vector.broadcast %get3A_1784 : vector<1x1536xf32> to vector<16x1536xf32>
      %add3A_1786 = arith.addf %dot_general3A_1781, %add3A_1785 : vector<16x1536xf32>
      %slice3A_1787 = vector.extract_strided_slice %squeeze3A_1775 {offsets = [0, 0], sizes = [16, 512], strides = [1, 1]} : vector<16x1536xf32> to vector<16x512xf32>
      %slice3A_1788 = vector.extract_strided_slice %add3A_1786 {offsets = [0, 0], sizes = [16, 512], strides = [1, 1]} : vector<16x1536xf32> to vector<16x512xf32>
      %add3A_1789 = arith.addf %slice3A_1787, %slice3A_1788 : vector<16x512xf32>
      %logistic3A_1790 = arith.negf %add3A_1789 : vector<16x512xf32>
      %logistic3A_1791 = math.exp %logistic3A_1790 : vector<16x512xf32>
      %logistic3A_1792 = arith.constant 1.000000e+00 : f32
      %logistic3A_1793 = vector.broadcast %logistic3A_1792 : f32 to vector<16x512xf32>
      %logistic3A_1794 = arith.addf %logistic3A_1793, %logistic3A_1791 : vector<16x512xf32>
      %logistic3A_1795 = arith.divf %logistic3A_1793, %logistic3A_1794 : vector<16x512xf32>
      %slice3A_1796 = vector.extract_strided_slice %squeeze3A_1775 {offsets = [0, 512], sizes = [16, 512], strides = [1, 1]} : vector<16x1536xf32> to vector<16x512xf32>
      %slice3A_1797 = vector.extract_strided_slice %add3A_1786 {offsets = [0, 512], sizes = [16, 512], strides = [1, 1]} : vector<16x1536xf32> to vector<16x512xf32>
      %add3A_1798 = arith.addf %slice3A_1796, %slice3A_1797 : vector<16x512xf32>
      %logistic3A_1799 = arith.negf %add3A_1798 : vector<16x512xf32>
      %logistic3A_1800 = math.exp %logistic3A_1799 : vector<16x512xf32>
      %logistic3A_1801 = arith.constant 1.000000e+00 : f32
      %logistic3A_1802 = vector.broadcast %logistic3A_1801 : f32 to vector<16x512xf32>
      %logistic3A_1803 = arith.addf %logistic3A_1802, %logistic3A_1800 : vector<16x512xf32>
      %logistic3A_1804 = arith.divf %logistic3A_1802, %logistic3A_1803 : vector<16x512xf32>
      %slice3A_1805 = vector.extract_strided_slice %squeeze3A_1775 {offsets = [0, 1024], sizes = [16, 512], strides = [1, 1]} : vector<16x1536xf32> to vector<16x512xf32>
      %slice3A_1806 = vector.extract_strided_slice %add3A_1786 {offsets = [0, 1024], sizes = [16, 512], strides = [1, 1]} : vector<16x1536xf32> to vector<16x512xf32>
      %mul3A_1807 = arith.mulf %logistic3A_1795, %slice3A_1806 : vector<16x512xf32>
      %add3A_1808 = arith.addf %slice3A_1805, %mul3A_1807 : vector<16x512xf32>
      %tanh3A_1809 = math.tanh %add3A_1808 : vector<16x512xf32>
      %sub3A_1810 = arith.constant 1.000000e+00 : f32
      %sub3A_1811 = vector.broadcast %sub3A_1810 : f32 to vector<16x512xf32>
      %sub3A_1812 = arith.subf %sub3A_1811, %logistic3A_1804 : vector<16x512xf32>
      %mul3A_1813 = arith.mulf %sub3A_1812, %tanh3A_1809 : vector<16x512xf32>
      %mul3A_1814 = arith.mulf %logistic3A_1804, %select_n3A_1753 : vector<16x512xf32>
      %add3A_1815 = arith.addf %mul3A_1813, %mul3A_1814 : vector<16x512xf32>
      %gt3A_1816 = vector.broadcast %add3A_1770 : i32 to vector<16x1xi32>
      %gt3A_1817 = arith.cmpi sgt, %get3A_1, %gt3A_1816 : vector<16x1xi32>
      %ge3A_1818 = arith.constant 0 : i32
      %ge3A_1819 = arith.cmpi sge, %add3A_1770, %ge3A_1818 : i32
      %and3A_1820 = vector.broadcast %ge3A_1819 : i1 to vector<16x1xi1>
      %and3A_1821 = arith.andi %gt3A_1817, %and3A_1820 : vector<16x1xi1>
      %broadcast_in_dim3A_1822 = vector.shape_cast %and3A_1821 : vector<16x1xi1> to vector<16x1xi1>
      %broadcast_in_dim3A_1823 = vector.broadcast %broadcast_in_dim3A_1822 : vector<16x1xi1> to vector<16x512xi1>
      %select_n3A_1824 = arith.select %broadcast_in_dim3A_1823, %add3A_1815, %select_n3A_1753 : vector<16x512xi1>, vector<16x512xf32>
      %jit3A_1825 = arith.constant 0.000000e+00 : f32
      %broadcast_in_dim3A_1826 = vector.shape_cast %and3A_1821 : vector<16x1xi1> to vector<16x1xi1>
      %broadcast_in_dim3A_1827 = vector.broadcast %broadcast_in_dim3A_1826 : vector<16x1xi1> to vector<16x512xi1>
      %broadcast_in_dim3A_1828 = vector.broadcast %jit3A_1825 : f32 to vector<16x512xf32>
      %select_n3A_1829 = arith.select %broadcast_in_dim3A_1827, %add3A_1815, %broadcast_in_dim3A_1828 : vector<16x512xi1>, vector<16x512xf32>
      %swap3A_1830 = arith.constant 24 : index
      %swap3A_1831 = arith.constant 0 : index
      %swap3A_1832 = arith.constant 0 : index
      %swap3A_1833 = vector.load %arg8[%swap3A_1830, %swap3A_1831, %swap3A_1832] : memref<32x16x512xf32, #tpu.memory_space<vmem>>, vector<1x16x512xf32>
      %swap3A_1834 = vector.shape_cast %swap3A_1833 : vector<1x16x512xf32> to vector<16x512xf32>
      %swap3A_1835 = vector.shape_cast %select_n3A_1829 : vector<16x512xf32> to vector<1x16x512xf32>
      tpu.vector_store %arg8[%swap3A_1830, %swap3A_1831, %swap3A_1832], %swap3A_1835 {strides = array<i32>} : memref<32x16x512xf32, #tpu.memory_space<vmem>>, vector<1x16x512xf32>,
      %sub3A_1836 = arith.constant 1 : i32
      %sub3A_1837 = arith.subi %arg0, %sub3A_1836 : i32
      %mul3A_1838 = arith.constant 32 : i32
      %mul3A_1839 = arith.muli %sub3A_1837, %mul3A_1838 : i32
      %add3A_1840 = arith.constant 25 : i32
      %add3A_1841 = arith.addi %mul3A_1839, %add3A_1840 : i32
      %get3A_1842 = arith.index_cast %select_n3A_66 : i32 to index
      %get3A_1843 = arith.constant 400 : index
      %get3A_1844 = arith.constant 0 : index
      %get3A_1845 = vector.load %arg10[%get3A_1842, %get3A_1843, %get3A_1844] : memref<2x512x1536xf32, #tpu.memory_space<vmem>>, vector<1x16x1536xf32>
      %squeeze3A_1846 = vector.shape_cast %get3A_1845 : vector<1x16x1536xf32> to vector<16x1536xf32>
      %convert_element_type3A_1847 = arith.truncf %select_n3A_1824 : vector<16x512xf32> to vector<16x512xbf16>
      %get3A_1848 = arith.constant 0 : index
      %get3A_1849 = arith.constant 0 : index
      %get3A_1850 = vector.load %arg6[%get3A_1848, %get3A_1849] : memref<1536x512xbf16, #tpu.memory_space<vmem>>, vector<1536x512xbf16>
      %dot_general3A_1851 = arith.constant dense<0.000000e+00> : vector<16x1536xf32>
      %dot_general3A_1852 = tpu.matmul %convert_element_type3A_1847, %get3A_1850, %dot_general3A_1851 {dimension_numbers = #tpu.dot_dimension_numbers<[1], [1], [0], [0], [0, 0, 1, 0], [], []>, transpose_lhs_hint = false} : vector<16x512xbf16>, vector<1536x512xbf16>, vector<16x1536xf32> -> vector<16x1536xf32>
      %get3A_1853 = arith.constant 0 : index
      %get3A_1854 = arith.constant 0 : index
      %get3A_1855 = vector.load %arg7[%get3A_1853, %get3A_1854] : memref<1x1536xf32, #tpu.memory_space<vmem>>, vector<1x1536xf32>
      %add3A_1856 = vector.broadcast %get3A_1855 : vector<1x1536xf32> to vector<16x1536xf32>
      %add3A_1857 = arith.addf %dot_general3A_1852, %add3A_1856 : vector<16x1536xf32>
      %slice3A_1858 = vector.extract_strided_slice %squeeze3A_1846 {offsets = [0, 0], sizes = [16, 512], strides = [1, 1]} : vector<16x1536xf32> to vector<16x512xf32>
      %slice3A_1859 = vector.extract_strided_slice %add3A_1857 {offsets = [0, 0], sizes = [16, 512], strides = [1, 1]} : vector<16x1536xf32> to vector<16x512xf32>
      %add3A_1860 = arith.addf %slice3A_1858, %slice3A_1859 : vector<16x512xf32>
      %logistic3A_1861 = arith.negf %add3A_1860 : vector<16x512xf32>
      %logistic3A_1862 = math.exp %logistic3A_1861 : vector<16x512xf32>
      %logistic3A_1863 = arith.constant 1.000000e+00 : f32
      %logistic3A_1864 = vector.broadcast %logistic3A_1863 : f32 to vector<16x512xf32>
      %logistic3A_1865 = arith.addf %logistic3A_1864, %logistic3A_1862 : vector<16x512xf32>
      %logistic3A_1866 = arith.divf %logistic3A_1864, %logistic3A_1865 : vector<16x512xf32>
      %slice3A_1867 = vector.extract_strided_slice %squeeze3A_1846 {offsets = [0, 512], sizes = [16, 512], strides = [1, 1]} : vector<16x1536xf32> to vector<16x512xf32>
      %slice3A_1868 = vector.extract_strided_slice %add3A_1857 {offsets = [0, 512], sizes = [16, 512], strides = [1, 1]} : vector<16x1536xf32> to vector<16x512xf32>
      %add3A_1869 = arith.addf %slice3A_1867, %slice3A_1868 : vector<16x512xf32>
      %logistic3A_1870 = arith.negf %add3A_1869 : vector<16x512xf32>
      %logistic3A_1871 = math.exp %logistic3A_1870 : vector<16x512xf32>
      %logistic3A_1872 = arith.constant 1.000000e+00 : f32
      %logistic3A_1873 = vector.broadcast %logistic3A_1872 : f32 to vector<16x512xf32>
      %logistic3A_1874 = arith.addf %logistic3A_1873, %logistic3A_1871 : vector<16x512xf32>
      %logistic3A_1875 = arith.divf %logistic3A_1873, %logistic3A_1874 : vector<16x512xf32>
      %slice3A_1876 = vector.extract_strided_slice %squeeze3A_1846 {offsets = [0, 1024], sizes = [16, 512], strides = [1, 1]} : vector<16x1536xf32> to vector<16x512xf32>
      %slice3A_1877 = vector.extract_strided_slice %add3A_1857 {offsets = [0, 1024], sizes = [16, 512], strides = [1, 1]} : vector<16x1536xf32> to vector<16x512xf32>
      %mul3A_1878 = arith.mulf %logistic3A_1866, %slice3A_1877 : vector<16x512xf32>
      %add3A_1879 = arith.addf %slice3A_1876, %mul3A_1878 : vector<16x512xf32>
      %tanh3A_1880 = math.tanh %add3A_1879 : vector<16x512xf32>
      %sub3A_1881 = arith.constant 1.000000e+00 : f32
      %sub3A_1882 = vector.broadcast %sub3A_1881 : f32 to vector<16x512xf32>
      %sub3A_1883 = arith.subf %sub3A_1882, %logistic3A_1875 : vector<16x512xf32>
      %mul3A_1884 = arith.mulf %sub3A_1883, %tanh3A_1880 : vector<16x512xf32>
      %mul3A_1885 = arith.mulf %logistic3A_1875, %select_n3A_1824 : vector<16x512xf32>
      %add3A_1886 = arith.addf %mul3A_1884, %mul3A_1885 : vector<16x512xf32>
      %gt3A_1887 = vector.broadcast %add3A_1841 : i32 to vector<16x1xi32>
      %gt3A_1888 = arith.cmpi sgt, %get3A_1, %gt3A_1887 : vector<16x1xi32>
      %ge3A_1889 = arith.constant 0 : i32
      %ge3A_1890 = arith.cmpi sge, %add3A_1841, %ge3A_1889 : i32
      %and3A_1891 = vector.broadcast %ge3A_1890 : i1 to vector<16x1xi1>
      %and3A_1892 = arith.andi %gt3A_1888, %and3A_1891 : vector<16x1xi1>
      %broadcast_in_dim3A_1893 = vector.shape_cast %and3A_1892 : vector<16x1xi1> to vector<16x1xi1>
      %broadcast_in_dim3A_1894 = vector.broadcast %broadcast_in_dim3A_1893 : vector<16x1xi1> to vector<16x512xi1>
      %select_n3A_1895 = arith.select %broadcast_in_dim3A_1894, %add3A_1886, %select_n3A_1824 : vector<16x512xi1>, vector<16x512xf32>
      %jit3A_1896 = arith.constant 0.000000e+00 : f32
      %broadcast_in_dim3A_1897 = vector.shape_cast %and3A_1892 : vector<16x1xi1> to vector<16x1xi1>
      %broadcast_in_dim3A_1898 = vector.broadcast %broadcast_in_dim3A_1897 : vector<16x1xi1> to vector<16x512xi1>
      %broadcast_in_dim3A_1899 = vector.broadcast %jit3A_1896 : f32 to vector<16x512xf32>
      %select_n3A_1900 = arith.select %broadcast_in_dim3A_1898, %add3A_1886, %broadcast_in_dim3A_1899 : vector<16x512xi1>, vector<16x512xf32>
      %swap3A_1901 = arith.constant 25 : index
      %swap3A_1902 = arith.constant 0 : index
      %swap3A_1903 = arith.constant 0 : index
      %swap3A_1904 = vector.load %arg8[%swap3A_1901, %swap3A_1902, %swap3A_1903] : memref<32x16x512xf32, #tpu.memory_space<vmem>>, vector<1x16x512xf32>
      %swap3A_1905 = vector.shape_cast %swap3A_1904 : vector<1x16x512xf32> to vector<16x512xf32>
      %swap3A_1906 = vector.shape_cast %select_n3A_1900 : vector<16x512xf32> to vector<1x16x512xf32>
      tpu.vector_store %arg8[%swap3A_1901, %swap3A_1902, %swap3A_1903], %swap3A_1906 {strides = array<i32>} : memref<32x16x512xf32, #tpu.memory_space<vmem>>, vector<1x16x512xf32>,
      %sub3A_1907 = arith.constant 1 : i32
      %sub3A_1908 = arith.subi %arg0, %sub3A_1907 : i32
      %mul3A_1909 = arith.constant 32 : i32
      %mul3A_1910 = arith.muli %sub3A_1908, %mul3A_1909 : i32
      %add3A_1911 = arith.constant 26 : i32
      %add3A_1912 = arith.addi %mul3A_1910, %add3A_1911 : i32
      %get3A_1913 = arith.index_cast %select_n3A_66 : i32 to index
      %get3A_1914 = arith.constant 416 : index
      %get3A_1915 = arith.constant 0 : index
      %get3A_1916 = vector.load %arg10[%get3A_1913, %get3A_1914, %get3A_1915] : memref<2x512x1536xf32, #tpu.memory_space<vmem>>, vector<1x16x1536xf32>
      %squeeze3A_1917 = vector.shape_cast %get3A_1916 : vector<1x16x1536xf32> to vector<16x1536xf32>
      %convert_element_type3A_1918 = arith.truncf %select_n3A_1895 : vector<16x512xf32> to vector<16x512xbf16>
      %get3A_1919 = arith.constant 0 : index
      %get3A_1920 = arith.constant 0 : index
      %get3A_1921 = vector.load %arg6[%get3A_1919, %get3A_1920] : memref<1536x512xbf16, #tpu.memory_space<vmem>>, vector<1536x512xbf16>
      %dot_general3A_1922 = arith.constant dense<0.000000e+00> : vector<16x1536xf32>
      %dot_general3A_1923 = tpu.matmul %convert_element_type3A_1918, %get3A_1921, %dot_general3A_1922 {dimension_numbers = #tpu.dot_dimension_numbers<[1], [1], [0], [0], [0, 0, 1, 0], [], []>, transpose_lhs_hint = false} : vector<16x512xbf16>, vector<1536x512xbf16>, vector<16x1536xf32> -> vector<16x1536xf32>
      %get3A_1924 = arith.constant 0 : index
      %get3A_1925 = arith.constant 0 : index
      %get3A_1926 = vector.load %arg7[%get3A_1924, %get3A_1925] : memref<1x1536xf32, #tpu.memory_space<vmem>>, vector<1x1536xf32>
      %add3A_1927 = vector.broadcast %get3A_1926 : vector<1x1536xf32> to vector<16x1536xf32>
      %add3A_1928 = arith.addf %dot_general3A_1923, %add3A_1927 : vector<16x1536xf32>
      %slice3A_1929 = vector.extract_strided_slice %squeeze3A_1917 {offsets = [0, 0], sizes = [16, 512], strides = [1, 1]} : vector<16x1536xf32> to vector<16x512xf32>
      %slice3A_1930 = vector.extract_strided_slice %add3A_1928 {offsets = [0, 0], sizes = [16, 512], strides = [1, 1]} : vector<16x1536xf32> to vector<16x512xf32>
      %add3A_1931 = arith.addf %slice3A_1929, %slice3A_1930 : vector<16x512xf32>
      %logistic3A_1932 = arith.negf %add3A_1931 : vector<16x512xf32>
      %logistic3A_1933 = math.exp %logistic3A_1932 : vector<16x512xf32>
      %logistic3A_1934 = arith.constant 1.000000e+00 : f32
      %logistic3A_1935 = vector.broadcast %logistic3A_1934 : f32 to vector<16x512xf32>
      %logistic3A_1936 = arith.addf %logistic3A_1935, %logistic3A_1933 : vector<16x512xf32>
      %logistic3A_1937 = arith.divf %logistic3A_1935, %logistic3A_1936 : vector<16x512xf32>
      %slice3A_1938 = vector.extract_strided_slice %squeeze3A_1917 {offsets = [0, 512], sizes = [16, 512], strides = [1, 1]} : vector<16x1536xf32> to vector<16x512xf32>
      %slice3A_1939 = vector.extract_strided_slice %add3A_1928 {offsets = [0, 512], sizes = [16, 512], strides = [1, 1]} : vector<16x1536xf32> to vector<16x512xf32>
      %add3A_1940 = arith.addf %slice3A_1938, %slice3A_1939 : vector<16x512xf32>
      %logistic3A_1941 = arith.negf %add3A_1940 : vector<16x512xf32>
      %logistic3A_1942 = math.exp %logistic3A_1941 : vector<16x512xf32>
      %logistic3A_1943 = arith.constant 1.000000e+00 : f32
      %logistic3A_1944 = vector.broadcast %logistic3A_1943 : f32 to vector<16x512xf32>
      %logistic3A_1945 = arith.addf %logistic3A_1944, %logistic3A_1942 : vector<16x512xf32>
      %logistic3A_1946 = arith.divf %logistic3A_1944, %logistic3A_1945 : vector<16x512xf32>
      %slice3A_1947 = vector.extract_strided_slice %squeeze3A_1917 {offsets = [0, 1024], sizes = [16, 512], strides = [1, 1]} : vector<16x1536xf32> to vector<16x512xf32>
      %slice3A_1948 = vector.extract_strided_slice %add3A_1928 {offsets = [0, 1024], sizes = [16, 512], strides = [1, 1]} : vector<16x1536xf32> to vector<16x512xf32>
      %mul3A_1949 = arith.mulf %logistic3A_1937, %slice3A_1948 : vector<16x512xf32>
      %add3A_1950 = arith.addf %slice3A_1947, %mul3A_1949 : vector<16x512xf32>
      %tanh3A_1951 = math.tanh %add3A_1950 : vector<16x512xf32>
      %sub3A_1952 = arith.constant 1.000000e+00 : f32
      %sub3A_1953 = vector.broadcast %sub3A_1952 : f32 to vector<16x512xf32>
      %sub3A_1954 = arith.subf %sub3A_1953, %logistic3A_1946 : vector<16x512xf32>
      %mul3A_1955 = arith.mulf %sub3A_1954, %tanh3A_1951 : vector<16x512xf32>
      %mul3A_1956 = arith.mulf %logistic3A_1946, %select_n3A_1895 : vector<16x512xf32>
      %add3A_1957 = arith.addf %mul3A_1955, %mul3A_1956 : vector<16x512xf32>
      %gt3A_1958 = vector.broadcast %add3A_1912 : i32 to vector<16x1xi32>
      %gt3A_1959 = arith.cmpi sgt, %get3A_1, %gt3A_1958 : vector<16x1xi32>
      %ge3A_1960 = arith.constant 0 : i32
      %ge3A_1961 = arith.cmpi sge, %add3A_1912, %ge3A_1960 : i32
      %and3A_1962 = vector.broadcast %ge3A_1961 : i1 to vector<16x1xi1>
      %and3A_1963 = arith.andi %gt3A_1959, %and3A_1962 : vector<16x1xi1>
      %broadcast_in_dim3A_1964 = vector.shape_cast %and3A_1963 : vector<16x1xi1> to vector<16x1xi1>
      %broadcast_in_dim3A_1965 = vector.broadcast %broadcast_in_dim3A_1964 : vector<16x1xi1> to vector<16x512xi1>
      %select_n3A_1966 = arith.select %broadcast_in_dim3A_1965, %add3A_1957, %select_n3A_1895 : vector<16x512xi1>, vector<16x512xf32>
      %jit3A_1967 = arith.constant 0.000000e+00 : f32
      %broadcast_in_dim3A_1968 = vector.shape_cast %and3A_1963 : vector<16x1xi1> to vector<16x1xi1>
      %broadcast_in_dim3A_1969 = vector.broadcast %broadcast_in_dim3A_1968 : vector<16x1xi1> to vector<16x512xi1>
      %broadcast_in_dim3A_1970 = vector.broadcast %jit3A_1967 : f32 to vector<16x512xf32>
      %select_n3A_1971 = arith.select %broadcast_in_dim3A_1969, %add3A_1957, %broadcast_in_dim3A_1970 : vector<16x512xi1>, vector<16x512xf32>
      %swap3A_1972 = arith.constant 26 : index
      %swap3A_1973 = arith.constant 0 : index
      %swap3A_1974 = arith.constant 0 : index
      %swap3A_1975 = vector.load %arg8[%swap3A_1972, %swap3A_1973, %swap3A_1974] : memref<32x16x512xf32, #tpu.memory_space<vmem>>, vector<1x16x512xf32>
      %swap3A_1976 = vector.shape_cast %swap3A_1975 : vector<1x16x512xf32> to vector<16x512xf32>
      %swap3A_1977 = vector.shape_cast %select_n3A_1971 : vector<16x512xf32> to vector<1x16x512xf32>
      tpu.vector_store %arg8[%swap3A_1972, %swap3A_1973, %swap3A_1974], %swap3A_1977 {strides = array<i32>} : memref<32x16x512xf32, #tpu.memory_space<vmem>>, vector<1x16x512xf32>,
      %sub3A_1978 = arith.constant 1 : i32
      %sub3A_1979 = arith.subi %arg0, %sub3A_1978 : i32
      %mul3A_1980 = arith.constant 32 : i32
      %mul3A_1981 = arith.muli %sub3A_1979, %mul3A_1980 : i32
      %add3A_1982 = arith.constant 27 : i32
      %add3A_1983 = arith.addi %mul3A_1981, %add3A_1982 : i32
      %get3A_1984 = arith.index_cast %select_n3A_66 : i32 to index
      %get3A_1985 = arith.constant 432 : index
      %get3A_1986 = arith.constant 0 : index
      %get3A_1987 = vector.load %arg10[%get3A_1984, %get3A_1985, %get3A_1986] : memref<2x512x1536xf32, #tpu.memory_space<vmem>>, vector<1x16x1536xf32>
      %squeeze3A_1988 = vector.shape_cast %get3A_1987 : vector<1x16x1536xf32> to vector<16x1536xf32>
      %convert_element_type3A_1989 = arith.truncf %select_n3A_1966 : vector<16x512xf32> to vector<16x512xbf16>
      %get3A_1990 = arith.constant 0 : index
      %get3A_1991 = arith.constant 0 : index
      %get3A_1992 = vector.load %arg6[%get3A_1990, %get3A_1991] : memref<1536x512xbf16, #tpu.memory_space<vmem>>, vector<1536x512xbf16>
      %dot_general3A_1993 = arith.constant dense<0.000000e+00> : vector<16x1536xf32>
      %dot_general3A_1994 = tpu.matmul %convert_element_type3A_1989, %get3A_1992, %dot_general3A_1993 {dimension_numbers = #tpu.dot_dimension_numbers<[1], [1], [0], [0], [0, 0, 1, 0], [], []>, transpose_lhs_hint = false} : vector<16x512xbf16>, vector<1536x512xbf16>, vector<16x1536xf32> -> vector<16x1536xf32>
      %get3A_1995 = arith.constant 0 : index
      %get3A_1996 = arith.constant 0 : index
      %get3A_1997 = vector.load %arg7[%get3A_1995, %get3A_1996] : memref<1x1536xf32, #tpu.memory_space<vmem>>, vector<1x1536xf32>
      %add3A_1998 = vector.broadcast %get3A_1997 : vector<1x1536xf32> to vector<16x1536xf32>
      %add3A_1999 = arith.addf %dot_general3A_1994, %add3A_1998 : vector<16x1536xf32>
      %slice3A_2000 = vector.extract_strided_slice %squeeze3A_1988 {offsets = [0, 0], sizes = [16, 512], strides = [1, 1]} : vector<16x1536xf32> to vector<16x512xf32>
      %slice3A_2001 = vector.extract_strided_slice %add3A_1999 {offsets = [0, 0], sizes = [16, 512], strides = [1, 1]} : vector<16x1536xf32> to vector<16x512xf32>
      %add3A_2002 = arith.addf %slice3A_2000, %slice3A_2001 : vector<16x512xf32>
      %logistic3A_2003 = arith.negf %add3A_2002 : vector<16x512xf32>
      %logistic3A_2004 = math.exp %logistic3A_2003 : vector<16x512xf32>
      %logistic3A_2005 = arith.constant 1.000000e+00 : f32
      %logistic3A_2006 = vector.broadcast %logistic3A_2005 : f32 to vector<16x512xf32>
      %logistic3A_2007 = arith.addf %logistic3A_2006, %logistic3A_2004 : vector<16x512xf32>
      %logistic3A_2008 = arith.divf %logistic3A_2006, %logistic3A_2007 : vector<16x512xf32>
      %slice3A_2009 = vector.extract_strided_slice %squeeze3A_1988 {offsets = [0, 512], sizes = [16, 512], strides = [1, 1]} : vector<16x1536xf32> to vector<16x512xf32>
      %slice3A_2010 = vector.extract_strided_slice %add3A_1999 {offsets = [0, 512], sizes = [16, 512], strides = [1, 1]} : vector<16x1536xf32> to vector<16x512xf32>
      %add3A_2011 = arith.addf %slice3A_2009, %slice3A_2010 : vector<16x512xf32>
      %logistic3A_2012 = arith.negf %add3A_2011 : vector<16x512xf32>
      %logistic3A_2013 = math.exp %logistic3A_2012 : vector<16x512xf32>
      %logistic3A_2014 = arith.constant 1.000000e+00 : f32
      %logistic3A_2015 = vector.broadcast %logistic3A_2014 : f32 to vector<16x512xf32>
      %logistic3A_2016 = arith.addf %logistic3A_2015, %logistic3A_2013 : vector<16x512xf32>
      %logistic3A_2017 = arith.divf %logistic3A_2015, %logistic3A_2016 : vector<16x512xf32>
      %slice3A_2018 = vector.extract_strided_slice %squeeze3A_1988 {offsets = [0, 1024], sizes = [16, 512], strides = [1, 1]} : vector<16x1536xf32> to vector<16x512xf32>
      %slice3A_2019 = vector.extract_strided_slice %add3A_1999 {offsets = [0, 1024], sizes = [16, 512], strides = [1, 1]} : vector<16x1536xf32> to vector<16x512xf32>
      %mul3A_2020 = arith.mulf %logistic3A_2008, %slice3A_2019 : vector<16x512xf32>
      %add3A_2021 = arith.addf %slice3A_2018, %mul3A_2020 : vector<16x512xf32>
      %tanh3A_2022 = math.tanh %add3A_2021 : vector<16x512xf32>
      %sub3A_2023 = arith.constant 1.000000e+00 : f32
      %sub3A_2024 = vector.broadcast %sub3A_2023 : f32 to vector<16x512xf32>
      %sub3A_2025 = arith.subf %sub3A_2024, %logistic3A_2017 : vector<16x512xf32>
      %mul3A_2026 = arith.mulf %sub3A_2025, %tanh3A_2022 : vector<16x512xf32>
      %mul3A_2027 = arith.mulf %logistic3A_2017, %select_n3A_1966 : vector<16x512xf32>
      %add3A_2028 = arith.addf %mul3A_2026, %mul3A_2027 : vector<16x512xf32>
      %gt3A_2029 = vector.broadcast %add3A_1983 : i32 to vector<16x1xi32>
      %gt3A_2030 = arith.cmpi sgt, %get3A_1, %gt3A_2029 : vector<16x1xi32>
      %ge3A_2031 = arith.constant 0 : i32
      %ge3A_2032 = arith.cmpi sge, %add3A_1983, %ge3A_2031 : i32
      %and3A_2033 = vector.broadcast %ge3A_2032 : i1 to vector<16x1xi1>
      %and3A_2034 = arith.andi %gt3A_2030, %and3A_2033 : vector<16x1xi1>
      %broadcast_in_dim3A_2035 = vector.shape_cast %and3A_2034 : vector<16x1xi1> to vector<16x1xi1>
      %broadcast_in_dim3A_2036 = vector.broadcast %broadcast_in_dim3A_2035 : vector<16x1xi1> to vector<16x512xi1>
      %select_n3A_2037 = arith.select %broadcast_in_dim3A_2036, %add3A_2028, %select_n3A_1966 : vector<16x512xi1>, vector<16x512xf32>
      %jit3A_2038 = arith.constant 0.000000e+00 : f32
      %broadcast_in_dim3A_2039 = vector.shape_cast %and3A_2034 : vector<16x1xi1> to vector<16x1xi1>
      %broadcast_in_dim3A_2040 = vector.broadcast %broadcast_in_dim3A_2039 : vector<16x1xi1> to vector<16x512xi1>
      %broadcast_in_dim3A_2041 = vector.broadcast %jit3A_2038 : f32 to vector<16x512xf32>
      %select_n3A_2042 = arith.select %broadcast_in_dim3A_2040, %add3A_2028, %broadcast_in_dim3A_2041 : vector<16x512xi1>, vector<16x512xf32>
      %swap3A_2043 = arith.constant 27 : index
      %swap3A_2044 = arith.constant 0 : index
      %swap3A_2045 = arith.constant 0 : index
      %swap3A_2046 = vector.load %arg8[%swap3A_2043, %swap3A_2044, %swap3A_2045] : memref<32x16x512xf32, #tpu.memory_space<vmem>>, vector<1x16x512xf32>
      %swap3A_2047 = vector.shape_cast %swap3A_2046 : vector<1x16x512xf32> to vector<16x512xf32>
      %swap3A_2048 = vector.shape_cast %select_n3A_2042 : vector<16x512xf32> to vector<1x16x512xf32>
      tpu.vector_store %arg8[%swap3A_2043, %swap3A_2044, %swap3A_2045], %swap3A_2048 {strides = array<i32>} : memref<32x16x512xf32, #tpu.memory_space<vmem>>, vector<1x16x512xf32>,
      %sub3A_2049 = arith.constant 1 : i32
      %sub3A_2050 = arith.subi %arg0, %sub3A_2049 : i32
      %mul3A_2051 = arith.constant 32 : i32
      %mul3A_2052 = arith.muli %sub3A_2050, %mul3A_2051 : i32
      %add3A_2053 = arith.constant 28 : i32
      %add3A_2054 = arith.addi %mul3A_2052, %add3A_2053 : i32
      %get3A_2055 = arith.index_cast %select_n3A_66 : i32 to index
      %get3A_2056 = arith.constant 448 : index
      %get3A_2057 = arith.constant 0 : index
      %get3A_2058 = vector.load %arg10[%get3A_2055, %get3A_2056, %get3A_2057] : memref<2x512x1536xf32, #tpu.memory_space<vmem>>, vector<1x16x1536xf32>
      %squeeze3A_2059 = vector.shape_cast %get3A_2058 : vector<1x16x1536xf32> to vector<16x1536xf32>
      %convert_element_type3A_2060 = arith.truncf %select_n3A_2037 : vector<16x512xf32> to vector<16x512xbf16>
      %get3A_2061 = arith.constant 0 : index
      %get3A_2062 = arith.constant 0 : index
      %get3A_2063 = vector.load %arg6[%get3A_2061, %get3A_2062] : memref<1536x512xbf16, #tpu.memory_space<vmem>>, vector<1536x512xbf16>
      %dot_general3A_2064 = arith.constant dense<0.000000e+00> : vector<16x1536xf32>
      %dot_general3A_2065 = tpu.matmul %convert_element_type3A_2060, %get3A_2063, %dot_general3A_2064 {dimension_numbers = #tpu.dot_dimension_numbers<[1], [1], [0], [0], [0, 0, 1, 0], [], []>, transpose_lhs_hint = false} : vector<16x512xbf16>, vector<1536x512xbf16>, vector<16x1536xf32> -> vector<16x1536xf32>
      %get3A_2066 = arith.constant 0 : index
      %get3A_2067 = arith.constant 0 : index
      %get3A_2068 = vector.load %arg7[%get3A_2066, %get3A_2067] : memref<1x1536xf32, #tpu.memory_space<vmem>>, vector<1x1536xf32>
      %add3A_2069 = vector.broadcast %get3A_2068 : vector<1x1536xf32> to vector<16x1536xf32>
      %add3A_2070 = arith.addf %dot_general3A_2065, %add3A_2069 : vector<16x1536xf32>
      %slice3A_2071 = vector.extract_strided_slice %squeeze3A_2059 {offsets = [0, 0], sizes = [16, 512], strides = [1, 1]} : vector<16x1536xf32> to vector<16x512xf32>
      %slice3A_2072 = vector.extract_strided_slice %add3A_2070 {offsets = [0, 0], sizes = [16, 512], strides = [1, 1]} : vector<16x1536xf32> to vector<16x512xf32>
      %add3A_2073 = arith.addf %slice3A_2071, %slice3A_2072 : vector<16x512xf32>
      %logistic3A_2074 = arith.negf %add3A_2073 : vector<16x512xf32>
      %logistic3A_2075 = math.exp %logistic3A_2074 : vector<16x512xf32>
      %logistic3A_2076 = arith.constant 1.000000e+00 : f32
      %logistic3A_2077 = vector.broadcast %logistic3A_2076 : f32 to vector<16x512xf32>
      %logistic3A_2078 = arith.addf %logistic3A_2077, %logistic3A_2075 : vector<16x512xf32>
      %logistic3A_2079 = arith.divf %logistic3A_2077, %logistic3A_2078 : vector<16x512xf32>
      %slice3A_2080 = vector.extract_strided_slice %squeeze3A_2059 {offsets = [0, 512], sizes = [16, 512], strides = [1, 1]} : vector<16x1536xf32> to vector<16x512xf32>
      %slice3A_2081 = vector.extract_strided_slice %add3A_2070 {offsets = [0, 512], sizes = [16, 512], strides = [1, 1]} : vector<16x1536xf32> to vector<16x512xf32>
      %add3A_2082 = arith.addf %slice3A_2080, %slice3A_2081 : vector<16x512xf32>
      %logistic3A_2083 = arith.negf %add3A_2082 : vector<16x512xf32>
      %logistic3A_2084 = math.exp %logistic3A_2083 : vector<16x512xf32>
      %logistic3A_2085 = arith.constant 1.000000e+00 : f32
      %logistic3A_2086 = vector.broadcast %logistic3A_2085 : f32 to vector<16x512xf32>
      %logistic3A_2087 = arith.addf %logistic3A_2086, %logistic3A_2084 : vector<16x512xf32>
      %logistic3A_2088 = arith.divf %logistic3A_2086, %logistic3A_2087 : vector<16x512xf32>
      %slice3A_2089 = vector.extract_strided_slice %squeeze3A_2059 {offsets = [0, 1024], sizes = [16, 512], strides = [1, 1]} : vector<16x1536xf32> to vector<16x512xf32>
      %slice3A_2090 = vector.extract_strided_slice %add3A_2070 {offsets = [0, 1024], sizes = [16, 512], strides = [1, 1]} : vector<16x1536xf32> to vector<16x512xf32>
      %mul3A_2091 = arith.mulf %logistic3A_2079, %slice3A_2090 : vector<16x512xf32>
      %add3A_2092 = arith.addf %slice3A_2089, %mul3A_2091 : vector<16x512xf32>
      %tanh3A_2093 = math.tanh %add3A_2092 : vector<16x512xf32>
      %sub3A_2094 = arith.constant 1.000000e+00 : f32
      %sub3A_2095 = vector.broadcast %sub3A_2094 : f32 to vector<16x512xf32>
      %sub3A_2096 = arith.subf %sub3A_2095, %logistic3A_2088 : vector<16x512xf32>
      %mul3A_2097 = arith.mulf %sub3A_2096, %tanh3A_2093 : vector<16x512xf32>
      %mul3A_2098 = arith.mulf %logistic3A_2088, %select_n3A_2037 : vector<16x512xf32>
      %add3A_2099 = arith.addf %mul3A_2097, %mul3A_2098 : vector<16x512xf32>
      %gt3A_2100 = vector.broadcast %add3A_2054 : i32 to vector<16x1xi32>
      %gt3A_2101 = arith.cmpi sgt, %get3A_1, %gt3A_2100 : vector<16x1xi32>
      %ge3A_2102 = arith.constant 0 : i32
      %ge3A_2103 = arith.cmpi sge, %add3A_2054, %ge3A_2102 : i32
      %and3A_2104 = vector.broadcast %ge3A_2103 : i1 to vector<16x1xi1>
      %and3A_2105 = arith.andi %gt3A_2101, %and3A_2104 : vector<16x1xi1>
      %broadcast_in_dim3A_2106 = vector.shape_cast %and3A_2105 : vector<16x1xi1> to vector<16x1xi1>
      %broadcast_in_dim3A_2107 = vector.broadcast %broadcast_in_dim3A_2106 : vector<16x1xi1> to vector<16x512xi1>
      %select_n3A_2108 = arith.select %broadcast_in_dim3A_2107, %add3A_2099, %select_n3A_2037 : vector<16x512xi1>, vector<16x512xf32>
      %jit3A_2109 = arith.constant 0.000000e+00 : f32
      %broadcast_in_dim3A_2110 = vector.shape_cast %and3A_2105 : vector<16x1xi1> to vector<16x1xi1>
      %broadcast_in_dim3A_2111 = vector.broadcast %broadcast_in_dim3A_2110 : vector<16x1xi1> to vector<16x512xi1>
      %broadcast_in_dim3A_2112 = vector.broadcast %jit3A_2109 : f32 to vector<16x512xf32>
      %select_n3A_2113 = arith.select %broadcast_in_dim3A_2111, %add3A_2099, %broadcast_in_dim3A_2112 : vector<16x512xi1>, vector<16x512xf32>
      %swap3A_2114 = arith.constant 28 : index
      %swap3A_2115 = arith.constant 0 : index
      %swap3A_2116 = arith.constant 0 : index
      %swap3A_2117 = vector.load %arg8[%swap3A_2114, %swap3A_2115, %swap3A_2116] : memref<32x16x512xf32, #tpu.memory_space<vmem>>, vector<1x16x512xf32>
      %swap3A_2118 = vector.shape_cast %swap3A_2117 : vector<1x16x512xf32> to vector<16x512xf32>
      %swap3A_2119 = vector.shape_cast %select_n3A_2113 : vector<16x512xf32> to vector<1x16x512xf32>
      tpu.vector_store %arg8[%swap3A_2114, %swap3A_2115, %swap3A_2116], %swap3A_2119 {strides = array<i32>} : memref<32x16x512xf32, #tpu.memory_space<vmem>>, vector<1x16x512xf32>,
      %sub3A_2120 = arith.constant 1 : i32
      %sub3A_2121 = arith.subi %arg0, %sub3A_2120 : i32
      %mul3A_2122 = arith.constant 32 : i32
      %mul3A_2123 = arith.muli %sub3A_2121, %mul3A_2122 : i32
      %add3A_2124 = arith.constant 29 : i32
      %add3A_2125 = arith.addi %mul3A_2123, %add3A_2124 : i32
      %get3A_2126 = arith.index_cast %select_n3A_66 : i32 to index
      %get3A_2127 = arith.constant 464 : index
      %get3A_2128 = arith.constant 0 : index
      %get3A_2129 = vector.load %arg10[%get3A_2126, %get3A_2127, %get3A_2128] : memref<2x512x1536xf32, #tpu.memory_space<vmem>>, vector<1x16x1536xf32>
      %squeeze3A_2130 = vector.shape_cast %get3A_2129 : vector<1x16x1536xf32> to vector<16x1536xf32>
      %convert_element_type3A_2131 = arith.truncf %select_n3A_2108 : vector<16x512xf32> to vector<16x512xbf16>
      %get3A_2132 = arith.constant 0 : index
      %get3A_2133 = arith.constant 0 : index
      %get3A_2134 = vector.load %arg6[%get3A_2132, %get3A_2133] : memref<1536x512xbf16, #tpu.memory_space<vmem>>, vector<1536x512xbf16>
      %dot_general3A_2135 = arith.constant dense<0.000000e+00> : vector<16x1536xf32>
      %dot_general3A_2136 = tpu.matmul %convert_element_type3A_2131, %get3A_2134, %dot_general3A_2135 {dimension_numbers = #tpu.dot_dimension_numbers<[1], [1], [0], [0], [0, 0, 1, 0], [], []>, transpose_lhs_hint = false} : vector<16x512xbf16>, vector<1536x512xbf16>, vector<16x1536xf32> -> vector<16x1536xf32>
      %get3A_2137 = arith.constant 0 : index
      %get3A_2138 = arith.constant 0 : index
      %get3A_2139 = vector.load %arg7[%get3A_2137, %get3A_2138] : memref<1x1536xf32, #tpu.memory_space<vmem>>, vector<1x1536xf32>
      %add3A_2140 = vector.broadcast %get3A_2139 : vector<1x1536xf32> to vector<16x1536xf32>
      %add3A_2141 = arith.addf %dot_general3A_2136, %add3A_2140 : vector<16x1536xf32>
      %slice3A_2142 = vector.extract_strided_slice %squeeze3A_2130 {offsets = [0, 0], sizes = [16, 512], strides = [1, 1]} : vector<16x1536xf32> to vector<16x512xf32>
      %slice3A_2143 = vector.extract_strided_slice %add3A_2141 {offsets = [0, 0], sizes = [16, 512], strides = [1, 1]} : vector<16x1536xf32> to vector<16x512xf32>
      %add3A_2144 = arith.addf %slice3A_2142, %slice3A_2143 : vector<16x512xf32>
      %logistic3A_2145 = arith.negf %add3A_2144 : vector<16x512xf32>
      %logistic3A_2146 = math.exp %logistic3A_2145 : vector<16x512xf32>
      %logistic3A_2147 = arith.constant 1.000000e+00 : f32
      %logistic3A_2148 = vector.broadcast %logistic3A_2147 : f32 to vector<16x512xf32>
      %logistic3A_2149 = arith.addf %logistic3A_2148, %logistic3A_2146 : vector<16x512xf32>
      %logistic3A_2150 = arith.divf %logistic3A_2148, %logistic3A_2149 : vector<16x512xf32>
      %slice3A_2151 = vector.extract_strided_slice %squeeze3A_2130 {offsets = [0, 512], sizes = [16, 512], strides = [1, 1]} : vector<16x1536xf32> to vector<16x512xf32>
      %slice3A_2152 = vector.extract_strided_slice %add3A_2141 {offsets = [0, 512], sizes = [16, 512], strides = [1, 1]} : vector<16x1536xf32> to vector<16x512xf32>
      %add3A_2153 = arith.addf %slice3A_2151, %slice3A_2152 : vector<16x512xf32>
      %logistic3A_2154 = arith.negf %add3A_2153 : vector<16x512xf32>
      %logistic3A_2155 = math.exp %logistic3A_2154 : vector<16x512xf32>
      %logistic3A_2156 = arith.constant 1.000000e+00 : f32
      %logistic3A_2157 = vector.broadcast %logistic3A_2156 : f32 to vector<16x512xf32>
      %logistic3A_2158 = arith.addf %logistic3A_2157, %logistic3A_2155 : vector<16x512xf32>
      %logistic3A_2159 = arith.divf %logistic3A_2157, %logistic3A_2158 : vector<16x512xf32>
      %slice3A_2160 = vector.extract_strided_slice %squeeze3A_2130 {offsets = [0, 1024], sizes = [16, 512], strides = [1, 1]} : vector<16x1536xf32> to vector<16x512xf32>
      %slice3A_2161 = vector.extract_strided_slice %add3A_2141 {offsets = [0, 1024], sizes = [16, 512], strides = [1, 1]} : vector<16x1536xf32> to vector<16x512xf32>
      %mul3A_2162 = arith.mulf %logistic3A_2150, %slice3A_2161 : vector<16x512xf32>
      %add3A_2163 = arith.addf %slice3A_2160, %mul3A_2162 : vector<16x512xf32>
      %tanh3A_2164 = math.tanh %add3A_2163 : vector<16x512xf32>
      %sub3A_2165 = arith.constant 1.000000e+00 : f32
      %sub3A_2166 = vector.broadcast %sub3A_2165 : f32 to vector<16x512xf32>
      %sub3A_2167 = arith.subf %sub3A_2166, %logistic3A_2159 : vector<16x512xf32>
      %mul3A_2168 = arith.mulf %sub3A_2167, %tanh3A_2164 : vector<16x512xf32>
      %mul3A_2169 = arith.mulf %logistic3A_2159, %select_n3A_2108 : vector<16x512xf32>
      %add3A_2170 = arith.addf %mul3A_2168, %mul3A_2169 : vector<16x512xf32>
      %gt3A_2171 = vector.broadcast %add3A_2125 : i32 to vector<16x1xi32>
      %gt3A_2172 = arith.cmpi sgt, %get3A_1, %gt3A_2171 : vector<16x1xi32>
      %ge3A_2173 = arith.constant 0 : i32
      %ge3A_2174 = arith.cmpi sge, %add3A_2125, %ge3A_2173 : i32
      %and3A_2175 = vector.broadcast %ge3A_2174 : i1 to vector<16x1xi1>
      %and3A_2176 = arith.andi %gt3A_2172, %and3A_2175 : vector<16x1xi1>
      %broadcast_in_dim3A_2177 = vector.shape_cast %and3A_2176 : vector<16x1xi1> to vector<16x1xi1>
      %broadcast_in_dim3A_2178 = vector.broadcast %broadcast_in_dim3A_2177 : vector<16x1xi1> to vector<16x512xi1>
      %select_n3A_2179 = arith.select %broadcast_in_dim3A_2178, %add3A_2170, %select_n3A_2108 : vector<16x512xi1>, vector<16x512xf32>
      %jit3A_2180 = arith.constant 0.000000e+00 : f32
      %broadcast_in_dim3A_2181 = vector.shape_cast %and3A_2176 : vector<16x1xi1> to vector<16x1xi1>
      %broadcast_in_dim3A_2182 = vector.broadcast %broadcast_in_dim3A_2181 : vector<16x1xi1> to vector<16x512xi1>
      %broadcast_in_dim3A_2183 = vector.broadcast %jit3A_2180 : f32 to vector<16x512xf32>
      %select_n3A_2184 = arith.select %broadcast_in_dim3A_2182, %add3A_2170, %broadcast_in_dim3A_2183 : vector<16x512xi1>, vector<16x512xf32>
      %swap3A_2185 = arith.constant 29 : index
      %swap3A_2186 = arith.constant 0 : index
      %swap3A_2187 = arith.constant 0 : index
      %swap3A_2188 = vector.load %arg8[%swap3A_2185, %swap3A_2186, %swap3A_2187] : memref<32x16x512xf32, #tpu.memory_space<vmem>>, vector<1x16x512xf32>
      %swap3A_2189 = vector.shape_cast %swap3A_2188 : vector<1x16x512xf32> to vector<16x512xf32>
      %swap3A_2190 = vector.shape_cast %select_n3A_2184 : vector<16x512xf32> to vector<1x16x512xf32>
      tpu.vector_store %arg8[%swap3A_2185, %swap3A_2186, %swap3A_2187], %swap3A_2190 {strides = array<i32>} : memref<32x16x512xf32, #tpu.memory_space<vmem>>, vector<1x16x512xf32>,
      %sub3A_2191 = arith.constant 1 : i32
      %sub3A_2192 = arith.subi %arg0, %sub3A_2191 : i32
      %mul3A_2193 = arith.constant 32 : i32
      %mul3A_2194 = arith.muli %sub3A_2192, %mul3A_2193 : i32
      %add3A_2195 = arith.constant 30 : i32
      %add3A_2196 = arith.addi %mul3A_2194, %add3A_2195 : i32
      %get3A_2197 = arith.index_cast %select_n3A_66 : i32 to index
      %get3A_2198 = arith.constant 480 : index
      %get3A_2199 = arith.constant 0 : index
      %get3A_2200 = vector.load %arg10[%get3A_2197, %get3A_2198, %get3A_2199] : memref<2x512x1536xf32, #tpu.memory_space<vmem>>, vector<1x16x1536xf32>
      %squeeze3A_2201 = vector.shape_cast %get3A_2200 : vector<1x16x1536xf32> to vector<16x1536xf32>
      %convert_element_type3A_2202 = arith.truncf %select_n3A_2179 : vector<16x512xf32> to vector<16x512xbf16>
      %get3A_2203 = arith.constant 0 : index
      %get3A_2204 = arith.constant 0 : index
      %get3A_2205 = vector.load %arg6[%get3A_2203, %get3A_2204] : memref<1536x512xbf16, #tpu.memory_space<vmem>>, vector<1536x512xbf16>
      %dot_general3A_2206 = arith.constant dense<0.000000e+00> : vector<16x1536xf32>
      %dot_general3A_2207 = tpu.matmul %convert_element_type3A_2202, %get3A_2205, %dot_general3A_2206 {dimension_numbers = #tpu.dot_dimension_numbers<[1], [1], [0], [0], [0, 0, 1, 0], [], []>, transpose_lhs_hint = false} : vector<16x512xbf16>, vector<1536x512xbf16>, vector<16x1536xf32> -> vector<16x1536xf32>
      %get3A_2208 = arith.constant 0 : index
      %get3A_2209 = arith.constant 0 : index
      %get3A_2210 = vector.load %arg7[%get3A_2208, %get3A_2209] : memref<1x1536xf32, #tpu.memory_space<vmem>>, vector<1x1536xf32>
      %add3A_2211 = vector.broadcast %get3A_2210 : vector<1x1536xf32> to vector<16x1536xf32>
      %add3A_2212 = arith.addf %dot_general3A_2207, %add3A_2211 : vector<16x1536xf32>
      %slice3A_2213 = vector.extract_strided_slice %squeeze3A_2201 {offsets = [0, 0], sizes = [16, 512], strides = [1, 1]} : vector<16x1536xf32> to vector<16x512xf32>
      %slice3A_2214 = vector.extract_strided_slice %add3A_2212 {offsets = [0, 0], sizes = [16, 512], strides = [1, 1]} : vector<16x1536xf32> to vector<16x512xf32>
      %add3A_2215 = arith.addf %slice3A_2213, %slice3A_2214 : vector<16x512xf32>
      %logistic3A_2216 = arith.negf %add3A_2215 : vector<16x512xf32>
      %logistic3A_2217 = math.exp %logistic3A_2216 : vector<16x512xf32>
      %logistic3A_2218 = arith.constant 1.000000e+00 : f32
      %logistic3A_2219 = vector.broadcast %logistic3A_2218 : f32 to vector<16x512xf32>
      %logistic3A_2220 = arith.addf %logistic3A_2219, %logistic3A_2217 : vector<16x512xf32>
      %logistic3A_2221 = arith.divf %logistic3A_2219, %logistic3A_2220 : vector<16x512xf32>
      %slice3A_2222 = vector.extract_strided_slice %squeeze3A_2201 {offsets = [0, 512], sizes = [16, 512], strides = [1, 1]} : vector<16x1536xf32> to vector<16x512xf32>
      %slice3A_2223 = vector.extract_strided_slice %add3A_2212 {offsets = [0, 512], sizes = [16, 512], strides = [1, 1]} : vector<16x1536xf32> to vector<16x512xf32>
      %add3A_2224 = arith.addf %slice3A_2222, %slice3A_2223 : vector<16x512xf32>
      %logistic3A_2225 = arith.negf %add3A_2224 : vector<16x512xf32>
      %logistic3A_2226 = math.exp %logistic3A_2225 : vector<16x512xf32>
      %logistic3A_2227 = arith.constant 1.000000e+00 : f32
      %logistic3A_2228 = vector.broadcast %logistic3A_2227 : f32 to vector<16x512xf32>
      %logistic3A_2229 = arith.addf %logistic3A_2228, %logistic3A_2226 : vector<16x512xf32>
      %logistic3A_2230 = arith.divf %logistic3A_2228, %logistic3A_2229 : vector<16x512xf32>
      %slice3A_2231 = vector.extract_strided_slice %squeeze3A_2201 {offsets = [0, 1024], sizes = [16, 512], strides = [1, 1]} : vector<16x1536xf32> to vector<16x512xf32>
      %slice3A_2232 = vector.extract_strided_slice %add3A_2212 {offsets = [0, 1024], sizes = [16, 512], strides = [1, 1]} : vector<16x1536xf32> to vector<16x512xf32>
      %mul3A_2233 = arith.mulf %logistic3A_2221, %slice3A_2232 : vector<16x512xf32>
      %add3A_2234 = arith.addf %slice3A_2231, %mul3A_2233 : vector<16x512xf32>
      %tanh3A_2235 = math.tanh %add3A_2234 : vector<16x512xf32>
      %sub3A_2236 = arith.constant 1.000000e+00 : f32
      %sub3A_2237 = vector.broadcast %sub3A_2236 : f32 to vector<16x512xf32>
      %sub3A_2238 = arith.subf %sub3A_2237, %logistic3A_2230 : vector<16x512xf32>
      %mul3A_2239 = arith.mulf %sub3A_2238, %tanh3A_2235 : vector<16x512xf32>
      %mul3A_2240 = arith.mulf %logistic3A_2230, %select_n3A_2179 : vector<16x512xf32>
      %add3A_2241 = arith.addf %mul3A_2239, %mul3A_2240 : vector<16x512xf32>
      %gt3A_2242 = vector.broadcast %add3A_2196 : i32 to vector<16x1xi32>
      %gt3A_2243 = arith.cmpi sgt, %get3A_1, %gt3A_2242 : vector<16x1xi32>
      %ge3A_2244 = arith.constant 0 : i32
      %ge3A_2245 = arith.cmpi sge, %add3A_2196, %ge3A_2244 : i32
      %and3A_2246 = vector.broadcast %ge3A_2245 : i1 to vector<16x1xi1>
      %and3A_2247 = arith.andi %gt3A_2243, %and3A_2246 : vector<16x1xi1>
      %broadcast_in_dim3A_2248 = vector.shape_cast %and3A_2247 : vector<16x1xi1> to vector<16x1xi1>
      %broadcast_in_dim3A_2249 = vector.broadcast %broadcast_in_dim3A_2248 : vector<16x1xi1> to vector<16x512xi1>
      %select_n3A_2250 = arith.select %broadcast_in_dim3A_2249, %add3A_2241, %select_n3A_2179 : vector<16x512xi1>, vector<16x512xf32>
      %jit3A_2251 = arith.constant 0.000000e+00 : f32
      %broadcast_in_dim3A_2252 = vector.shape_cast %and3A_2247 : vector<16x1xi1> to vector<16x1xi1>
      %broadcast_in_dim3A_2253 = vector.broadcast %broadcast_in_dim3A_2252 : vector<16x1xi1> to vector<16x512xi1>
      %broadcast_in_dim3A_2254 = vector.broadcast %jit3A_2251 : f32 to vector<16x512xf32>
      %select_n3A_2255 = arith.select %broadcast_in_dim3A_2253, %add3A_2241, %broadcast_in_dim3A_2254 : vector<16x512xi1>, vector<16x512xf32>
      %swap3A_2256 = arith.constant 30 : index
      %swap3A_2257 = arith.constant 0 : index
      %swap3A_2258 = arith.constant 0 : index
      %swap3A_2259 = vector.load %arg8[%swap3A_2256, %swap3A_2257, %swap3A_2258] : memref<32x16x512xf32, #tpu.memory_space<vmem>>, vector<1x16x512xf32>
      %swap3A_2260 = vector.shape_cast %swap3A_2259 : vector<1x16x512xf32> to vector<16x512xf32>
      %swap3A_2261 = vector.shape_cast %select_n3A_2255 : vector<16x512xf32> to vector<1x16x512xf32>
      tpu.vector_store %arg8[%swap3A_2256, %swap3A_2257, %swap3A_2258], %swap3A_2261 {strides = array<i32>} : memref<32x16x512xf32, #tpu.memory_space<vmem>>, vector<1x16x512xf32>,
      %sub3A_2262 = arith.constant 1 : i32
      %sub3A_2263 = arith.subi %arg0, %sub3A_2262 : i32
      %mul3A_2264 = arith.constant 32 : i32
      %mul3A_2265 = arith.muli %sub3A_2263, %mul3A_2264 : i32
      %add3A_2266 = arith.constant 31 : i32
      %add3A_2267 = arith.addi %mul3A_2265, %add3A_2266 : i32
      %get3A_2268 = arith.index_cast %select_n3A_66 : i32 to index
      %get3A_2269 = arith.constant 496 : index
      %get3A_2270 = arith.constant 0 : index
      %get3A_2271 = vector.load %arg10[%get3A_2268, %get3A_2269, %get3A_2270] : memref<2x512x1536xf32, #tpu.memory_space<vmem>>, vector<1x16x1536xf32>
      %squeeze3A_2272 = vector.shape_cast %get3A_2271 : vector<1x16x1536xf32> to vector<16x1536xf32>
      %convert_element_type3A_2273 = arith.truncf %select_n3A_2250 : vector<16x512xf32> to vector<16x512xbf16>
      %get3A_2274 = arith.constant 0 : index
      %get3A_2275 = arith.constant 0 : index
      %get3A_2276 = vector.load %arg6[%get3A_2274, %get3A_2275] : memref<1536x512xbf16, #tpu.memory_space<vmem>>, vector<1536x512xbf16>
      %dot_general3A_2277 = arith.constant dense<0.000000e+00> : vector<16x1536xf32>
      %dot_general3A_2278 = tpu.matmul %convert_element_type3A_2273, %get3A_2276, %dot_general3A_2277 {dimension_numbers = #tpu.dot_dimension_numbers<[1], [1], [0], [0], [0, 0, 1, 0], [], []>, transpose_lhs_hint = false} : vector<16x512xbf16>, vector<1536x512xbf16>, vector<16x1536xf32> -> vector<16x1536xf32>
      %get3A_2279 = arith.constant 0 : index
      %get3A_2280 = arith.constant 0 : index
      %get3A_2281 = vector.load %arg7[%get3A_2279, %get3A_2280] : memref<1x1536xf32, #tpu.memory_space<vmem>>, vector<1x1536xf32>
      %add3A_2282 = vector.broadcast %get3A_2281 : vector<1x1536xf32> to vector<16x1536xf32>
      %add3A_2283 = arith.addf %dot_general3A_2278, %add3A_2282 : vector<16x1536xf32>
      %slice3A_2284 = vector.extract_strided_slice %squeeze3A_2272 {offsets = [0, 0], sizes = [16, 512], strides = [1, 1]} : vector<16x1536xf32> to vector<16x512xf32>
      %slice3A_2285 = vector.extract_strided_slice %add3A_2283 {offsets = [0, 0], sizes = [16, 512], strides = [1, 1]} : vector<16x1536xf32> to vector<16x512xf32>
      %add3A_2286 = arith.addf %slice3A_2284, %slice3A_2285 : vector<16x512xf32>
      %logistic3A_2287 = arith.negf %add3A_2286 : vector<16x512xf32>
      %logistic3A_2288 = math.exp %logistic3A_2287 : vector<16x512xf32>
      %logistic3A_2289 = arith.constant 1.000000e+00 : f32
      %logistic3A_2290 = vector.broadcast %logistic3A_2289 : f32 to vector<16x512xf32>
      %logistic3A_2291 = arith.addf %logistic3A_2290, %logistic3A_2288 : vector<16x512xf32>
      %logistic3A_2292 = arith.divf %logistic3A_2290, %logistic3A_2291 : vector<16x512xf32>
      %slice3A_2293 = vector.extract_strided_slice %squeeze3A_2272 {offsets = [0, 512], sizes = [16, 512], strides = [1, 1]} : vector<16x1536xf32> to vector<16x512xf32>
      %slice3A_2294 = vector.extract_strided_slice %add3A_2283 {offsets = [0, 512], sizes = [16, 512], strides = [1, 1]} : vector<16x1536xf32> to vector<16x512xf32>
      %add3A_2295 = arith.addf %slice3A_2293, %slice3A_2294 : vector<16x512xf32>
      %logistic3A_2296 = arith.negf %add3A_2295 : vector<16x512xf32>
      %logistic3A_2297 = math.exp %logistic3A_2296 : vector<16x512xf32>
      %logistic3A_2298 = arith.constant 1.000000e+00 : f32
      %logistic3A_2299 = vector.broadcast %logistic3A_2298 : f32 to vector<16x512xf32>
      %logistic3A_2300 = arith.addf %logistic3A_2299, %logistic3A_2297 : vector<16x512xf32>
      %logistic3A_2301 = arith.divf %logistic3A_2299, %logistic3A_2300 : vector<16x512xf32>
      %slice3A_2302 = vector.extract_strided_slice %squeeze3A_2272 {offsets = [0, 1024], sizes = [16, 512], strides = [1, 1]} : vector<16x1536xf32> to vector<16x512xf32>
      %slice3A_2303 = vector.extract_strided_slice %add3A_2283 {offsets = [0, 1024], sizes = [16, 512], strides = [1, 1]} : vector<16x1536xf32> to vector<16x512xf32>
      %mul3A_2304 = arith.mulf %logistic3A_2292, %slice3A_2303 : vector<16x512xf32>
      %add3A_2305 = arith.addf %slice3A_2302, %mul3A_2304 : vector<16x512xf32>
      %tanh3A_2306 = math.tanh %add3A_2305 : vector<16x512xf32>
      %sub3A_2307 = arith.constant 1.000000e+00 : f32
      %sub3A_2308 = vector.broadcast %sub3A_2307 : f32 to vector<16x512xf32>
      %sub3A_2309 = arith.subf %sub3A_2308, %logistic3A_2301 : vector<16x512xf32>
      %mul3A_2310 = arith.mulf %sub3A_2309, %tanh3A_2306 : vector<16x512xf32>
      %mul3A_2311 = arith.mulf %logistic3A_2301, %select_n3A_2250 : vector<16x512xf32>
      %add3A_2312 = arith.addf %mul3A_2310, %mul3A_2311 : vector<16x512xf32>
      %gt3A_2313 = vector.broadcast %add3A_2267 : i32 to vector<16x1xi32>
      %gt3A_2314 = arith.cmpi sgt, %get3A_1, %gt3A_2313 : vector<16x1xi32>
      %ge3A_2315 = arith.constant 0 : i32
      %ge3A_2316 = arith.cmpi sge, %add3A_2267, %ge3A_2315 : i32
      %and3A_2317 = vector.broadcast %ge3A_2316 : i1 to vector<16x1xi1>
      %and3A_2318 = arith.andi %gt3A_2314, %and3A_2317 : vector<16x1xi1>
      %broadcast_in_dim3A_2319 = vector.shape_cast %and3A_2318 : vector<16x1xi1> to vector<16x1xi1>
      %broadcast_in_dim3A_2320 = vector.broadcast %broadcast_in_dim3A_2319 : vector<16x1xi1> to vector<16x512xi1>
      %select_n3A_2321 = arith.select %broadcast_in_dim3A_2320, %add3A_2312, %select_n3A_2250 : vector<16x512xi1>, vector<16x512xf32>
      %jit3A_2322 = arith.constant 0.000000e+00 : f32
      %broadcast_in_dim3A_2323 = vector.shape_cast %and3A_2318 : vector<16x1xi1> to vector<16x1xi1>
      %broadcast_in_dim3A_2324 = vector.broadcast %broadcast_in_dim3A_2323 : vector<16x1xi1> to vector<16x512xi1>
      %broadcast_in_dim3A_2325 = vector.broadcast %jit3A_2322 : f32 to vector<16x512xf32>
      %select_n3A_2326 = arith.select %broadcast_in_dim3A_2324, %add3A_2312, %broadcast_in_dim3A_2325 : vector<16x512xi1>, vector<16x512xf32>
      %swap3A_2327 = arith.constant 31 : index
      %swap3A_2328 = arith.constant 0 : index
      %swap3A_2329 = arith.constant 0 : index
      %swap3A_2330 = vector.load %arg8[%swap3A_2327, %swap3A_2328, %swap3A_2329] : memref<32x16x512xf32, #tpu.memory_space<vmem>>, vector<1x16x512xf32>
      %swap3A_2331 = vector.shape_cast %swap3A_2330 : vector<1x16x512xf32> to vector<16x512xf32>
      %swap3A_2332 = vector.shape_cast %select_n3A_2326 : vector<16x512xf32> to vector<1x16x512xf32>
      tpu.vector_store %arg8[%swap3A_2327, %swap3A_2328, %swap3A_2329], %swap3A_2332 {strides = array<i32>} : memref<32x16x512xf32, #tpu.memory_space<vmem>>, vector<1x16x512xf32>,
      %swap3A_2333 = arith.constant 0 : index
      %swap3A_2334 = arith.constant 0 : index
      %swap3A_2335 = vector.load %arg11[%swap3A_2333, %swap3A_2334] : memref<16x512xf32, #tpu.memory_space<vmem>>, vector<16x512xf32>
      tpu.vector_store %arg11[%swap3A_2333, %swap3A_2334], %select_n3A_2321 {strides = array<i32>} : memref<16x512xf32, #tpu.memory_space<vmem>>, vector<16x512xf32>,
    } else {
    }
    %eq3A_14 = arith.constant 17 : i32
    %eq3A_15 = arith.cmpi eq, %arg0, %eq3A_14 : i32
    %convert_element_type3A_16 = arith.extui %eq3A_15 : i1 to i32
    %cond3A_17 = arith.constant 0 : i32
    %cond3A_18 = arith.cmpi ne, %convert_element_type3A_16, %cond3A_17 : i32
    scf.if %cond3A_18 {
      %broadcast_in_dim3A = arith.constant 0.000000e+00 : f32
      %broadcast_in_dim3A_19 = vector.broadcast %broadcast_in_dim3A : f32 to vector<32x16x512xf32>
      %swap3A = arith.constant 0 : index
      %swap3A_20 = arith.constant 0 : index
      %swap3A_21 = arith.constant 0 : index
      %swap3A_22 = vector.load %arg8[%swap3A, %swap3A_20, %swap3A_21] : memref<32x16x512xf32, #tpu.memory_space<vmem>>, vector<32x16x512xf32>
      tpu.vector_store %arg8[%swap3A, %swap3A_20, %swap3A_21], %broadcast_in_dim3A_19 {strides = array<i32>} : memref<32x16x512xf32, #tpu.memory_space<vmem>>, vector<32x16x512xf32>,
      %get3A_23 = arith.constant 0 : index
      %get3A_24 = arith.constant 0 : index
      %get3A_25 = vector.load %arg11[%get3A_23, %get3A_24] : memref<16x512xf32, #tpu.memory_space<vmem>>, vector<16x512xf32>
      %swap3A_26 = arith.constant 0 : index
      %swap3A_27 = arith.constant 0 : index
      %swap3A_28 = vector.load %arg9[%swap3A_26, %swap3A_27] : memref<16x512xf32, #tpu.memory_space<vmem>>, vector<16x512xf32>
      tpu.vector_store %arg9[%swap3A_26, %swap3A_27], %get3A_25 {strides = array<i32>} : memref<16x512xf32, #tpu.memory_space<vmem>>, vector<16x512xf32>,
    } else {
    }
    return
  }
  func.func @transform_0(%arg0: i32) -> (i32, i32) {
    %c0_i32 = arith.constant 0 : i32
    %c0_i32_0 = arith.constant 0 : i32
    %c0_i32_1 = arith.constant 0 : i32
    return %c0_i32, %c0_i32_0 : i32, i32
  }
  func.func @transform_1(%arg0: i32) -> (i32, i32) {
    %min3A = arith.constant 15 : i32
    %min3A_0 = arith.minsi %arg0, %min3A : i32
    %c0_i32 = arith.constant 0 : i32
    %c0_i32_1 = arith.constant 0 : i32
    return %min3A_0, %c0_i32 : i32, i32
  }
  func.func @transform_2(%arg0: i32) -> (i32, i32) {
    %c0_i32 = arith.constant 0 : i32
    %c0_i32_0 = arith.constant 0 : i32
    %c0_i32_1 = arith.constant 0 : i32
    return %c0_i32, %c0_i32_0 : i32, i32
  }
  func.func @transform_3(%arg0: i32) -> (i32, i32) {
    %c0_i32 = arith.constant 0 : i32
    %c0_i32_0 = arith.constant 0 : i32
    %c0_i32_1 = arith.constant 0 : i32
    return %c0_i32, %c0_i32_0 : i32, i32
  }
  func.func @transform_4(%arg0: i32) -> (i32, i32) {
    %c0_i32 = arith.constant 0 : i32
    %c0_i32_0 = arith.constant 0 : i32
    %c0_i32_1 = arith.constant 0 : i32
    return %c0_i32, %c0_i32_0 : i32, i32
  }
  func.func @transform_5(%arg0: i32) -> (i32, i32) {
    %c0_i32 = arith.constant 0 : i32
    %c0_i32_0 = arith.constant 0 : i32
    %c0_i32_1 = arith.constant 0 : i32
    return %c0_i32, %c0_i32_0 : i32, i32
  }
  func.func @transform_6(%arg0: i32) -> (i32, i32) {
    %c0_i32 = arith.constant 0 : i32
    %c0_i32_0 = arith.constant 0 : i32
    %c0_i32_1 = arith.constant 0 : i32
    return %c0_i32, %c0_i32_0 : i32, i32
  }
  func.func @transform_7(%arg0: i32) -> (i32, i32, i32) {
    %sub3A = arith.constant 1 : i32
    %sub3A_0 = arith.subi %arg0, %sub3A : i32
    %jit3A = arith.constant 0 : i32
    %jit3A_1 = arith.constant 16 : i32
    %max3A = arith.maxsi %jit3A, %sub3A_0 : i32
    %min3A = arith.minsi %jit3A_1, %max3A : i32
    %c0_i32 = arith.constant 0 : i32
    %c0_i32_2 = arith.constant 0 : i32
    %c0_i32_3 = arith.constant 0 : i32
    return %min3A, %c0_i32, %c0_i32_2 : i32, i32, i32
  }
  func.func @transform_8(%arg0: i32) -> (i32, i32) {
    %c0_i32 = arith.constant 0 : i32
    %c0_i32_0 = arith.constant 0 : i32
    %c0_i32_1 = arith.constant 0 : i32
    return %c0_i32, %c0_i32_0 : i32, i32
  }
}

</mosaic_0001>

<sc_bundles>
// kernel: kernel.5.cloned.1.call-start
scs
__scs_entry_jumppad:
0x0: {  	(pc) =	sbr.rel $0x88, $3  }
0x1: {  	(tag) =	ssettag $0x0;
	lr =	simm.s32 $0x1  }
0x2: {  	[smem:$0x3F9A] =	sst lr;
	_ =	strace $0xD0000000  }
0x3: {  	_ = 	snop  }
0x4: {  	_ = 	snop  }
0x5: {  	_ = 	snop  }
0x6: {  	_ = 	snop  }
0x7: {  	_ = 	snop  }
__scs_overlays_trampoline_lowered:
0x8: {  	[smem:$0x3FA9] =	sst s0  }
0x9: {  	[smem:$0x3FAA] =	sst s1  }
0xa: {  	[smem:$0x3FAB] =	sst s2  }
0xb: {  	[smem:$0x3FAC] =	sst s3  }
0xc: {  	[smem:$0x3FAD] =	sst s4  }
0xd: {  	[smem:$0x3FAE] =	sst s5  }
0xe: {  	[smem:$0x3FAF] =	sst s6  }
0xf: {  	[smem:$0x3FB0] =	sst s7  }
0x10: {  	[smem:$0x3FB1] =	sst s8  }
0x11: {  	[smem:$0x3FB2] =	sst s9;
	s0 =	simm.s32 @!p0 $0x0  }
0x12: {  	s1 =	sld [smem:$0x3F98];
	s0 =	simm.s32 @p0 $0x1  }
0x13: {  	[smem:$0x3FB3] =	sst s0;
	s0 =	simm.s32 @!p1 $0x0  }
0x14: {  	s2 =	sld [smem:$0x3F97];
	s0 =	simm.s32 @p1 $0x1  }
0x15: {  	[smem:$0x3FB4] =	sst s0;
	s0 =	simm.s32 @!p2 $0x0  }
0x16: {  	s3 =	sld [smem:$0x3FDB];
	s0 =	simm.s32 @p2 $0x1  }
0x17: {  	s4 =	simm.s32 $0x1BF5;
	[smem:$0x3FB6] =	sst s0  }
0x18: {  	s0 =	sld [smem:$0x3F99];
	_ =	swait.ge [sflag:s4], $0x0  }
0x19: {  	s7 =	sld [smem:$0x3F9A]  }
0x1a: {  	s8 =	sadd.s32 $0xFFFFE003, lr  }
0x1b: {  	s9 =	sadd.s32 $0xFFFFFEF7, lr;
	s5 =	simm.s32 $0xFFFFFFFF;
	p2 =	slt.u32 s8, $0xFFFFF086  }
0x1c: {  	p1 =	slt.u32 s9, $0xF7A;
	s5 =	simm.s32 @!p2 $0x0  }
0x1d: {  	s5 =	simm.s32 @p1 $0x1;
	p0 =	seq.s32 s7, s2  }
0x1e: {  	s7 =	smul.u32 @!p0 $0xF7A, s2;
	p2 =	seq.s32 @!p0 s5, $0x0  }
0x1f: {  	s9 =	smul.u32 $0xF7A, s1;
	s8 =	simm.s32 @!p0 $0x1BF5;
	p2 =	por !p2, p0  }
0x20: {  	[sflag:s8] =	ssyncset.s32 @!p0 $0xFFFFF086;
	s6 =	sadd.s32 @!p0 s3, s7;
	s7 =	simm.s32 @!p0 $0x108  }
0x21: {  	s3 =	sadd.s32 s3, s9;
	s6 =	sadd.s32 @!p0 $0x88, s6;
	s7 =	simm.s32 @p2 $0x1082  }
0x22: {  	[simem:s7], [sflag:s8] =	dma.local @!p0 [hbm:s6], $0xF7A  }
0x23: {  	s9 =	sor.u32 $0xD0000000, s2;
	s6 =	simm.s32 $0x108;
	_ =	swait.ge @!p0 [sflag:s8], $0x0  }
0x24: {  	s3 =	sadd.s32 $0x88, s3;
	s6 =	simm.s32 @!p1 $0x1082;
	[sflag:s4] =	ssyncset.s32 $0xFFFFF086  }
0x25: {  	[simem:s6], [sflag:s4] =	dma.local [hbm:s3], $0xF7A  }
0x26: {  	[smem:$0x3F9A] =	sst s1;
	(tag) =	ssettag s2;
	_ =	strace s9  }
0x27: {  	s1 =	sld [smem:$0x3FAA]  }
0x28: {  	s2 =	sld [smem:$0x3FAB]  }
0x29: {  	s4 =	sld [smem:$0x3FAD]  }
0x2a: {  	p0 =	seq.s32 s5, $0x0;
	s5 =	sld [smem:$0x3FAE]  }
0x2b: {  	s6 =	sld [smem:$0x3FAF]  }
0x2c: {  	s7 =	sld [smem:$0x3FB0]  }
0x2d: {  	s3 =	simm.s32 $0x108;
	s8 =	sld [smem:$0x3FB1]  }
0x2e: {  	s3 =	simm.s32 @!p0 $0x1082;
	s9 =	sld [smem:$0x3FB2]  }
0x2f: {  	lr =	sadd.s32 s0, s3;
	s0 =	sld [smem:$0x3FA9]  }
0x30: {  	s3 =	sld [smem:$0x3FAC]  }
0x31: {  	[smem:$0x3FB5] =	sst s10  }
0x32: {  	s10 =	sld [smem:$0x3FB3];
	_ =	sdelay $0x3  }
0x33: {  	p0 =	seq.s32 s10, $0x1;
	s10 =	sld [smem:$0x3FB5];
	_ =	sdelay $0x3  }
0x34: {  	[smem:$0x3FB5] =	sst s10  }
0x35: {  	s10 =	sld [smem:$0x3FB4];
	_ =	sdelay $0x3  }
0x36: {  	p1 =	seq.s32 s10, $0x1;
	s10 =	sld [smem:$0x3FB5];
	_ =	sdelay $0x3  }
0x37: {  	[smem:$0x3FB5] =	sst s10  }
0x38: {  	s10 =	sld [smem:$0x3FB6]  }
0x39: {  	_ = 	snop;
	(pc) =	sbr.ind lr, $3  }
0x3a: {  	_ = 	snop  }
0x3b: {  	_ = 	snop  }
0x3c: {  	p2 =	seq.s32 s10, $0x1;
	s10 =	sld [smem:$0x3FB5]  }
0x3d: {  	_ =	shalt  }
0x3e: {  	_ =	shalt  }
0x3f: {  	_ =	shalt  }
0x40: {  	_ =	shalt  }
0x41: {  	_ =	shalt  }
0x42: {  	_ =	shalt  }
0x43: {  	_ =	shalt  }
0x44: {  	_ =	shalt  }
0x45: {  	_ =	shalt  }
0x46: {  	_ =	shalt  }
0x47: {  	_ =	shalt  }
0x48: {  	_ =	shalt  }
0x49: {  	_ =	shalt  }
0x4a: {  	_ =	shalt  }
0x4b: {  	_ =	shalt  }
0x4c: {  	_ =	shalt  }
0x4d: {  	_ =	shalt  }
0x4e: {  	_ =	shalt  }
0x4f: {  	_ =	shalt  }
0x50: {  	_ =	shalt  }
0x51: {  	_ =	shalt  }
0x52: {  	_ =	shalt  }
0x53: {  	_ =	shalt  }
0x54: {  	_ =	shalt  }
0x55: {  	_ =	shalt  }
0x56: {  	_ =	shalt  }
0x57: {  	_ =	shalt  }
0x58: {  	_ =	shalt  }
0x59: {  	_ =	shalt  }
0x5a: {  	_ =	shalt  }
0x5b: {  	_ =	shalt  }
0x5c: {  	_ =	shalt  }
0x5d: {  	_ =	shalt  }
0x5e: {  	_ =	shalt  }
0x5f: {  	_ =	shalt  }
0x60: {  	_ =	shalt  }
0x61: {  	_ =	shalt  }
0x62: {  	_ =	shalt  }
0x63: {  	_ =	shalt  }
0x64: {  	_ =	shalt  }
0x65: {  	_ =	shalt  }
0x66: {  	_ =	shalt  }
0x67: {  	_ =	shalt  }
0x68: {  	_ =	shalt  }
0x69: {  	_ =	shalt  }
0x6a: {  	_ =	shalt  }
0x6b: {  	_ =	shalt  }
0x6c: {  	_ =	shalt  }
0x6d: {  	_ =	shalt  }
0x6e: {  	_ =	shalt  }
0x6f: {  	_ =	shalt  }
0x70: {  	_ =	shalt  }
0x71: {  	_ =	shalt  }
0x72: {  	_ =	shalt  }
0x73: {  	_ =	shalt  }
0x74: {  	_ =	shalt  }
0x75: {  	_ =	shalt  }
0x76: {  	_ =	shalt  }
0x77: {  	_ =	shalt  }
0x78: {  	_ =	shalt  }
0x79: {  	_ =	shalt  }
0x7a: {  	_ =	shalt  }
0x7b: {  	_ =	shalt  }
0x7c: {  	_ =	shalt  }
0x7d: {  	_ =	shalt  }
0x7e: {  	_ =	shalt  }
0x7f: {  	_ =	shalt  }
0x80: {  	_ =	shalt  }
0x81: {  	_ =	shalt  }
0x82: {  	_ =	shalt  }
0x83: {  	_ =	shalt  }
0x84: {  	_ =	shalt  }
0x85: {  	_ =	shalt  }
0x86: {  	_ =	shalt  }
0x87: {  	_ =	shalt  }
.Lfunc_end0:
.L_simem_size_0:
called_computation_lowered:
.L_overlay_start_0:
0x88: {  	s2 =	sld [smem:$0x3FD9]  }
0x89: {  	s3 =	sld [smem:$0x3FFE];
	_ =	sdelay $0x1  }
0x8a: {  	s1 =	srdreg.scid  }
0x8b: {  	s0 =	sand.u32 $0x1, s1  }
0x8c: {  	s14 =	sshll.u32 s0, $0xA;
	s2 =	sadd.s32 s3, s2  }
0x8d: {  	s2 =	sadd.s32 s2, s14  }
0x8e: {  	[smem:$0x3FC1] =	sst s2  }
0x8f: {  	_ = 	snop  }
0x90: {  	s2 =	sld [smem:$0x3FD0];
	_ =	sdelay $0x2  }
0x91: {  	s4 =	simm.s32 $0xA;
	s5 =	simm.s32 $0x10;
	s15 =	sld [smem:$0x3FC9]  }
0x92: {  	[smem:s5], [sflag:s4] =	dma.local [hbm:s2], $0x1  }
0x93: {  	_ =	swait.eq [sflag:s4], $0x1  }
0x94: {  	[sflag:s4] =	ssyncset.done $0x0  }
0x95: {  	s16 =	sld [smem:$0x10];
	[sflag:s4] =	ssyncadd.s32 $0xFFFFFFFF  }
0x96: {  	s17 =	sld [smem:$0x11];
	(tm) =	ssettm $0x1  }
0x97: {  	s18 =	sld [smem:$0x3FFB];
	_ =	sdelay $0x3  }
0x98: {  	_ =	strace s18  }
0x99: {  	s5 =	sld [smem:$0x3FFC];
	_ =	sdelay $0x3  }
0x9a: {  	_ =	strace s5  }
0x9b: {  	s5 =	sld [smem:$0x3FFD];
	_ =	sdelay $0x3  }
0x9c: {  	_ =	strace s5  }
0x9d: {  	_ =	strace $0x8FFFFFFF  }
0x9e: {  	s19 =	sld [smem:$0x3FDB];
	_ =	sdelay $0x1  }
0x9f: {  	s6 =	simm.s32 $_scs_section_size  }
0xa0: {  	s7 =	simm.s32 $_size__tile_overlayer_lowered;
	s8 =	simm.s32 $_tile_overlayer_lowered  }
0xa1: {  	s22 =	simm.s32 $0x1BFF;
	s21 =	sshll.u32 s8, $0x1;
	s5 =	sadd.s32 s6, s19  }
0xa2: {  	s9 =	simm.s32 $0x0;
	s20 =	sshll.u32 s7, $0x1;
	s7 =	sadd.s32 s21, s5  }
0xa3: {  	[timem:s9], [sflag:s22] =	dma.local [hbm:s7], s20  }
0xa4: {  	_ =	swait.ge [sflag:s22], s20  }
0xa5: {  	s6 =	ssub.s32 $0x0, s20;
	[sflag:s22] =	ssyncset.done $0x0  }
0xa6: {  	[sflag:s22] =	ssyncadd.s32 s6;
	_ =	sdelay $0x1  }
0xa7: {  	s23 =	simm.s32 $0x1B8B  }
0xa8: {  	_ =	swait.ge [sflag:s23], $0x1  }
0xa9: {  	[sflag:s23] =	ssyncset.done $0x0  }
0xaa: {  	s25 =	simm.s32 $0x1B8E;
	s24 =	sld [smem:$0x3FFE];
	[sflag:s23] =	ssyncadd.s32 $0xFFFFFFFF  }
0xab: {  	s26 =	simm.s32 $execute0_lowered;
	[smem:$0x3FD2] =	sst s25  }
0xac: {  	s7 =	sshll.u32 s26, $0x1;
	_ =	strace $0x80000046;
	[dreg:$0x1] =	wrdreg $0xFFFFFFFF  }
0xad: {  	s28 =	simm.s32 $_size_execute0_lowered;
	s5 =	sadd.s32 s5, s7;
	[dreg:$0x0] =	wrdreg $0x0  }
0xae: {  	s7 =	sshll.u32 s28, $0x1;
	[dreg:$0x2] =	wrdreg s5  }
0xaf: {  	[dreg:$0x3] =	wrdreg s7  }
0xb0: {  	[dreg:$0x4] =	wrdreg $0xC0  }
0xb1: {  	_ =	task [dreg:s9], $0x5FFFF  }
0xb2: {  	[dreg:$0x1] =	wrdreg $0xFFFFFFFF  }
0xb3: {  	[dreg:$0x0] =	wrdreg $0x60  }
0xb4: {  	[dreg:$0x2] =	wrdreg s17  }
0xb5: {  	[dreg:$0x3] =	wrdreg s15  }
0xb6: {  	[dreg:$0x4] =	wrdreg s16  }
0xb7: {  	[dreg:$0x5] =	wrdreg s24  }
0xb8: {  	[dreg:$0x6] =	wrdreg $0x81800  }
0xb9: {  	[dreg:$0x7] =	wrdreg $0x9  }
0xba: {  	_ =	task.clear_ibuf [dreg:s9], $0x8FFFF;
	_ =	strace $0x90000046  }
0xbb: {  	s29 =	simm.s32 $0x9;
	_ =	strace $0x80000048  }
0xbc: {  	_ =	swait.ge [sflag:s29], $0x1  }
0xbd: {  	[sflag:s29] =	ssyncadd.s32 $0xFFFFFFFF  }
0xbe: {  	_ =	strace $0x90000048  }
0xbf: {  	_ =	sfence  }
0xc0: {  	s30 =	sld [smem:$0x0];
	_ =	sdelay $0x2  }
0xc1: {  	s31 =	sshll.u32 s1, $0xD;
	s1 =	sshrl.u32 s1, $0x2  }
0xc2: {  	s3 =	sand.u32 $0x4000, s31;
	s1 =	sadd.s32 s1, s30  }
0xc3: {  	s0 =	sor.u32 s3, s0;
	s1 =	sshll.u32 s1, $0x11  }
0xc4: {  	s0 =	sor.u32 s1, s0  }
0xc5: {  	s0 =	sadd.s32 $0x8F2B, s0  }
0xc6: {  	[sflag:s0] =	ssyncadd.remote.s32 $0x1  }
0xc7: {  	_ =	sfence.sel $0xFFFF  }
0xc8: {  	[dreg:$0x0] =	wrdreg $0xFFFFFFFF;
	(pc) =	sbr.abs _section_cstart, $3  }
0xc9: {  	[dreg:$0x1] =	wrdreg $0xFFFFFFFF  }
0xca: {  	_ =	task.clear_ibuf [dreg:s9], $0x2FFFF;
	_ =	strace $0x9FFFFFFF  }
0xcb: {  	(tm) =	ssettm $0x7FFFFFFF  }
tec
execute0_lowered:
.L_overlay_start_1:
0x0: {  	(tag) =	ssettag $0x1  }
0x1: {  	s2 =	rddreg [dreg:$0x1]  }
0x2: {  	s0 =	rddreg [dreg:$0x2]  }
0x3: {  	s1 =	rddreg [dreg:$0x3]  }
0x4: {  	s10 =	rddreg [dreg:$0x4];
	s4 =	simm.s32 $0x0  }
0x5: {  	s3 =	srdreg.scid;
	s5 =	stileid.u32;
	s15 =	simm.s32 $0x8100  }
0x6: {  	v0 =	vimm.s32 $0xEDCBA987;
	v1 =	vimm.s32 $0x65432100;
	s16 =	simm.s32 $0x2000;
	s13 =	simm.s32 $0x0;
	s11 =	simm.s32 $0x9C80  }
0x7: {  	v2 =	vimm.s32 $0xDCBA9876;
	s12 =	simm.s32 $0xA480;
	s21 =	simm.s32 $0xAC80;
	s28 =	simm.s32 $0xDC80  }
0x8: {  	v3 =	vimm.s32 $0x54321000;
	v4 =	vimm.s32 $0xBA987654;
	s19 =	simm.s32 $0xE480;
	s14 =	simm.s32 $0xF480;
	s29 =	simm.s32 $0x12C80  }
0x9: {  	v5 =	vimm.s32 $0xE40000;
	v6 =	vimm.s32 $0x32100000;
	vm0 =	vmmov $0x3;
	s30 =	simm.s32 $0x13480;
	s31 =	simm.s32 $0x13C80;
	s20 =	simm.s32 $0x16480  }
0xa: {  	vm1 =	vmmov $0xf;
	vm2 =	vcmask $0x3F30;
	vm3 =	vmmov $0xffff;
	[smem:$0x7FF] =	sst s4;
	s3 =	sand.u32 $0x1, s3;
	s7 =	sshll.u32 s5, $0x9  }
0xb: {  	s9 =	sadd.s32 $0x1C00, s1;
	s1 =	sadd.s32 $0x1A00, s1;
	v0 =	vunpack.c.l.s4.s8 v0;
	p0 =	sne.s32 s5, $0x0;
	v1 =	vunpack.c.l.s4.s8 v1;
	v2 =	vunpack.c.l.s4.s8 v2  }
0xc: {  	v3 =	vunpack.c.l.s4.s8 v3;
	v4 =	vunpack.c.l.s4.s8 v4;
	v5 =	vunpack.c.l.s2.s4 v5;
	_ =	strace $0x80000047;
	s6 =	ssub.s32 $0x2, s3;
	[dreg:$0x6] =	wrdreg s9  }
0xd: {  	v6 =	vunpack.c.l.s4.s8 v6;
	s8 =	sshll.u32 s3, $0x8;
	[dreg:$0x7] =	wrdreg s1;
	p1 =	sne.s32 s3, $0x0;
	v0 =	vunpack.c.0.s8.s32 v0;
	v2 =	vunpack.c.0.s8.s32 v2  }
0xe: {  	s22 =	sshrl.u32 s6, $0x1;
	s7 =	sor.u32 s8, s7;
	s8 =	sadd.s32 $0x100, s2;
	v1 =	vunpack.c.0.s8.s32 v1;
	v4 =	vunpack.c.0.s8.s32 v4;
	v5 =	vunpack.c.l.s4.s8 v5  }
0xf: {  	v3 =	vunpack.c.0.s8.s32 v3;
	s23 =	ssub.s32 s6, s22;
	s24 =	sshll.u32 s7, $0x6;
	s7 =	sadd.s32 s7, s10;
	v0 =	vand.u32 $0xF, v0;
	v2 =	vand.u32 $0xF, v2  }
0x10: {  	s10 =	simm.s32 $0x9480;
	[dreg:$0x8] =	wrdreg s7;
	s0 =	sadd.s32 s0, s24;
	v4 =	vand.u32 $0xF, v4;
	v5 =	vunpack.c.0.s8.s32 v5;
	v0 =	vcombine.low v1, v0  }
.Ltmp0:
0x11: {  	s26 =	smax.u32 s23, $0x1;
	[dreg:$0x9] =	wrdreg s0;
	v1 =	vlaneseq.u32;
	v2 =	vcombine.low v3, v2;
	v3 =	vunpack.c.0.s8.s32 v6;
	(pc) =	sbr.rel .LBB2_1-.Ltmp0, $4  }
0x12: {  	s22 =	simm.s32 $0xB480;
	s6 =	sadd.s32 $0x1000, s0;
	[dreg:$0xd] =	wrdreg s26;
	v6 =	vimm.s32 $0x7060504;
	v5 =	vand.u32 $0x3, v5;
	v7 =	vand.u32 $0x7, v1  }
0x13: {  	s23 =	simm.s32 $0xBC80;
	s25 =	sadd.s32 $0x2000, s0;
	[dreg:$0xa] =	wrdreg s6;
	v8 =	vshrl.u32 v1, $0x3;
	v3 =	vcombine.low v3, v4;
	v4 =	vunpack.c.0.s8.s32 v6  }
0x14: {  	s24 =	simm.s32 $0xC480;
	s0 =	sadd.s32 $0x3000, s0;
	[dreg:$0xb] =	wrdreg s25;
	v9 =	vor.u32 $0x8, v1;
	v6 =	vimm.s32 $0x0;
	v8 =	vmul.u32 $0x8, v8  }
0x15: {  	s26 =	simm.s32 $0xD480;
	[dreg:$0xc] =	wrdreg s0;
	s25 =	simm.s32 $0xCC80;
	v4 =	vsel vm2, v4, v5;
	vm2 =	vmmov $0xff;
	v5 =	vor.u32 $0x2000, v1  }
.LBB2_7:
0x16: {  	[bflag:$0x0] =	sbarrier.arrive $0xFFFF  }
0x17: {  	s1 =	simm.s32 $0x8380;
	s5 =	simm.s32 $0x5;
	s0 =	rddreg [dreg:$0x8]  }
0x18: {  	[tilespmem:s1], [sflag:$0x5] =	stream.linear.gather [spmem:s0], $0x100, $0x38;
	[tilespmem:$0x18480] =	vst v63  }
0x19: {  	_ =	swait.ge [sflag:s5], $0x100  }
0x1a: {  	[sflag:s5] =	ssyncset.done $0x0  }
0x1b: {  	[sflag:s5] =	ssyncadd.s32 $0xFFFFFF00  }
0x1c: {  	v10 =	vld [tilespmem:$0x8380];
	_ =	sdelay $0x4  }
0x1d: {  	v11 =	vshll.u32 v10, $0x2  }
0x1e: {  	v10 =	vand.u32 $0x7, v10;
	v11 =	vand.u32 $0xFFFFFFE0, v11  }
0x1f: {  	v10 =	vor.u32 v10, v11  }
0x20: {  	v11 =	vperm.xlane v10, v7;
	_ =	sdelay $0x1  }
0x21: {  	v11 =	vadd.s32 v8, v11;
	_ =	sdelay $0x1  }
0x22: {  	v10 =	vperm.xlane v10, v9;
	_ =	sdelay $0x1  }
0x23: {  	s9 =	simm.s32 $0x8480;
	v10 =	vadd.s32 v8, v10  }
0x24: {  	[tilespmem:s9], [sflag:$0x1] =	stream.indirect_vreg.gather [hbm4b:s2+s4], $0x80, v11, vm3, $0xb8;
	[tilespmem:$0x18480] =	vst v63  }
0x25: {  	s5 =	simm.s32 $0x8C80  }
0x26: {  	[tilespmem:s5], [sflag:$0x1] =	stream.indirect_vreg.gather [hbm4b:s8+s4], $0x80, v11, vm3, $0xb8;
	[tilespmem:$0x18480] =	vst v63  }
0x27: {  	_ = 	snop  }
0x28: {  	[tilespmem:s10], [sflag:$0x1] =	stream.indirect_vreg.gather [hbm4b:s2+s4], $0x80, v10, vm3, $0xb8;
	[tilespmem:$0x18480] =	vst v63  }
0x29: {  	_ = 	snop  }
0x2a: {  	[tilespmem:s11], [sflag:$0x1] =	stream.indirect_vreg.gather [hbm4b:s8+s4], $0x80, v10, vm3, $0xb8;
	[tilespmem:$0x18480] =	vst v63  }
0x2b: {  	v10 =	vld [tilespmem:$0x8390];
	_ =	sdelay $0x4  }
0x2c: {  	v11 =	vshll.u32 v10, $0x2  }
0x2d: {  	v10 =	vand.u32 $0x7, v10;
	v11 =	vand.u32 $0xFFFFFFE0, v11  }
0x2e: {  	v10 =	vor.u32 v10, v11  }
0x2f: {  	v11 =	vperm.xlane v10, v7;
	_ =	sdelay $0x1  }
0x30: {  	v11 =	vadd.s32 v8, v11;
	_ =	sdelay $0x1  }
0x31: {  	v10 =	vperm.xlane v10, v9;
	_ =	sdelay $0x1  }
0x32: {  	v10 =	vadd.s32 v8, v10  }
0x33: {  	[tilespmem:s12], [sflag:$0x1] =	stream.indirect_vreg.gather [hbm4b:s2+s4], $0x80, v11, vm3, $0xb8;
	[tilespmem:$0x18480] =	vst v63  }
0x34: {  	_ = 	snop  }
0x35: {  	[tilespmem:s21], [sflag:$0x1] =	stream.indirect_vreg.gather [hbm4b:s8+s4], $0x80, v11, vm3, $0xb8;
	[tilespmem:$0x18480] =	vst v63  }
0x36: {  	_ = 	snop  }
0x37: {  	[tilespmem:s22], [sflag:$0x1] =	stream.indirect_vreg.gather [hbm4b:s2+s4], $0x80, v10, vm3, $0xb8;
	[tilespmem:$0x18480] =	vst v63  }
0x38: {  	_ = 	snop  }
0x39: {  	[tilespmem:s23], [sflag:$0x1] =	stream.indirect_vreg.gather [hbm4b:s8+s4], $0x80, v10, vm3, $0xb8;
	[tilespmem:$0x18480] =	vst v63  }
0x3a: {  	v10 =	vld [tilespmem:$0x83A0];
	_ =	sdelay $0x4  }
0x3b: {  	v11 =	vshll.u32 v10, $0x2  }
0x3c: {  	v10 =	vand.u32 $0x7, v10;
	v11 =	vand.u32 $0xFFFFFFE0, v11  }
0x3d: {  	v10 =	vor.u32 v10, v11  }
0x3e: {  	v11 =	vperm.xlane v10, v7;
	_ =	sdelay $0x1  }
0x3f: {  	v11 =	vadd.s32 v8, v11;
	_ =	sdelay $0x1  }
0x40: {  	v10 =	vperm.xlane v10, v9;
	_ =	sdelay $0x1  }
0x41: {  	v10 =	vadd.s32 v8, v10  }
0x42: {  	[tilespmem:s24], [sflag:$0x1] =	stream.indirect_vreg.gather [hbm4b:s2+s4], $0x80, v11, vm3, $0xb8;
	[tilespmem:$0x18480] =	vst v63  }
0x43: {  	_ = 	snop  }
0x44: {  	[tilespmem:s25], [sflag:$0x1] =	stream.indirect_vreg.gather [hbm4b:s8+s4], $0x80, v11, vm3, $0xb8;
	[tilespmem:$0x18480] =	vst v63  }
0x45: {  	_ = 	snop  }
0x46: {  	[tilespmem:s26], [sflag:$0x1] =	stream.indirect_vreg.gather [hbm4b:s2+s4], $0x80, v10, vm3, $0xb8;
	[tilespmem:$0x18480] =	vst v63  }
0x47: {  	_ = 	snop  }
0x48: {  	[tilespmem:s28], [sflag:$0x1] =	stream.indirect_vreg.gather [hbm4b:s8+s4], $0x80, v10, vm3, $0xb8;
	[tilespmem:$0x18480] =	vst v63  }
0x49: {  	v10 =	vld [tilespmem:$0x83B0];
	_ =	sdelay $0x4  }
0x4a: {  	v11 =	vshll.u32 v10, $0x2  }
0x4b: {  	v10 =	vand.u32 $0x7, v10;
	v11 =	vand.u32 $0xFFFFFFE0, v11  }
0x4c: {  	v10 =	vor.u32 v10, v11  }
0x4d: {  	v11 =	vperm.xlane v10, v7;
	_ =	sdelay $0x1  }
0x4e: {  	v11 =	vadd.s32 v8, v11;
	_ =	sdelay $0x1  }
0x4f: {  	v10 =	vperm.xlane v10, v9;
	_ =	sdelay $0x1  }
0x50: {  	v10 =	vadd.s32 v8, v10  }
0x51: {  	[tilespmem:s19], [sflag:$0x1] =	stream.indirect_vreg.gather [hbm4b:s2+s4], $0x80, v11, vm3, $0xb8;
	[tilespmem:$0x18480] =	vst v63  }
0x52: {  	s7 =	simm.s32 $0xEC80  }
0x53: {  	[tilespmem:s7], [sflag:$0x1] =	stream.indirect_vreg.gather [hbm4b:s8+s4], $0x80, v11, vm3, $0xb8;
	[tilespmem:$0x18480] =	vst v63  }
0x54: {  	_ = 	snop  }
0x55: {  	[tilespmem:s14], [sflag:$0x1] =	stream.indirect_vreg.gather [hbm4b:s2+s4], $0x80, v10, vm3, $0xb8;
	[tilespmem:$0x18480] =	vst v63  }
0x56: {  	s3 =	simm.s32 $0xFC80  }
0x57: {  	[tilespmem:s3], [sflag:$0x1] =	stream.indirect_vreg.gather [hbm4b:s8+s4], $0x80, v10, vm3, $0xb8;
	[tilespmem:$0x18480] =	vst v63  }
0x58: {  	v10 =	vld [tilespmem:$0x83C0];
	_ =	sdelay $0x4  }
0x59: {  	v11 =	vshll.u32 v10, $0x2  }
0x5a: {  	v10 =	vand.u32 $0x7, v10;
	v11 =	vand.u32 $0xFFFFFFE0, v11  }
0x5b: {  	v10 =	vor.u32 v10, v11  }
0x5c: {  	v11 =	vperm.xlane v10, v7;
	_ =	sdelay $0x1  }
0x5d: {  	v11 =	vadd.s32 v8, v11;
	_ =	sdelay $0x1  }
0x5e: {  	v10 =	vperm.xlane v10, v9;
	_ =	sdelay $0x1  }
0x5f: {  	s6 =	simm.s32 $0x10480;
	v10 =	vadd.s32 v8, v10  }
0x60: {  	[tilespmem:s6], [sflag:$0x2] =	stream.indirect_vreg.gather [hbm4b:s2+s4], $0x80, v11, vm3, $0xb8;
	[tilespmem:$0x18480] =	vst v63  }
0x61: {  	s17 =	simm.s32 $0x10C80  }
0x62: {  	[tilespmem:s17], [sflag:$0x2] =	stream.indirect_vreg.gather [hbm4b:s8+s4], $0x80, v11, vm3, $0xb8;
	[tilespmem:$0x18480] =	vst v63  }
0x63: {  	s18 =	simm.s32 $0x11480  }
0x64: {  	[tilespmem:s18], [sflag:$0x2] =	stream.indirect_vreg.gather [hbm4b:s2+s4], $0x80, v10, vm3, $0xb8;
	[tilespmem:$0x18480] =	vst v63  }
0x65: {  	s1 =	simm.s32 $0x11C80  }
0x66: {  	[tilespmem:s1], [sflag:$0x2] =	stream.indirect_vreg.gather [hbm4b:s8+s4], $0x80, v10, vm3, $0xb8;
	[tilespmem:$0x18480] =	vst v63  }
0x67: {  	v10 =	vld [tilespmem:$0x83D0];
	_ =	sdelay $0x4  }
0x68: {  	v11 =	vshll.u32 v10, $0x2  }
0x69: {  	v10 =	vand.u32 $0x7, v10;
	v11 =	vand.u32 $0xFFFFFFE0, v11  }
0x6a: {  	v10 =	vor.u32 v10, v11  }
0x6b: {  	v11 =	vperm.xlane v10, v7;
	_ =	sdelay $0x1  }
0x6c: {  	v11 =	vadd.s32 v8, v11;
	_ =	sdelay $0x1  }
0x6d: {  	v10 =	vperm.xlane v10, v9;
	_ =	sdelay $0x1  }
0x6e: {  	s9 =	simm.s32 $0x12480;
	v10 =	vadd.s32 v8, v10  }
0x6f: {  	[tilespmem:s9], [sflag:$0x2] =	stream.indirect_vreg.gather [hbm4b:s2+s4], $0x80, v11, vm3, $0xb8;
	[tilespmem:$0x18480] =	vst v63  }
0x70: {  	_ = 	snop  }
0x71: {  	[tilespmem:s29], [sflag:$0x2] =	stream.indirect_vreg.gather [hbm4b:s8+s4], $0x80, v11, vm3, $0xb8;
	[tilespmem:$0x18480] =	vst v63  }
0x72: {  	_ = 	snop  }
0x73: {  	[tilespmem:s30], [sflag:$0x2] =	stream.indirect_vreg.gather [hbm4b:s2+s4], $0x80, v10, vm3, $0xb8;
	[tilespmem:$0x18480] =	vst v63  }
0x74: {  	_ = 	snop  }
0x75: {  	[tilespmem:s31], [sflag:$0x2] =	stream.indirect_vreg.gather [hbm4b:s8+s4], $0x80, v10, vm3, $0xb8;
	[tilespmem:$0x18480] =	vst v63  }
0x76: {  	v10 =	vld [tilespmem:$0x83E0];
	_ =	sdelay $0x4  }
0x77: {  	v11 =	vshll.u32 v10, $0x2  }
0x78: {  	v10 =	vand.u32 $0x7, v10;
	v11 =	vand.u32 $0xFFFFFFE0, v11  }
0x79: {  	v10 =	vor.u32 v10, v11  }
0x7a: {  	v11 =	vperm.xlane v10, v7;
	_ =	sdelay $0x1  }
0x7b: {  	v11 =	vadd.s32 v8, v11;
	_ =	sdelay $0x1  }
0x7c: {  	v10 =	vperm.xlane v10, v9;
	_ =	sdelay $0x1  }
0x7d: {  	s17 =	simm.s32 $0x14480;
	v10 =	vadd.s32 v8, v10  }
0x7e: {  	[tilespmem:s17], [sflag:$0x2] =	stream.indirect_vreg.gather [hbm4b:s2+s4], $0x80, v11, vm3, $0xb8;
	[tilespmem:$0x18480] =	vst v63  }
0x7f: {  	s18 =	simm.s32 $0x14C80  }
0x80: {  	[tilespmem:s18], [sflag:$0x2] =	stream.indirect_vreg.gather [hbm4b:s8+s4], $0x80, v11, vm3, $0xb8;
	[tilespmem:$0x18480] =	vst v63  }
0x81: {  	s17 =	simm.s32 $0x15480  }
0x82: {  	[tilespmem:s17], [sflag:$0x2] =	stream.indirect_vreg.gather [hbm4b:s2+s4], $0x80, v10, vm3, $0xb8;
	[tilespmem:$0x18480] =	vst v63  }
0x83: {  	s18 =	simm.s32 $0x15C80  }
0x84: {  	[tilespmem:s18], [sflag:$0x2] =	stream.indirect_vreg.gather [hbm4b:s8+s4], $0x80, v10, vm3, $0xb8;
	[tilespmem:$0x18480] =	vst v63  }
0x85: {  	v10 =	vld [tilespmem:$0x83F0];
	_ =	sdelay $0x4  }
0x86: {  	v11 =	vshll.u32 v10, $0x2  }
0x87: {  	v10 =	vand.u32 $0x7, v10;
	v11 =	vand.u32 $0xFFFFFFE0, v11  }
0x88: {  	v10 =	vor.u32 v10, v11  }
0x89: {  	v11 =	vperm.xlane v10, v7;
	_ =	sdelay $0x1  }
0x8a: {  	v11 =	vadd.s32 v8, v11;
	_ =	sdelay $0x1  }
0x8b: {  	v10 =	vperm.xlane v10, v9;
	_ =	sdelay $0x1  }
0x8c: {  	v10 =	vadd.s32 v8, v10  }
0x8d: {  	[tilespmem:s20], [sflag:$0x2] =	stream.indirect_vreg.gather [hbm4b:s2+s4], $0x80, v11, vm3, $0xb8;
	[tilespmem:$0x18480] =	vst v63  }
0x8e: {  	s1 =	simm.s32 $0x16C80  }
0x8f: {  	[tilespmem:s1], [sflag:$0x2] =	stream.indirect_vreg.gather [hbm4b:s8+s4], $0x80, v11, vm3, $0xb8;
	[tilespmem:$0x18480] =	vst v63  }
0x90: {  	s9 =	simm.s32 $0x17480  }
0x91: {  	[tilespmem:s9], [sflag:$0x2] =	stream.indirect_vreg.gather [hbm4b:s2+s4], $0x80, v10, vm3, $0xb8;
	[tilespmem:$0x18480] =	vst v63  }
0x92: {  	s0 =	simm.s32 $0x1;
	s1 =	simm.s32 $0x17C80  }
0x93: {  	[tilespmem:s1], [sflag:$0x2] =	stream.indirect_vreg.gather [hbm4b:s8+s4], $0x80, v10, vm3, $0xb8;
	[tilespmem:$0x18480] =	vst v63  }
0x94: {  	_ =	swait.ge [sflag:s0], $0x8000  }
0x95: {  	[sflag:s0] =	ssyncset.done $0x0  }
0x96: {  	s9 =	simm.s32 $0x8480;
	s1 =	rddreg [dreg:$0x9];
	[sflag:s0] =	ssyncadd.s32 $0xFFFF8000  }
0x97: {  	[hbm4b:s1+s4] =	stream.linear.scatter [tilespmem:s9], [sflag:$0x3], $0x8000, $0x38;
	[tilespmem:$0x18480] =	vst v63  }
0x98: {  	s1 =	simm.s32 $0x3  }
0x99: {  	_ =	swait.ge [sflag:s1], $0x8000  }
0x9a: {  	[sflag:s1] =	ssyncset.done $0x0  }
0x9b: {  	[sflag:s1] =	ssyncadd.s32 $0xFFFF8000  }
0x9c: {  	v10 =	vld [tilespmem:$0x8400];
	_ =	sdelay $0x4  }
0x9d: {  	v11 =	vshll.u32 v10, $0x2  }
0x9e: {  	v10 =	vand.u32 $0x7, v10;
	v11 =	vand.u32 $0xFFFFFFE0, v11  }
0x9f: {  	v10 =	vor.u32 v10, v11  }
0xa0: {  	v11 =	vperm.xlane v10, v7;
	_ =	sdelay $0x1  }
0xa1: {  	v11 =	vadd.s32 v8, v11;
	_ =	sdelay $0x1  }
0xa2: {  	v10 =	vperm.xlane v10, v9;
	_ =	sdelay $0x1  }
0xa3: {  	v10 =	vadd.s32 v8, v10  }
0xa4: {  	[tilespmem:s9], [sflag:$0x1] =	stream.indirect_vreg.gather [hbm4b:s2+s4], $0x80, v11, vm3, $0xb8;
	[tilespmem:$0x18480] =	vst v63  }
0xa5: {  	_ = 	snop  }
0xa6: {  	[tilespmem:s5], [sflag:$0x1] =	stream.indirect_vreg.gather [hbm4b:s8+s4], $0x80, v11, vm3, $0xb8;
	[tilespmem:$0x18480] =	vst v63  }
0xa7: {  	_ = 	snop  }
0xa8: {  	[tilespmem:s10], [sflag:$0x1] =	stream.indirect_vreg.gather [hbm4b:s2+s4], $0x80, v10, vm3, $0xb8;
	[tilespmem:$0x18480] =	vst v63  }
0xa9: {  	_ = 	snop  }
0xaa: {  	[tilespmem:s11], [sflag:$0x1] =	stream.indirect_vreg.gather [hbm4b:s8+s4], $0x80, v10, vm3, $0xb8;
	[tilespmem:$0x18480] =	vst v63  }
0xab: {  	v10 =	vld [tilespmem:$0x8410];
	_ =	sdelay $0x4  }
0xac: {  	v11 =	vshll.u32 v10, $0x2  }
0xad: {  	v10 =	vand.u32 $0x7, v10;
	v11 =	vand.u32 $0xFFFFFFE0, v11  }
0xae: {  	v10 =	vor.u32 v10, v11  }
0xaf: {  	v11 =	vperm.xlane v10, v7;
	_ =	sdelay $0x1  }
0xb0: {  	v11 =	vadd.s32 v8, v11;
	_ =	sdelay $0x1  }
0xb1: {  	v10 =	vperm.xlane v10, v9;
	_ =	sdelay $0x1  }
0xb2: {  	v10 =	vadd.s32 v8, v10  }
0xb3: {  	[tilespmem:s12], [sflag:$0x1] =	stream.indirect_vreg.gather [hbm4b:s2+s4], $0x80, v11, vm3, $0xb8;
	[tilespmem:$0x18480] =	vst v63  }
0xb4: {  	_ = 	snop  }
0xb5: {  	[tilespmem:s21], [sflag:$0x1] =	stream.indirect_vreg.gather [hbm4b:s8+s4], $0x80, v11, vm3, $0xb8;
	[tilespmem:$0x18480] =	vst v63  }
0xb6: {  	_ = 	snop  }
0xb7: {  	[tilespmem:s22], [sflag:$0x1] =	stream.indirect_vreg.gather [hbm4b:s2+s4], $0x80, v10, vm3, $0xb8;
	[tilespmem:$0x18480] =	vst v63  }
0xb8: {  	_ = 	snop  }
0xb9: {  	[tilespmem:s23], [sflag:$0x1] =	stream.indirect_vreg.gather [hbm4b:s8+s4], $0x80, v10, vm3, $0xb8;
	[tilespmem:$0x18480] =	vst v63  }
0xba: {  	v10 =	vld [tilespmem:$0x8420];
	_ =	sdelay $0x4  }
0xbb: {  	v11 =	vshll.u32 v10, $0x2  }
0xbc: {  	v10 =	vand.u32 $0x7, v10;
	v11 =	vand.u32 $0xFFFFFFE0, v11  }
0xbd: {  	v10 =	vor.u32 v10, v11  }
0xbe: {  	v11 =	vperm.xlane v10, v7;
	_ =	sdelay $0x1  }
0xbf: {  	v11 =	vadd.s32 v8, v11;
	_ =	sdelay $0x1  }
0xc0: {  	v10 =	vperm.xlane v10, v9;
	_ =	sdelay $0x1  }
0xc1: {  	v10 =	vadd.s32 v8, v10  }
0xc2: {  	[tilespmem:s24], [sflag:$0x1] =	stream.indirect_vreg.gather [hbm4b:s2+s4], $0x80, v11, vm3, $0xb8;
	[tilespmem:$0x18480] =	vst v63  }
0xc3: {  	_ = 	snop  }
0xc4: {  	[tilespmem:s25], [sflag:$0x1] =	stream.indirect_vreg.gather [hbm4b:s8+s4], $0x80, v11, vm3, $0xb8;
	[tilespmem:$0x18480] =	vst v63  }
0xc5: {  	_ = 	snop  }
0xc6: {  	[tilespmem:s26], [sflag:$0x1] =	stream.indirect_vreg.gather [hbm4b:s2+s4], $0x80, v10, vm3, $0xb8;
	[tilespmem:$0x18480] =	vst v63  }
0xc7: {  	_ = 	snop  }
0xc8: {  	[tilespmem:s28], [sflag:$0x1] =	stream.indirect_vreg.gather [hbm4b:s8+s4], $0x80, v10, vm3, $0xb8;
	[tilespmem:$0x18480] =	vst v63  }
0xc9: {  	v10 =	vld [tilespmem:$0x8430];
	_ =	sdelay $0x4  }
0xca: {  	v11 =	vshll.u32 v10, $0x2  }
0xcb: {  	v10 =	vand.u32 $0x7, v10;
	v11 =	vand.u32 $0xFFFFFFE0, v11  }
0xcc: {  	v10 =	vor.u32 v10, v11  }
0xcd: {  	v11 =	vperm.xlane v10, v7;
	_ =	sdelay $0x1  }
0xce: {  	v11 =	vadd.s32 v8, v11;
	_ =	sdelay $0x1  }
0xcf: {  	v10 =	vperm.xlane v10, v9;
	_ =	sdelay $0x1  }
0xd0: {  	v10 =	vadd.s32 v8, v10  }
0xd1: {  	[tilespmem:s19], [sflag:$0x1] =	stream.indirect_vreg.gather [hbm4b:s2+s4], $0x80, v11, vm3, $0xb8;
	[tilespmem:$0x18480] =	vst v63  }
0xd2: {  	_ = 	snop  }
0xd3: {  	[tilespmem:s7], [sflag:$0x1] =	stream.indirect_vreg.gather [hbm4b:s8+s4], $0x80, v11, vm3, $0xb8;
	[tilespmem:$0x18480] =	vst v63  }
0xd4: {  	_ = 	snop  }
0xd5: {  	[tilespmem:s14], [sflag:$0x1] =	stream.indirect_vreg.gather [hbm4b:s2+s4], $0x80, v10, vm3, $0xb8;
	[tilespmem:$0x18480] =	vst v63  }
0xd6: {  	_ = 	snop  }
0xd7: {  	[tilespmem:s3], [sflag:$0x1] =	stream.indirect_vreg.gather [hbm4b:s8+s4], $0x80, v10, vm3, $0xb8;
	[tilespmem:$0x18480] =	vst v63  }
0xd8: {  	s3 =	simm.s32 $0x2  }
0xd9: {  	_ =	swait.ge [sflag:s3], $0x8000  }
0xda: {  	[sflag:s3] =	ssyncset.done $0x0  }
0xdb: {  	s7 =	simm.s32 $0x4;
	s5 =	rddreg [dreg:$0xa];
	[sflag:s3] =	ssyncadd.s32 $0xFFFF8000  }
0xdc: {  	[hbm4b:s5+s4] =	stream.linear.scatter [tilespmem:s6], [sflag:$0x4], $0x8000, $0x38;
	[tilespmem:$0x18480] =	vst v63  }
0xdd: {  	_ =	swait.ge [sflag:s7], $0x8000  }
0xde: {  	[sflag:s7] =	ssyncset.done $0x0  }
0xdf: {  	[sflag:s7] =	ssyncadd.s32 $0xFFFF8000  }
0xe0: {  	v10 =	vld [tilespmem:$0x8440];
	_ =	sdelay $0x4  }
0xe1: {  	v11 =	vshll.u32 v10, $0x2  }
0xe2: {  	v10 =	vand.u32 $0x7, v10;
	v11 =	vand.u32 $0xFFFFFFE0, v11  }
0xe3: {  	v10 =	vor.u32 v10, v11  }
0xe4: {  	v11 =	vperm.xlane v10, v7;
	_ =	sdelay $0x1  }
0xe5: {  	v11 =	vadd.s32 v8, v11;
	_ =	sdelay $0x1  }
0xe6: {  	v10 =	vperm.xlane v10, v9;
	_ =	sdelay $0x1  }
0xe7: {  	v10 =	vadd.s32 v8, v10  }
0xe8: {  	[tilespmem:s6], [sflag:$0x2] =	stream.indirect_vreg.gather [hbm4b:s2+s4], $0x80, v11, vm3, $0xb8;
	[tilespmem:$0x18480] =	vst v63  }
0xe9: {  	s5 =	simm.s32 $0x10C80  }
0xea: {  	[tilespmem:s5], [sflag:$0x2] =	stream.indirect_vreg.gather [hbm4b:s8+s4], $0x80, v11, vm3, $0xb8;
	[tilespmem:$0x18480] =	vst v63  }
0xeb: {  	s5 =	simm.s32 $0x11480  }
0xec: {  	[tilespmem:s5], [sflag:$0x2] =	stream.indirect_vreg.gather [hbm4b:s2+s4], $0x80, v10, vm3, $0xb8;
	[tilespmem:$0x18480] =	vst v63  }
0xed: {  	s5 =	simm.s32 $0x11C80  }
0xee: {  	[tilespmem:s5], [sflag:$0x2] =	stream.indirect_vreg.gather [hbm4b:s8+s4], $0x80, v10, vm3, $0xb8;
	[tilespmem:$0x18480] =	vst v63  }
0xef: {  	v10 =	vld [tilespmem:$0x8450];
	_ =	sdelay $0x4  }
0xf0: {  	v11 =	vshll.u32 v10, $0x2  }
0xf1: {  	v10 =	vand.u32 $0x7, v10;
	v11 =	vand.u32 $0xFFFFFFE0, v11  }
0xf2: {  	v10 =	vor.u32 v10, v11  }
0xf3: {  	v11 =	vperm.xlane v10, v7;
	_ =	sdelay $0x1  }
0xf4: {  	v11 =	vadd.s32 v8, v11;
	_ =	sdelay $0x1  }
0xf5: {  	v10 =	vperm.xlane v10, v9;
	_ =	sdelay $0x1  }
0xf6: {  	s5 =	simm.s32 $0x12480;
	v10 =	vadd.s32 v8, v10  }
0xf7: {  	[tilespmem:s5], [sflag:$0x2] =	stream.indirect_vreg.gather [hbm4b:s2+s4], $0x80, v11, vm3, $0xb8;
	[tilespmem:$0x18480] =	vst v63  }
0xf8: {  	_ = 	snop  }
0xf9: {  	[tilespmem:s29], [sflag:$0x2] =	stream.indirect_vreg.gather [hbm4b:s8+s4], $0x80, v11, vm3, $0xb8;
	[tilespmem:$0x18480] =	vst v63  }
0xfa: {  	_ = 	snop  }
0xfb: {  	[tilespmem:s30], [sflag:$0x2] =	stream.indirect_vreg.gather [hbm4b:s2+s4], $0x80, v10, vm3, $0xb8;
	[tilespmem:$0x18480] =	vst v63  }
0xfc: {  	_ = 	snop  }
0xfd: {  	[tilespmem:s31], [sflag:$0x2] =	stream.indirect_vreg.gather [hbm4b:s8+s4], $0x80, v10, vm3, $0xb8;
	[tilespmem:$0x18480] =	vst v63  }
0xfe: {  	v10 =	vld [tilespmem:$0x8460];
	_ =	sdelay $0x4  }
0xff: {  	v11 =	vshll.u32 v10, $0x2  }
0x100: {  	v10 =	vand.u32 $0x7, v10;
	v11 =	vand.u32 $0xFFFFFFE0, v11  }
0x101: {  	v10 =	vor.u32 v10, v11  }
0x102: {  	v11 =	vperm.xlane v10, v7;
	_ =	sdelay $0x1  }
0x103: {  	v11 =	vadd.s32 v8, v11;
	_ =	sdelay $0x1  }
0x104: {  	v10 =	vperm.xlane v10, v9;
	_ =	sdelay $0x1  }
0x105: {  	s5 =	simm.s32 $0x14480;
	v10 =	vadd.s32 v8, v10  }
0x106: {  	[tilespmem:s5], [sflag:$0x2] =	stream.indirect_vreg.gather [hbm4b:s2+s4], $0x80, v11, vm3, $0xb8;
	[tilespmem:$0x18480] =	vst v63  }
0x107: {  	s5 =	simm.s32 $0x14C80  }
0x108: {  	[tilespmem:s5], [sflag:$0x2] =	stream.indirect_vreg.gather [hbm4b:s8+s4], $0x80, v11, vm3, $0xb8;
	[tilespmem:$0x18480] =	vst v63  }
0x109: {  	_ = 	snop  }
0x10a: {  	[tilespmem:s17], [sflag:$0x2] =	stream.indirect_vreg.gather [hbm4b:s2+s4], $0x80, v10, vm3, $0xb8;
	[tilespmem:$0x18480] =	vst v63  }
0x10b: {  	_ = 	snop  }
0x10c: {  	[tilespmem:s18], [sflag:$0x2] =	stream.indirect_vreg.gather [hbm4b:s8+s4], $0x80, v10, vm3, $0xb8;
	[tilespmem:$0x18480] =	vst v63  }
0x10d: {  	v10 =	vld [tilespmem:$0x8470];
	_ =	sdelay $0x4  }
0x10e: {  	v11 =	vshll.u32 v10, $0x2  }
0x10f: {  	v10 =	vand.u32 $0x7, v10;
	v11 =	vand.u32 $0xFFFFFFE0, v11  }
0x110: {  	v10 =	vor.u32 v10, v11  }
0x111: {  	v11 =	vperm.xlane v10, v7;
	_ =	sdelay $0x1  }
0x112: {  	v11 =	vadd.s32 v8, v11;
	_ =	sdelay $0x1  }
0x113: {  	v10 =	vperm.xlane v10, v9;
	_ =	sdelay $0x1  }
0x114: {  	v10 =	vadd.s32 v8, v10  }
0x115: {  	[tilespmem:s20], [sflag:$0x2] =	stream.indirect_vreg.gather [hbm4b:s2+s4], $0x80, v11, vm3, $0xb8;
	[tilespmem:$0x18480] =	vst v63  }
0x116: {  	s18 =	simm.s32 $0x16C80  }
0x117: {  	[tilespmem:s18], [sflag:$0x2] =	stream.indirect_vreg.gather [hbm4b:s8+s4], $0x80, v11, vm3, $0xb8;
	[tilespmem:$0x18480] =	vst v63  }
0x118: {  	s17 =	simm.s32 $0x17480  }
0x119: {  	[tilespmem:s17], [sflag:$0x2] =	stream.indirect_vreg.gather [hbm4b:s2+s4], $0x80, v10, vm3, $0xb8;
	[tilespmem:$0x18480] =	vst v63  }
0x11a: {  	s18 =	simm.s32 $0x17C80  }
0x11b: {  	[tilespmem:s18], [sflag:$0x2] =	stream.indirect_vreg.gather [hbm4b:s8+s4], $0x80, v10, vm3, $0xb8;
	[tilespmem:$0x18480] =	vst v63  }
0x11c: {  	_ =	swait.ge [sflag:s0], $0x8000  }
0x11d: {  	[sflag:s0] =	ssyncset.done $0x0  }
0x11e: {  	s9 =	simm.s32 $0x8480;
	s5 =	rddreg [dreg:$0xb];
	[sflag:s0] =	ssyncadd.s32 $0xFFFF8000  }
0x11f: {  	[hbm4b:s5+s4] =	stream.linear.scatter [tilespmem:s9], [sflag:$0x3], $0x8000, $0x38;
	[tilespmem:$0x18480] =	vst v63  }
0x120: {  	_ =	swait.ge [sflag:s3], $0x8000  }
0x121: {  	[sflag:s3] =	ssyncset.done $0x0  }
0x122: {  	s17 =	rddreg [dreg:$0xc];
	[sflag:s3] =	ssyncadd.s32 $0xFFFF8000  }
0x123: {  	[hbm4b:s17+s4] =	stream.linear.scatter [tilespmem:s6], [sflag:$0x4], $0x8000, $0x38;
	[tilespmem:$0x18480] =	vst v63  }
0x124: {  	_ =	swait.ge [sflag:s1], $0x8000  }
0x125: {  	[sflag:s1] =	ssyncset.done $0x0  }
0x126: {  	[sflag:s1] =	ssyncadd.s32 $0xFFFF8000  }
0x127: {  	_ =	swait.ge [sflag:s7], $0x8000  }
0x128: {  	s13 =	sadd.s32 $0x1, s13;
	s18 =	rddreg [dreg:$0xd]  }
0x129: {  	p2 =	sne.s32 s13, s18  }
.Ltmp1:
0x12a: {  	_ = 	snop;
	(pc) =	sbr.rel @!p2 .LBB2_8-.Ltmp1, $3  }
0x12b: {  	_ =	sdelay $0x1  }
0x12c: {  	[sflag:s7] =	ssyncset.done $0x0  }
0x12d: {  	[sflag:s7] =	ssyncadd.s32 $0xFFFF8000  }
.LBB2_1:
.Ltmp2:
0x12e: {  	(pc) =	sbr.rel @p0 .LBB2_7-.Ltmp2, $1  }
0x12f: {  	_ =	sdelay $0x3  }
0x130: {  	s17 =	simm.s32 $0x0;
	s3 =	rddreg [dreg:$0x0];
	s18 =	simm.s32 $0x5  }
0x131: {  	[tilespmem:s17], [sflag:$0x5] =	stream.linear.gather [hbm4b:s3+s17], $0x2000, $0x38;
	[tilespmem:$0x18480] =	vst v63  }
0x132: {  	_ =	swait.ge [sflag:s18], $0x2000  }
0x133: {  	[sflag:s18] =	ssyncset.done $0x0  }
0x134: {  	[sflag:s18] =	ssyncadd.s32 $0xFFFFE000  }
0x135: {  	v10 =	vld [tilespmem:s17+$0x0];
	_ =	sdelay $0x4  }
0x136: {  	[tilespmem:$0x8100] =	vst v10  }
0x137: {  	v11 =	vld.idx.msk [tilespmem:v0+s15+$0x0], $0xffff;
	_ =	sdelay $0x3  }
0x138: {  	vm4 =	veq.s32 v1, $0x0  }
0x139: {  	v11 =	vsel vm4, $0x0, v11  }
0x13a: {  	v11 =	vadd.s32 v10, v11  }
0x13b: {  	[tilespmem:$0x8100] =	vst v11  }
0x13c: {  	v12 =	vld.idx.msk [tilespmem:v2+s15+$0x0], $0xffff;
	_ =	sdelay $0x4  }
0x13d: {  	v12 =	vsel vm0, $0x0, v12  }
0x13e: {  	v11 =	vadd.s32 v11, v12  }
0x13f: {  	[tilespmem:$0x8100] =	vst v11  }
0x140: {  	v12 =	vld.idx.msk [tilespmem:v3+s15+$0x0], $0xffff;
	_ =	sdelay $0x4  }
0x141: {  	v12 =	vsel vm1, $0x0, v12  }
0x142: {  	v11 =	vadd.s32 v11, v12  }
0x143: {  	[tilespmem:$0x8100] =	vst v11  }
0x144: {  	v12 =	vld.idx.msk [tilespmem:v4+s15+$0x0], $0xffff;
	_ =	sdelay $0x2  }
0x145: {  	v13 =	vimm.s32 $0x0  }
0x146: {  	v14 =	vsub.s32 v13, v10  }
0x147: {  	v11 =	vadd.s32 v11, v14;
	v12 =	vsel vm2, $0x0, v12  }
0x148: {  	vm5 =	vgt.s32 v10, $0x0;
	v12 =	vadd.s32 v12, v11  }
0x149: {  	v14 =	vsel vm5, v12, v5;
	_ =	sdelay $0x1  }
0x14a: {  	v15 =	vor.u32 s17, v1  }
0x14b: {  	v16 =	vand.u32 $0x1FF, v15;
	v11 =	vmpcnt.ones.xlane vm5  }
0x14c: {  	v16 =	vor.u32 $0x2000, v16;
	v10 =	vadd.s32 v13, v10  }
0x14d: {  	s6 =	simm.s32 $0x10;
	s3 =	simm.s32 $0x6080;
	v12 =	vsel vm5, v12, v16;
	v11 =	vadd.s32 v13, v11;
	[tilespmem:v14+s16+$0x0] =	vst.idx.msk $0xffff, v15  }
.LBB2_3:
0x14e: {  	p2 =	sne.s32 s6, $0x1FF0;
	[tilespmem:s3+$0x0] =	vst v12;
	s17 =	sadd.s32 $0x10, s17;
	s3 =	sadd.s32 $0x10, s3  }
0x14f: {  	s18 =	smov.u32 s6;
	s6 =	sadd.s32 $0x10, s6;
	v12 =	vld [tilespmem:s17+$0x0];
	_ =	sdelay $0x4  }
0x150: {  	[tilespmem:$0x8100] =	vst v12;
	v10 =	vadd.s32 v10, v12  }
0x151: {  	v13 =	vld.idx.msk [tilespmem:v0+s15+$0x0], $0xffff;
	_ =	sdelay $0x5  }
0x152: {  	v13 =	vsel vm4, $0x0, v13  }
0x153: {  	v13 =	vadd.s32 v12, v13  }
0x154: {  	[tilespmem:$0x8100] =	vst v13  }
0x155: {  	v14 =	vld.idx.msk [tilespmem:v2+s15+$0x0], $0xffff;
	_ =	sdelay $0x5  }
0x156: {  	v14 =	vsel vm0, $0x0, v14  }
0x157: {  	v13 =	vadd.s32 v13, v14  }
0x158: {  	[tilespmem:$0x8100] =	vst v13  }
0x159: {  	v14 =	vld.idx.msk [tilespmem:v3+s15+$0x0], $0xffff;
	_ =	sdelay $0x5  }
0x15a: {  	v14 =	vsel vm1, $0x0, v14  }
0x15b: {  	v13 =	vadd.s32 v13, v14  }
0x15c: {  	[tilespmem:$0x8100] =	vst v13  }
0x15d: {  	v14 =	vld.idx.msk [tilespmem:v4+s15+$0x0], $0xffff;
	_ =	sdelay $0x4  }
0x15e: {  	v15 =	vsub.s32 v11, v12  }
0x15f: {  	v13 =	vadd.s32 v13, v15;
	v14 =	vsel vm2, $0x0, v14  }
0x160: {  	vm5 =	vgt.s32 v12, $0x0;
	v12 =	vadd.s32 v14, v13  }
0x161: {  	v14 =	vmpcnt.ones.xlane vm5;
	v13 =	vsel vm5, v12, v5  }
.Ltmp3:
0x162: {  	(pc) =	sbr.rel @p2 .LBB2_3-.Ltmp3, $4  }
0x163: {  	v15 =	vor.u32 s18, v1;
	v11 =	vadd.s32 v11, v14  }
0x164: {  	v14 =	vand.u32 $0x1FF, v15  }
0x165: {  	v14 =	vor.u32 $0x2000, v14  }
0x166: {  	v12 =	vsel vm5, v12, v14;
	[tilespmem:v13+s16+$0x0] =	vst.idx.msk $0xffff, v15  }
0x167: {  	s17 =	simm.s32 $0x0  }
0x168: {  	[tilespmem:s3+$0x0] =	vst v12;
	vm6 =	vgt.s32 v10, s17  }
0x169: {  	[tilespmem:$0x8080] =	vst v10;
	v11 =	vsel vm6, $0x1, v6  }
0x16a: {  	[tilespmem:$0x8100] =	vst v11  }
0x16b: {  	v12 =	vld.idx.msk [tilespmem:v0+s15+$0x0], $0xffff;
	_ =	sdelay $0x3  }
0x16c: {  	vm5 =	veq.s32 v1, $0x0  }
0x16d: {  	v12 =	vsel vm5, $0x0, v12  }
0x16e: {  	v11 =	vadd.s32 v11, v12  }
0x16f: {  	[tilespmem:$0x8100] =	vst v11  }
0x170: {  	v12 =	vld.idx.msk [tilespmem:v2+s15+$0x0], $0xffff;
	_ =	sdelay $0x4  }
0x171: {  	v12 =	vsel vm0, $0x0, v12  }
0x172: {  	v11 =	vadd.s32 v11, v12  }
0x173: {  	[tilespmem:$0x8100] =	vst v11  }
0x174: {  	v12 =	vld.idx.msk [tilespmem:v3+s15+$0x0], $0xffff;
	_ =	sdelay $0x4  }
0x175: {  	v12 =	vsel vm1, $0x0, v12  }
0x176: {  	v12 =	vadd.s32 v11, v12  }
0x177: {  	[tilespmem:$0x8100] =	vst v12  }
0x178: {  	v13 =	vld.idx.msk [tilespmem:v4+s15+$0x0], $0xffff;
	_ =	sdelay $0x2  }
0x179: {  	v14 =	vsel vm6, $0xFFFFFFFF, v6;
	v11 =	vimm.s32 $0x0  }
0x17a: {  	v14 =	vadd.s32 v14, v11  }
0x17b: {  	v12 =	vadd.s32 v12, v14;
	v13 =	vsel vm2, $0x0, v13  }
0x17c: {  	v12 =	vadd.s32 v13, v12  }
0x17d: {  	vm4 =	vlt.s32 v12, $0x1FFF  }
0x17e: {  	v12 =	vnsel vm4, $0x1FFF, v12;
	_ =	sdelay $0x4  }
0x17f: {  	v13 =	vld.idx.msk [tilespmem:v12+s16+$0x0], $0xffff;
	_ =	sdelay $0x3  }
0x180: {  	s6 =	simm.s32 $0x1;
	v14 =	vor.u32 s17, v1  }
0x181: {  	s3 =	simm.s32 $0x4080;
	s18 =	simm.s32 $0x2;
	vm4 =	vgt.s32 v10, s6;
	v12 =	vmpcnt.ones.xlane vm6;
	v13 =	vsel vm6, v13, v14  }
.LBB2_5:
0x182: {  	[tilespmem:s3+$0x0] =	vst v13;
	s3 =	sadd.s32 $0x10, s3  }
0x183: {  	v14 =	vsel vm4, $0x1, v6;
	v11 =	vadd.s32 v11, v12;
	s17 =	sadd.s32 $0x10, s17;
	s6 =	smov.u32 s18;
	s7 =	sadd.s32 $0x1, s18  }
0x184: {  	p2 =	sne.s32 s18, $0x1FF;
	[tilespmem:$0x8100] =	vst v14  }
0x185: {  	v12 =	vld.idx.msk [tilespmem:v0+s15+$0x0], $0xffff;
	_ =	sdelay $0x5  }
0x186: {  	v12 =	vsel vm5, $0x0, v12  }
0x187: {  	v12 =	vadd.s32 v14, v12  }
0x188: {  	[tilespmem:$0x8100] =	vst v12  }
0x189: {  	v13 =	vld.idx.msk [tilespmem:v2+s15+$0x0], $0xffff;
	_ =	sdelay $0x5  }
0x18a: {  	v13 =	vsel vm0, $0x0, v13  }
0x18b: {  	v12 =	vadd.s32 v12, v13  }
0x18c: {  	[tilespmem:$0x8100] =	vst v12  }
0x18d: {  	v13 =	vld.idx.msk [tilespmem:v3+s15+$0x0], $0xffff;
	_ =	sdelay $0x5  }
0x18e: {  	v13 =	vsel vm1, $0x0, v13  }
0x18f: {  	v12 =	vadd.s32 v12, v13  }
0x190: {  	[tilespmem:$0x8100] =	vst v12  }
0x191: {  	v13 =	vld.idx.msk [tilespmem:v4+s15+$0x0], $0xffff;
	_ =	sdelay $0x3  }
0x192: {  	v14 =	vsel vm4, $0xFFFFFFFF, v6  }
0x193: {  	v14 =	vadd.s32 v14, v11  }
0x194: {  	v12 =	vadd.s32 v12, v14;
	v13 =	vsel vm2, $0x0, v13  }
0x195: {  	v12 =	vadd.s32 v13, v12  }
0x196: {  	vm6 =	vlt.s32 v12, $0x1FFF  }
0x197: {  	v12 =	vnsel vm6, $0x1FFF, v12;
	_ =	sdelay $0x4  }
0x198: {  	v13 =	vld.idx.msk [tilespmem:v12+s16+$0x0], $0xffff;
	_ =	sdelay $0x1  }
.Ltmp4:
0x199: {  	(pc) =	sbr.rel @p2 .LBB2_5-.Ltmp4, $3  }
0x19a: {  	_ =	sdelay $0x1  }
0x19b: {  	v14 =	vor.u32 s17, v1;
	v12 =	vmpcnt.ones.xlane vm4  }
0x19c: {  	s18 =	smov.u32 s7;
	v13 =	vsel vm4, v13, v14;
	vm4 =	vgt.s32 v10, s6  }
0x19d: {  	_ =	sdelay $0x1  }
0x19e: {  	v10 =	vsel vm4, $0x1, v6;
	[tilespmem:s3+$0x0] =	vst v13  }
0x19f: {  	[tilespmem:$0x8100] =	vst v10  }
0x1a0: {  	v13 =	vld.idx.msk [tilespmem:v0+s15+$0x0], $0xffff;
	_ =	sdelay $0x3  }
0x1a1: {  	vm5 =	veq.s32 v1, $0x0  }
0x1a2: {  	v13 =	vsel vm5, $0x0, v13  }
0x1a3: {  	v10 =	vadd.s32 v10, v13  }
0x1a4: {  	[tilespmem:$0x8100] =	vst v10  }
0x1a5: {  	v59 =	vld.idx.msk [tilespmem:v2+s15+$0x0], $0xffff;
	_ =	sdelay $0x4  }
0x1a6: {  	v13 =	vsel vm0, $0x0, v59  }
0x1a7: {  	v10 =	vadd.s32 v10, v13  }
0x1a8: {  	[tilespmem:$0x8100] =	vst v10  }
0x1a9: {  	v60 =	vld.idx.msk [tilespmem:v3+s15+$0x0], $0xffff;
	_ =	sdelay $0x4  }
0x1aa: {  	v13 =	vsel vm1, $0x0, v60  }
0x1ab: {  	v10 =	vadd.s32 v10, v13  }
0x1ac: {  	[tilespmem:$0x8100] =	vst v10  }
0x1ad: {  	v61 =	vld.idx.msk [tilespmem:v4+s15+$0x0], $0xffff;
	_ =	sdelay $0x2  }
0x1ae: {  	v11 =	vadd.s32 v11, v12;
	v62 =	vsel vm4, $0xFFFFFFFF, v6  }
0x1af: {  	v11 =	vadd.s32 v62, v11  }
0x1b0: {  	v10 =	vadd.s32 v10, v11;
	v63 =	vsel vm2, $0x0, v61  }
0x1b1: {  	v10 =	vadd.s32 v63, v10  }
0x1b2: {  	vm5 =	vlt.s32 v10, $0x1FFF  }
0x1b3: {  	v10 =	vnsel vm5, $0x1FFF, v10;
	_ =	sdelay $0x4  }
0x1b4: {  	v10 =	vld.idx.msk [tilespmem:v10+s16+$0x0], $0xffff;
	_ =	sdelay $0x2  }
0x1b5: {  	s6 =	sadd.s32 $0x10, s17  }
0x1b6: {  	v11 =	vor.u32 s6, v1  }
0x1b7: {  	s7 =	sadd.s32 $0x10, s3;
	v10 =	vsel vm4, v10, v11  }
0x1b8: {  	s9 =	rddreg [dreg:$0x4];
	s17 =	simm.s32 $0x4080;
	s18 =	simm.s32 $0x5;
	[tilespmem:s7+$0x0] =	vst v10  }
0x1b9: {  	[spmem:s9] =	stream.linear.scatter [tilespmem:s17], [sflag:$0x5], $0x2000, $0x38;
	[tilespmem:$0x18480] =	vst v63  }
0x1ba: {  	_ =	swait.ge [sflag:s18], $0x2000  }
0x1bb: {  	s3 =	simm.s32 @!p1 $0x0;
	[sflag:s18] =	ssyncset.done $0x0  }
0x1bc: {  	s6 =	simm.s32 @!p1 $0x6080;
	s7 =	rddreg [dreg:$0x6];
	[sflag:s18] =	ssyncadd.s32 $0xFFFFE000  }
0x1bd: {  	[hbm4b:s7+s3] =	stream.linear.scatter @!p1 [tilespmem:s6], [sflag:$0x5], $0x2000, $0x38;
	[tilespmem:$0x18480] =	vst v63  }
0x1be: {  	s6 =	simm.s32 @!p1 $0x5  }
0x1bf: {  	_ =	swait.ge @!p1 [sflag:s6], $0x2000  }
0x1c0: {  	s7 =	simm.s32 @!p1 $0x8080;
	[sflag:s6] =	ssyncset.done @!p1 $0x0  }
.Ltmp5:
0x1c1: {  	s17 =	rddreg [dreg:$0x7];
	[sflag:s6] =	ssyncadd.s32 @!p1 $0xFFFFE000;
	(pc) =	sbr.rel .LBB2_7-.Ltmp5, $4  }
0x1c2: {  	[hbm4b:s17+s3] =	stream.linear.scatter @!p1 [tilespmem:s7], [sflag:$0x5], $0x80, $0x38;
	[tilespmem:$0x18480] =	vst v63  }
0x1c3: {  	_ =	swait.ge @!p1 [sflag:s6], $0x80  }
0x1c4: {  	[sflag:s6] =	ssyncset.done @!p1 $0x0  }
0x1c5: {  	[sflag:s6] =	ssyncadd.s32 @!p1 $0xFFFFFF80  }
.LBB2_8:
0x1c6: {  	_ =	sfence.sel $0x180000  }
0x1c7: {  	[bflag:$0x0] =	sbarrier.arrive $0xFFFF  }
0x1c8: {  	_ =	strace $0x90000047  }
0x1c9: {  	[bflag:$0x2] =	sbarrier.arrive $0xFFFF  }
0x1ca: {  	s0 =	rddreg [dreg:$0x5]  }
0x1cb: {  	s0 =	sadd.s32 @!p0 $0x100000, s0  }
0x1cc: {  	[sflag:s0] =	ssyncadd.tile.s32 @!p0 $0x1;
	_ =	shalt  }
.Lfunc_end2:
_tile_overlayer_lowered:
.L_overlay_start_2:
0x1cd: {  	(tag) =	ssettag $0x2  }
0x1ce: {  	s0 =	rddreg [dreg:$0x0];
	s2 =	stileid.u32  }
0x1cf: {  	s1 =	rddreg [dreg:$0x1];
	p0 =	sne.s32 s2, $0x0  }
0x1d0: {  	s3 =	rddreg [dreg:$0x2];
	[bflag:$0x3] =	sbarrier.arrive $0xFFFF;
	s2 =	simm.s32 @!p0 $0x1C05  }
0x1d1: {  	[timem:s3], [sflag:s2] =	dma.local @!p0 [hbm:s0], s1  }
0x1d2: {  	s0 =	simm.s32 @!p0 $0x5  }
0x1d3: {  	_ =	swait.ge @!p0 [sflag:s0], s1  }
0x1d4: {  	s1 =	ssub.s32 @!p0 $0x0, s1;
	[sflag:s0] =	ssyncset.done @!p0 $0x0  }
0x1d5: {  	[sflag:s0] =	ssyncadd.s32 @!p0 s1  }
0x1d6: {  	[bflag:$0x3] =	sbarrier.arrive $0xFFFF  }
0x1d7: {  	_ =	shalt  }

// kernel: kernel.8.cloned.1.call-start
scs
__scs_entry_jumppad:
0x0: {  	(pc) =	sbr.rel $0x88, $3  }
0x1: {  	(tag) =	ssettag $0x0;
	lr =	simm.s32 $0x1  }
0x2: {  	[smem:$0x3F9A] =	sst lr;
	_ =	strace $0xD0000000  }
0x3: {  	_ = 	snop  }
0x4: {  	_ = 	snop  }
0x5: {  	_ = 	snop  }
0x6: {  	_ = 	snop  }
0x7: {  	_ = 	snop  }
__scs_overlays_trampoline_lowered:
0x8: {  	[smem:$0x3FA9] =	sst s0  }
0x9: {  	[smem:$0x3FAA] =	sst s1  }
0xa: {  	[smem:$0x3FAB] =	sst s2  }
0xb: {  	[smem:$0x3FAC] =	sst s3  }
0xc: {  	[smem:$0x3FAD] =	sst s4  }
0xd: {  	[smem:$0x3FAE] =	sst s5  }
0xe: {  	[smem:$0x3FAF] =	sst s6  }
0xf: {  	[smem:$0x3FB0] =	sst s7  }
0x10: {  	[smem:$0x3FB1] =	sst s8  }
0x11: {  	[smem:$0x3FB2] =	sst s9;
	s0 =	simm.s32 @!p0 $0x0  }
0x12: {  	s1 =	sld [smem:$0x3F98];
	s0 =	simm.s32 @p0 $0x1  }
0x13: {  	[smem:$0x3FB3] =	sst s0;
	s0 =	simm.s32 @!p1 $0x0  }
0x14: {  	s2 =	sld [smem:$0x3F97];
	s0 =	simm.s32 @p1 $0x1  }
0x15: {  	[smem:$0x3FB4] =	sst s0;
	s0 =	simm.s32 @!p2 $0x0  }
0x16: {  	s3 =	sld [smem:$0x3FDB];
	s0 =	simm.s32 @p2 $0x1  }
0x17: {  	s4 =	simm.s32 $0x1BF5;
	[smem:$0x3FB6] =	sst s0  }
0x18: {  	s0 =	sld [smem:$0x3F99];
	_ =	swait.ge [sflag:s4], $0x0  }
0x19: {  	s7 =	sld [smem:$0x3F9A]  }
0x1a: {  	s8 =	sadd.s32 $0xFFFFE003, lr  }
0x1b: {  	s9 =	sadd.s32 $0xFFFFFEF7, lr;
	s5 =	simm.s32 $0xFFFFFFFF;
	p2 =	slt.u32 s8, $0xFFFFF086  }
0x1c: {  	p1 =	slt.u32 s9, $0xF7A;
	s5 =	simm.s32 @!p2 $0x0  }
0x1d: {  	s5 =	simm.s32 @p1 $0x1;
	p0 =	seq.s32 s7, s2  }
0x1e: {  	s7 =	smul.u32 @!p0 $0xF7A, s2;
	p2 =	seq.s32 @!p0 s5, $0x0  }
0x1f: {  	s9 =	smul.u32 $0xF7A, s1;
	s8 =	simm.s32 @!p0 $0x1BF5;
	p2 =	por !p2, p0  }
0x20: {  	[sflag:s8] =	ssyncset.s32 @!p0 $0xFFFFF086;
	s6 =	sadd.s32 @!p0 s3, s7;
	s7 =	simm.s32 @!p0 $0x108  }
0x21: {  	s3 =	sadd.s32 s3, s9;
	s6 =	sadd.s32 @!p0 $0x88, s6;
	s7 =	simm.s32 @p2 $0x1082  }
0x22: {  	[simem:s7], [sflag:s8] =	dma.local @!p0 [hbm:s6], $0xF7A  }
0x23: {  	s9 =	sor.u32 $0xD0000000, s2;
	s6 =	simm.s32 $0x108;
	_ =	swait.ge @!p0 [sflag:s8], $0x0  }
0x24: {  	s3 =	sadd.s32 $0x88, s3;
	s6 =	simm.s32 @!p1 $0x1082;
	[sflag:s4] =	ssyncset.s32 $0xFFFFF086  }
0x25: {  	[simem:s6], [sflag:s4] =	dma.local [hbm:s3], $0xF7A  }
0x26: {  	[smem:$0x3F9A] =	sst s1;
	(tag) =	ssettag s2;
	_ =	strace s9  }
0x27: {  	s1 =	sld [smem:$0x3FAA]  }
0x28: {  	s2 =	sld [smem:$0x3FAB]  }
0x29: {  	s4 =	sld [smem:$0x3FAD]  }
0x2a: {  	p0 =	seq.s32 s5, $0x0;
	s5 =	sld [smem:$0x3FAE]  }
0x2b: {  	s6 =	sld [smem:$0x3FAF]  }
0x2c: {  	s7 =	sld [smem:$0x3FB0]  }
0x2d: {  	s3 =	simm.s32 $0x108;
	s8 =	sld [smem:$0x3FB1]  }
0x2e: {  	s3 =	simm.s32 @!p0 $0x1082;
	s9 =	sld [smem:$0x3FB2]  }
0x2f: {  	lr =	sadd.s32 s0, s3;
	s0 =	sld [smem:$0x3FA9]  }
0x30: {  	s3 =	sld [smem:$0x3FAC]  }
0x31: {  	[smem:$0x3FB5] =	sst s10  }
0x32: {  	s10 =	sld [smem:$0x3FB3];
	_ =	sdelay $0x3  }
0x33: {  	p0 =	seq.s32 s10, $0x1;
	s10 =	sld [smem:$0x3FB5];
	_ =	sdelay $0x3  }
0x34: {  	[smem:$0x3FB5] =	sst s10  }
0x35: {  	s10 =	sld [smem:$0x3FB4];
	_ =	sdelay $0x3  }
0x36: {  	p1 =	seq.s32 s10, $0x1;
	s10 =	sld [smem:$0x3FB5];
	_ =	sdelay $0x3  }
0x37: {  	[smem:$0x3FB5] =	sst s10  }
0x38: {  	s10 =	sld [smem:$0x3FB6]  }
0x39: {  	_ = 	snop;
	(pc) =	sbr.ind lr, $3  }
0x3a: {  	_ = 	snop  }
0x3b: {  	_ = 	snop  }
0x3c: {  	p2 =	seq.s32 s10, $0x1;
	s10 =	sld [smem:$0x3FB5]  }
0x3d: {  	_ =	shalt  }
0x3e: {  	_ =	shalt  }
0x3f: {  	_ =	shalt  }
0x40: {  	_ =	shalt  }
0x41: {  	_ =	shalt  }
0x42: {  	_ =	shalt  }
0x43: {  	_ =	shalt  }
0x44: {  	_ =	shalt  }
0x45: {  	_ =	shalt  }
0x46: {  	_ =	shalt  }
0x47: {  	_ =	shalt  }
0x48: {  	_ =	shalt  }
0x49: {  	_ =	shalt  }
0x4a: {  	_ =	shalt  }
0x4b: {  	_ =	shalt  }
0x4c: {  	_ =	shalt  }
0x4d: {  	_ =	shalt  }
0x4e: {  	_ =	shalt  }
0x4f: {  	_ =	shalt  }
0x50: {  	_ =	shalt  }
0x51: {  	_ =	shalt  }
0x52: {  	_ =	shalt  }
0x53: {  	_ =	shalt  }
0x54: {  	_ =	shalt  }
0x55: {  	_ =	shalt  }
0x56: {  	_ =	shalt  }
0x57: {  	_ =	shalt  }
0x58: {  	_ =	shalt  }
0x59: {  	_ =	shalt  }
0x5a: {  	_ =	shalt  }
0x5b: {  	_ =	shalt  }
0x5c: {  	_ =	shalt  }
0x5d: {  	_ =	shalt  }
0x5e: {  	_ =	shalt  }
0x5f: {  	_ =	shalt  }
0x60: {  	_ =	shalt  }
0x61: {  	_ =	shalt  }
0x62: {  	_ =	shalt  }
0x63: {  	_ =	shalt  }
0x64: {  	_ =	shalt  }
0x65: {  	_ =	shalt  }
0x66: {  	_ =	shalt  }
0x67: {  	_ =	shalt  }
0x68: {  	_ =	shalt  }
0x69: {  	_ =	shalt  }
0x6a: {  	_ =	shalt  }
0x6b: {  	_ =	shalt  }
0x6c: {  	_ =	shalt  }
0x6d: {  	_ =	shalt  }
0x6e: {  	_ =	shalt  }
0x6f: {  	_ =	shalt  }
0x70: {  	_ =	shalt  }
0x71: {  	_ =	shalt  }
0x72: {  	_ =	shalt  }
0x73: {  	_ =	shalt  }
0x74: {  	_ =	shalt  }
0x75: {  	_ =	shalt  }
0x76: {  	_ =	shalt  }
0x77: {  	_ =	shalt  }
0x78: {  	_ =	shalt  }
0x79: {  	_ =	shalt  }
0x7a: {  	_ =	shalt  }
0x7b: {  	_ =	shalt  }
0x7c: {  	_ =	shalt  }
0x7d: {  	_ =	shalt  }
0x7e: {  	_ =	shalt  }
0x7f: {  	_ =	shalt  }
0x80: {  	_ =	shalt  }
0x81: {  	_ =	shalt  }
0x82: {  	_ =	shalt  }
0x83: {  	_ =	shalt  }
0x84: {  	_ =	shalt  }
0x85: {  	_ =	shalt  }
0x86: {  	_ =	shalt  }
0x87: {  	_ =	shalt  }
.Lfunc_end0:
.L_simem_size_0:
called_computation.1_lowered:
.L_overlay_start_0:
0x88: {  	s2 =	sld [smem:$0x3FD9]  }
0x89: {  	s3 =	sld [smem:$0x3FFE];
	_ =	sdelay $0x1  }
0x8a: {  	s1 =	srdreg.scid  }
0x8b: {  	s0 =	sand.u32 $0x1, s1  }
0x8c: {  	s14 =	sshll.u32 s0, $0xA;
	s2 =	sadd.s32 s3, s2  }
0x8d: {  	s2 =	sadd.s32 s2, s14  }
0x8e: {  	[smem:$0x3FC1] =	sst s2  }
0x8f: {  	_ = 	snop  }
0x90: {  	s2 =	sld [smem:$0x3FD0];
	_ =	sdelay $0x2  }
0x91: {  	s15 =	simm.s32 $0xA;
	s4 =	simm.s32 $0x10  }
0x92: {  	[smem:s4], [sflag:s15] =	dma.local [hbm:s2], $0x1  }
0x93: {  	_ =	swait.eq [sflag:s15], $0x1  }
0x94: {  	[sflag:s15] =	ssyncset.done $0x0  }
0x95: {  	[sflag:s15] =	ssyncadd.s32 $0xFFFFFFFF  }
0x96: {  	s16 =	sld [smem:$0x10];
	(tm) =	ssettm $0x1  }
0x97: {  	s17 =	sld [smem:$0x3FFB];
	_ =	sdelay $0x3  }
0x98: {  	_ =	strace s17  }
0x99: {  	s3 =	sld [smem:$0x3FFC];
	_ =	sdelay $0x3  }
0x9a: {  	_ =	strace s3  }
0x9b: {  	s3 =	sld [smem:$0x3FFD];
	_ =	sdelay $0x3  }
0x9c: {  	_ =	strace s3  }
0x9d: {  	_ =	strace $0x8FFFFFFF  }
0x9e: {  	s18 =	sld [smem:$0x3FDB];
	_ =	sdelay $0x1  }
0x9f: {  	s19 =	simm.s32 $_scs_section_size  }
0xa0: {  	s5 =	simm.s32 $_size__tile_overlayer_lowered;
	s6 =	simm.s32 $_tile_overlayer_lowered  }
0xa1: {  	s22 =	simm.s32 $0x1BFF;
	s21 =	sshll.u32 s6, $0x1;
	s3 =	sadd.s32 s19, s18  }
0xa2: {  	s7 =	simm.s32 $0x0;
	s20 =	sshll.u32 s5, $0x1;
	s5 =	sadd.s32 s21, s3  }
0xa3: {  	[timem:s7], [sflag:s22] =	dma.local [hbm:s5], s20  }
0xa4: {  	_ =	swait.ge [sflag:s22], s20  }
0xa5: {  	s4 =	ssub.s32 $0x0, s20;
	[sflag:s22] =	ssyncset.done $0x0  }
0xa6: {  	[sflag:s22] =	ssyncadd.s32 s4;
	_ =	sdelay $0x1  }
0xa7: {  	s23 =	simm.s32 $0x1B8B  }
0xa8: {  	_ =	swait.ge [sflag:s23], $0x1  }
0xa9: {  	[sflag:s23] =	ssyncset.done $0x0  }
0xaa: {  	s25 =	simm.s32 $0x1B8E;
	s24 =	sld [smem:$0x3FFE];
	[sflag:s23] =	ssyncadd.s32 $0xFFFFFFFF  }
0xab: {  	s26 =	simm.s32 $execute0_lowered;
	[smem:$0x3FD2] =	sst s25  }
0xac: {  	s5 =	sshll.u32 s26, $0x1;
	_ =	strace $0x80000049;
	[dreg:$0x1] =	wrdreg $0xFFFFFFFF  }
0xad: {  	s28 =	simm.s32 $_size_execute0_lowered;
	s3 =	sadd.s32 s3, s5;
	[dreg:$0x0] =	wrdreg $0x0  }
0xae: {  	s5 =	sshll.u32 s28, $0x1;
	[dreg:$0x2] =	wrdreg s3  }
0xaf: {  	[dreg:$0x3] =	wrdreg s5  }
0xb0: {  	[dreg:$0x4] =	wrdreg $0xC0  }
0xb1: {  	_ =	task [dreg:s7], $0x5FFFF  }
0xb2: {  	[dreg:$0x1] =	wrdreg $0xFFFFFFFF  }
0xb3: {  	[dreg:$0x0] =	wrdreg $0x60  }
0xb4: {  	[dreg:$0x2] =	wrdreg s24  }
0xb5: {  	[dreg:$0x3] =	wrdreg s16  }
0xb6: {  	[dreg:$0x4] =	wrdreg $0x9  }
0xb7: {  	_ =	task.clear_ibuf [dreg:s7], $0x5FFFF;
	_ =	strace $0x90000049  }
0xb8: {  	s29 =	simm.s32 $0x9;
	_ =	strace $0x8000004B  }
0xb9: {  	_ =	swait.ge [sflag:s29], $0x1  }
0xba: {  	[sflag:s29] =	ssyncadd.s32 $0xFFFFFFFF  }
0xbb: {  	_ =	strace $0x9000004B  }
0xbc: {  	_ =	sfence  }
0xbd: {  	s30 =	sld [smem:$0x0];
	_ =	sdelay $0x2  }
0xbe: {  	s31 =	sshll.u32 s1, $0xD;
	s1 =	sshrl.u32 s1, $0x2  }
0xbf: {  	s3 =	sand.u32 $0x4000, s31;
	s1 =	sadd.s32 s1, s30  }
0xc0: {  	s0 =	sor.u32 s3, s0;
	s1 =	sshll.u32 s1, $0x11  }
0xc1: {  	s0 =	sor.u32 s1, s0  }
0xc2: {  	s0 =	sadd.s32 $0x8F2B, s0  }
0xc3: {  	[sflag:s0] =	ssyncadd.remote.s32 $0x1  }
0xc4: {  	_ =	sfence.sel $0xFFFF  }
0xc5: {  	[dreg:$0x0] =	wrdreg $0xFFFFFFFF;
	(pc) =	sbr.abs _section_cstart, $3  }
0xc6: {  	[dreg:$0x1] =	wrdreg $0xFFFFFFFF  }
0xc7: {  	_ =	task.clear_ibuf [dreg:s7], $0x2FFFF;
	_ =	strace $0x9FFFFFFF  }
0xc8: {  	(tm) =	ssettm $0x7FFFFFFF  }
0xc9: {  	_ =	shalt  }
tec
execute0_lowered:
.L_overlay_start_1:
0x0: {  	(tag) =	ssettag $0x1  }
0x1: {  	s1 =	srdreg.scid  }
0x2: {  	s0 =	stileid.u32;
	s1 =	sand.u32 $0x1, s1  }
0x3: {  	s5 =	rddreg [dreg:$0x0];
	s2 =	sshll.u32 s0, $0x9;
	s3 =	sshll.u32 s1, $0x8  }
0x4: {  	s4 =	rddreg [dreg:$0x1];
	s3 =	sor.u32 s3, s2;
	s2 =	simm.s32 $0x0  }
0x5: {  	s19 =	simm.s32 $0x8900;
	[smem:$0x7FF] =	sst s2  }
0x6: {  	s20 =	simm.s32 $0x9100;
	_ =	strace $0x8000004A;
	[dreg:$0x7] =	wrdreg s19  }
0x7: {  	s21 =	simm.s32 $0x9900;
	[dreg:$0x8] =	wrdreg s20  }
0x8: {  	s22 =	simm.s32 $0xA100;
	[dreg:$0x9] =	wrdreg s21  }
0x9: {  	s23 =	simm.s32 $0xA900;
	[dreg:$0xa] =	wrdreg s22  }
0xa: {  	s24 =	simm.s32 $0xB100;
	[dreg:$0xb] =	wrdreg s23  }
0xb: {  	s25 =	simm.s32 $0xB900;
	s26 =	simm.s32 $0xC100;
	[dreg:$0xc] =	wrdreg s24  }
0xc: {  	s8 =	simm.s32 $0xE100;
	s1 =	ssub.s32 $0x2, s1;
	[dreg:$0xd] =	wrdreg s25  }
0xd: {  	s0 =	simm.s32 $0xC900;
	s7 =	sshrl.u32 s1, $0x1;
	[dreg:$0xe] =	wrdreg s26  }
0xe: {  	s1 =	ssub.s32 s1, s7;
	s7 =	simm.s32 $0xD900;
	[dreg:$0xf] =	wrdreg s0  }
0xf: {  	s9 =	simm.s32 $0xE900;
	s10 =	simm.s32 $0xF100;
	[dreg:$0x11] =	wrdreg s7  }
0x10: {  	s11 =	simm.s32 $0xF900;
	s12 =	simm.s32 $0x10900;
	[dreg:$0x12] =	wrdreg s8  }
0x11: {  	s13 =	simm.s32 $0x11100;
	s14 =	simm.s32 $0x11900;
	[dreg:$0x13] =	wrdreg s9  }
0x12: {  	s15 =	simm.s32 $0x12100;
	s28 =	simm.s32 $0x4;
	[dreg:$0x14] =	wrdreg s10  }
0x13: {  	s29 =	simm.s32 $0x2;
	s30 =	simm.s32 $0x3;
	[dreg:$0x15] =	wrdreg s11  }
0x14: {  	s31 =	simm.s32 $0x5;
	s6 =	sshrl.u32 s3, $0x3;
	[dreg:$0x16] =	wrdreg s12  }
0x15: {  	s3 =	sshll.u32 s3, $0x6;
	s6 =	sadd.s32 s6, s5;
	[dreg:$0x17] =	wrdreg s13  }
0x16: {  	s16 =	sadd.s32 s4, s3;
	s3 =	simm.s32 $0xD100;
	[dreg:$0x18] =	wrdreg s14  }
0x17: {  	s7 =	simm.s32 $0x7;
	s8 =	simm.s32 $0x100;
	[dreg:$0x19] =	wrdreg s15  }
0x18: {  	s9 =	simm.s32 $0x900;
	s10 =	simm.s32 $0x1100;
	[smem:$0x7F8] =	sst s16  }
0x19: {  	s11 =	simm.s32 $0x1900;
	s19 =	simm.s32 $0x14100;
	[dreg:$0x10] =	wrdreg s3  }
0x1a: {  	s12 =	simm.s32 $0x2100;
	s20 =	simm.s32 $0x14900;
	[dreg:$0x1d] =	wrdreg s19  }
0x1b: {  	s13 =	simm.s32 $0x2900;
	s21 =	simm.s32 $0x15100;
	[dreg:$0x1e] =	wrdreg s20  }
0x1c: {  	s14 =	simm.s32 $0x3100;
	s22 =	simm.s32 $0x15900;
	[dreg:$0x1f] =	wrdreg s21  }
0x1d: {  	s15 =	simm.s32 $0x3900;
	s23 =	simm.s32 $0x16100;
	[smem:$0x7F9] =	sst s22  }
0x1e: {  	s24 =	simm.s32 $0x16900;
	s25 =	simm.s32 $0x17100;
	[smem:$0x7FA] =	sst s23  }
0x1f: {  	s26 =	simm.s32 $0x17900;
	s6 =	sadd.s32 $0x1C00, s6;
	[smem:$0x7FB] =	sst s24  }
0x20: {  	s4 =	sadd.s32 $0x1000, s16;
	s17 =	sadd.s32 $0x2000, s16;
	[smem:$0x7FC] =	sst s25  }
0x21: {  	s18 =	sadd.s32 $0x3000, s16;
	s16 =	simm.s32 $0x12900;
	[smem:$0x7FD] =	sst s26  }
0x22: {  	s19 =	simm.s32 $0x5900;
	s20 =	simm.s32 $0x6100;
	[dreg:$0x3] =	wrdreg s6  }
0x23: {  	s21 =	simm.s32 $0x6900;
	s22 =	simm.s32 $0x7100;
	[dreg:$0x4] =	wrdreg s4  }
0x24: {  	s23 =	simm.s32 $0x7900;
	s24 =	simm.s32 $0x8100;
	[dreg:$0x5] =	wrdreg s17  }
0x25: {  	s25 =	simm.s32 $0x10100;
	s26 =	simm.s32 $0x1;
	[dreg:$0x6] =	wrdreg s18  }
0x26: {  	s4 =	sadd.s32 $0x2000, s5;
	s5 =	sadd.s32 $0x2100, s5;
	s6 =	smax.u32 s1, $0x1  }
0x27: {  	v2 =	vlaneseq.u32;
	[dreg:$0x1a] =	wrdreg s16;
	s17 =	simm.s32 $0x13100;
	s18 =	simm.s32 $0x13900  }
0x28: {  	vm0 =	vmmov $0xffff;
	v1 =	vshrl.u32 v2, $0x3;
	s16 =	simm.s32 $0x4100;
	s1 =	simm.s32 $0x6;
	[dreg:$0x1b] =	wrdreg s17  }
0x29: {  	v0 =	vand.u32 $0x7, v2;
	v2 =	vor.u32 $0x8, v2;
	v1 =	vmul.u32 $0x8, v1;
	[dreg:$0x1c] =	wrdreg s18;
	s17 =	simm.s32 $0x4900;
	s18 =	simm.s32 $0x5100  }
.LBB2_1:
0x2a: {  	s0 =	rddreg [dreg:$0x3]  }
0x2b: {  	[tilespmem:s2], [sflag:$0x7] =	stream.linear.gather [hbm4b:s0+s2], $0x100, $0x38;
	[tilespmem:$0x18100] =	vst v63  }
0x2c: {  	_ =	swait.ge [sflag:s7], $0x100  }
0x2d: {  	[sflag:s7] =	ssyncset.done $0x0  }
0x2e: {  	[sflag:s7] =	ssyncadd.s32 $0xFFFFFF00  }
0x2f: {  	v3 =	vld [tilespmem:$0x0];
	_ =	sdelay $0x4  }
0x30: {  	v4 =	vshll.u32 v3, $0x2  }
0x31: {  	v3 =	vand.u32 $0x7, v3;
	v4 =	vand.u32 $0xFFFFFFE0, v4  }
0x32: {  	v3 =	vor.u32 v3, v4  }
0x33: {  	v4 =	vperm.xlane v3, v0;
	_ =	sdelay $0x1  }
0x34: {  	v4 =	vadd.s32 v1, v4;
	_ =	sdelay $0x1  }
0x35: {  	v3 =	vperm.xlane v3, v2;
	_ =	sdelay $0x1  }
0x36: {  	v3 =	vadd.s32 v1, v3  }
0x37: {  	[tilespmem:s8], [sflag:$0x1] =	stream.indirect_vreg.gather [hbm4b:s4+s2], $0x80, v4, vm0, $0xb8;
	[tilespmem:$0x18100] =	vst v63  }
0x38: {  	_ = 	snop  }
0x39: {  	[tilespmem:s9], [sflag:$0x1] =	stream.indirect_vreg.gather [hbm4b:s5+s2], $0x80, v4, vm0, $0xb8;
	[tilespmem:$0x18100] =	vst v63  }
0x3a: {  	_ = 	snop  }
0x3b: {  	[tilespmem:s10], [sflag:$0x1] =	stream.indirect_vreg.gather [hbm4b:s4+s2], $0x80, v3, vm0, $0xb8;
	[tilespmem:$0x18100] =	vst v63  }
0x3c: {  	_ = 	snop  }
0x3d: {  	[tilespmem:s11], [sflag:$0x1] =	stream.indirect_vreg.gather [hbm4b:s5+s2], $0x80, v3, vm0, $0xb8;
	[tilespmem:$0x18100] =	vst v63  }
0x3e: {  	v3 =	vld [tilespmem:$0x10];
	_ =	sdelay $0x4  }
0x3f: {  	v49 =	vshll.u32 v3, $0x2  }
0x40: {  	v3 =	vand.u32 $0x7, v3;
	v4 =	vand.u32 $0xFFFFFFE0, v49  }
0x41: {  	v3 =	vor.u32 v3, v4  }
0x42: {  	v4 =	vperm.xlane v3, v0;
	_ =	sdelay $0x1  }
0x43: {  	v4 =	vadd.s32 v1, v4;
	_ =	sdelay $0x1  }
0x44: {  	v3 =	vperm.xlane v3, v2;
	_ =	sdelay $0x1  }
0x45: {  	v3 =	vadd.s32 v1, v3  }
0x46: {  	[tilespmem:s12], [sflag:$0x1] =	stream.indirect_vreg.gather [hbm4b:s4+s2], $0x80, v4, vm0, $0xb8;
	[tilespmem:$0x18100] =	vst v63  }
0x47: {  	_ = 	snop  }
0x48: {  	[tilespmem:s13], [sflag:$0x1] =	stream.indirect_vreg.gather [hbm4b:s5+s2], $0x80, v4, vm0, $0xb8;
	[tilespmem:$0x18100] =	vst v63  }
0x49: {  	_ = 	snop  }
0x4a: {  	[tilespmem:s14], [sflag:$0x1] =	stream.indirect_vreg.gather [hbm4b:s4+s2], $0x80, v3, vm0, $0xb8;
	[tilespmem:$0x18100] =	vst v63  }
0x4b: {  	_ = 	snop  }
0x4c: {  	[tilespmem:s15], [sflag:$0x1] =	stream.indirect_vreg.gather [hbm4b:s5+s2], $0x80, v3, vm0, $0xb8;
	[tilespmem:$0x18100] =	vst v63  }
0x4d: {  	v3 =	vld [tilespmem:$0x20];
	_ =	sdelay $0x4  }
0x4e: {  	v50 =	vshll.u32 v3, $0x2  }
0x4f: {  	v3 =	vand.u32 $0x7, v3;
	v4 =	vand.u32 $0xFFFFFFE0, v50  }
0x50: {  	v3 =	vor.u32 v3, v4  }
0x51: {  	v4 =	vperm.xlane v3, v0;
	_ =	sdelay $0x1  }
0x52: {  	v4 =	vadd.s32 v1, v4;
	_ =	sdelay $0x1  }
0x53: {  	v3 =	vperm.xlane v3, v2;
	_ =	sdelay $0x1  }
0x54: {  	v3 =	vadd.s32 v1, v3  }
0x55: {  	[tilespmem:s16], [sflag:$0x1] =	stream.indirect_vreg.gather [hbm4b:s4+s2], $0x80, v4, vm0, $0xb8;
	[tilespmem:$0x18100] =	vst v63  }
0x56: {  	_ = 	snop  }
0x57: {  	[tilespmem:s17], [sflag:$0x1] =	stream.indirect_vreg.gather [hbm4b:s5+s2], $0x80, v4, vm0, $0xb8;
	[tilespmem:$0x18100] =	vst v63  }
0x58: {  	_ = 	snop  }
0x59: {  	[tilespmem:s18], [sflag:$0x1] =	stream.indirect_vreg.gather [hbm4b:s4+s2], $0x80, v3, vm0, $0xb8;
	[tilespmem:$0x18100] =	vst v63  }
0x5a: {  	_ = 	snop  }
0x5b: {  	[tilespmem:s19], [sflag:$0x1] =	stream.indirect_vreg.gather [hbm4b:s5+s2], $0x80, v3, vm0, $0xb8;
	[tilespmem:$0x18100] =	vst v63  }
0x5c: {  	v3 =	vld [tilespmem:$0x30];
	_ =	sdelay $0x4  }
0x5d: {  	v51 =	vshll.u32 v3, $0x2  }
0x5e: {  	v3 =	vand.u32 $0x7, v3;
	v4 =	vand.u32 $0xFFFFFFE0, v51  }
0x5f: {  	v3 =	vor.u32 v3, v4  }
0x60: {  	v4 =	vperm.xlane v3, v0;
	_ =	sdelay $0x1  }
0x61: {  	v4 =	vadd.s32 v1, v4;
	_ =	sdelay $0x1  }
0x62: {  	v3 =	vperm.xlane v3, v2;
	_ =	sdelay $0x1  }
0x63: {  	v3 =	vadd.s32 v1, v3  }
0x64: {  	[tilespmem:s20], [sflag:$0x1] =	stream.indirect_vreg.gather [hbm4b:s4+s2], $0x80, v4, vm0, $0xb8;
	[tilespmem:$0x18100] =	vst v63  }
0x65: {  	_ = 	snop  }
0x66: {  	[tilespmem:s21], [sflag:$0x1] =	stream.indirect_vreg.gather [hbm4b:s5+s2], $0x80, v4, vm0, $0xb8;
	[tilespmem:$0x18100] =	vst v63  }
0x67: {  	_ = 	snop  }
0x68: {  	[tilespmem:s22], [sflag:$0x1] =	stream.indirect_vreg.gather [hbm4b:s4+s2], $0x80, v3, vm0, $0xb8;
	[tilespmem:$0x18100] =	vst v63  }
0x69: {  	_ = 	snop  }
0x6a: {  	[tilespmem:s23], [sflag:$0x1] =	stream.indirect_vreg.gather [hbm4b:s5+s2], $0x80, v3, vm0, $0xb8;
	[tilespmem:$0x18100] =	vst v63  }
0x6b: {  	v3 =	vld [tilespmem:$0x40];
	_ =	sdelay $0x4  }
0x6c: {  	v52 =	vshll.u32 v3, $0x2  }
0x6d: {  	v3 =	vand.u32 $0x7, v3;
	v4 =	vand.u32 $0xFFFFFFE0, v52  }
0x6e: {  	v3 =	vor.u32 v3, v4  }
0x6f: {  	v4 =	vperm.xlane v3, v0;
	_ =	sdelay $0x1  }
0x70: {  	v4 =	vadd.s32 v1, v4;
	_ =	sdelay $0x1  }
0x71: {  	v3 =	vperm.xlane v3, v2;
	_ =	sdelay $0x1  }
0x72: {  	v3 =	vadd.s32 v1, v3  }
0x73: {  	[tilespmem:s24], [sflag:$0x2] =	stream.indirect_vreg.gather [hbm4b:s4+s2], $0x80, v4, vm0, $0xb8;
	[tilespmem:$0x18100] =	vst v63  }
0x74: {  	s0 =	rddreg [dreg:$0x7]  }
0x75: {  	[tilespmem:s0], [sflag:$0x2] =	stream.indirect_vreg.gather [hbm4b:s5+s2], $0x80, v4, vm0, $0xb8;
	[tilespmem:$0x18100] =	vst v63  }
0x76: {  	s3 =	rddreg [dreg:$0x8]  }
0x77: {  	[tilespmem:s3], [sflag:$0x2] =	stream.indirect_vreg.gather [hbm4b:s4+s2], $0x80, v3, vm0, $0xb8;
	[tilespmem:$0x18100] =	vst v63  }
0x78: {  	s0 =	rddreg [dreg:$0x9]  }
0x79: {  	[tilespmem:s0], [sflag:$0x2] =	stream.indirect_vreg.gather [hbm4b:s5+s2], $0x80, v3, vm0, $0xb8;
	[tilespmem:$0x18100] =	vst v63  }
0x7a: {  	v3 =	vld [tilespmem:$0x50];
	_ =	sdelay $0x4  }
0x7b: {  	v53 =	vshll.u32 v3, $0x2  }
0x7c: {  	v3 =	vand.u32 $0x7, v3;
	v4 =	vand.u32 $0xFFFFFFE0, v53  }
0x7d: {  	v3 =	vor.u32 v3, v4  }
0x7e: {  	v4 =	vperm.xlane v3, v0;
	_ =	sdelay $0x1  }
0x7f: {  	v4 =	vadd.s32 v1, v4;
	_ =	sdelay $0x1  }
0x80: {  	v3 =	vperm.xlane v3, v2;
	_ =	sdelay $0x1  }
0x81: {  	s0 =	rddreg [dreg:$0xa];
	v3 =	vadd.s32 v1, v3  }
0x82: {  	[tilespmem:s0], [sflag:$0x2] =	stream.indirect_vreg.gather [hbm4b:s4+s2], $0x80, v4, vm0, $0xb8;
	[tilespmem:$0x18100] =	vst v63  }
0x83: {  	s3 =	rddreg [dreg:$0xb]  }
0x84: {  	[tilespmem:s3], [sflag:$0x2] =	stream.indirect_vreg.gather [hbm4b:s5+s2], $0x80, v4, vm0, $0xb8;
	[tilespmem:$0x18100] =	vst v63  }
0x85: {  	s0 =	rddreg [dreg:$0xc]  }
0x86: {  	[tilespmem:s0], [sflag:$0x2] =	stream.indirect_vreg.gather [hbm4b:s4+s2], $0x80, v3, vm0, $0xb8;
	[tilespmem:$0x18100] =	vst v63  }
0x87: {  	s3 =	rddreg [dreg:$0xd]  }
0x88: {  	[tilespmem:s3], [sflag:$0x2] =	stream.indirect_vreg.gather [hbm4b:s5+s2], $0x80, v3, vm0, $0xb8;
	[tilespmem:$0x18100] =	vst v63  }
0x89: {  	v3 =	vld [tilespmem:$0x60];
	_ =	sdelay $0x4  }
0x8a: {  	v54 =	vshll.u32 v3, $0x2  }
0x8b: {  	v3 =	vand.u32 $0x7, v3;
	v4 =	vand.u32 $0xFFFFFFE0, v54  }
0x8c: {  	v3 =	vor.u32 v3, v4  }
0x8d: {  	v4 =	vperm.xlane v3, v0;
	_ =	sdelay $0x1  }
0x8e: {  	v4 =	vadd.s32 v1, v4;
	_ =	sdelay $0x1  }
0x8f: {  	v3 =	vperm.xlane v3, v2;
	_ =	sdelay $0x1  }
0x90: {  	s0 =	rddreg [dreg:$0xe];
	v3 =	vadd.s32 v1, v3  }
0x91: {  	[tilespmem:s0], [sflag:$0x2] =	stream.indirect_vreg.gather [hbm4b:s4+s2], $0x80, v4, vm0, $0xb8;
	[tilespmem:$0x18100] =	vst v63  }
0x92: {  	s3 =	rddreg [dreg:$0xf]  }
0x93: {  	[tilespmem:s3], [sflag:$0x2] =	stream.indirect_vreg.gather [hbm4b:s5+s2], $0x80, v4, vm0, $0xb8;
	[tilespmem:$0x18100] =	vst v63  }
0x94: {  	s0 =	rddreg [dreg:$0x10]  }
0x95: {  	[tilespmem:s0], [sflag:$0x2] =	stream.indirect_vreg.gather [hbm4b:s4+s2], $0x80, v3, vm0, $0xb8;
	[tilespmem:$0x18100] =	vst v63  }
0x96: {  	s3 =	rddreg [dreg:$0x11]  }
0x97: {  	[tilespmem:s3], [sflag:$0x2] =	stream.indirect_vreg.gather [hbm4b:s5+s2], $0x80, v3, vm0, $0xb8;
	[tilespmem:$0x18100] =	vst v63  }
0x98: {  	v3 =	vld [tilespmem:$0x70];
	_ =	sdelay $0x4  }
0x99: {  	v55 =	vshll.u32 v3, $0x2  }
0x9a: {  	v3 =	vand.u32 $0x7, v3;
	v4 =	vand.u32 $0xFFFFFFE0, v55  }
0x9b: {  	v3 =	vor.u32 v3, v4  }
0x9c: {  	v4 =	vperm.xlane v3, v0;
	_ =	sdelay $0x1  }
0x9d: {  	v4 =	vadd.s32 v1, v4;
	_ =	sdelay $0x1  }
0x9e: {  	v3 =	vperm.xlane v3, v2;
	_ =	sdelay $0x1  }
0x9f: {  	s0 =	rddreg [dreg:$0x12];
	v3 =	vadd.s32 v1, v3  }
0xa0: {  	[tilespmem:s0], [sflag:$0x2] =	stream.indirect_vreg.gather [hbm4b:s4+s2], $0x80, v4, vm0, $0xb8;
	[tilespmem:$0x18100] =	vst v63  }
0xa1: {  	s3 =	rddreg [dreg:$0x13]  }
0xa2: {  	[tilespmem:s3], [sflag:$0x2] =	stream.indirect_vreg.gather [hbm4b:s5+s2], $0x80, v4, vm0, $0xb8;
	[tilespmem:$0x18100] =	vst v63  }
0xa3: {  	s0 =	rddreg [dreg:$0x14]  }
0xa4: {  	[tilespmem:s0], [sflag:$0x2] =	stream.indirect_vreg.gather [hbm4b:s4+s2], $0x80, v3, vm0, $0xb8;
	[tilespmem:$0x18100] =	vst v63  }
0xa5: {  	s3 =	rddreg [dreg:$0x15]  }
0xa6: {  	[tilespmem:s3], [sflag:$0x2] =	stream.indirect_vreg.gather [hbm4b:s5+s2], $0x80, v3, vm0, $0xb8;
	[tilespmem:$0x18100] =	vst v63  }
0xa7: {  	v3 =	vld [tilespmem:$0x80];
	_ =	sdelay $0x4  }
0xa8: {  	v56 =	vshll.u32 v3, $0x2  }
0xa9: {  	v3 =	vand.u32 $0x7, v3;
	v4 =	vand.u32 $0xFFFFFFE0, v56  }
0xaa: {  	v3 =	vor.u32 v3, v4  }
0xab: {  	v4 =	vperm.xlane v3, v0;
	_ =	sdelay $0x1  }
0xac: {  	v4 =	vadd.s32 v1, v4;
	_ =	sdelay $0x1  }
0xad: {  	v3 =	vperm.xlane v3, v2;
	_ =	sdelay $0x1  }
0xae: {  	v3 =	vadd.s32 v1, v3  }
0xaf: {  	[tilespmem:s25], [sflag:$0x3] =	stream.indirect_vreg.gather [hbm4b:s4+s2], $0x80, v4, vm0, $0xb8;
	[tilespmem:$0x18100] =	vst v63  }
0xb0: {  	s0 =	rddreg [dreg:$0x16]  }
0xb1: {  	[tilespmem:s0], [sflag:$0x3] =	stream.indirect_vreg.gather [hbm4b:s5+s2], $0x80, v4, vm0, $0xb8;
	[tilespmem:$0x18100] =	vst v63  }
0xb2: {  	s3 =	rddreg [dreg:$0x17]  }
0xb3: {  	[tilespmem:s3], [sflag:$0x3] =	stream.indirect_vreg.gather [hbm4b:s4+s2], $0x80, v3, vm0, $0xb8;
	[tilespmem:$0x18100] =	vst v63  }
0xb4: {  	s0 =	rddreg [dreg:$0x18]  }
0xb5: {  	[tilespmem:s0], [sflag:$0x3] =	stream.indirect_vreg.gather [hbm4b:s5+s2], $0x80, v3, vm0, $0xb8;
	[tilespmem:$0x18100] =	vst v63  }
0xb6: {  	v3 =	vld [tilespmem:$0x90];
	_ =	sdelay $0x4  }
0xb7: {  	v57 =	vshll.u32 v3, $0x2  }
0xb8: {  	v3 =	vand.u32 $0x7, v3;
	v4 =	vand.u32 $0xFFFFFFE0, v57  }
0xb9: {  	v3 =	vor.u32 v3, v4  }
0xba: {  	v4 =	vperm.xlane v3, v0;
	_ =	sdelay $0x1  }
0xbb: {  	v4 =	vadd.s32 v1, v4;
	_ =	sdelay $0x1  }
0xbc: {  	v3 =	vperm.xlane v3, v2;
	_ =	sdelay $0x1  }
0xbd: {  	s0 =	rddreg [dreg:$0x19];
	v3 =	vadd.s32 v1, v3  }
0xbe: {  	[tilespmem:s0], [sflag:$0x3] =	stream.indirect_vreg.gather [hbm4b:s4+s2], $0x80, v4, vm0, $0xb8;
	[tilespmem:$0x18100] =	vst v63  }
0xbf: {  	s3 =	rddreg [dreg:$0x1a]  }
0xc0: {  	[tilespmem:s3], [sflag:$0x3] =	stream.indirect_vreg.gather [hbm4b:s5+s2], $0x80, v4, vm0, $0xb8;
	[tilespmem:$0x18100] =	vst v63  }
0xc1: {  	s0 =	rddreg [dreg:$0x1b]  }
0xc2: {  	[tilespmem:s0], [sflag:$0x3] =	stream.indirect_vreg.gather [hbm4b:s4+s2], $0x80, v3, vm0, $0xb8;
	[tilespmem:$0x18100] =	vst v63  }
0xc3: {  	s3 =	rddreg [dreg:$0x1c]  }
0xc4: {  	[tilespmem:s3], [sflag:$0x3] =	stream.indirect_vreg.gather [hbm4b:s5+s2], $0x80, v3, vm0, $0xb8;
	[tilespmem:$0x18100] =	vst v63  }
0xc5: {  	v3 =	vld [tilespmem:$0xA0];
	_ =	sdelay $0x4  }
0xc6: {  	v58 =	vshll.u32 v3, $0x2  }
0xc7: {  	v3 =	vand.u32 $0x7, v3;
	v4 =	vand.u32 $0xFFFFFFE0, v58  }
0xc8: {  	v3 =	vor.u32 v3, v4  }
0xc9: {  	v4 =	vperm.xlane v3, v0;
	_ =	sdelay $0x1  }
0xca: {  	v4 =	vadd.s32 v1, v4;
	_ =	sdelay $0x1  }
0xcb: {  	v3 =	vperm.xlane v3, v2  }
0xcc: {  	s0 =	rddreg [dreg:$0x1d]  }
0xcd: {  	s3 =	rddreg [dreg:$0x1e];
	v3 =	vadd.s32 v1, v3  }
0xce: {  	[tilespmem:s0], [sflag:$0x3] =	stream.indirect_vreg.gather [hbm4b:s4+s2], $0x80, v4, vm0, $0xb8;
	[tilespmem:$0x18100] =	vst v63  }
0xcf: {  	s0 =	rddreg [dreg:$0x1f]  }
0xd0: {  	[tilespmem:s3], [sflag:$0x3] =	stream.indirect_vreg.gather [hbm4b:s5+s2], $0x80, v4, vm0, $0xb8;
	[tilespmem:$0x18100] =	vst v63  }
0xd1: {  	s3 =	sld [smem:$0x7F9]  }
0xd2: {  	[tilespmem:s0], [sflag:$0x3] =	stream.indirect_vreg.gather [hbm4b:s4+s2], $0x80, v3, vm0, $0xb8;
	[tilespmem:$0x18100] =	vst v63  }
0xd3: {  	_ = 	snop  }
0xd4: {  	[tilespmem:s3], [sflag:$0x3] =	stream.indirect_vreg.gather [hbm4b:s5+s2], $0x80, v3, vm0, $0xb8;
	[tilespmem:$0x18100] =	vst v63  }
0xd5: {  	v3 =	vld [tilespmem:$0xB0];
	_ =	sdelay $0x4  }
0xd6: {  	v59 =	vshll.u32 v3, $0x2  }
0xd7: {  	v3 =	vand.u32 $0x7, v3;
	v4 =	vand.u32 $0xFFFFFFE0, v59  }
0xd8: {  	v3 =	vor.u32 v3, v4  }
0xd9: {  	v4 =	vperm.xlane v3, v0;
	_ =	sdelay $0x1  }
0xda: {  	v4 =	vadd.s32 v1, v4;
	_ =	sdelay $0x1  }
0xdb: {  	s0 =	sld [smem:$0x7FA];
	v3 =	vperm.xlane v3, v2;
	_ =	sdelay $0x1  }
0xdc: {  	s3 =	sld [smem:$0x7FB];
	v3 =	vadd.s32 v1, v3  }
0xdd: {  	[tilespmem:s0], [sflag:$0x3] =	stream.indirect_vreg.gather [hbm4b:s4+s2], $0x80, v4, vm0, $0xb8;
	[tilespmem:$0x18100] =	vst v63  }
0xde: {  	s0 =	sld [smem:$0x7FC]  }
0xdf: {  	[tilespmem:s3], [sflag:$0x3] =	stream.indirect_vreg.gather [hbm4b:s5+s2], $0x80, v4, vm0, $0xb8;
	[tilespmem:$0x18100] =	vst v63  }
0xe0: {  	s3 =	sld [smem:$0x7FD]  }
0xe1: {  	[tilespmem:s0], [sflag:$0x3] =	stream.indirect_vreg.gather [hbm4b:s4+s2], $0x80, v3, vm0, $0xb8;
	[tilespmem:$0x18100] =	vst v63  }
0xe2: {  	_ = 	snop  }
0xe3: {  	[tilespmem:s3], [sflag:$0x3] =	stream.indirect_vreg.gather [hbm4b:s5+s2], $0x80, v3, vm0, $0xb8;
	[tilespmem:$0x18100] =	vst v63  }
0xe4: {  	_ =	swait.ge [sflag:s26], $0x8000  }
0xe5: {  	s3 =	sld [smem:$0x7F8]  }
0xe6: {  	[sflag:s26] =	ssyncset.done $0x0  }
0xe7: {  	[sflag:s26] =	ssyncadd.s32 $0xFFFF8000  }
0xe8: {  	[hbm4b:s3+s2] =	stream.linear.scatter [tilespmem:s8], [sflag:$0x4], $0x8000, $0x38;
	[tilespmem:$0x18100] =	vst v63  }
0xe9: {  	_ =	swait.ge [sflag:s28], $0x8000  }
0xea: {  	[sflag:s28] =	ssyncset.done $0x0  }
0xeb: {  	[sflag:s28] =	ssyncadd.s32 $0xFFFF8000  }
0xec: {  	v3 =	vld [tilespmem:$0xC0];
	_ =	sdelay $0x4  }
0xed: {  	v60 =	vshll.u32 v3, $0x2  }
0xee: {  	v3 =	vand.u32 $0x7, v3;
	v4 =	vand.u32 $0xFFFFFFE0, v60  }
0xef: {  	v3 =	vor.u32 v3, v4  }
0xf0: {  	v4 =	vperm.xlane v3, v0;
	_ =	sdelay $0x1  }
0xf1: {  	v4 =	vadd.s32 v1, v4;
	_ =	sdelay $0x1  }
0xf2: {  	v3 =	vperm.xlane v3, v2;
	_ =	sdelay $0x1  }
0xf3: {  	v3 =	vadd.s32 v1, v3  }
0xf4: {  	[tilespmem:s8], [sflag:$0x1] =	stream.indirect_vreg.gather [hbm4b:s4+s2], $0x80, v4, vm0, $0xb8;
	[tilespmem:$0x18100] =	vst v63  }
0xf5: {  	_ = 	snop  }
0xf6: {  	[tilespmem:s9], [sflag:$0x1] =	stream.indirect_vreg.gather [hbm4b:s5+s2], $0x80, v4, vm0, $0xb8;
	[tilespmem:$0x18100] =	vst v63  }
0xf7: {  	_ = 	snop  }
0xf8: {  	[tilespmem:s10], [sflag:$0x1] =	stream.indirect_vreg.gather [hbm4b:s4+s2], $0x80, v3, vm0, $0xb8;
	[tilespmem:$0x18100] =	vst v63  }
0xf9: {  	_ = 	snop  }
0xfa: {  	[tilespmem:s11], [sflag:$0x1] =	stream.indirect_vreg.gather [hbm4b:s5+s2], $0x80, v3, vm0, $0xb8;
	[tilespmem:$0x18100] =	vst v63  }
0xfb: {  	v3 =	vld [tilespmem:$0xD0];
	_ =	sdelay $0x4  }
0xfc: {  	v61 =	vshll.u32 v3, $0x2  }
0xfd: {  	v3 =	vand.u32 $0x7, v3;
	v4 =	vand.u32 $0xFFFFFFE0, v61  }
0xfe: {  	v3 =	vor.u32 v3, v4  }
0xff: {  	v4 =	vperm.xlane v3, v0;
	_ =	sdelay $0x1  }
0x100: {  	v4 =	vadd.s32 v1, v4;
	_ =	sdelay $0x1  }
0x101: {  	v3 =	vperm.xlane v3, v2;
	_ =	sdelay $0x1  }
0x102: {  	v3 =	vadd.s32 v1, v3  }
0x103: {  	[tilespmem:s12], [sflag:$0x1] =	stream.indirect_vreg.gather [hbm4b:s4+s2], $0x80, v4, vm0, $0xb8;
	[tilespmem:$0x18100] =	vst v63  }
0x104: {  	_ = 	snop  }
0x105: {  	[tilespmem:s13], [sflag:$0x1] =	stream.indirect_vreg.gather [hbm4b:s5+s2], $0x80, v4, vm0, $0xb8;
	[tilespmem:$0x18100] =	vst v63  }
0x106: {  	_ = 	snop  }
0x107: {  	[tilespmem:s14], [sflag:$0x1] =	stream.indirect_vreg.gather [hbm4b:s4+s2], $0x80, v3, vm0, $0xb8;
	[tilespmem:$0x18100] =	vst v63  }
0x108: {  	_ = 	snop  }
0x109: {  	[tilespmem:s15], [sflag:$0x1] =	stream.indirect_vreg.gather [hbm4b:s5+s2], $0x80, v3, vm0, $0xb8;
	[tilespmem:$0x18100] =	vst v63  }
0x10a: {  	v3 =	vld [tilespmem:$0xE0];
	_ =	sdelay $0x4  }
0x10b: {  	v62 =	vshll.u32 v3, $0x2  }
0x10c: {  	v3 =	vand.u32 $0x7, v3;
	v4 =	vand.u32 $0xFFFFFFE0, v62  }
0x10d: {  	v3 =	vor.u32 v3, v4  }
0x10e: {  	v4 =	vperm.xlane v3, v0;
	_ =	sdelay $0x1  }
0x10f: {  	v4 =	vadd.s32 v1, v4;
	_ =	sdelay $0x1  }
0x110: {  	v3 =	vperm.xlane v3, v2;
	_ =	sdelay $0x1  }
0x111: {  	v3 =	vadd.s32 v1, v3  }
0x112: {  	[tilespmem:s16], [sflag:$0x1] =	stream.indirect_vreg.gather [hbm4b:s4+s2], $0x80, v4, vm0, $0xb8;
	[tilespmem:$0x18100] =	vst v63  }
0x113: {  	_ = 	snop  }
0x114: {  	[tilespmem:s17], [sflag:$0x1] =	stream.indirect_vreg.gather [hbm4b:s5+s2], $0x80, v4, vm0, $0xb8;
	[tilespmem:$0x18100] =	vst v63  }
0x115: {  	_ = 	snop  }
0x116: {  	[tilespmem:s18], [sflag:$0x1] =	stream.indirect_vreg.gather [hbm4b:s4+s2], $0x80, v3, vm0, $0xb8;
	[tilespmem:$0x18100] =	vst v63  }
0x117: {  	_ = 	snop  }
0x118: {  	[tilespmem:s19], [sflag:$0x1] =	stream.indirect_vreg.gather [hbm4b:s5+s2], $0x80, v3, vm0, $0xb8;
	[tilespmem:$0x18100] =	vst v63  }
0x119: {  	v3 =	vld [tilespmem:$0xF0];
	_ =	sdelay $0x4  }
0x11a: {  	v63 =	vshll.u32 v3, $0x2  }
0x11b: {  	v3 =	vand.u32 $0x7, v3;
	v4 =	vand.u32 $0xFFFFFFE0, v63  }
0x11c: {  	v3 =	vor.u32 v3, v4  }
0x11d: {  	v4 =	vperm.xlane v3, v0;
	_ =	sdelay $0x1  }
0x11e: {  	v4 =	vadd.s32 v1, v4;
	_ =	sdelay $0x1  }
0x11f: {  	v3 =	vperm.xlane v3, v2;
	_ =	sdelay $0x1  }
0x120: {  	v3 =	vadd.s32 v1, v3  }
0x121: {  	[tilespmem:s20], [sflag:$0x1] =	stream.indirect_vreg.gather [hbm4b:s4+s2], $0x80, v4, vm0, $0xb8;
	[tilespmem:$0x18100] =	vst v63  }
0x122: {  	_ = 	snop  }
0x123: {  	[tilespmem:s21], [sflag:$0x1] =	stream.indirect_vreg.gather [hbm4b:s5+s2], $0x80, v4, vm0, $0xb8;
	[tilespmem:$0x18100] =	vst v63  }
0x124: {  	_ = 	snop  }
0x125: {  	[tilespmem:s22], [sflag:$0x1] =	stream.indirect_vreg.gather [hbm4b:s4+s2], $0x80, v3, vm0, $0xb8;
	[tilespmem:$0x18100] =	vst v63  }
0x126: {  	_ = 	snop  }
0x127: {  	[tilespmem:s23], [sflag:$0x1] =	stream.indirect_vreg.gather [hbm4b:s5+s2], $0x80, v3, vm0, $0xb8;
	[tilespmem:$0x18100] =	vst v63  }
0x128: {  	_ =	swait.ge [sflag:s29], $0x8000  }
0x129: {  	[sflag:s29] =	ssyncset.done $0x0  }
0x12a: {  	s3 =	rddreg [dreg:$0x4];
	[sflag:s29] =	ssyncadd.s32 $0xFFFF8000  }
0x12b: {  	[hbm4b:s3+s2] =	stream.linear.scatter [tilespmem:s24], [sflag:$0x5], $0x8000, $0x38;
	[tilespmem:$0x18100] =	vst v63  }
0x12c: {  	_ =	swait.ge [sflag:s30], $0x8000  }
0x12d: {  	[sflag:s30] =	ssyncset.done $0x0  }
0x12e: {  	s3 =	rddreg [dreg:$0x5];
	[sflag:s30] =	ssyncadd.s32 $0xFFFF8000  }
0x12f: {  	[hbm4b:s3+s2] =	stream.linear.scatter [tilespmem:s25], [sflag:$0x6], $0x8000, $0x38;
	[tilespmem:$0x18100] =	vst v63  }
0x130: {  	_ =	swait.ge [sflag:s26], $0x8000  }
0x131: {  	[sflag:s26] =	ssyncset.done $0x0  }
0x132: {  	s3 =	rddreg [dreg:$0x6];
	[sflag:s26] =	ssyncadd.s32 $0xFFFF8000  }
0x133: {  	[hbm4b:s3+s2] =	stream.linear.scatter [tilespmem:s8], [sflag:$0x4], $0x8000, $0x38;
	[tilespmem:$0x18100] =	vst v63  }
0x134: {  	_ =	swait.ge [sflag:s31], $0x8000  }
0x135: {  	[sflag:s31] =	ssyncset.done $0x0  }
0x136: {  	[sflag:s31] =	ssyncadd.s32 $0xFFFF8000  }
0x137: {  	p0 =	sne.s32 s6, $0x1;
	_ =	swait.ge [sflag:s1], $0x8000  }
.Ltmp0:
0x138: {  	[sflag:s1] =	ssyncset.done $0x0;
	(pc) =	sbr.rel @p0 .LBB2_1-.Ltmp0, $4  }
0x139: {  	[sflag:s1] =	ssyncadd.s32 $0xFFFF8000  }
0x13a: {  	_ =	swait.ge [sflag:s28], $0x8000  }
0x13b: {  	[sflag:s28] =	ssyncset.done $0x0  }
0x13c: {  	s6 =	sadd.s32 $0xFFFFFFFF, s6;
	[sflag:s28] =	ssyncadd.s32 $0xFFFF8000  }
0x13d: {  	_ =	sfence.sel $0x180000  }
0x13e: {  	[bflag:$0x0] =	sbarrier.arrive $0xFFFF  }
0x13f: {  	_ =	strace $0x9000004A  }
0x140: {  	s0 =	stileid.u32;
	[bflag:$0x2] =	sbarrier.arrive $0xFFFF  }
0x141: {  	p0 =	sne.s32 s0, $0x0;
	s0 =	rddreg [dreg:$0x2]  }
0x142: {  	s0 =	sadd.s32 @!p0 $0x100000, s0  }
0x143: {  	[sflag:s0] =	ssyncadd.tile.s32 @!p0 $0x1;
	_ =	shalt  }
.Lfunc_end2:
_tile_overlayer_lowered:
.L_overlay_start_2:
0x144: {  	(tag) =	ssettag $0x2  }
0x145: {  	s0 =	rddreg [dreg:$0x0];
	s2 =	stileid.u32  }
0x146: {  	s1 =	rddreg [dreg:$0x1];
	p0 =	sne.s32 s2, $0x0  }
0x147: {  	s3 =	rddreg [dreg:$0x2];
	[bflag:$0x3] =	sbarrier.arrive $0xFFFF;
	s2 =	simm.s32 @!p0 $0x1C07  }
0x148: {  	[timem:s3], [sflag:s2] =	dma.local @!p0 [hbm:s0], s1  }
0x149: {  	s0 =	simm.s32 @!p0 $0x7  }
0x14a: {  	_ =	swait.ge @!p0 [sflag:s0], s1  }
0x14b: {  	s1 =	ssub.s32 @!p0 $0x0, s1;
	[sflag:s0] =	ssyncset.done @!p0 $0x0  }
0x14c: {  	[sflag:s0] =	ssyncadd.s32 @!p0 s1  }
0x14d: {  	[bflag:$0x3] =	sbarrier.arrive $0xFFFF  }
0x14e: {  	_ =	shalt  }

</sc_bundles>
